<compile_context>
chip_gen: v7x
topology: tpu7x:2x2x1
jax: 0.10.2.dev20260603
libtpu: 0.0.44.dev20260713+nightly
codegen_flags: <defaults>
</compile_context>

<pallas_src>
import functools

import jax
import jax.numpy as jnp
from jax import lax
from jax.experimental import pallas as pl
from jax.experimental.pallas import tpu as pltpu
from jax.experimental.pallas import tpu_sc as plsc

N_NODES = 10000
N_EDGES = 160000
NODE_DIM = 256
EDGE_DIM = 16
HIDDEN = 512

NC = 2
NS = 16
NW = NC * NS

SLICE_SIZES = (32000, 32000, 32000, 32000, 32000)

GATHER_CHUNK = 200
SCAT_CHUNK = 200
ROWS_PER_TILE = 624
ROWS_TAIL = N_NODES - ROWS_PER_TILE * NS
HALF_DIM = NODE_DIM // 2

_sc_mesh = plsc.VectorSubcoreMesh(core_axis_name="c", subcore_axis_name="s")


@functools.cache
def _make_gather(n_edges):
    epw = n_edges // NW
    iters = epw // GATHER_CHUNK

    @functools.partial(
        pl.kernel,
        out_type=(
            jax.ShapeDtypeStruct((n_edges, HALF_DIM), jnp.int32),
            jax.ShapeDtypeStruct((n_edges, HALF_DIM), jnp.int32),
        ),
        mesh=_sc_mesh,
        scratch_types=[
            pltpu.VMEM((GATHER_CHUNK,), jnp.int32),
            pltpu.VMEM((GATHER_CHUNK,), jnp.int32),
            pltpu.VMEM((GATHER_CHUNK, HALF_DIM), jnp.int32),
            pltpu.VMEM((GATHER_CHUNK, HALF_DIM), jnp.int32),
            pltpu.SemaphoreType.DMA,
            pltpu.SemaphoreType.DMA,
        ],
    )
    def _sc_gather(h_hbm, row_hbm, col_hbm, hrow_hbm, hcol_hbm,
                   idxr_v, idxc_v, bufr_v, bufc_v, sem_r, sem_c):
        wid = lax.axis_index("s") * NC + lax.axis_index("c")
        base = wid * epw

        def body(i, carry):
            off = base + i * GATHER_CHUNK
            pltpu.sync_copy(row_hbm.at[pl.ds(off, GATHER_CHUNK)], idxr_v)
            pltpu.sync_copy(col_hbm.at[pl.ds(off, GATHER_CHUNK)], idxc_v)
            cp_r = pltpu.async_copy(h_hbm.at[idxr_v], bufr_v, sem_r)
            cp_c = pltpu.async_copy(h_hbm.at[idxc_v], bufc_v, sem_c)
            cp_r.wait()
            cp_c.wait()
            pltpu.sync_copy(bufr_v, hrow_hbm.at[pl.ds(off, GATHER_CHUNK)])
            pltpu.sync_copy(bufc_v, hcol_hbm.at[pl.ds(off, GATHER_CHUNK)])
            return carry

        lax.fori_loop(0, iters, body, 0)

    return _sc_gather


@functools.cache
def _make_scatter(n_edges):
    ept = n_edges // NS
    iters = ept // SCAT_CHUNK

    @functools.partial(
        pl.kernel,
        out_type=jax.ShapeDtypeStruct((N_NODES, NODE_DIM), jnp.float32),
        mesh=_sc_mesh,
        scratch_types=[
            pltpu.VMEM((SCAT_CHUNK,), jnp.int32),
            pltpu.VMEM((SCAT_CHUNK, HALF_DIM), jnp.float32),
            pltpu.VMEM_SHARED((N_NODES, HALF_DIM), jnp.float32),
        ],
    )
    def _sc_scatter(h_hbm, row_hbm, dh_hbm, out_hbm, idx_v, buf_v, acc_sh):
        c = lax.axis_index("c")
        s = lax.axis_index("s")
        colbase = c * HALF_DIM
        rowbase = s * ROWS_PER_TILE

        pltpu.sync_copy(
            h_hbm.at[pl.ds(rowbase, ROWS_PER_TILE), pl.ds(colbase, HALF_DIM)],
            acc_sh.at[pl.ds(rowbase, ROWS_PER_TILE)],
        )

        @pl.when(s == NS - 1)
        def _init_tail():
            tail = ROWS_PER_TILE * NS
            pltpu.sync_copy(
                h_hbm.at[pl.ds(tail, ROWS_TAIL), pl.ds(colbase, HALF_DIM)],
                acc_sh.at[pl.ds(tail, ROWS_TAIL)],
            )

        plsc.subcore_barrier()

        def body(i, carry):
            off = s * ept + i * SCAT_CHUNK
            pltpu.sync_copy(row_hbm.at[pl.ds(off, SCAT_CHUNK)], idx_v)
            pltpu.sync_copy(
                dh_hbm.at[pl.ds(off, SCAT_CHUNK), pl.ds(colbase, HALF_DIM)],
                buf_v)
            pltpu.sync_copy(buf_v, acc_sh.at[idx_v], add=True)
            return carry

        lax.fori_loop(0, iters, body, 0)
        plsc.subcore_barrier()

        pltpu.sync_copy(
            acc_sh.at[pl.ds(rowbase, ROWS_PER_TILE)],
            out_hbm.at[pl.ds(rowbase, ROWS_PER_TILE), pl.ds(colbase, HALF_DIM)],
        )

        @pl.when(s == NS - 1)
        def _write_tail():
            tail = ROWS_PER_TILE * NS
            pltpu.sync_copy(
                acc_sh.at[pl.ds(tail, ROWS_TAIL)],
                out_hbm.at[pl.ds(tail, ROWS_TAIL), pl.ds(colbase, HALF_DIM)],
            )

    return _sc_scatter


EDGE_BLOCK = 3200


def _unpack_bf16_pair(w):
    wu = jax.lax.bitcast_convert_type(w, jnp.uint32)
    lo = jax.lax.bitcast_convert_type(wu << 16, jnp.float32)
    hi = jax.lax.bitcast_convert_type(wu & jnp.uint32(0xFFFF0000), jnp.float32)
    return lo.astype(jnp.bfloat16), hi.astype(jnp.bfloat16)


def _mlp_body(hr_ref, hc_ref, ea_ref,
              W1hP_ref, W1e_ref, b1_ref, W2_ref, b2_ref, W3_ref, b3_ref,
              We1rP_ref, We1cP_ref, We1e_ref, be1_ref, We2_ref, be2_ref,
              dh_ref, eo_ref):
    f32 = jnp.float32
    bf16 = jnp.bfloat16
    hr_e, hr_o = _unpack_bf16_pair(hr_ref[...])
    hc_e, hc_o = _unpack_bf16_pair(hc_ref[...])
    hr = jnp.concatenate([hr_e, hr_o], axis=1)
    hc = jnp.concatenate([hc_e, hc_o], axis=1)
    ea = ea_ref[...]
    ea16 = ea.astype(bf16)
    x = (jnp.dot(hr, W1hP_ref[...], preferred_element_type=f32)
         + jnp.dot(ea16, W1e_ref[...], preferred_element_type=f32)
         + b1_ref[...])
    x = jnp.maximum(x, 0.0).astype(bf16)
    x = jnp.dot(x, W2_ref[...], preferred_element_type=f32) + b2_ref[...]
    x = jnp.maximum(x, 0.0).astype(bf16)
    dh_ref[...] = jnp.dot(x, W3_ref[...], preferred_element_type=f32) + b3_ref[...]
    y = (jnp.dot(hr, We1rP_ref[...], preferred_element_type=f32)
         + jnp.dot(hc, We1cP_ref[...], preferred_element_type=f32)
         + jnp.dot(ea16, We1e_ref[...], preferred_element_type=f32)
         + be1_ref[...])
    y = jnp.maximum(y, 0.0).astype(bf16)
    eo_ref[...] = (ea + jnp.dot(y, We2_ref[...], preferred_element_type=f32)
                   + be2_ref[...])


def _edge_blk(i):
    return (i, 0)


def _full(i):
    return (0, 0)


def _tc_mlp(h_row, h_col, edge_attr, *weights):
    n_edges = h_row.shape[0]
    eb = EDGE_BLOCK
    in_specs = [
        pl.BlockSpec((eb, HALF_DIM), _edge_blk),
        pl.BlockSpec((eb, HALF_DIM), _edge_blk),
        pl.BlockSpec((eb, EDGE_DIM), _edge_blk),
    ] + [pl.BlockSpec(w.shape, _full) for w in weights]
    out_specs = (
        pl.BlockSpec((eb, NODE_DIM), _edge_blk),
        pl.BlockSpec((eb, EDGE_DIM), _edge_blk),
    )
    return pl.pallas_call(
        _mlp_body,
        grid=(n_edges // eb,),
        in_specs=in_specs,
        out_specs=out_specs,
        out_shape=(
            jax.ShapeDtypeStruct((n_edges, NODE_DIM), jnp.float32),
            jax.ShapeDtypeStruct((n_edges, EDGE_DIM), jnp.float32),
        ),
    )(h_row, h_col, edge_attr, *weights)


def kernel(h, edge_index, edge_attr, W1, b1, W2, b2, W3, b3,
           We1, be1, We2, be2):
    row = edge_index[0].astype(jnp.int32)
    col = edge_index[1].astype(jnp.int32)

    bf16 = jnp.bfloat16
    W1hP = W1[:NODE_DIM].astype(bf16)
    W1e = W1[NODE_DIM:].astype(bf16)
    W2 = W2.astype(bf16)
    W3 = W3.astype(bf16)
    We1rP = We1[:NODE_DIM].astype(bf16)
    We1cP = We1[NODE_DIM:2 * NODE_DIM].astype(bf16)
    We1e = We1[2 * NODE_DIM:].astype(bf16)
    We2 = We2.astype(bf16)
    b1r = b1.reshape(1, -1)
    b2r = b2.reshape(1, -1)
    b3r = b3.reshape(1, -1)
    be1r = be1.reshape(1, -1)
    be2r = be2.reshape(1, -1)

    u = jax.lax.bitcast_convert_type(h, jnp.uint32)

    def _rne(v):
        return (v + jnp.uint32(0x7FFF) + ((v >> 16) & jnp.uint32(1))) >> 16

    h_pack = jax.lax.bitcast_convert_type(
        _rne(u[:, :HALF_DIM]) | (_rne(u[:, HALF_DIM:]) << 16), jnp.int32)

    h_cur = h
    eo_parts = []
    off = 0
    for n_k in SLICE_SIZES:
        sl = slice(off, off + n_k)
        off += n_k
        row_k = row[sl]
        col_k = col[sl]
        hr_k, hc_k = _make_gather(n_k)(h_pack, row_k, col_k)
        dh_k, eo_k = _tc_mlp(hr_k, hc_k, edge_attr[sl],
                             W1hP, W1e, b1r, W2, b2r, W3, b3r,
                             We1rP, We1cP, We1e, be1r, We2, be2r)
        eo_parts.append(eo_k)
        h_cur = _make_scatter(n_k)(h_cur, row_k, dh_k)

    edge_attr_new = jnp.concatenate(eo_parts, axis=0)
    return (h_cur, edge_attr_new)

# --- scband reference (transcript-rebuilt; emitter-appended) ---
"""Pipeline reference for scband-gnnlayer-70377334112805 (READ-ONLY COPY).

The authoritative reference and input builder live on the scoring server;
editing this copy changes nothing except your own understanding.
"""

import jax, jax.numpy as jnp
import numpy as np

N_NODES = 10000
N_EDGES = 160000
NODE_DIM = 256
EDGE_DIM = 16
HIDDEN = 512


def _linear_params(key, fan_in, fan_out):
    k1, k2 = jax.random.split(key)
    scale = 1.0 / np.sqrt(fan_in)
    W = jax.random.uniform(k1, (fan_in, fan_out), dtype=jnp.float32, minval=-scale, maxval=scale)
    b = jax.random.uniform(k2, (fan_out,), dtype=jnp.float32, minval=-scale, maxval=scale)
    return W, b


def setup_inputs(seed: int = 0) -> dict:
    key = jax.random.key(seed)
    ks = jax.random.split(key, 8)
    h = jax.random.normal(ks[0], (N_NODES, NODE_DIM), dtype=jnp.float32)
    edge_index = jax.random.randint(ks[1], (2, N_EDGES), 0, N_NODES, dtype=jnp.int64)
    edge_attr = jax.random.normal(ks[2], (N_EDGES, EDGE_DIM), dtype=jnp.float32)
    # node_mlp: Linear(node+edge -> hidden), Linear(hidden -> 2*hidden), Linear(2*hidden -> node)
    W1, b1 = _linear_params(ks[3], NODE_DIM + EDGE_DIM, HIDDEN)
    W2, b2 = _linear_params(ks[4], HIDDEN, HIDDEN * 2)
    W3, b3 = _linear_params(ks[5], HIDDEN * 2, NODE_DIM)
    # edge_mlp: Linear(2*node + edge -> hidden), Linear(hidden -> edge)
    We1, be1 = _linear_params(ks[6], 2 * NODE_DIM + EDGE_DIM, HIDDEN)
    We2, be2 = _linear_params(ks[7], HIDDEN, EDGE_DIM)
    return {
        "h": h, "edge_index": edge_index, "edge_attr": edge_attr,
        "W1": W1, "b1": b1, "W2": W2, "b2": b2, "W3": W3, "b3": b3,
        "We1": We1, "be1": be1, "We2": We2, "be2": be2,
    }


def reference(h, edge_index, edge_attr, W1, b1, W2, b2, W3, b3, We1, be1, We2, be2):
    row = edge_index[0]
    col = edge_index[1]
    h_row = jnp.take(h, row, axis=0)
    h_col = jnp.take(h, col, axis=0)
    # node_mlp
    node_feat = jnp.concatenate([h_row, edge_attr], axis=1)
    x = jax.nn.relu(node_feat @ W1 + b1)
    x = jax.nn.relu(x @ W2 + b2)
    delta_h = x @ W3 + b3
    # edge_mlp
    edge_feat = jnp.concatenate([h_row, h_col, edge_attr], axis=1)
    y = jax.nn.relu(edge_feat @ We1 + be1)
    delta_edge = y @ We2 + be2
    # scatter-add aggregation into source nodes (matches torch scatter_add on dim 0 with row idx)
    h_new = h + jnp.zeros_like(h).at[row].add(delta_h)
    edge_attr_new = edge_attr + delta_edge
    return (h_new, edge_attr_new)

if __name__ == "__main__":
    import jax
    _d = setup_inputs()
    print(jax.jit(kernel)(*tuple(_d.values())))

</pallas_src>

<mosaic_0001>
#map = affine_map<(d0, d1) -> (0, 0)>
#map1 = affine_map<(d0, d1) -> (0)>
module attributes {stable_mosaic.version = 14 : i64} {
  func.func @_sc_scatter(%arg0: i32, %arg1: i32, %arg2: memref<10000x256xf32, #tpu.memory_space<hbm>>, %arg3: memref<32000xi32, #tpu.memory_space<hbm>>, %arg4: memref<32000x256xf32, #tpu.memory_space<hbm>>, %arg5: memref<10000x256xf32, #tpu.memory_space<hbm>>, %arg6: memref<200xi32, #tpu.memory_space<vmem>>, %arg7: memref<200x128xf32, #tpu.memory_space<vmem>>, %arg8: memref<10000x128xf32, #tpu.memory_space<vmem_shared>>) attributes {dimension_semantics = [#tpu.dimension_semantics<core_parallel>, #tpu.dimension_semantics<subcore_parallel>], iteration_bounds = array<i64: 2, 16>, scalar_prefetch = 0 : i64, scratch_operands = 3 : i64, tpu.core_type = #tpu.core_type<sc_vector_subcore>, window_params = [{transform_indices = #map}, {transform_indices = #map1}, {transform_indices = #map}, {transform_indices = #map}]} {
    %mul3A = arith.constant 128 : i32
    %mul3A_0 = arith.muli %arg0, %mul3A : i32
    %mul3A_1 = arith.constant 624 : i32
    %mul3A_2 = arith.muli %arg1, %mul3A_1 : i32
    "tpu.region"() ({
      %run_scoped3A = tpu.sem_alloc : memref<!tpu.dma_semaphore, #tpu.memory_space<semaphore_mem>>
      %dma_start3A = arith.constant 0 : i32
      %dma_start3A_16 = tpu.memref_slice %arg8[%mul3A_2, %dma_start3A] : memref<10000x128xf32, #tpu.memory_space<vmem_shared>> -> memref<624x128xf32, #tpu.memory_space<vmem_shared>>
      %dma_start3A_17 = tpu.memref_slice %arg2[%mul3A_2, %mul3A_0] : memref<10000x256xf32, #tpu.memory_space<hbm>> -> memref<624x128xf32, #tpu.memory_space<hbm>>
      tpu.enqueue_dma source(%dma_start3A_17 : memref<624x128xf32, #tpu.memory_space<hbm>>) target(%dma_start3A_16 : memref<624x128xf32, #tpu.memory_space<vmem_shared>>) target_semaphore(%run_scoped3A : memref<!tpu.dma_semaphore, #tpu.memory_space<semaphore_mem>>)
      %dma_wait3A = arith.constant 0 : i32
      %dma_wait3A_18 = tpu.memref_slice %arg8[%mul3A_2, %dma_wait3A] : memref<10000x128xf32, #tpu.memory_space<vmem_shared>> -> memref<624x128xf32, #tpu.memory_space<vmem_shared>>
      %dma_wait3A_19 = tpu.memref_slice %arg2[%mul3A_2, %mul3A_0] : memref<10000x256xf32, #tpu.memory_space<hbm>> -> memref<624x128xf32, #tpu.memory_space<hbm>>
      tpu.wait_dma2 semaphore(%run_scoped3A : memref<!tpu.dma_semaphore, #tpu.memory_space<semaphore_mem>>) src(%dma_wait3A_19 : memref<624x128xf32, #tpu.memory_space<hbm>>) dst(%dma_wait3A_18 : memref<624x128xf32, #tpu.memory_space<vmem_shared>>)
      tpu.yield
    }) : () -> ()
    %eq3A = arith.constant 15 : i32
    %eq3A_3 = arith.cmpi eq, %arg1, %eq3A : i32
    %convert_element_type3A = arith.extui %eq3A_3 : i1 to i32
    %cond3A = arith.constant 0 : i32
    %cond3A_4 = arith.cmpi ne, %convert_element_type3A, %cond3A : i32
    scf.if %cond3A_4 {
      "tpu.region"() ({
        %run_scoped3A = tpu.sem_alloc : memref<!tpu.dma_semaphore, #tpu.memory_space<semaphore_mem>>
        %dma_start3A = arith.constant 9984 : i32
        %dma_start3A_16 = arith.constant 0 : i32
        %dma_start3A_17 = tpu.memref_slice %arg8[%dma_start3A, %dma_start3A_16] : memref<10000x128xf32, #tpu.memory_space<vmem_shared>> -> memref<16x128xf32, #tpu.memory_space<vmem_shared>>
        %dma_start3A_18 = arith.constant 9984 : i32
        %dma_start3A_19 = tpu.memref_slice %arg2[%dma_start3A_18, %mul3A_0] : memref<10000x256xf32, #tpu.memory_space<hbm>> -> memref<16x128xf32, #tpu.memory_space<hbm>>
        tpu.enqueue_dma source(%dma_start3A_19 : memref<16x128xf32, #tpu.memory_space<hbm>>) target(%dma_start3A_17 : memref<16x128xf32, #tpu.memory_space<vmem_shared>>) target_semaphore(%run_scoped3A : memref<!tpu.dma_semaphore, #tpu.memory_space<semaphore_mem>>)
        %dma_wait3A = arith.constant 9984 : i32
        %dma_wait3A_20 = arith.constant 0 : i32
        %dma_wait3A_21 = tpu.memref_slice %arg8[%dma_wait3A, %dma_wait3A_20] : memref<10000x128xf32, #tpu.memory_space<vmem_shared>> -> memref<16x128xf32, #tpu.memory_space<vmem_shared>>
        %dma_wait3A_22 = arith.constant 9984 : i32
        %dma_wait3A_23 = tpu.memref_slice %arg2[%dma_wait3A_22, %mul3A_0] : memref<10000x256xf32, #tpu.memory_space<hbm>> -> memref<16x128xf32, #tpu.memory_space<hbm>>
        tpu.wait_dma2 semaphore(%run_scoped3A : memref<!tpu.dma_semaphore, #tpu.memory_space<semaphore_mem>>) src(%dma_wait3A_23 : memref<16x128xf32, #tpu.memory_space<hbm>>) dst(%dma_wait3A_21 : memref<16x128xf32, #tpu.memory_space<vmem_shared>>)
        tpu.yield
      }) : () -> ()
    } else {
    }
    %barrier3A = arith.constant 0 : index
    tpu.barrier barrier_id(%barrier3A)
    %scan3A = arith.constant 0 : i32
    %scan3A_5 = arith.constant 0 : i32
    %scan3A_6 = arith.constant 10 : i32
    %scan3A_7 = arith.addi %scan3A_5, %scan3A_6 : i32
    %scan3A_8 = arith.constant 1 : i32
    scf.for %scan3A_16 = %scan3A_5 to %scan3A_7 step %scan3A_8  : i32 {
      %mul3A_17 = arith.constant 2000 : i32
      %mul3A_18 = arith.muli %arg1, %mul3A_17 : i32
      %mul3A_19 = arith.constant 200 : i32
      %mul3A_20 = arith.muli %scan3A_16, %mul3A_19 : i32
      %add3A = arith.addi %mul3A_18, %mul3A_20 : i32
      "tpu.region"() ({
        %run_scoped3A = tpu.sem_alloc : memref<!tpu.dma_semaphore, #tpu.memory_space<semaphore_mem>>
        %dma_start3A = tpu.memref_slice %arg3[%add3A] : memref<32000xi32, #tpu.memory_space<hbm>> -> memref<200xi32, #tpu.memory_space<hbm>>
        %dma_start3A_21 = tpu.memref_slice %arg3[%add3A] : memref<32000xi32, #tpu.memory_space<hbm>> -> memref<200xi32, #tpu.memory_space<hbm>>
        tpu.enqueue_dma source(%dma_start3A_21 : memref<200xi32, #tpu.memory_space<hbm>>) target(%arg6 : memref<200xi32, #tpu.memory_space<vmem>>) target_semaphore(%run_scoped3A : memref<!tpu.dma_semaphore, #tpu.memory_space<semaphore_mem>>)
        %dma_wait3A = tpu.memref_slice %arg3[%add3A] : memref<32000xi32, #tpu.memory_space<hbm>> -> memref<200xi32, #tpu.memory_space<hbm>>
        %dma_wait3A_22 = tpu.memref_slice %arg3[%add3A] : memref<32000xi32, #tpu.memory_space<hbm>> -> memref<200xi32, #tpu.memory_space<hbm>>
        tpu.wait_dma2 semaphore(%run_scoped3A : memref<!tpu.dma_semaphore, #tpu.memory_space<semaphore_mem>>) src(%dma_wait3A_22 : memref<200xi32, #tpu.memory_space<hbm>>) dst(%arg6 : memref<200xi32, #tpu.memory_space<vmem>>)
        tpu.yield
      }) : () -> ()
      "tpu.region"() ({
        %run_scoped3A = tpu.sem_alloc : memref<!tpu.dma_semaphore, #tpu.memory_space<semaphore_mem>>
        %dma_start3A = tpu.memref_slice %arg4[%add3A, %mul3A_0] : memref<32000x256xf32, #tpu.memory_space<hbm>> -> memref<200x128xf32, #tpu.memory_space<hbm>>
        %dma_start3A_21 = tpu.memref_slice %arg4[%add3A, %mul3A_0] : memref<32000x256xf32, #tpu.memory_space<hbm>> -> memref<200x128xf32, #tpu.memory_space<hbm>>
        tpu.enqueue_dma source(%dma_start3A_21 : memref<200x128xf32, #tpu.memory_space<hbm>>) target(%arg7 : memref<200x128xf32, #tpu.memory_space<vmem>>) target_semaphore(%run_scoped3A : memref<!tpu.dma_semaphore, #tpu.memory_space<semaphore_mem>>)
        %dma_wait3A = tpu.memref_slice %arg4[%add3A, %mul3A_0] : memref<32000x256xf32, #tpu.memory_space<hbm>> -> memref<200x128xf32, #tpu.memory_space<hbm>>
        %dma_wait3A_22 = tpu.memref_slice %arg4[%add3A, %mul3A_0] : memref<32000x256xf32, #tpu.memory_space<hbm>> -> memref<200x128xf32, #tpu.memory_space<hbm>>
        tpu.wait_dma2 semaphore(%run_scoped3A : memref<!tpu.dma_semaphore, #tpu.memory_space<semaphore_mem>>) src(%dma_wait3A_22 : memref<200x128xf32, #tpu.memory_space<hbm>>) dst(%arg7 : memref<200x128xf32, #tpu.memory_space<vmem>>)
        tpu.yield
      }) : () -> ()
      "tpu.region"() ({
        %run_scoped3A = tpu.sem_alloc : memref<!tpu.dma_semaphore, #tpu.memory_space<semaphore_mem>>
        %dma_start3A = arith.constant 0 : i32
        %dma_start3A_21 = arith.constant 0 : i32
        %dma_start3A_22 = tpu.memref_slice %arg8[%dma_start3A, %dma_start3A_21] : memref<10000x128xf32, #tpu.memory_space<vmem_shared>> -> memref<10000x128xf32, #tpu.memory_space<vmem_shared>>
        tpu.enqueue_indirect_dma source(%arg7 : memref<200x128xf32, #tpu.memory_space<vmem>>) target(%dma_start3A_22 : memref<10000x128xf32, #tpu.memory_space<vmem_shared>>) offsets(%arg6 : memref<200xi32, #tpu.memory_space<vmem>>) semaphore(%run_scoped3A : memref<!tpu.dma_semaphore, #tpu.memory_space<semaphore_mem>>) {add = true}
        %dma_wait3A = arith.constant 0 : i32
        %dma_wait3A_23 = arith.constant 0 : i32
        %dma_wait3A_24 = tpu.memref_slice %arg8[%dma_wait3A, %dma_wait3A_23] : memref<10000x128xf32, #tpu.memory_space<vmem_shared>> -> memref<10000x128xf32, #tpu.memory_space<vmem_shared>>
        tpu.wait_indirect_dma semaphore(%run_scoped3A : memref<!tpu.dma_semaphore, #tpu.memory_space<semaphore_mem>>) src(%arg7 : memref<200x128xf32, #tpu.memory_space<vmem>>) dst(%dma_wait3A_24 : memref<10000x128xf32, #tpu.memory_space<vmem_shared>>)
        tpu.yield
      }) : () -> ()
    }
    %scan3A_9 = arith.constant 10 : i32
    %barrier3A_10 = arith.constant 0 : index
    tpu.barrier barrier_id(%barrier3A_10)
    "tpu.region"() ({
      %run_scoped3A = tpu.sem_alloc : memref<!tpu.dma_semaphore, #tpu.memory_space<semaphore_mem>>
      %dma_start3A = tpu.memref_slice %arg5[%mul3A_2, %mul3A_0] : memref<10000x256xf32, #tpu.memory_space<hbm>> -> memref<624x128xf32, #tpu.memory_space<hbm>>
      %dma_start3A_16 = arith.constant 0 : i32
      %dma_start3A_17 = tpu.memref_slice %arg8[%mul3A_2, %dma_start3A_16] : memref<10000x128xf32, #tpu.memory_space<vmem_shared>> -> memref<624x128xf32, #tpu.memory_space<vmem_shared>>
      tpu.enqueue_dma source(%dma_start3A_17 : memref<624x128xf32, #tpu.memory_space<vmem_shared>>) target(%dma_start3A : memref<624x128xf32, #tpu.memory_space<hbm>>) target_semaphore(%run_scoped3A : memref<!tpu.dma_semaphore, #tpu.memory_space<semaphore_mem>>)
      %dma_wait3A = tpu.memref_slice %arg5[%mul3A_2, %mul3A_0] : memref<10000x256xf32, #tpu.memory_space<hbm>> -> memref<624x128xf32, #tpu.memory_space<hbm>>
      %dma_wait3A_18 = arith.constant 0 : i32
      %dma_wait3A_19 = tpu.memref_slice %arg8[%mul3A_2, %dma_wait3A_18] : memref<10000x128xf32, #tpu.memory_space<vmem_shared>> -> memref<624x128xf32, #tpu.memory_space<vmem_shared>>
      tpu.wait_dma2 semaphore(%run_scoped3A : memref<!tpu.dma_semaphore, #tpu.memory_space<semaphore_mem>>) src(%dma_wait3A_19 : memref<624x128xf32, #tpu.memory_space<vmem_shared>>) dst(%dma_wait3A : memref<624x128xf32, #tpu.memory_space<hbm>>)
      tpu.yield
    }) : () -> ()
    %eq3A_11 = arith.constant 15 : i32
    %eq3A_12 = arith.cmpi eq, %arg1, %eq3A_11 : i32
    %convert_element_type3A_13 = arith.extui %eq3A_12 : i1 to i32
    %cond3A_14 = arith.constant 0 : i32
    %cond3A_15 = arith.cmpi ne, %convert_element_type3A_13, %cond3A_14 : i32
    scf.if %cond3A_15 {
      "tpu.region"() ({
        %run_scoped3A = tpu.sem_alloc : memref<!tpu.dma_semaphore, #tpu.memory_space<semaphore_mem>>
        %dma_start3A = arith.constant 9984 : i32
        %dma_start3A_16 = tpu.memref_slice %arg5[%dma_start3A, %mul3A_0] : memref<10000x256xf32, #tpu.memory_space<hbm>> -> memref<16x128xf32, #tpu.memory_space<hbm>>
        %dma_start3A_17 = arith.constant 9984 : i32
        %dma_start3A_18 = arith.constant 0 : i32
        %dma_start3A_19 = tpu.memref_slice %arg8[%dma_start3A_17, %dma_start3A_18] : memref<10000x128xf32, #tpu.memory_space<vmem_shared>> -> memref<16x128xf32, #tpu.memory_space<vmem_shared>>
        tpu.enqueue_dma source(%dma_start3A_19 : memref<16x128xf32, #tpu.memory_space<vmem_shared>>) target(%dma_start3A_16 : memref<16x128xf32, #tpu.memory_space<hbm>>) target_semaphore(%run_scoped3A : memref<!tpu.dma_semaphore, #tpu.memory_space<semaphore_mem>>)
        %dma_wait3A = arith.constant 9984 : i32
        %dma_wait3A_20 = tpu.memref_slice %arg5[%dma_wait3A, %mul3A_0] : memref<10000x256xf32, #tpu.memory_space<hbm>> -> memref<16x128xf32, #tpu.memory_space<hbm>>
        %dma_wait3A_21 = arith.constant 9984 : i32
        %dma_wait3A_22 = arith.constant 0 : i32
        %dma_wait3A_23 = tpu.memref_slice %arg8[%dma_wait3A_21, %dma_wait3A_22] : memref<10000x128xf32, #tpu.memory_space<vmem_shared>> -> memref<16x128xf32, #tpu.memory_space<vmem_shared>>
        tpu.wait_dma2 semaphore(%run_scoped3A : memref<!tpu.dma_semaphore, #tpu.memory_space<semaphore_mem>>) src(%dma_wait3A_23 : memref<16x128xf32, #tpu.memory_space<vmem_shared>>) dst(%dma_wait3A_20 : memref<16x128xf32, #tpu.memory_space<hbm>>)
        tpu.yield
      }) : () -> ()
    } else {
    }
    return
  }
}

#map = affine_map<(d0, d1) -> (0, 0)>
#map1 = affine_map<(d0, d1) -> (0)>
module attributes {stable_mosaic.version = 14 : i64} {
  func.func @_sc_gather(%arg0: i32, %arg1: i32, %arg2: memref<10000x128xi32, #tpu.memory_space<hbm>>, %arg3: memref<32000xi32, #tpu.memory_space<hbm>>, %arg4: memref<32000xi32, #tpu.memory_space<hbm>>, %arg5: memref<32000x128xi32, #tpu.memory_space<hbm>>, %arg6: memref<32000x128xi32, #tpu.memory_space<hbm>>, %arg7: memref<200xi32, #tpu.memory_space<vmem>>, %arg8: memref<200xi32, #tpu.memory_space<vmem>>, %arg9: memref<200x128xi32, #tpu.memory_space<vmem>>, %arg10: memref<200x128xi32, #tpu.memory_space<vmem>>, %arg11: memref<!tpu.dma_semaphore, #tpu.memory_space<semaphore_mem>>, %arg12: memref<!tpu.dma_semaphore, #tpu.memory_space<semaphore_mem>>) attributes {dimension_semantics = [#tpu.dimension_semantics<core_parallel>, #tpu.dimension_semantics<subcore_parallel>], iteration_bounds = array<i64: 2, 16>, scalar_prefetch = 0 : i64, scratch_operands = 6 : i64, tpu.core_type = #tpu.core_type<sc_vector_subcore>, window_params = [{transform_indices = #map}, {transform_indices = #map1}, {transform_indices = #map1}, {transform_indices = #map}, {transform_indices = #map}]} {
    %mul3A = arith.constant 2 : i32
    %mul3A_0 = arith.muli %arg1, %mul3A : i32
    %add3A = arith.addi %mul3A_0, %arg0 : i32
    %mul3A_1 = arith.constant 1000 : i32
    %mul3A_2 = arith.muli %add3A, %mul3A_1 : i32
    %scan3A = arith.constant 0 : i32
    %scan3A_3 = arith.constant 0 : i32
    %scan3A_4 = arith.constant 5 : i32
    %scan3A_5 = arith.addi %scan3A_3, %scan3A_4 : i32
    %scan3A_6 = arith.constant 1 : i32
    scf.for %scan3A_8 = %scan3A_3 to %scan3A_5 step %scan3A_6  : i32 {
      %mul3A_9 = arith.constant 200 : i32
      %mul3A_10 = arith.muli %scan3A_8, %mul3A_9 : i32
      %add3A_11 = arith.addi %mul3A_2, %mul3A_10 : i32
      "tpu.region"() ({
        %run_scoped3A = tpu.sem_alloc : memref<!tpu.dma_semaphore, #tpu.memory_space<semaphore_mem>>
        %dma_start3A_22 = tpu.memref_slice %arg3[%add3A_11] : memref<32000xi32, #tpu.memory_space<hbm>> -> memref<200xi32, #tpu.memory_space<hbm>>
        %dma_start3A_23 = tpu.memref_slice %arg3[%add3A_11] : memref<32000xi32, #tpu.memory_space<hbm>> -> memref<200xi32, #tpu.memory_space<hbm>>
        tpu.enqueue_dma source(%dma_start3A_23 : memref<200xi32, #tpu.memory_space<hbm>>) target(%arg7 : memref<200xi32, #tpu.memory_space<vmem>>) target_semaphore(%run_scoped3A : memref<!tpu.dma_semaphore, #tpu.memory_space<semaphore_mem>>)
        %dma_wait3A_24 = tpu.memref_slice %arg3[%add3A_11] : memref<32000xi32, #tpu.memory_space<hbm>> -> memref<200xi32, #tpu.memory_space<hbm>>
        %dma_wait3A_25 = tpu.memref_slice %arg3[%add3A_11] : memref<32000xi32, #tpu.memory_space<hbm>> -> memref<200xi32, #tpu.memory_space<hbm>>
        tpu.wait_dma2 semaphore(%run_scoped3A : memref<!tpu.dma_semaphore, #tpu.memory_space<semaphore_mem>>) src(%dma_wait3A_25 : memref<200xi32, #tpu.memory_space<hbm>>) dst(%arg7 : memref<200xi32, #tpu.memory_space<vmem>>)
        tpu.yield
      }) : () -> ()
      "tpu.region"() ({
        %run_scoped3A = tpu.sem_alloc : memref<!tpu.dma_semaphore, #tpu.memory_space<semaphore_mem>>
        %dma_start3A_22 = tpu.memref_slice %arg4[%add3A_11] : memref<32000xi32, #tpu.memory_space<hbm>> -> memref<200xi32, #tpu.memory_space<hbm>>
        %dma_start3A_23 = tpu.memref_slice %arg4[%add3A_11] : memref<32000xi32, #tpu.memory_space<hbm>> -> memref<200xi32, #tpu.memory_space<hbm>>
        tpu.enqueue_dma source(%dma_start3A_23 : memref<200xi32, #tpu.memory_space<hbm>>) target(%arg8 : memref<200xi32, #tpu.memory_space<vmem>>) target_semaphore(%run_scoped3A : memref<!tpu.dma_semaphore, #tpu.memory_space<semaphore_mem>>)
        %dma_wait3A_24 = tpu.memref_slice %arg4[%add3A_11] : memref<32000xi32, #tpu.memory_space<hbm>> -> memref<200xi32, #tpu.memory_space<hbm>>
        %dma_wait3A_25 = tpu.memref_slice %arg4[%add3A_11] : memref<32000xi32, #tpu.memory_space<hbm>> -> memref<200xi32, #tpu.memory_space<hbm>>
        tpu.wait_dma2 semaphore(%run_scoped3A : memref<!tpu.dma_semaphore, #tpu.memory_space<semaphore_mem>>) src(%dma_wait3A_25 : memref<200xi32, #tpu.memory_space<hbm>>) dst(%arg8 : memref<200xi32, #tpu.memory_space<vmem>>)
        tpu.yield
      }) : () -> ()
      %dma_start3A = arith.constant 0 : i32
      %dma_start3A_12 = arith.constant 0 : i32
      %dma_start3A_13 = tpu.memref_slice %arg2[%dma_start3A, %dma_start3A_12] : memref<10000x128xi32, #tpu.memory_space<hbm>> -> memref<10000x128xi32, #tpu.memory_space<hbm>>
      tpu.enqueue_indirect_dma source(%dma_start3A_13 : memref<10000x128xi32, #tpu.memory_space<hbm>>) target(%arg9 : memref<200x128xi32, #tpu.memory_space<vmem>>) offsets(%arg7 : memref<200xi32, #tpu.memory_space<vmem>>) semaphore(%arg11 : memref<!tpu.dma_semaphore, #tpu.memory_space<semaphore_mem>>)
      %dma_start3A_14 = arith.constant 0 : i32
      %dma_start3A_15 = arith.constant 0 : i32
      %dma_start3A_16 = tpu.memref_slice %arg2[%dma_start3A_14, %dma_start3A_15] : memref<10000x128xi32, #tpu.memory_space<hbm>> -> memref<10000x128xi32, #tpu.memory_space<hbm>>
      tpu.enqueue_indirect_dma source(%dma_start3A_16 : memref<10000x128xi32, #tpu.memory_space<hbm>>) target(%arg10 : memref<200x128xi32, #tpu.memory_space<vmem>>) offsets(%arg8 : memref<200xi32, #tpu.memory_space<vmem>>) semaphore(%arg12 : memref<!tpu.dma_semaphore, #tpu.memory_space<semaphore_mem>>)
      %dma_wait3A = arith.constant 0 : i32
      %dma_wait3A_17 = arith.constant 0 : i32
      %dma_wait3A_18 = tpu.memref_slice %arg2[%dma_wait3A, %dma_wait3A_17] : memref<10000x128xi32, #tpu.memory_space<hbm>> -> memref<10000x128xi32, #tpu.memory_space<hbm>>
      tpu.wait_indirect_dma semaphore(%arg11 : memref<!tpu.dma_semaphore, #tpu.memory_space<semaphore_mem>>) src(%dma_wait3A_18 : memref<10000x128xi32, #tpu.memory_space<hbm>>) dst(%arg9 : memref<200x128xi32, #tpu.memory_space<vmem>>)
      %dma_wait3A_19 = arith.constant 0 : i32
      %dma_wait3A_20 = arith.constant 0 : i32
      %dma_wait3A_21 = tpu.memref_slice %arg2[%dma_wait3A_19, %dma_wait3A_20] : memref<10000x128xi32, #tpu.memory_space<hbm>> -> memref<10000x128xi32, #tpu.memory_space<hbm>>
      tpu.wait_indirect_dma semaphore(%arg12 : memref<!tpu.dma_semaphore, #tpu.memory_space<semaphore_mem>>) src(%dma_wait3A_21 : memref<10000x128xi32, #tpu.memory_space<hbm>>) dst(%arg10 : memref<200x128xi32, #tpu.memory_space<vmem>>)
      "tpu.region"() ({
        %run_scoped3A = tpu.sem_alloc : memref<!tpu.dma_semaphore, #tpu.memory_space<semaphore_mem>>
        %dma_start3A_22 = arith.constant 0 : i32
        %dma_start3A_23 = tpu.memref_slice %arg5[%add3A_11, %dma_start3A_22] : memref<32000x128xi32, #tpu.memory_space<hbm>> -> memref<200x128xi32, #tpu.memory_space<hbm>>
        %dma_start3A_24 = arith.constant 0 : i32
        %dma_start3A_25 = tpu.memref_slice %arg5[%add3A_11, %dma_start3A_24] : memref<32000x128xi32, #tpu.memory_space<hbm>> -> memref<200x128xi32, #tpu.memory_space<hbm>>
        tpu.enqueue_dma source(%arg9 : memref<200x128xi32, #tpu.memory_space<vmem>>) target(%dma_start3A_25 : memref<200x128xi32, #tpu.memory_space<hbm>>) target_semaphore(%run_scoped3A : memref<!tpu.dma_semaphore, #tpu.memory_space<semaphore_mem>>)
        %dma_wait3A_26 = arith.constant 0 : i32
        %dma_wait3A_27 = tpu.memref_slice %arg5[%add3A_11, %dma_wait3A_26] : memref<32000x128xi32, #tpu.memory_space<hbm>> -> memref<200x128xi32, #tpu.memory_space<hbm>>
        %dma_wait3A_28 = arith.constant 0 : i32
        %dma_wait3A_29 = tpu.memref_slice %arg5[%add3A_11, %dma_wait3A_28] : memref<32000x128xi32, #tpu.memory_space<hbm>> -> memref<200x128xi32, #tpu.memory_space<hbm>>
        tpu.wait_dma2 semaphore(%run_scoped3A : memref<!tpu.dma_semaphore, #tpu.memory_space<semaphore_mem>>) src(%arg9 : memref<200x128xi32, #tpu.memory_space<vmem>>) dst(%dma_wait3A_29 : memref<200x128xi32, #tpu.memory_space<hbm>>)
        tpu.yield
      }) : () -> ()
      "tpu.region"() ({
        %run_scoped3A = tpu.sem_alloc : memref<!tpu.dma_semaphore, #tpu.memory_space<semaphore_mem>>
        %dma_start3A_22 = arith.constant 0 : i32
        %dma_start3A_23 = tpu.memref_slice %arg6[%add3A_11, %dma_start3A_22] : memref<32000x128xi32, #tpu.memory_space<hbm>> -> memref<200x128xi32, #tpu.memory_space<hbm>>
        %dma_start3A_24 = arith.constant 0 : i32
        %dma_start3A_25 = tpu.memref_slice %arg6[%add3A_11, %dma_start3A_24] : memref<32000x128xi32, #tpu.memory_space<hbm>> -> memref<200x128xi32, #tpu.memory_space<hbm>>
        tpu.enqueue_dma source(%arg10 : memref<200x128xi32, #tpu.memory_space<vmem>>) target(%dma_start3A_25 : memref<200x128xi32, #tpu.memory_space<hbm>>) target_semaphore(%run_scoped3A : memref<!tpu.dma_semaphore, #tpu.memory_space<semaphore_mem>>)
        %dma_wait3A_26 = arith.constant 0 : i32
        %dma_wait3A_27 = tpu.memref_slice %arg6[%add3A_11, %dma_wait3A_26] : memref<32000x128xi32, #tpu.memory_space<hbm>> -> memref<200x128xi32, #tpu.memory_space<hbm>>
        %dma_wait3A_28 = arith.constant 0 : i32
        %dma_wait3A_29 = tpu.memref_slice %arg6[%add3A_11, %dma_wait3A_28] : memref<32000x128xi32, #tpu.memory_space<hbm>> -> memref<200x128xi32, #tpu.memory_space<hbm>>
        tpu.wait_dma2 semaphore(%run_scoped3A : memref<!tpu.dma_semaphore, #tpu.memory_space<semaphore_mem>>) src(%arg10 : memref<200x128xi32, #tpu.memory_space<vmem>>) dst(%dma_wait3A_29 : memref<200x128xi32, #tpu.memory_space<hbm>>)
        tpu.yield
      }) : () -> ()
    }
    %scan3A_7 = arith.constant 5 : i32
    return
  }
}

#map = affine_map<(d0, d1) -> (0, 0)>
#map1 = affine_map<(d0, d1) -> (0)>
module attributes {stable_mosaic.version = 14 : i64} {
  func.func @_sc_gather(%arg0: i32, %arg1: i32, %arg2: memref<10000x128xi32, #tpu.memory_space<hbm>>, %arg3: memref<32000xi32, #tpu.memory_space<hbm>>, %arg4: memref<32000xi32, #tpu.memory_space<hbm>>, %arg5: memref<32000x128xi32, #tpu.memory_space<hbm>>, %arg6: memref<32000x128xi32, #tpu.memory_space<hbm>>, %arg7: memref<200xi32, #tpu.memory_space<vmem>>, %arg8: memref<200xi32, #tpu.memory_space<vmem>>, %arg9: memref<200x128xi32, #tpu.memory_space<vmem>>, %arg10: memref<200x128xi32, #tpu.memory_space<vmem>>, %arg11: memref<!tpu.dma_semaphore, #tpu.memory_space<semaphore_mem>>, %arg12: memref<!tpu.dma_semaphore, #tpu.memory_space<semaphore_mem>>) attributes {dimension_semantics = [#tpu.dimension_semantics<core_parallel>, #tpu.dimension_semantics<subcore_parallel>], iteration_bounds = array<i64: 2, 16>, scalar_prefetch = 0 : i64, scratch_operands = 6 : i64, tpu.core_type = #tpu.core_type<sc_vector_subcore>, window_params = [{transform_indices = #map}, {transform_indices = #map1}, {transform_indices = #map1}, {transform_indices = #map}, {transform_indices = #map}]} {
    %mul3A = arith.constant 2 : i32
    %mul3A_0 = arith.muli %arg1, %mul3A : i32
    %add3A = arith.addi %mul3A_0, %arg0 : i32
    %mul3A_1 = arith.constant 1000 : i32
    %mul3A_2 = arith.muli %add3A, %mul3A_1 : i32
    %scan3A = arith.constant 0 : i32
    %scan3A_3 = arith.constant 0 : i32
    %scan3A_4 = arith.constant 5 : i32
    %scan3A_5 = arith.addi %scan3A_3, %scan3A_4 : i32
    %scan3A_6 = arith.constant 1 : i32
    scf.for %scan3A_8 = %scan3A_3 to %scan3A_5 step %scan3A_6  : i32 {
      %mul3A_9 = arith.constant 200 : i32
      %mul3A_10 = arith.muli %scan3A_8, %mul3A_9 : i32
      %add3A_11 = arith.addi %mul3A_2, %mul3A_10 : i32
      "tpu.region"() ({
        %run_scoped3A = tpu.sem_alloc : memref<!tpu.dma_semaphore, #tpu.memory_space<semaphore_mem>>
        %dma_start3A_22 = tpu.memref_slice %arg3[%add3A_11] : memref<32000xi32, #tpu.memory_space<hbm>> -> memref<200xi32, #tpu.memory_space<hbm>>
        %dma_start3A_23 = tpu.memref_slice %arg3[%add3A_11] : memref<32000xi32, #tpu.memory_space<hbm>> -> memref<200xi32, #tpu.memory_space<hbm>>
        tpu.enqueue_dma source(%dma_start3A_23 : memref<200xi32, #tpu.memory_space<hbm>>) target(%arg7 : memref<200xi32, #tpu.memory_space<vmem>>) target_semaphore(%run_scoped3A : memref<!tpu.dma_semaphore, #tpu.memory_space<semaphore_mem>>)
        %dma_wait3A_24 = tpu.memref_slice %arg3[%add3A_11] : memref<32000xi32, #tpu.memory_space<hbm>> -> memref<200xi32, #tpu.memory_space<hbm>>
        %dma_wait3A_25 = tpu.memref_slice %arg3[%add3A_11] : memref<32000xi32, #tpu.memory_space<hbm>> -> memref<200xi32, #tpu.memory_space<hbm>>
        tpu.wait_dma2 semaphore(%run_scoped3A : memref<!tpu.dma_semaphore, #tpu.memory_space<semaphore_mem>>) src(%dma_wait3A_25 : memref<200xi32, #tpu.memory_space<hbm>>) dst(%arg7 : memref<200xi32, #tpu.memory_space<vmem>>)
        tpu.yield
      }) : () -> ()
      "tpu.region"() ({
        %run_scoped3A = tpu.sem_alloc : memref<!tpu.dma_semaphore, #tpu.memory_space<semaphore_mem>>
        %dma_start3A_22 = tpu.memref_slice %arg4[%add3A_11] : memref<32000xi32, #tpu.memory_space<hbm>> -> memref<200xi32, #tpu.memory_space<hbm>>
        %dma_start3A_23 = tpu.memref_slice %arg4[%add3A_11] : memref<32000xi32, #tpu.memory_space<hbm>> -> memref<200xi32, #tpu.memory_space<hbm>>
        tpu.enqueue_dma source(%dma_start3A_23 : memref<200xi32, #tpu.memory_space<hbm>>) target(%arg8 : memref<200xi32, #tpu.memory_space<vmem>>) target_semaphore(%run_scoped3A : memref<!tpu.dma_semaphore, #tpu.memory_space<semaphore_mem>>)
        %dma_wait3A_24 = tpu.memref_slice %arg4[%add3A_11] : memref<32000xi32, #tpu.memory_space<hbm>> -> memref<200xi32, #tpu.memory_space<hbm>>
        %dma_wait3A_25 = tpu.memref_slice %arg4[%add3A_11] : memref<32000xi32, #tpu.memory_space<hbm>> -> memref<200xi32, #tpu.memory_space<hbm>>
        tpu.wait_dma2 semaphore(%run_scoped3A : memref<!tpu.dma_semaphore, #tpu.memory_space<semaphore_mem>>) src(%dma_wait3A_25 : memref<200xi32, #tpu.memory_space<hbm>>) dst(%arg8 : memref<200xi32, #tpu.memory_space<vmem>>)
        tpu.yield
      }) : () -> ()
      %dma_start3A = arith.constant 0 : i32
      %dma_start3A_12 = arith.constant 0 : i32
      %dma_start3A_13 = tpu.memref_slice %arg2[%dma_start3A, %dma_start3A_12] : memref<10000x128xi32, #tpu.memory_space<hbm>> -> memref<10000x128xi32, #tpu.memory_space<hbm>>
      tpu.enqueue_indirect_dma source(%dma_start3A_13 : memref<10000x128xi32, #tpu.memory_space<hbm>>) target(%arg9 : memref<200x128xi32, #tpu.memory_space<vmem>>) offsets(%arg7 : memref<200xi32, #tpu.memory_space<vmem>>) semaphore(%arg11 : memref<!tpu.dma_semaphore, #tpu.memory_space<semaphore_mem>>)
      %dma_start3A_14 = arith.constant 0 : i32
      %dma_start3A_15 = arith.constant 0 : i32
      %dma_start3A_16 = tpu.memref_slice %arg2[%dma_start3A_14, %dma_start3A_15] : memref<10000x128xi32, #tpu.memory_space<hbm>> -> memref<10000x128xi32, #tpu.memory_space<hbm>>
      tpu.enqueue_indirect_dma source(%dma_start3A_16 : memref<10000x128xi32, #tpu.memory_space<hbm>>) target(%arg10 : memref<200x128xi32, #tpu.memory_space<vmem>>) offsets(%arg8 : memref<200xi32, #tpu.memory_space<vmem>>) semaphore(%arg12 : memref<!tpu.dma_semaphore, #tpu.memory_space<semaphore_mem>>)
      %dma_wait3A = arith.constant 0 : i32
      %dma_wait3A_17 = arith.constant 0 : i32
      %dma_wait3A_18 = tpu.memref_slice %arg2[%dma_wait3A, %dma_wait3A_17] : memref<10000x128xi32, #tpu.memory_space<hbm>> -> memref<10000x128xi32, #tpu.memory_space<hbm>>
      tpu.wait_indirect_dma semaphore(%arg11 : memref<!tpu.dma_semaphore, #tpu.memory_space<semaphore_mem>>) src(%dma_wait3A_18 : memref<10000x128xi32, #tpu.memory_space<hbm>>) dst(%arg9 : memref<200x128xi32, #tpu.memory_space<vmem>>)
      %dma_wait3A_19 = arith.constant 0 : i32
      %dma_wait3A_20 = arith.constant 0 : i32
      %dma_wait3A_21 = tpu.memref_slice %arg2[%dma_wait3A_19, %dma_wait3A_20] : memref<10000x128xi32, #tpu.memory_space<hbm>> -> memref<10000x128xi32, #tpu.memory_space<hbm>>
      tpu.wait_indirect_dma semaphore(%arg12 : memref<!tpu.dma_semaphore, #tpu.memory_space<semaphore_mem>>) src(%dma_wait3A_21 : memref<10000x128xi32, #tpu.memory_space<hbm>>) dst(%arg10 : memref<200x128xi32, #tpu.memory_space<vmem>>)
      "tpu.region"() ({
        %run_scoped3A = tpu.sem_alloc : memref<!tpu.dma_semaphore, #tpu.memory_space<semaphore_mem>>
        %dma_start3A_22 = arith.constant 0 : i32
        %dma_start3A_23 = tpu.memref_slice %arg5[%add3A_11, %dma_start3A_22] : memref<32000x128xi32, #tpu.memory_space<hbm>> -> memref<200x128xi32, #tpu.memory_space<hbm>>
        %dma_start3A_24 = arith.constant 0 : i32
        %dma_start3A_25 = tpu.memref_slice %arg5[%add3A_11, %dma_start3A_24] : memref<32000x128xi32, #tpu.memory_space<hbm>> -> memref<200x128xi32, #tpu.memory_space<hbm>>
        tpu.enqueue_dma source(%arg9 : memref<200x128xi32, #tpu.memory_space<vmem>>) target(%dma_start3A_25 : memref<200x128xi32, #tpu.memory_space<hbm>>) target_semaphore(%run_scoped3A : memref<!tpu.dma_semaphore, #tpu.memory_space<semaphore_mem>>)
        %dma_wait3A_26 = arith.constant 0 : i32
        %dma_wait3A_27 = tpu.memref_slice %arg5[%add3A_11, %dma_wait3A_26] : memref<32000x128xi32, #tpu.memory_space<hbm>> -> memref<200x128xi32, #tpu.memory_space<hbm>>
        %dma_wait3A_28 = arith.constant 0 : i32
        %dma_wait3A_29 = tpu.memref_slice %arg5[%add3A_11, %dma_wait3A_28] : memref<32000x128xi32, #tpu.memory_space<hbm>> -> memref<200x128xi32, #tpu.memory_space<hbm>>
        tpu.wait_dma2 semaphore(%run_scoped3A : memref<!tpu.dma_semaphore, #tpu.memory_space<semaphore_mem>>) src(%arg9 : memref<200x128xi32, #tpu.memory_space<vmem>>) dst(%dma_wait3A_29 : memref<200x128xi32, #tpu.memory_space<hbm>>)
        tpu.yield
      }) : () -> ()
      "tpu.region"() ({
        %run_scoped3A = tpu.sem_alloc : memref<!tpu.dma_semaphore, #tpu.memory_space<semaphore_mem>>
        %dma_start3A_22 = arith.constant 0 : i32
        %dma_start3A_23 = tpu.memref_slice %arg6[%add3A_11, %dma_start3A_22] : memref<32000x128xi32, #tpu.memory_space<hbm>> -> memref<200x128xi32, #tpu.memory_space<hbm>>
        %dma_start3A_24 = arith.constant 0 : i32
        %dma_start3A_25 = tpu.memref_slice %arg6[%add3A_11, %dma_start3A_24] : memref<32000x128xi32, #tpu.memory_space<hbm>> -> memref<200x128xi32, #tpu.memory_space<hbm>>
        tpu.enqueue_dma source(%arg10 : memref<200x128xi32, #tpu.memory_space<vmem>>) target(%dma_start3A_25 : memref<200x128xi32, #tpu.memory_space<hbm>>) target_semaphore(%run_scoped3A : memref<!tpu.dma_semaphore, #tpu.memory_space<semaphore_mem>>)
        %dma_wait3A_26 = arith.constant 0 : i32
        %dma_wait3A_27 = tpu.memref_slice %arg6[%add3A_11, %dma_wait3A_26] : memref<32000x128xi32, #tpu.memory_space<hbm>> -> memref<200x128xi32, #tpu.memory_space<hbm>>
        %dma_wait3A_28 = arith.constant 0 : i32
        %dma_wait3A_29 = tpu.memref_slice %arg6[%add3A_11, %dma_wait3A_28] : memref<32000x128xi32, #tpu.memory_space<hbm>> -> memref<200x128xi32, #tpu.memory_space<hbm>>
        tpu.wait_dma2 semaphore(%run_scoped3A : memref<!tpu.dma_semaphore, #tpu.memory_space<semaphore_mem>>) src(%arg10 : memref<200x128xi32, #tpu.memory_space<vmem>>) dst(%dma_wait3A_29 : memref<200x128xi32, #tpu.memory_space<hbm>>)
        tpu.yield
      }) : () -> ()
    }
    %scan3A_7 = arith.constant 5 : i32
    return
  }
}

#map = affine_map<(d0, d1) -> (0, 0)>
#map1 = affine_map<(d0, d1) -> (0)>
module attributes {stable_mosaic.version = 14 : i64} {
  func.func @_sc_gather(%arg0: i32, %arg1: i32, %arg2: memref<10000x128xi32, #tpu.memory_space<hbm>>, %arg3: memref<32000xi32, #tpu.memory_space<hbm>>, %arg4: memref<32000xi32, #tpu.memory_space<hbm>>, %arg5: memref<32000x128xi32, #tpu.memory_space<hbm>>, %arg6: memref<32000x128xi32, #tpu.memory_space<hbm>>, %arg7: memref<200xi32, #tpu.memory_space<vmem>>, %arg8: memref<200xi32, #tpu.memory_space<vmem>>, %arg9: memref<200x128xi32, #tpu.memory_space<vmem>>, %arg10: memref<200x128xi32, #tpu.memory_space<vmem>>, %arg11: memref<!tpu.dma_semaphore, #tpu.memory_space<semaphore_mem>>, %arg12: memref<!tpu.dma_semaphore, #tpu.memory_space<semaphore_mem>>) attributes {dimension_semantics = [#tpu.dimension_semantics<core_parallel>, #tpu.dimension_semantics<subcore_parallel>], iteration_bounds = array<i64: 2, 16>, scalar_prefetch = 0 : i64, scratch_operands = 6 : i64, tpu.core_type = #tpu.core_type<sc_vector_subcore>, window_params = [{transform_indices = #map}, {transform_indices = #map1}, {transform_indices = #map1}, {transform_indices = #map}, {transform_indices = #map}]} {
    %mul3A = arith.constant 2 : i32
    %mul3A_0 = arith.muli %arg1, %mul3A : i32
    %add3A = arith.addi %mul3A_0, %arg0 : i32
    %mul3A_1 = arith.constant 1000 : i32
    %mul3A_2 = arith.muli %add3A, %mul3A_1 : i32
    %scan3A = arith.constant 0 : i32
    %scan3A_3 = arith.constant 0 : i32
    %scan3A_4 = arith.constant 5 : i32
    %scan3A_5 = arith.addi %scan3A_3, %scan3A_4 : i32
    %scan3A_6 = arith.constant 1 : i32
    scf.for %scan3A_8 = %scan3A_3 to %scan3A_5 step %scan3A_6  : i32 {
      %mul3A_9 = arith.constant 200 : i32
      %mul3A_10 = arith.muli %scan3A_8, %mul3A_9 : i32
      %add3A_11 = arith.addi %mul3A_2, %mul3A_10 : i32
      "tpu.region"() ({
        %run_scoped3A = tpu.sem_alloc : memref<!tpu.dma_semaphore, #tpu.memory_space<semaphore_mem>>
        %dma_start3A_22 = tpu.memref_slice %arg3[%add3A_11] : memref<32000xi32, #tpu.memory_space<hbm>> -> memref<200xi32, #tpu.memory_space<hbm>>
        %dma_start3A_23 = tpu.memref_slice %arg3[%add3A_11] : memref<32000xi32, #tpu.memory_space<hbm>> -> memref<200xi32, #tpu.memory_space<hbm>>
        tpu.enqueue_dma source(%dma_start3A_23 : memref<200xi32, #tpu.memory_space<hbm>>) target(%arg7 : memref<200xi32, #tpu.memory_space<vmem>>) target_semaphore(%run_scoped3A : memref<!tpu.dma_semaphore, #tpu.memory_space<semaphore_mem>>)
        %dma_wait3A_24 = tpu.memref_slice %arg3[%add3A_11] : memref<32000xi32, #tpu.memory_space<hbm>> -> memref<200xi32, #tpu.memory_space<hbm>>
        %dma_wait3A_25 = tpu.memref_slice %arg3[%add3A_11] : memref<32000xi32, #tpu.memory_space<hbm>> -> memref<200xi32, #tpu.memory_space<hbm>>
        tpu.wait_dma2 semaphore(%run_scoped3A : memref<!tpu.dma_semaphore, #tpu.memory_space<semaphore_mem>>) src(%dma_wait3A_25 : memref<200xi32, #tpu.memory_space<hbm>>) dst(%arg7 : memref<200xi32, #tpu.memory_space<vmem>>)
        tpu.yield
      }) : () -> ()
      "tpu.region"() ({
        %run_scoped3A = tpu.sem_alloc : memref<!tpu.dma_semaphore, #tpu.memory_space<semaphore_mem>>
        %dma_start3A_22 = tpu.memref_slice %arg4[%add3A_11] : memref<32000xi32, #tpu.memory_space<hbm>> -> memref<200xi32, #tpu.memory_space<hbm>>
        %dma_start3A_23 = tpu.memref_slice %arg4[%add3A_11] : memref<32000xi32, #tpu.memory_space<hbm>> -> memref<200xi32, #tpu.memory_space<hbm>>
        tpu.enqueue_dma source(%dma_start3A_23 : memref<200xi32, #tpu.memory_space<hbm>>) target(%arg8 : memref<200xi32, #tpu.memory_space<vmem>>) target_semaphore(%run_scoped3A : memref<!tpu.dma_semaphore, #tpu.memory_space<semaphore_mem>>)
        %dma_wait3A_24 = tpu.memref_slice %arg4[%add3A_11] : memref<32000xi32, #tpu.memory_space<hbm>> -> memref<200xi32, #tpu.memory_space<hbm>>
        %dma_wait3A_25 = tpu.memref_slice %arg4[%add3A_11] : memref<32000xi32, #tpu.memory_space<hbm>> -> memref<200xi32, #tpu.memory_space<hbm>>
        tpu.wait_dma2 semaphore(%run_scoped3A : memref<!tpu.dma_semaphore, #tpu.memory_space<semaphore_mem>>) src(%dma_wait3A_25 : memref<200xi32, #tpu.memory_space<hbm>>) dst(%arg8 : memref<200xi32, #tpu.memory_space<vmem>>)
        tpu.yield
      }) : () -> ()
      %dma_start3A = arith.constant 0 : i32
      %dma_start3A_12 = arith.constant 0 : i32
      %dma_start3A_13 = tpu.memref_slice %arg2[%dma_start3A, %dma_start3A_12] : memref<10000x128xi32, #tpu.memory_space<hbm>> -> memref<10000x128xi32, #tpu.memory_space<hbm>>
      tpu.enqueue_indirect_dma source(%dma_start3A_13 : memref<10000x128xi32, #tpu.memory_space<hbm>>) target(%arg9 : memref<200x128xi32, #tpu.memory_space<vmem>>) offsets(%arg7 : memref<200xi32, #tpu.memory_space<vmem>>) semaphore(%arg11 : memref<!tpu.dma_semaphore, #tpu.memory_space<semaphore_mem>>)
      %dma_start3A_14 = arith.constant 0 : i32
      %dma_start3A_15 = arith.constant 0 : i32
      %dma_start3A_16 = tpu.memref_slice %arg2[%dma_start3A_14, %dma_start3A_15] : memref<10000x128xi32, #tpu.memory_space<hbm>> -> memref<10000x128xi32, #tpu.memory_space<hbm>>
      tpu.enqueue_indirect_dma source(%dma_start3A_16 : memref<10000x128xi32, #tpu.memory_space<hbm>>) target(%arg10 : memref<200x128xi32, #tpu.memory_space<vmem>>) offsets(%arg8 : memref<200xi32, #tpu.memory_space<vmem>>) semaphore(%arg12 : memref<!tpu.dma_semaphore, #tpu.memory_space<semaphore_mem>>)
      %dma_wait3A = arith.constant 0 : i32
      %dma_wait3A_17 = arith.constant 0 : i32
      %dma_wait3A_18 = tpu.memref_slice %arg2[%dma_wait3A, %dma_wait3A_17] : memref<10000x128xi32, #tpu.memory_space<hbm>> -> memref<10000x128xi32, #tpu.memory_space<hbm>>
      tpu.wait_indirect_dma semaphore(%arg11 : memref<!tpu.dma_semaphore, #tpu.memory_space<semaphore_mem>>) src(%dma_wait3A_18 : memref<10000x128xi32, #tpu.memory_space<hbm>>) dst(%arg9 : memref<200x128xi32, #tpu.memory_space<vmem>>)
      %dma_wait3A_19 = arith.constant 0 : i32
      %dma_wait3A_20 = arith.constant 0 : i32
      %dma_wait3A_21 = tpu.memref_slice %arg2[%dma_wait3A_19, %dma_wait3A_20] : memref<10000x128xi32, #tpu.memory_space<hbm>> -> memref<10000x128xi32, #tpu.memory_space<hbm>>
      tpu.wait_indirect_dma semaphore(%arg12 : memref<!tpu.dma_semaphore, #tpu.memory_space<semaphore_mem>>) src(%dma_wait3A_21 : memref<10000x128xi32, #tpu.memory_space<hbm>>) dst(%arg10 : memref<200x128xi32, #tpu.memory_space<vmem>>)
      "tpu.region"() ({
        %run_scoped3A = tpu.sem_alloc : memref<!tpu.dma_semaphore, #tpu.memory_space<semaphore_mem>>
        %dma_start3A_22 = arith.constant 0 : i32
        %dma_start3A_23 = tpu.memref_slice %arg5[%add3A_11, %dma_start3A_22] : memref<32000x128xi32, #tpu.memory_space<hbm>> -> memref<200x128xi32, #tpu.memory_space<hbm>>
        %dma_start3A_24 = arith.constant 0 : i32
        %dma_start3A_25 = tpu.memref_slice %arg5[%add3A_11, %dma_start3A_24] : memref<32000x128xi32, #tpu.memory_space<hbm>> -> memref<200x128xi32, #tpu.memory_space<hbm>>
        tpu.enqueue_dma source(%arg9 : memref<200x128xi32, #tpu.memory_space<vmem>>) target(%dma_start3A_25 : memref<200x128xi32, #tpu.memory_space<hbm>>) target_semaphore(%run_scoped3A : memref<!tpu.dma_semaphore, #tpu.memory_space<semaphore_mem>>)
        %dma_wait3A_26 = arith.constant 0 : i32
        %dma_wait3A_27 = tpu.memref_slice %arg5[%add3A_11, %dma_wait3A_26] : memref<32000x128xi32, #tpu.memory_space<hbm>> -> memref<200x128xi32, #tpu.memory_space<hbm>>
        %dma_wait3A_28 = arith.constant 0 : i32
        %dma_wait3A_29 = tpu.memref_slice %arg5[%add3A_11, %dma_wait3A_28] : memref<32000x128xi32, #tpu.memory_space<hbm>> -> memref<200x128xi32, #tpu.memory_space<hbm>>
        tpu.wait_dma2 semaphore(%run_scoped3A : memref<!tpu.dma_semaphore, #tpu.memory_space<semaphore_mem>>) src(%arg9 : memref<200x128xi32, #tpu.memory_space<vmem>>) dst(%dma_wait3A_29 : memref<200x128xi32, #tpu.memory_space<hbm>>)
        tpu.yield
      }) : () -> ()
      "tpu.region"() ({
        %run_scoped3A = tpu.sem_alloc : memref<!tpu.dma_semaphore, #tpu.memory_space<semaphore_mem>>
        %dma_start3A_22 = arith.constant 0 : i32
        %dma_start3A_23 = tpu.memref_slice %arg6[%add3A_11, %dma_start3A_22] : memref<32000x128xi32, #tpu.memory_space<hbm>> -> memref<200x128xi32, #tpu.memory_space<hbm>>
        %dma_start3A_24 = arith.constant 0 : i32
        %dma_start3A_25 = tpu.memref_slice %arg6[%add3A_11, %dma_start3A_24] : memref<32000x128xi32, #tpu.memory_space<hbm>> -> memref<200x128xi32, #tpu.memory_space<hbm>>
        tpu.enqueue_dma source(%arg10 : memref<200x128xi32, #tpu.memory_space<vmem>>) target(%dma_start3A_25 : memref<200x128xi32, #tpu.memory_space<hbm>>) target_semaphore(%run_scoped3A : memref<!tpu.dma_semaphore, #tpu.memory_space<semaphore_mem>>)
        %dma_wait3A_26 = arith.constant 0 : i32
        %dma_wait3A_27 = tpu.memref_slice %arg6[%add3A_11, %dma_wait3A_26] : memref<32000x128xi32, #tpu.memory_space<hbm>> -> memref<200x128xi32, #tpu.memory_space<hbm>>
        %dma_wait3A_28 = arith.constant 0 : i32
        %dma_wait3A_29 = tpu.memref_slice %arg6[%add3A_11, %dma_wait3A_28] : memref<32000x128xi32, #tpu.memory_space<hbm>> -> memref<200x128xi32, #tpu.memory_space<hbm>>
        tpu.wait_dma2 semaphore(%run_scoped3A : memref<!tpu.dma_semaphore, #tpu.memory_space<semaphore_mem>>) src(%arg10 : memref<200x128xi32, #tpu.memory_space<vmem>>) dst(%dma_wait3A_29 : memref<200x128xi32, #tpu.memory_space<hbm>>)
        tpu.yield
      }) : () -> ()
    }
    %scan3A_7 = arith.constant 5 : i32
    return
  }
}

#map = affine_map<(d0, d1) -> (0, 0)>
#map1 = affine_map<(d0, d1) -> (0)>
module attributes {stable_mosaic.version = 14 : i64} {
  func.func @_sc_scatter(%arg0: i32, %arg1: i32, %arg2: memref<10000x256xf32, #tpu.memory_space<hbm>>, %arg3: memref<32000xi32, #tpu.memory_space<hbm>>, %arg4: memref<32000x256xf32, #tpu.memory_space<hbm>>, %arg5: memref<10000x256xf32, #tpu.memory_space<hbm>>, %arg6: memref<200xi32, #tpu.memory_space<vmem>>, %arg7: memref<200x128xf32, #tpu.memory_space<vmem>>, %arg8: memref<10000x128xf32, #tpu.memory_space<vmem_shared>>) attributes {dimension_semantics = [#tpu.dimension_semantics<core_parallel>, #tpu.dimension_semantics<subcore_parallel>], iteration_bounds = array<i64: 2, 16>, scalar_prefetch = 0 : i64, scratch_operands = 3 : i64, tpu.core_type = #tpu.core_type<sc_vector_subcore>, window_params = [{transform_indices = #map}, {transform_indices = #map1}, {transform_indices = #map}, {transform_indices = #map}]} {
    %mul3A = arith.constant 128 : i32
    %mul3A_0 = arith.muli %arg0, %mul3A : i32
    %mul3A_1 = arith.constant 624 : i32
    %mul3A_2 = arith.muli %arg1, %mul3A_1 : i32
    "tpu.region"() ({
      %run_scoped3A = tpu.sem_alloc : memref<!tpu.dma_semaphore, #tpu.memory_space<semaphore_mem>>
      %dma_start3A = arith.constant 0 : i32
      %dma_start3A_16 = tpu.memref_slice %arg8[%mul3A_2, %dma_start3A] : memref<10000x128xf32, #tpu.memory_space<vmem_shared>> -> memref<624x128xf32, #tpu.memory_space<vmem_shared>>
      %dma_start3A_17 = tpu.memref_slice %arg2[%mul3A_2, %mul3A_0] : memref<10000x256xf32, #tpu.memory_space<hbm>> -> memref<624x128xf32, #tpu.memory_space<hbm>>
      tpu.enqueue_dma source(%dma_start3A_17 : memref<624x128xf32, #tpu.memory_space<hbm>>) target(%dma_start3A_16 : memref<624x128xf32, #tpu.memory_space<vmem_shared>>) target_semaphore(%run_scoped3A : memref<!tpu.dma_semaphore, #tpu.memory_space<semaphore_mem>>)
      %dma_wait3A = arith.constant 0 : i32
      %dma_wait3A_18 = tpu.memref_slice %arg8[%mul3A_2, %dma_wait3A] : memref<10000x128xf32, #tpu.memory_space<vmem_shared>> -> memref<624x128xf32, #tpu.memory_space<vmem_shared>>
      %dma_wait3A_19 = tpu.memref_slice %arg2[%mul3A_2, %mul3A_0] : memref<10000x256xf32, #tpu.memory_space<hbm>> -> memref<624x128xf32, #tpu.memory_space<hbm>>
      tpu.wait_dma2 semaphore(%run_scoped3A : memref<!tpu.dma_semaphore, #tpu.memory_space<semaphore_mem>>) src(%dma_wait3A_19 : memref<624x128xf32, #tpu.memory_space<hbm>>) dst(%dma_wait3A_18 : memref<624x128xf32, #tpu.memory_space<vmem_shared>>)
      tpu.yield
    }) : () -> ()
    %eq3A = arith.constant 15 : i32
    %eq3A_3 = arith.cmpi eq, %arg1, %eq3A : i32
    %convert_element_type3A = arith.extui %eq3A_3 : i1 to i32
    %cond3A = arith.constant 0 : i32
    %cond3A_4 = arith.cmpi ne, %convert_element_type3A, %cond3A : i32
    scf.if %cond3A_4 {
      "tpu.region"() ({
        %run_scoped3A = tpu.sem_alloc : memref<!tpu.dma_semaphore, #tpu.memory_space<semaphore_mem>>
        %dma_start3A = arith.constant 9984 : i32
        %dma_start3A_16 = arith.constant 0 : i32
        %dma_start3A_17 = tpu.memref_slice %arg8[%dma_start3A, %dma_start3A_16] : memref<10000x128xf32, #tpu.memory_space<vmem_shared>> -> memref<16x128xf32, #tpu.memory_space<vmem_shared>>
        %dma_start3A_18 = arith.constant 9984 : i32
        %dma_start3A_19 = tpu.memref_slice %arg2[%dma_start3A_18, %mul3A_0] : memref<10000x256xf32, #tpu.memory_space<hbm>> -> memref<16x128xf32, #tpu.memory_space<hbm>>
        tpu.enqueue_dma source(%dma_start3A_19 : memref<16x128xf32, #tpu.memory_space<hbm>>) target(%dma_start3A_17 : memref<16x128xf32, #tpu.memory_space<vmem_shared>>) target_semaphore(%run_scoped3A : memref<!tpu.dma_semaphore, #tpu.memory_space<semaphore_mem>>)
        %dma_wait3A = arith.constant 9984 : i32
        %dma_wait3A_20 = arith.constant 0 : i32
        %dma_wait3A_21 = tpu.memref_slice %arg8[%dma_wait3A, %dma_wait3A_20] : memref<10000x128xf32, #tpu.memory_space<vmem_shared>> -> memref<16x128xf32, #tpu.memory_space<vmem_shared>>
        %dma_wait3A_22 = arith.constant 9984 : i32
        %dma_wait3A_23 = tpu.memref_slice %arg2[%dma_wait3A_22, %mul3A_0] : memref<10000x256xf32, #tpu.memory_space<hbm>> -> memref<16x128xf32, #tpu.memory_space<hbm>>
        tpu.wait_dma2 semaphore(%run_scoped3A : memref<!tpu.dma_semaphore, #tpu.memory_space<semaphore_mem>>) src(%dma_wait3A_23 : memref<16x128xf32, #tpu.memory_space<hbm>>) dst(%dma_wait3A_21 : memref<16x128xf32, #tpu.memory_space<vmem_shared>>)
        tpu.yield
      }) : () -> ()
    } else {
    }
    %barrier3A = arith.constant 0 : index
    tpu.barrier barrier_id(%barrier3A)
    %scan3A = arith.constant 0 : i32
    %scan3A_5 = arith.constant 0 : i32
    %scan3A_6 = arith.constant 10 : i32
    %scan3A_7 = arith.addi %scan3A_5, %scan3A_6 : i32
    %scan3A_8 = arith.constant 1 : i32
    scf.for %scan3A_16 = %scan3A_5 to %scan3A_7 step %scan3A_8  : i32 {
      %mul3A_17 = arith.constant 2000 : i32
      %mul3A_18 = arith.muli %arg1, %mul3A_17 : i32
      %mul3A_19 = arith.constant 200 : i32
      %mul3A_20 = arith.muli %scan3A_16, %mul3A_19 : i32
      %add3A = arith.addi %mul3A_18, %mul3A_20 : i32
      "tpu.region"() ({
        %run_scoped3A = tpu.sem_alloc : memref<!tpu.dma_semaphore, #tpu.memory_space<semaphore_mem>>
        %dma_start3A = tpu.memref_slice %arg3[%add3A] : memref<32000xi32, #tpu.memory_space<hbm>> -> memref<200xi32, #tpu.memory_space<hbm>>
        %dma_start3A_21 = tpu.memref_slice %arg3[%add3A] : memref<32000xi32, #tpu.memory_space<hbm>> -> memref<200xi32, #tpu.memory_space<hbm>>
        tpu.enqueue_dma source(%dma_start3A_21 : memref<200xi32, #tpu.memory_space<hbm>>) target(%arg6 : memref<200xi32, #tpu.memory_space<vmem>>) target_semaphore(%run_scoped3A : memref<!tpu.dma_semaphore, #tpu.memory_space<semaphore_mem>>)
        %dma_wait3A = tpu.memref_slice %arg3[%add3A] : memref<32000xi32, #tpu.memory_space<hbm>> -> memref<200xi32, #tpu.memory_space<hbm>>
        %dma_wait3A_22 = tpu.memref_slice %arg3[%add3A] : memref<32000xi32, #tpu.memory_space<hbm>> -> memref<200xi32, #tpu.memory_space<hbm>>
        tpu.wait_dma2 semaphore(%run_scoped3A : memref<!tpu.dma_semaphore, #tpu.memory_space<semaphore_mem>>) src(%dma_wait3A_22 : memref<200xi32, #tpu.memory_space<hbm>>) dst(%arg6 : memref<200xi32, #tpu.memory_space<vmem>>)
        tpu.yield
      }) : () -> ()
      "tpu.region"() ({
        %run_scoped3A = tpu.sem_alloc : memref<!tpu.dma_semaphore, #tpu.memory_space<semaphore_mem>>
        %dma_start3A = tpu.memref_slice %arg4[%add3A, %mul3A_0] : memref<32000x256xf32, #tpu.memory_space<hbm>> -> memref<200x128xf32, #tpu.memory_space<hbm>>
        %dma_start3A_21 = tpu.memref_slice %arg4[%add3A, %mul3A_0] : memref<32000x256xf32, #tpu.memory_space<hbm>> -> memref<200x128xf32, #tpu.memory_space<hbm>>
        tpu.enqueue_dma source(%dma_start3A_21 : memref<200x128xf32, #tpu.memory_space<hbm>>) target(%arg7 : memref<200x128xf32, #tpu.memory_space<vmem>>) target_semaphore(%run_scoped3A : memref<!tpu.dma_semaphore, #tpu.memory_space<semaphore_mem>>)
        %dma_wait3A = tpu.memref_slice %arg4[%add3A, %mul3A_0] : memref<32000x256xf32, #tpu.memory_space<hbm>> -> memref<200x128xf32, #tpu.memory_space<hbm>>
        %dma_wait3A_22 = tpu.memref_slice %arg4[%add3A, %mul3A_0] : memref<32000x256xf32, #tpu.memory_space<hbm>> -> memref<200x128xf32, #tpu.memory_space<hbm>>
        tpu.wait_dma2 semaphore(%run_scoped3A : memref<!tpu.dma_semaphore, #tpu.memory_space<semaphore_mem>>) src(%dma_wait3A_22 : memref<200x128xf32, #tpu.memory_space<hbm>>) dst(%arg7 : memref<200x128xf32, #tpu.memory_space<vmem>>)
        tpu.yield
      }) : () -> ()
      "tpu.region"() ({
        %run_scoped3A = tpu.sem_alloc : memref<!tpu.dma_semaphore, #tpu.memory_space<semaphore_mem>>
        %dma_start3A = arith.constant 0 : i32
        %dma_start3A_21 = arith.constant 0 : i32
        %dma_start3A_22 = tpu.memref_slice %arg8[%dma_start3A, %dma_start3A_21] : memref<10000x128xf32, #tpu.memory_space<vmem_shared>> -> memref<10000x128xf32, #tpu.memory_space<vmem_shared>>
        tpu.enqueue_indirect_dma source(%arg7 : memref<200x128xf32, #tpu.memory_space<vmem>>) target(%dma_start3A_22 : memref<10000x128xf32, #tpu.memory_space<vmem_shared>>) offsets(%arg6 : memref<200xi32, #tpu.memory_space<vmem>>) semaphore(%run_scoped3A : memref<!tpu.dma_semaphore, #tpu.memory_space<semaphore_mem>>) {add = true}
        %dma_wait3A = arith.constant 0 : i32
        %dma_wait3A_23 = arith.constant 0 : i32
        %dma_wait3A_24 = tpu.memref_slice %arg8[%dma_wait3A, %dma_wait3A_23] : memref<10000x128xf32, #tpu.memory_space<vmem_shared>> -> memref<10000x128xf32, #tpu.memory_space<vmem_shared>>
        tpu.wait_indirect_dma semaphore(%run_scoped3A : memref<!tpu.dma_semaphore, #tpu.memory_space<semaphore_mem>>) src(%arg7 : memref<200x128xf32, #tpu.memory_space<vmem>>) dst(%dma_wait3A_24 : memref<10000x128xf32, #tpu.memory_space<vmem_shared>>)
        tpu.yield
      }) : () -> ()
    }
    %scan3A_9 = arith.constant 10 : i32
    %barrier3A_10 = arith.constant 0 : index
    tpu.barrier barrier_id(%barrier3A_10)
    "tpu.region"() ({
      %run_scoped3A = tpu.sem_alloc : memref<!tpu.dma_semaphore, #tpu.memory_space<semaphore_mem>>
      %dma_start3A = tpu.memref_slice %arg5[%mul3A_2, %mul3A_0] : memref<10000x256xf32, #tpu.memory_space<hbm>> -> memref<624x128xf32, #tpu.memory_space<hbm>>
      %dma_start3A_16 = arith.constant 0 : i32
      %dma_start3A_17 = tpu.memref_slice %arg8[%mul3A_2, %dma_start3A_16] : memref<10000x128xf32, #tpu.memory_space<vmem_shared>> -> memref<624x128xf32, #tpu.memory_space<vmem_shared>>
      tpu.enqueue_dma source(%dma_start3A_17 : memref<624x128xf32, #tpu.memory_space<vmem_shared>>) target(%dma_start3A : memref<624x128xf32, #tpu.memory_space<hbm>>) target_semaphore(%run_scoped3A : memref<!tpu.dma_semaphore, #tpu.memory_space<semaphore_mem>>)
      %dma_wait3A = tpu.memref_slice %arg5[%mul3A_2, %mul3A_0] : memref<10000x256xf32, #tpu.memory_space<hbm>> -> memref<624x128xf32, #tpu.memory_space<hbm>>
      %dma_wait3A_18 = arith.constant 0 : i32
      %dma_wait3A_19 = tpu.memref_slice %arg8[%mul3A_2, %dma_wait3A_18] : memref<10000x128xf32, #tpu.memory_space<vmem_shared>> -> memref<624x128xf32, #tpu.memory_space<vmem_shared>>
      tpu.wait_dma2 semaphore(%run_scoped3A : memref<!tpu.dma_semaphore, #tpu.memory_space<semaphore_mem>>) src(%dma_wait3A_19 : memref<624x128xf32, #tpu.memory_space<vmem_shared>>) dst(%dma_wait3A : memref<624x128xf32, #tpu.memory_space<hbm>>)
      tpu.yield
    }) : () -> ()
    %eq3A_11 = arith.constant 15 : i32
    %eq3A_12 = arith.cmpi eq, %arg1, %eq3A_11 : i32
    %convert_element_type3A_13 = arith.extui %eq3A_12 : i1 to i32
    %cond3A_14 = arith.constant 0 : i32
    %cond3A_15 = arith.cmpi ne, %convert_element_type3A_13, %cond3A_14 : i32
    scf.if %cond3A_15 {
      "tpu.region"() ({
        %run_scoped3A = tpu.sem_alloc : memref<!tpu.dma_semaphore, #tpu.memory_space<semaphore_mem>>
        %dma_start3A = arith.constant 9984 : i32
        %dma_start3A_16 = tpu.memref_slice %arg5[%dma_start3A, %mul3A_0] : memref<10000x256xf32, #tpu.memory_space<hbm>> -> memref<16x128xf32, #tpu.memory_space<hbm>>
        %dma_start3A_17 = arith.constant 9984 : i32
        %dma_start3A_18 = arith.constant 0 : i32
        %dma_start3A_19 = tpu.memref_slice %arg8[%dma_start3A_17, %dma_start3A_18] : memref<10000x128xf32, #tpu.memory_space<vmem_shared>> -> memref<16x128xf32, #tpu.memory_space<vmem_shared>>
        tpu.enqueue_dma source(%dma_start3A_19 : memref<16x128xf32, #tpu.memory_space<vmem_shared>>) target(%dma_start3A_16 : memref<16x128xf32, #tpu.memory_space<hbm>>) target_semaphore(%run_scoped3A : memref<!tpu.dma_semaphore, #tpu.memory_space<semaphore_mem>>)
        %dma_wait3A = arith.constant 9984 : i32
        %dma_wait3A_20 = tpu.memref_slice %arg5[%dma_wait3A, %mul3A_0] : memref<10000x256xf32, #tpu.memory_space<hbm>> -> memref<16x128xf32, #tpu.memory_space<hbm>>
        %dma_wait3A_21 = arith.constant 9984 : i32
        %dma_wait3A_22 = arith.constant 0 : i32
        %dma_wait3A_23 = tpu.memref_slice %arg8[%dma_wait3A_21, %dma_wait3A_22] : memref<10000x128xf32, #tpu.memory_space<vmem_shared>> -> memref<16x128xf32, #tpu.memory_space<vmem_shared>>
        tpu.wait_dma2 semaphore(%run_scoped3A : memref<!tpu.dma_semaphore, #tpu.memory_space<semaphore_mem>>) src(%dma_wait3A_23 : memref<16x128xf32, #tpu.memory_space<vmem_shared>>) dst(%dma_wait3A_20 : memref<16x128xf32, #tpu.memory_space<hbm>>)
        tpu.yield
      }) : () -> ()
    } else {
    }
    return
  }
}

#map = affine_map<(d0, d1) -> (0, 0)>
#map1 = affine_map<(d0, d1) -> (0)>
module attributes {stable_mosaic.version = 14 : i64} {
  func.func @_sc_gather(%arg0: i32, %arg1: i32, %arg2: memref<10000x128xi32, #tpu.memory_space<hbm>>, %arg3: memref<32000xi32, #tpu.memory_space<hbm>>, %arg4: memref<32000xi32, #tpu.memory_space<hbm>>, %arg5: memref<32000x128xi32, #tpu.memory_space<hbm>>, %arg6: memref<32000x128xi32, #tpu.memory_space<hbm>>, %arg7: memref<200xi32, #tpu.memory_space<vmem>>, %arg8: memref<200xi32, #tpu.memory_space<vmem>>, %arg9: memref<200x128xi32, #tpu.memory_space<vmem>>, %arg10: memref<200x128xi32, #tpu.memory_space<vmem>>, %arg11: memref<!tpu.dma_semaphore, #tpu.memory_space<semaphore_mem>>, %arg12: memref<!tpu.dma_semaphore, #tpu.memory_space<semaphore_mem>>) attributes {dimension_semantics = [#tpu.dimension_semantics<core_parallel>, #tpu.dimension_semantics<subcore_parallel>], iteration_bounds = array<i64: 2, 16>, scalar_prefetch = 0 : i64, scratch_operands = 6 : i64, tpu.core_type = #tpu.core_type<sc_vector_subcore>, window_params = [{transform_indices = #map}, {transform_indices = #map1}, {transform_indices = #map1}, {transform_indices = #map}, {transform_indices = #map}]} {
    %mul3A = arith.constant 2 : i32
    %mul3A_0 = arith.muli %arg1, %mul3A : i32
    %add3A = arith.addi %mul3A_0, %arg0 : i32
    %mul3A_1 = arith.constant 1000 : i32
    %mul3A_2 = arith.muli %add3A, %mul3A_1 : i32
    %scan3A = arith.constant 0 : i32
    %scan3A_3 = arith.constant 0 : i32
    %scan3A_4 = arith.constant 5 : i32
    %scan3A_5 = arith.addi %scan3A_3, %scan3A_4 : i32
    %scan3A_6 = arith.constant 1 : i32
    scf.for %scan3A_8 = %scan3A_3 to %scan3A_5 step %scan3A_6  : i32 {
      %mul3A_9 = arith.constant 200 : i32
      %mul3A_10 = arith.muli %scan3A_8, %mul3A_9 : i32
      %add3A_11 = arith.addi %mul3A_2, %mul3A_10 : i32
      "tpu.region"() ({
        %run_scoped3A = tpu.sem_alloc : memref<!tpu.dma_semaphore, #tpu.memory_space<semaphore_mem>>
        %dma_start3A_22 = tpu.memref_slice %arg3[%add3A_11] : memref<32000xi32, #tpu.memory_space<hbm>> -> memref<200xi32, #tpu.memory_space<hbm>>
        %dma_start3A_23 = tpu.memref_slice %arg3[%add3A_11] : memref<32000xi32, #tpu.memory_space<hbm>> -> memref<200xi32, #tpu.memory_space<hbm>>
        tpu.enqueue_dma source(%dma_start3A_23 : memref<200xi32, #tpu.memory_space<hbm>>) target(%arg7 : memref<200xi32, #tpu.memory_space<vmem>>) target_semaphore(%run_scoped3A : memref<!tpu.dma_semaphore, #tpu.memory_space<semaphore_mem>>)
        %dma_wait3A_24 = tpu.memref_slice %arg3[%add3A_11] : memref<32000xi32, #tpu.memory_space<hbm>> -> memref<200xi32, #tpu.memory_space<hbm>>
        %dma_wait3A_25 = tpu.memref_slice %arg3[%add3A_11] : memref<32000xi32, #tpu.memory_space<hbm>> -> memref<200xi32, #tpu.memory_space<hbm>>
        tpu.wait_dma2 semaphore(%run_scoped3A : memref<!tpu.dma_semaphore, #tpu.memory_space<semaphore_mem>>) src(%dma_wait3A_25 : memref<200xi32, #tpu.memory_space<hbm>>) dst(%arg7 : memref<200xi32, #tpu.memory_space<vmem>>)
        tpu.yield
      }) : () -> ()
      "tpu.region"() ({
        %run_scoped3A = tpu.sem_alloc : memref<!tpu.dma_semaphore, #tpu.memory_space<semaphore_mem>>
        %dma_start3A_22 = tpu.memref_slice %arg4[%add3A_11] : memref<32000xi32, #tpu.memory_space<hbm>> -> memref<200xi32, #tpu.memory_space<hbm>>
        %dma_start3A_23 = tpu.memref_slice %arg4[%add3A_11] : memref<32000xi32, #tpu.memory_space<hbm>> -> memref<200xi32, #tpu.memory_space<hbm>>
        tpu.enqueue_dma source(%dma_start3A_23 : memref<200xi32, #tpu.memory_space<hbm>>) target(%arg8 : memref<200xi32, #tpu.memory_space<vmem>>) target_semaphore(%run_scoped3A : memref<!tpu.dma_semaphore, #tpu.memory_space<semaphore_mem>>)
        %dma_wait3A_24 = tpu.memref_slice %arg4[%add3A_11] : memref<32000xi32, #tpu.memory_space<hbm>> -> memref<200xi32, #tpu.memory_space<hbm>>
        %dma_wait3A_25 = tpu.memref_slice %arg4[%add3A_11] : memref<32000xi32, #tpu.memory_space<hbm>> -> memref<200xi32, #tpu.memory_space<hbm>>
        tpu.wait_dma2 semaphore(%run_scoped3A : memref<!tpu.dma_semaphore, #tpu.memory_space<semaphore_mem>>) src(%dma_wait3A_25 : memref<200xi32, #tpu.memory_space<hbm>>) dst(%arg8 : memref<200xi32, #tpu.memory_space<vmem>>)
        tpu.yield
      }) : () -> ()
      %dma_start3A = arith.constant 0 : i32
      %dma_start3A_12 = arith.constant 0 : i32
      %dma_start3A_13 = tpu.memref_slice %arg2[%dma_start3A, %dma_start3A_12] : memref<10000x128xi32, #tpu.memory_space<hbm>> -> memref<10000x128xi32, #tpu.memory_space<hbm>>
      tpu.enqueue_indirect_dma source(%dma_start3A_13 : memref<10000x128xi32, #tpu.memory_space<hbm>>) target(%arg9 : memref<200x128xi32, #tpu.memory_space<vmem>>) offsets(%arg7 : memref<200xi32, #tpu.memory_space<vmem>>) semaphore(%arg11 : memref<!tpu.dma_semaphore, #tpu.memory_space<semaphore_mem>>)
      %dma_start3A_14 = arith.constant 0 : i32
      %dma_start3A_15 = arith.constant 0 : i32
      %dma_start3A_16 = tpu.memref_slice %arg2[%dma_start3A_14, %dma_start3A_15] : memref<10000x128xi32, #tpu.memory_space<hbm>> -> memref<10000x128xi32, #tpu.memory_space<hbm>>
      tpu.enqueue_indirect_dma source(%dma_start3A_16 : memref<10000x128xi32, #tpu.memory_space<hbm>>) target(%arg10 : memref<200x128xi32, #tpu.memory_space<vmem>>) offsets(%arg8 : memref<200xi32, #tpu.memory_space<vmem>>) semaphore(%arg12 : memref<!tpu.dma_semaphore, #tpu.memory_space<semaphore_mem>>)
      %dma_wait3A = arith.constant 0 : i32
      %dma_wait3A_17 = arith.constant 0 : i32
      %dma_wait3A_18 = tpu.memref_slice %arg2[%dma_wait3A, %dma_wait3A_17] : memref<10000x128xi32, #tpu.memory_space<hbm>> -> memref<10000x128xi32, #tpu.memory_space<hbm>>
      tpu.wait_indirect_dma semaphore(%arg11 : memref<!tpu.dma_semaphore, #tpu.memory_space<semaphore_mem>>) src(%dma_wait3A_18 : memref<10000x128xi32, #tpu.memory_space<hbm>>) dst(%arg9 : memref<200x128xi32, #tpu.memory_space<vmem>>)
      %dma_wait3A_19 = arith.constant 0 : i32
      %dma_wait3A_20 = arith.constant 0 : i32
      %dma_wait3A_21 = tpu.memref_slice %arg2[%dma_wait3A_19, %dma_wait3A_20] : memref<10000x128xi32, #tpu.memory_space<hbm>> -> memref<10000x128xi32, #tpu.memory_space<hbm>>
      tpu.wait_indirect_dma semaphore(%arg12 : memref<!tpu.dma_semaphore, #tpu.memory_space<semaphore_mem>>) src(%dma_wait3A_21 : memref<10000x128xi32, #tpu.memory_space<hbm>>) dst(%arg10 : memref<200x128xi32, #tpu.memory_space<vmem>>)
      "tpu.region"() ({
        %run_scoped3A = tpu.sem_alloc : memref<!tpu.dma_semaphore, #tpu.memory_space<semaphore_mem>>
        %dma_start3A_22 = arith.constant 0 : i32
        %dma_start3A_23 = tpu.memref_slice %arg5[%add3A_11, %dma_start3A_22] : memref<32000x128xi32, #tpu.memory_space<hbm>> -> memref<200x128xi32, #tpu.memory_space<hbm>>
        %dma_start3A_24 = arith.constant 0 : i32
        %dma_start3A_25 = tpu.memref_slice %arg5[%add3A_11, %dma_start3A_24] : memref<32000x128xi32, #tpu.memory_space<hbm>> -> memref<200x128xi32, #tpu.memory_space<hbm>>
        tpu.enqueue_dma source(%arg9 : memref<200x128xi32, #tpu.memory_space<vmem>>) target(%dma_start3A_25 : memref<200x128xi32, #tpu.memory_space<hbm>>) target_semaphore(%run_scoped3A : memref<!tpu.dma_semaphore, #tpu.memory_space<semaphore_mem>>)
        %dma_wait3A_26 = arith.constant 0 : i32
        %dma_wait3A_27 = tpu.memref_slice %arg5[%add3A_11, %dma_wait3A_26] : memref<32000x128xi32, #tpu.memory_space<hbm>> -> memref<200x128xi32, #tpu.memory_space<hbm>>
        %dma_wait3A_28 = arith.constant 0 : i32
        %dma_wait3A_29 = tpu.memref_slice %arg5[%add3A_11, %dma_wait3A_28] : memref<32000x128xi32, #tpu.memory_space<hbm>> -> memref<200x128xi32, #tpu.memory_space<hbm>>
        tpu.wait_dma2 semaphore(%run_scoped3A : memref<!tpu.dma_semaphore, #tpu.memory_space<semaphore_mem>>) src(%arg9 : memref<200x128xi32, #tpu.memory_space<vmem>>) dst(%dma_wait3A_29 : memref<200x128xi32, #tpu.memory_space<hbm>>)
        tpu.yield
      }) : () -> ()
      "tpu.region"() ({
        %run_scoped3A = tpu.sem_alloc : memref<!tpu.dma_semaphore, #tpu.memory_space<semaphore_mem>>
        %dma_start3A_22 = arith.constant 0 : i32
        %dma_start3A_23 = tpu.memref_slice %arg6[%add3A_11, %dma_start3A_22] : memref<32000x128xi32, #tpu.memory_space<hbm>> -> memref<200x128xi32, #tpu.memory_space<hbm>>
        %dma_start3A_24 = arith.constant 0 : i32
        %dma_start3A_25 = tpu.memref_slice %arg6[%add3A_11, %dma_start3A_24] : memref<32000x128xi32, #tpu.memory_space<hbm>> -> memref<200x128xi32, #tpu.memory_space<hbm>>
        tpu.enqueue_dma source(%arg10 : memref<200x128xi32, #tpu.memory_space<vmem>>) target(%dma_start3A_25 : memref<200x128xi32, #tpu.memory_space<hbm>>) target_semaphore(%run_scoped3A : memref<!tpu.dma_semaphore, #tpu.memory_space<semaphore_mem>>)
        %dma_wait3A_26 = arith.constant 0 : i32
        %dma_wait3A_27 = tpu.memref_slice %arg6[%add3A_11, %dma_wait3A_26] : memref<32000x128xi32, #tpu.memory_space<hbm>> -> memref<200x128xi32, #tpu.memory_space<hbm>>
        %dma_wait3A_28 = arith.constant 0 : i32
        %dma_wait3A_29 = tpu.memref_slice %arg6[%add3A_11, %dma_wait3A_28] : memref<32000x128xi32, #tpu.memory_space<hbm>> -> memref<200x128xi32, #tpu.memory_space<hbm>>
        tpu.wait_dma2 semaphore(%run_scoped3A : memref<!tpu.dma_semaphore, #tpu.memory_space<semaphore_mem>>) src(%arg10 : memref<200x128xi32, #tpu.memory_space<vmem>>) dst(%dma_wait3A_29 : memref<200x128xi32, #tpu.memory_space<hbm>>)
        tpu.yield
      }) : () -> ()
    }
    %scan3A_7 = arith.constant 5 : i32
    return
  }
}

#map = affine_map<(d0, d1) -> (0, 0)>
#map1 = affine_map<(d0, d1) -> (0)>
module attributes {stable_mosaic.version = 14 : i64} {
  func.func @_sc_scatter(%arg0: i32, %arg1: i32, %arg2: memref<10000x256xf32, #tpu.memory_space<hbm>>, %arg3: memref<32000xi32, #tpu.memory_space<hbm>>, %arg4: memref<32000x256xf32, #tpu.memory_space<hbm>>, %arg5: memref<10000x256xf32, #tpu.memory_space<hbm>>, %arg6: memref<200xi32, #tpu.memory_space<vmem>>, %arg7: memref<200x128xf32, #tpu.memory_space<vmem>>, %arg8: memref<10000x128xf32, #tpu.memory_space<vmem_shared>>) attributes {dimension_semantics = [#tpu.dimension_semantics<core_parallel>, #tpu.dimension_semantics<subcore_parallel>], iteration_bounds = array<i64: 2, 16>, scalar_prefetch = 0 : i64, scratch_operands = 3 : i64, tpu.core_type = #tpu.core_type<sc_vector_subcore>, window_params = [{transform_indices = #map}, {transform_indices = #map1}, {transform_indices = #map}, {transform_indices = #map}]} {
    %mul3A = arith.constant 128 : i32
    %mul3A_0 = arith.muli %arg0, %mul3A : i32
    %mul3A_1 = arith.constant 624 : i32
    %mul3A_2 = arith.muli %arg1, %mul3A_1 : i32
    "tpu.region"() ({
      %run_scoped3A = tpu.sem_alloc : memref<!tpu.dma_semaphore, #tpu.memory_space<semaphore_mem>>
      %dma_start3A = arith.constant 0 : i32
      %dma_start3A_16 = tpu.memref_slice %arg8[%mul3A_2, %dma_start3A] : memref<10000x128xf32, #tpu.memory_space<vmem_shared>> -> memref<624x128xf32, #tpu.memory_space<vmem_shared>>
      %dma_start3A_17 = tpu.memref_slice %arg2[%mul3A_2, %mul3A_0] : memref<10000x256xf32, #tpu.memory_space<hbm>> -> memref<624x128xf32, #tpu.memory_space<hbm>>
      tpu.enqueue_dma source(%dma_start3A_17 : memref<624x128xf32, #tpu.memory_space<hbm>>) target(%dma_start3A_16 : memref<624x128xf32, #tpu.memory_space<vmem_shared>>) target_semaphore(%run_scoped3A : memref<!tpu.dma_semaphore, #tpu.memory_space<semaphore_mem>>)
      %dma_wait3A = arith.constant 0 : i32
      %dma_wait3A_18 = tpu.memref_slice %arg8[%mul3A_2, %dma_wait3A] : memref<10000x128xf32, #tpu.memory_space<vmem_shared>> -> memref<624x128xf32, #tpu.memory_space<vmem_shared>>
      %dma_wait3A_19 = tpu.memref_slice %arg2[%mul3A_2, %mul3A_0] : memref<10000x256xf32, #tpu.memory_space<hbm>> -> memref<624x128xf32, #tpu.memory_space<hbm>>
      tpu.wait_dma2 semaphore(%run_scoped3A : memref<!tpu.dma_semaphore, #tpu.memory_space<semaphore_mem>>) src(%dma_wait3A_19 : memref<624x128xf32, #tpu.memory_space<hbm>>) dst(%dma_wait3A_18 : memref<624x128xf32, #tpu.memory_space<vmem_shared>>)
      tpu.yield
    }) : () -> ()
    %eq3A = arith.constant 15 : i32
    %eq3A_3 = arith.cmpi eq, %arg1, %eq3A : i32
    %convert_element_type3A = arith.extui %eq3A_3 : i1 to i32
    %cond3A = arith.constant 0 : i32
    %cond3A_4 = arith.cmpi ne, %convert_element_type3A, %cond3A : i32
    scf.if %cond3A_4 {
      "tpu.region"() ({
        %run_scoped3A = tpu.sem_alloc : memref<!tpu.dma_semaphore, #tpu.memory_space<semaphore_mem>>
        %dma_start3A = arith.constant 9984 : i32
        %dma_start3A_16 = arith.constant 0 : i32
        %dma_start3A_17 = tpu.memref_slice %arg8[%dma_start3A, %dma_start3A_16] : memref<10000x128xf32, #tpu.memory_space<vmem_shared>> -> memref<16x128xf32, #tpu.memory_space<vmem_shared>>
        %dma_start3A_18 = arith.constant 9984 : i32
        %dma_start3A_19 = tpu.memref_slice %arg2[%dma_start3A_18, %mul3A_0] : memref<10000x256xf32, #tpu.memory_space<hbm>> -> memref<16x128xf32, #tpu.memory_space<hbm>>
        tpu.enqueue_dma source(%dma_start3A_19 : memref<16x128xf32, #tpu.memory_space<hbm>>) target(%dma_start3A_17 : memref<16x128xf32, #tpu.memory_space<vmem_shared>>) target_semaphore(%run_scoped3A : memref<!tpu.dma_semaphore, #tpu.memory_space<semaphore_mem>>)
        %dma_wait3A = arith.constant 9984 : i32
        %dma_wait3A_20 = arith.constant 0 : i32
        %dma_wait3A_21 = tpu.memref_slice %arg8[%dma_wait3A, %dma_wait3A_20] : memref<10000x128xf32, #tpu.memory_space<vmem_shared>> -> memref<16x128xf32, #tpu.memory_space<vmem_shared>>
        %dma_wait3A_22 = arith.constant 9984 : i32
        %dma_wait3A_23 = tpu.memref_slice %arg2[%dma_wait3A_22, %mul3A_0] : memref<10000x256xf32, #tpu.memory_space<hbm>> -> memref<16x128xf32, #tpu.memory_space<hbm>>
        tpu.wait_dma2 semaphore(%run_scoped3A : memref<!tpu.dma_semaphore, #tpu.memory_space<semaphore_mem>>) src(%dma_wait3A_23 : memref<16x128xf32, #tpu.memory_space<hbm>>) dst(%dma_wait3A_21 : memref<16x128xf32, #tpu.memory_space<vmem_shared>>)
        tpu.yield
      }) : () -> ()
    } else {
    }
    %barrier3A = arith.constant 0 : index
    tpu.barrier barrier_id(%barrier3A)
    %scan3A = arith.constant 0 : i32
    %scan3A_5 = arith.constant 0 : i32
    %scan3A_6 = arith.constant 10 : i32
    %scan3A_7 = arith.addi %scan3A_5, %scan3A_6 : i32
    %scan3A_8 = arith.constant 1 : i32
    scf.for %scan3A_16 = %scan3A_5 to %scan3A_7 step %scan3A_8  : i32 {
      %mul3A_17 = arith.constant 2000 : i32
      %mul3A_18 = arith.muli %arg1, %mul3A_17 : i32
      %mul3A_19 = arith.constant 200 : i32
      %mul3A_20 = arith.muli %scan3A_16, %mul3A_19 : i32
      %add3A = arith.addi %mul3A_18, %mul3A_20 : i32
      "tpu.region"() ({
        %run_scoped3A = tpu.sem_alloc : memref<!tpu.dma_semaphore, #tpu.memory_space<semaphore_mem>>
        %dma_start3A = tpu.memref_slice %arg3[%add3A] : memref<32000xi32, #tpu.memory_space<hbm>> -> memref<200xi32, #tpu.memory_space<hbm>>
        %dma_start3A_21 = tpu.memref_slice %arg3[%add3A] : memref<32000xi32, #tpu.memory_space<hbm>> -> memref<200xi32, #tpu.memory_space<hbm>>
        tpu.enqueue_dma source(%dma_start3A_21 : memref<200xi32, #tpu.memory_space<hbm>>) target(%arg6 : memref<200xi32, #tpu.memory_space<vmem>>) target_semaphore(%run_scoped3A : memref<!tpu.dma_semaphore, #tpu.memory_space<semaphore_mem>>)
        %dma_wait3A = tpu.memref_slice %arg3[%add3A] : memref<32000xi32, #tpu.memory_space<hbm>> -> memref<200xi32, #tpu.memory_space<hbm>>
        %dma_wait3A_22 = tpu.memref_slice %arg3[%add3A] : memref<32000xi32, #tpu.memory_space<hbm>> -> memref<200xi32, #tpu.memory_space<hbm>>
        tpu.wait_dma2 semaphore(%run_scoped3A : memref<!tpu.dma_semaphore, #tpu.memory_space<semaphore_mem>>) src(%dma_wait3A_22 : memref<200xi32, #tpu.memory_space<hbm>>) dst(%arg6 : memref<200xi32, #tpu.memory_space<vmem>>)
        tpu.yield
      }) : () -> ()
      "tpu.region"() ({
        %run_scoped3A = tpu.sem_alloc : memref<!tpu.dma_semaphore, #tpu.memory_space<semaphore_mem>>
        %dma_start3A = tpu.memref_slice %arg4[%add3A, %mul3A_0] : memref<32000x256xf32, #tpu.memory_space<hbm>> -> memref<200x128xf32, #tpu.memory_space<hbm>>
        %dma_start3A_21 = tpu.memref_slice %arg4[%add3A, %mul3A_0] : memref<32000x256xf32, #tpu.memory_space<hbm>> -> memref<200x128xf32, #tpu.memory_space<hbm>>
        tpu.enqueue_dma source(%dma_start3A_21 : memref<200x128xf32, #tpu.memory_space<hbm>>) target(%arg7 : memref<200x128xf32, #tpu.memory_space<vmem>>) target_semaphore(%run_scoped3A : memref<!tpu.dma_semaphore, #tpu.memory_space<semaphore_mem>>)
        %dma_wait3A = tpu.memref_slice %arg4[%add3A, %mul3A_0] : memref<32000x256xf32, #tpu.memory_space<hbm>> -> memref<200x128xf32, #tpu.memory_space<hbm>>
        %dma_wait3A_22 = tpu.memref_slice %arg4[%add3A, %mul3A_0] : memref<32000x256xf32, #tpu.memory_space<hbm>> -> memref<200x128xf32, #tpu.memory_space<hbm>>
        tpu.wait_dma2 semaphore(%run_scoped3A : memref<!tpu.dma_semaphore, #tpu.memory_space<semaphore_mem>>) src(%dma_wait3A_22 : memref<200x128xf32, #tpu.memory_space<hbm>>) dst(%arg7 : memref<200x128xf32, #tpu.memory_space<vmem>>)
        tpu.yield
      }) : () -> ()
      "tpu.region"() ({
        %run_scoped3A = tpu.sem_alloc : memref<!tpu.dma_semaphore, #tpu.memory_space<semaphore_mem>>
        %dma_start3A = arith.constant 0 : i32
        %dma_start3A_21 = arith.constant 0 : i32
        %dma_start3A_22 = tpu.memref_slice %arg8[%dma_start3A, %dma_start3A_21] : memref<10000x128xf32, #tpu.memory_space<vmem_shared>> -> memref<10000x128xf32, #tpu.memory_space<vmem_shared>>
        tpu.enqueue_indirect_dma source(%arg7 : memref<200x128xf32, #tpu.memory_space<vmem>>) target(%dma_start3A_22 : memref<10000x128xf32, #tpu.memory_space<vmem_shared>>) offsets(%arg6 : memref<200xi32, #tpu.memory_space<vmem>>) semaphore(%run_scoped3A : memref<!tpu.dma_semaphore, #tpu.memory_space<semaphore_mem>>) {add = true}
        %dma_wait3A = arith.constant 0 : i32
        %dma_wait3A_23 = arith.constant 0 : i32
        %dma_wait3A_24 = tpu.memref_slice %arg8[%dma_wait3A, %dma_wait3A_23] : memref<10000x128xf32, #tpu.memory_space<vmem_shared>> -> memref<10000x128xf32, #tpu.memory_space<vmem_shared>>
        tpu.wait_indirect_dma semaphore(%run_scoped3A : memref<!tpu.dma_semaphore, #tpu.memory_space<semaphore_mem>>) src(%arg7 : memref<200x128xf32, #tpu.memory_space<vmem>>) dst(%dma_wait3A_24 : memref<10000x128xf32, #tpu.memory_space<vmem_shared>>)
        tpu.yield
      }) : () -> ()
    }
    %scan3A_9 = arith.constant 10 : i32
    %barrier3A_10 = arith.constant 0 : index
    tpu.barrier barrier_id(%barrier3A_10)
    "tpu.region"() ({
      %run_scoped3A = tpu.sem_alloc : memref<!tpu.dma_semaphore, #tpu.memory_space<semaphore_mem>>
      %dma_start3A = tpu.memref_slice %arg5[%mul3A_2, %mul3A_0] : memref<10000x256xf32, #tpu.memory_space<hbm>> -> memref<624x128xf32, #tpu.memory_space<hbm>>
      %dma_start3A_16 = arith.constant 0 : i32
      %dma_start3A_17 = tpu.memref_slice %arg8[%mul3A_2, %dma_start3A_16] : memref<10000x128xf32, #tpu.memory_space<vmem_shared>> -> memref<624x128xf32, #tpu.memory_space<vmem_shared>>
      tpu.enqueue_dma source(%dma_start3A_17 : memref<624x128xf32, #tpu.memory_space<vmem_shared>>) target(%dma_start3A : memref<624x128xf32, #tpu.memory_space<hbm>>) target_semaphore(%run_scoped3A : memref<!tpu.dma_semaphore, #tpu.memory_space<semaphore_mem>>)
      %dma_wait3A = tpu.memref_slice %arg5[%mul3A_2, %mul3A_0] : memref<10000x256xf32, #tpu.memory_space<hbm>> -> memref<624x128xf32, #tpu.memory_space<hbm>>
      %dma_wait3A_18 = arith.constant 0 : i32
      %dma_wait3A_19 = tpu.memref_slice %arg8[%mul3A_2, %dma_wait3A_18] : memref<10000x128xf32, #tpu.memory_space<vmem_shared>> -> memref<624x128xf32, #tpu.memory_space<vmem_shared>>
      tpu.wait_dma2 semaphore(%run_scoped3A : memref<!tpu.dma_semaphore, #tpu.memory_space<semaphore_mem>>) src(%dma_wait3A_19 : memref<624x128xf32, #tpu.memory_space<vmem_shared>>) dst(%dma_wait3A : memref<624x128xf32, #tpu.memory_space<hbm>>)
      tpu.yield
    }) : () -> ()
    %eq3A_11 = arith.constant 15 : i32
    %eq3A_12 = arith.cmpi eq, %arg1, %eq3A_11 : i32
    %convert_element_type3A_13 = arith.extui %eq3A_12 : i1 to i32
    %cond3A_14 = arith.constant 0 : i32
    %cond3A_15 = arith.cmpi ne, %convert_element_type3A_13, %cond3A_14 : i32
    scf.if %cond3A_15 {
      "tpu.region"() ({
        %run_scoped3A = tpu.sem_alloc : memref<!tpu.dma_semaphore, #tpu.memory_space<semaphore_mem>>
        %dma_start3A = arith.constant 9984 : i32
        %dma_start3A_16 = tpu.memref_slice %arg5[%dma_start3A, %mul3A_0] : memref<10000x256xf32, #tpu.memory_space<hbm>> -> memref<16x128xf32, #tpu.memory_space<hbm>>
        %dma_start3A_17 = arith.constant 9984 : i32
        %dma_start3A_18 = arith.constant 0 : i32
        %dma_start3A_19 = tpu.memref_slice %arg8[%dma_start3A_17, %dma_start3A_18] : memref<10000x128xf32, #tpu.memory_space<vmem_shared>> -> memref<16x128xf32, #tpu.memory_space<vmem_shared>>
        tpu.enqueue_dma source(%dma_start3A_19 : memref<16x128xf32, #tpu.memory_space<vmem_shared>>) target(%dma_start3A_16 : memref<16x128xf32, #tpu.memory_space<hbm>>) target_semaphore(%run_scoped3A : memref<!tpu.dma_semaphore, #tpu.memory_space<semaphore_mem>>)
        %dma_wait3A = arith.constant 9984 : i32
        %dma_wait3A_20 = tpu.memref_slice %arg5[%dma_wait3A, %mul3A_0] : memref<10000x256xf32, #tpu.memory_space<hbm>> -> memref<16x128xf32, #tpu.memory_space<hbm>>
        %dma_wait3A_21 = arith.constant 9984 : i32
        %dma_wait3A_22 = arith.constant 0 : i32
        %dma_wait3A_23 = tpu.memref_slice %arg8[%dma_wait3A_21, %dma_wait3A_22] : memref<10000x128xf32, #tpu.memory_space<vmem_shared>> -> memref<16x128xf32, #tpu.memory_space<vmem_shared>>
        tpu.wait_dma2 semaphore(%run_scoped3A : memref<!tpu.dma_semaphore, #tpu.memory_space<semaphore_mem>>) src(%dma_wait3A_23 : memref<16x128xf32, #tpu.memory_space<vmem_shared>>) dst(%dma_wait3A_20 : memref<16x128xf32, #tpu.memory_space<hbm>>)
        tpu.yield
      }) : () -> ()
    } else {
    }
    return
  }
}

#map = affine_map<(d0, d1) -> (0, 0)>
#map1 = affine_map<(d0, d1) -> (0)>
module attributes {stable_mosaic.version = 14 : i64} {
  func.func @_sc_gather(%arg0: i32, %arg1: i32, %arg2: memref<10000x128xi32, #tpu.memory_space<hbm>>, %arg3: memref<32000xi32, #tpu.memory_space<hbm>>, %arg4: memref<32000xi32, #tpu.memory_space<hbm>>, %arg5: memref<32000x128xi32, #tpu.memory_space<hbm>>, %arg6: memref<32000x128xi32, #tpu.memory_space<hbm>>, %arg7: memref<200xi32, #tpu.memory_space<vmem>>, %arg8: memref<200xi32, #tpu.memory_space<vmem>>, %arg9: memref<200x128xi32, #tpu.memory_space<vmem>>, %arg10: memref<200x128xi32, #tpu.memory_space<vmem>>, %arg11: memref<!tpu.dma_semaphore, #tpu.memory_space<semaphore_mem>>, %arg12: memref<!tpu.dma_semaphore, #tpu.memory_space<semaphore_mem>>) attributes {dimension_semantics = [#tpu.dimension_semantics<core_parallel>, #tpu.dimension_semantics<subcore_parallel>], iteration_bounds = array<i64: 2, 16>, scalar_prefetch = 0 : i64, scratch_operands = 6 : i64, tpu.core_type = #tpu.core_type<sc_vector_subcore>, window_params = [{transform_indices = #map}, {transform_indices = #map1}, {transform_indices = #map1}, {transform_indices = #map}, {transform_indices = #map}]} {
    %mul3A = arith.constant 2 : i32
    %mul3A_0 = arith.muli %arg1, %mul3A : i32
    %add3A = arith.addi %mul3A_0, %arg0 : i32
    %mul3A_1 = arith.constant 1000 : i32
    %mul3A_2 = arith.muli %add3A, %mul3A_1 : i32
    %scan3A = arith.constant 0 : i32
    %scan3A_3 = arith.constant 0 : i32
    %scan3A_4 = arith.constant 5 : i32
    %scan3A_5 = arith.addi %scan3A_3, %scan3A_4 : i32
    %scan3A_6 = arith.constant 1 : i32
    scf.for %scan3A_8 = %scan3A_3 to %scan3A_5 step %scan3A_6  : i32 {
      %mul3A_9 = arith.constant 200 : i32
      %mul3A_10 = arith.muli %scan3A_8, %mul3A_9 : i32
      %add3A_11 = arith.addi %mul3A_2, %mul3A_10 : i32
      "tpu.region"() ({
        %run_scoped3A = tpu.sem_alloc : memref<!tpu.dma_semaphore, #tpu.memory_space<semaphore_mem>>
        %dma_start3A_22 = tpu.memref_slice %arg3[%add3A_11] : memref<32000xi32, #tpu.memory_space<hbm>> -> memref<200xi32, #tpu.memory_space<hbm>>
        %dma_start3A_23 = tpu.memref_slice %arg3[%add3A_11] : memref<32000xi32, #tpu.memory_space<hbm>> -> memref<200xi32, #tpu.memory_space<hbm>>
        tpu.enqueue_dma source(%dma_start3A_23 : memref<200xi32, #tpu.memory_space<hbm>>) target(%arg7 : memref<200xi32, #tpu.memory_space<vmem>>) target_semaphore(%run_scoped3A : memref<!tpu.dma_semaphore, #tpu.memory_space<semaphore_mem>>)
        %dma_wait3A_24 = tpu.memref_slice %arg3[%add3A_11] : memref<32000xi32, #tpu.memory_space<hbm>> -> memref<200xi32, #tpu.memory_space<hbm>>
        %dma_wait3A_25 = tpu.memref_slice %arg3[%add3A_11] : memref<32000xi32, #tpu.memory_space<hbm>> -> memref<200xi32, #tpu.memory_space<hbm>>
        tpu.wait_dma2 semaphore(%run_scoped3A : memref<!tpu.dma_semaphore, #tpu.memory_space<semaphore_mem>>) src(%dma_wait3A_25 : memref<200xi32, #tpu.memory_space<hbm>>) dst(%arg7 : memref<200xi32, #tpu.memory_space<vmem>>)
        tpu.yield
      }) : () -> ()
      "tpu.region"() ({
        %run_scoped3A = tpu.sem_alloc : memref<!tpu.dma_semaphore, #tpu.memory_space<semaphore_mem>>
        %dma_start3A_22 = tpu.memref_slice %arg4[%add3A_11] : memref<32000xi32, #tpu.memory_space<hbm>> -> memref<200xi32, #tpu.memory_space<hbm>>
        %dma_start3A_23 = tpu.memref_slice %arg4[%add3A_11] : memref<32000xi32, #tpu.memory_space<hbm>> -> memref<200xi32, #tpu.memory_space<hbm>>
        tpu.enqueue_dma source(%dma_start3A_23 : memref<200xi32, #tpu.memory_space<hbm>>) target(%arg8 : memref<200xi32, #tpu.memory_space<vmem>>) target_semaphore(%run_scoped3A : memref<!tpu.dma_semaphore, #tpu.memory_space<semaphore_mem>>)
        %dma_wait3A_24 = tpu.memref_slice %arg4[%add3A_11] : memref<32000xi32, #tpu.memory_space<hbm>> -> memref<200xi32, #tpu.memory_space<hbm>>
        %dma_wait3A_25 = tpu.memref_slice %arg4[%add3A_11] : memref<32000xi32, #tpu.memory_space<hbm>> -> memref<200xi32, #tpu.memory_space<hbm>>
        tpu.wait_dma2 semaphore(%run_scoped3A : memref<!tpu.dma_semaphore, #tpu.memory_space<semaphore_mem>>) src(%dma_wait3A_25 : memref<200xi32, #tpu.memory_space<hbm>>) dst(%arg8 : memref<200xi32, #tpu.memory_space<vmem>>)
        tpu.yield
      }) : () -> ()
      %dma_start3A = arith.constant 0 : i32
      %dma_start3A_12 = arith.constant 0 : i32
      %dma_start3A_13 = tpu.memref_slice %arg2[%dma_start3A, %dma_start3A_12] : memref<10000x128xi32, #tpu.memory_space<hbm>> -> memref<10000x128xi32, #tpu.memory_space<hbm>>
      tpu.enqueue_indirect_dma source(%dma_start3A_13 : memref<10000x128xi32, #tpu.memory_space<hbm>>) target(%arg9 : memref<200x128xi32, #tpu.memory_space<vmem>>) offsets(%arg7 : memref<200xi32, #tpu.memory_space<vmem>>) semaphore(%arg11 : memref<!tpu.dma_semaphore, #tpu.memory_space<semaphore_mem>>)
      %dma_start3A_14 = arith.constant 0 : i32
      %dma_start3A_15 = arith.constant 0 : i32
      %dma_start3A_16 = tpu.memref_slice %arg2[%dma_start3A_14, %dma_start3A_15] : memref<10000x128xi32, #tpu.memory_space<hbm>> -> memref<10000x128xi32, #tpu.memory_space<hbm>>
      tpu.enqueue_indirect_dma source(%dma_start3A_16 : memref<10000x128xi32, #tpu.memory_space<hbm>>) target(%arg10 : memref<200x128xi32, #tpu.memory_space<vmem>>) offsets(%arg8 : memref<200xi32, #tpu.memory_space<vmem>>) semaphore(%arg12 : memref<!tpu.dma_semaphore, #tpu.memory_space<semaphore_mem>>)
      %dma_wait3A = arith.constant 0 : i32
      %dma_wait3A_17 = arith.constant 0 : i32
      %dma_wait3A_18 = tpu.memref_slice %arg2[%dma_wait3A, %dma_wait3A_17] : memref<10000x128xi32, #tpu.memory_space<hbm>> -> memref<10000x128xi32, #tpu.memory_space<hbm>>
      tpu.wait_indirect_dma semaphore(%arg11 : memref<!tpu.dma_semaphore, #tpu.memory_space<semaphore_mem>>) src(%dma_wait3A_18 : memref<10000x128xi32, #tpu.memory_space<hbm>>) dst(%arg9 : memref<200x128xi32, #tpu.memory_space<vmem>>)
      %dma_wait3A_19 = arith.constant 0 : i32
      %dma_wait3A_20 = arith.constant 0 : i32
      %dma_wait3A_21 = tpu.memref_slice %arg2[%dma_wait3A_19, %dma_wait3A_20] : memref<10000x128xi32, #tpu.memory_space<hbm>> -> memref<10000x128xi32, #tpu.memory_space<hbm>>
      tpu.wait_indirect_dma semaphore(%arg12 : memref<!tpu.dma_semaphore, #tpu.memory_space<semaphore_mem>>) src(%dma_wait3A_21 : memref<10000x128xi32, #tpu.memory_space<hbm>>) dst(%arg10 : memref<200x128xi32, #tpu.memory_space<vmem>>)
      "tpu.region"() ({
        %run_scoped3A = tpu.sem_alloc : memref<!tpu.dma_semaphore, #tpu.memory_space<semaphore_mem>>
        %dma_start3A_22 = arith.constant 0 : i32
        %dma_start3A_23 = tpu.memref_slice %arg5[%add3A_11, %dma_start3A_22] : memref<32000x128xi32, #tpu.memory_space<hbm>> -> memref<200x128xi32, #tpu.memory_space<hbm>>
        %dma_start3A_24 = arith.constant 0 : i32
        %dma_start3A_25 = tpu.memref_slice %arg5[%add3A_11, %dma_start3A_24] : memref<32000x128xi32, #tpu.memory_space<hbm>> -> memref<200x128xi32, #tpu.memory_space<hbm>>
        tpu.enqueue_dma source(%arg9 : memref<200x128xi32, #tpu.memory_space<vmem>>) target(%dma_start3A_25 : memref<200x128xi32, #tpu.memory_space<hbm>>) target_semaphore(%run_scoped3A : memref<!tpu.dma_semaphore, #tpu.memory_space<semaphore_mem>>)
        %dma_wait3A_26 = arith.constant 0 : i32
        %dma_wait3A_27 = tpu.memref_slice %arg5[%add3A_11, %dma_wait3A_26] : memref<32000x128xi32, #tpu.memory_space<hbm>> -> memref<200x128xi32, #tpu.memory_space<hbm>>
        %dma_wait3A_28 = arith.constant 0 : i32
        %dma_wait3A_29 = tpu.memref_slice %arg5[%add3A_11, %dma_wait3A_28] : memref<32000x128xi32, #tpu.memory_space<hbm>> -> memref<200x128xi32, #tpu.memory_space<hbm>>
        tpu.wait_dma2 semaphore(%run_scoped3A : memref<!tpu.dma_semaphore, #tpu.memory_space<semaphore_mem>>) src(%arg9 : memref<200x128xi32, #tpu.memory_space<vmem>>) dst(%dma_wait3A_29 : memref<200x128xi32, #tpu.memory_space<hbm>>)
        tpu.yield
      }) : () -> ()
      "tpu.region"() ({
        %run_scoped3A = tpu.sem_alloc : memref<!tpu.dma_semaphore, #tpu.memory_space<semaphore_mem>>
        %dma_start3A_22 = arith.constant 0 : i32
        %dma_start3A_23 = tpu.memref_slice %arg6[%add3A_11, %dma_start3A_22] : memref<32000x128xi32, #tpu.memory_space<hbm>> -> memref<200x128xi32, #tpu.memory_space<hbm>>
        %dma_start3A_24 = arith.constant 0 : i32
        %dma_start3A_25 = tpu.memref_slice %arg6[%add3A_11, %dma_start3A_24] : memref<32000x128xi32, #tpu.memory_space<hbm>> -> memref<200x128xi32, #tpu.memory_space<hbm>>
        tpu.enqueue_dma source(%arg10 : memref<200x128xi32, #tpu.memory_space<vmem>>) target(%dma_start3A_25 : memref<200x128xi32, #tpu.memory_space<hbm>>) target_semaphore(%run_scoped3A : memref<!tpu.dma_semaphore, #tpu.memory_space<semaphore_mem>>)
        %dma_wait3A_26 = arith.constant 0 : i32
        %dma_wait3A_27 = tpu.memref_slice %arg6[%add3A_11, %dma_wait3A_26] : memref<32000x128xi32, #tpu.memory_space<hbm>> -> memref<200x128xi32, #tpu.memory_space<hbm>>
        %dma_wait3A_28 = arith.constant 0 : i32
        %dma_wait3A_29 = tpu.memref_slice %arg6[%add3A_11, %dma_wait3A_28] : memref<32000x128xi32, #tpu.memory_space<hbm>> -> memref<200x128xi32, #tpu.memory_space<hbm>>
        tpu.wait_dma2 semaphore(%run_scoped3A : memref<!tpu.dma_semaphore, #tpu.memory_space<semaphore_mem>>) src(%arg10 : memref<200x128xi32, #tpu.memory_space<vmem>>) dst(%dma_wait3A_29 : memref<200x128xi32, #tpu.memory_space<hbm>>)
        tpu.yield
      }) : () -> ()
    }
    %scan3A_7 = arith.constant 5 : i32
    return
  }
}

#map = affine_map<(d0, d1) -> (0, 0)>
#map1 = affine_map<(d0, d1) -> (0)>
module attributes {stable_mosaic.version = 14 : i64} {
  func.func @_sc_scatter(%arg0: i32, %arg1: i32, %arg2: memref<10000x256xf32, #tpu.memory_space<hbm>>, %arg3: memref<32000xi32, #tpu.memory_space<hbm>>, %arg4: memref<32000x256xf32, #tpu.memory_space<hbm>>, %arg5: memref<10000x256xf32, #tpu.memory_space<hbm>>, %arg6: memref<200xi32, #tpu.memory_space<vmem>>, %arg7: memref<200x128xf32, #tpu.memory_space<vmem>>, %arg8: memref<10000x128xf32, #tpu.memory_space<vmem_shared>>) attributes {dimension_semantics = [#tpu.dimension_semantics<core_parallel>, #tpu.dimension_semantics<subcore_parallel>], iteration_bounds = array<i64: 2, 16>, scalar_prefetch = 0 : i64, scratch_operands = 3 : i64, tpu.core_type = #tpu.core_type<sc_vector_subcore>, window_params = [{transform_indices = #map}, {transform_indices = #map1}, {transform_indices = #map}, {transform_indices = #map}]} {
    %mul3A = arith.constant 128 : i32
    %mul3A_0 = arith.muli %arg0, %mul3A : i32
    %mul3A_1 = arith.constant 624 : i32
    %mul3A_2 = arith.muli %arg1, %mul3A_1 : i32
    "tpu.region"() ({
      %run_scoped3A = tpu.sem_alloc : memref<!tpu.dma_semaphore, #tpu.memory_space<semaphore_mem>>
      %dma_start3A = arith.constant 0 : i32
      %dma_start3A_16 = tpu.memref_slice %arg8[%mul3A_2, %dma_start3A] : memref<10000x128xf32, #tpu.memory_space<vmem_shared>> -> memref<624x128xf32, #tpu.memory_space<vmem_shared>>
      %dma_start3A_17 = tpu.memref_slice %arg2[%mul3A_2, %mul3A_0] : memref<10000x256xf32, #tpu.memory_space<hbm>> -> memref<624x128xf32, #tpu.memory_space<hbm>>
      tpu.enqueue_dma source(%dma_start3A_17 : memref<624x128xf32, #tpu.memory_space<hbm>>) target(%dma_start3A_16 : memref<624x128xf32, #tpu.memory_space<vmem_shared>>) target_semaphore(%run_scoped3A : memref<!tpu.dma_semaphore, #tpu.memory_space<semaphore_mem>>)
      %dma_wait3A = arith.constant 0 : i32
      %dma_wait3A_18 = tpu.memref_slice %arg8[%mul3A_2, %dma_wait3A] : memref<10000x128xf32, #tpu.memory_space<vmem_shared>> -> memref<624x128xf32, #tpu.memory_space<vmem_shared>>
      %dma_wait3A_19 = tpu.memref_slice %arg2[%mul3A_2, %mul3A_0] : memref<10000x256xf32, #tpu.memory_space<hbm>> -> memref<624x128xf32, #tpu.memory_space<hbm>>
      tpu.wait_dma2 semaphore(%run_scoped3A : memref<!tpu.dma_semaphore, #tpu.memory_space<semaphore_mem>>) src(%dma_wait3A_19 : memref<624x128xf32, #tpu.memory_space<hbm>>) dst(%dma_wait3A_18 : memref<624x128xf32, #tpu.memory_space<vmem_shared>>)
      tpu.yield
    }) : () -> ()
    %eq3A = arith.constant 15 : i32
    %eq3A_3 = arith.cmpi eq, %arg1, %eq3A : i32
    %convert_element_type3A = arith.extui %eq3A_3 : i1 to i32
    %cond3A = arith.constant 0 : i32
    %cond3A_4 = arith.cmpi ne, %convert_element_type3A, %cond3A : i32
    scf.if %cond3A_4 {
      "tpu.region"() ({
        %run_scoped3A = tpu.sem_alloc : memref<!tpu.dma_semaphore, #tpu.memory_space<semaphore_mem>>
        %dma_start3A = arith.constant 9984 : i32
        %dma_start3A_16 = arith.constant 0 : i32
        %dma_start3A_17 = tpu.memref_slice %arg8[%dma_start3A, %dma_start3A_16] : memref<10000x128xf32, #tpu.memory_space<vmem_shared>> -> memref<16x128xf32, #tpu.memory_space<vmem_shared>>
        %dma_start3A_18 = arith.constant 9984 : i32
        %dma_start3A_19 = tpu.memref_slice %arg2[%dma_start3A_18, %mul3A_0] : memref<10000x256xf32, #tpu.memory_space<hbm>> -> memref<16x128xf32, #tpu.memory_space<hbm>>
        tpu.enqueue_dma source(%dma_start3A_19 : memref<16x128xf32, #tpu.memory_space<hbm>>) target(%dma_start3A_17 : memref<16x128xf32, #tpu.memory_space<vmem_shared>>) target_semaphore(%run_scoped3A : memref<!tpu.dma_semaphore, #tpu.memory_space<semaphore_mem>>)
        %dma_wait3A = arith.constant 9984 : i32
        %dma_wait3A_20 = arith.constant 0 : i32
        %dma_wait3A_21 = tpu.memref_slice %arg8[%dma_wait3A, %dma_wait3A_20] : memref<10000x128xf32, #tpu.memory_space<vmem_shared>> -> memref<16x128xf32, #tpu.memory_space<vmem_shared>>
        %dma_wait3A_22 = arith.constant 9984 : i32
        %dma_wait3A_23 = tpu.memref_slice %arg2[%dma_wait3A_22, %mul3A_0] : memref<10000x256xf32, #tpu.memory_space<hbm>> -> memref<16x128xf32, #tpu.memory_space<hbm>>
        tpu.wait_dma2 semaphore(%run_scoped3A : memref<!tpu.dma_semaphore, #tpu.memory_space<semaphore_mem>>) src(%dma_wait3A_23 : memref<16x128xf32, #tpu.memory_space<hbm>>) dst(%dma_wait3A_21 : memref<16x128xf32, #tpu.memory_space<vmem_shared>>)
        tpu.yield
      }) : () -> ()
    } else {
    }
    %barrier3A = arith.constant 0 : index
    tpu.barrier barrier_id(%barrier3A)
    %scan3A = arith.constant 0 : i32
    %scan3A_5 = arith.constant 0 : i32
    %scan3A_6 = arith.constant 10 : i32
    %scan3A_7 = arith.addi %scan3A_5, %scan3A_6 : i32
    %scan3A_8 = arith.constant 1 : i32
    scf.for %scan3A_16 = %scan3A_5 to %scan3A_7 step %scan3A_8  : i32 {
      %mul3A_17 = arith.constant 2000 : i32
      %mul3A_18 = arith.muli %arg1, %mul3A_17 : i32
      %mul3A_19 = arith.constant 200 : i32
      %mul3A_20 = arith.muli %scan3A_16, %mul3A_19 : i32
      %add3A = arith.addi %mul3A_18, %mul3A_20 : i32
      "tpu.region"() ({
        %run_scoped3A = tpu.sem_alloc : memref<!tpu.dma_semaphore, #tpu.memory_space<semaphore_mem>>
        %dma_start3A = tpu.memref_slice %arg3[%add3A] : memref<32000xi32, #tpu.memory_space<hbm>> -> memref<200xi32, #tpu.memory_space<hbm>>
        %dma_start3A_21 = tpu.memref_slice %arg3[%add3A] : memref<32000xi32, #tpu.memory_space<hbm>> -> memref<200xi32, #tpu.memory_space<hbm>>
        tpu.enqueue_dma source(%dma_start3A_21 : memref<200xi32, #tpu.memory_space<hbm>>) target(%arg6 : memref<200xi32, #tpu.memory_space<vmem>>) target_semaphore(%run_scoped3A : memref<!tpu.dma_semaphore, #tpu.memory_space<semaphore_mem>>)
        %dma_wait3A = tpu.memref_slice %arg3[%add3A] : memref<32000xi32, #tpu.memory_space<hbm>> -> memref<200xi32, #tpu.memory_space<hbm>>
        %dma_wait3A_22 = tpu.memref_slice %arg3[%add3A] : memref<32000xi32, #tpu.memory_space<hbm>> -> memref<200xi32, #tpu.memory_space<hbm>>
        tpu.wait_dma2 semaphore(%run_scoped3A : memref<!tpu.dma_semaphore, #tpu.memory_space<semaphore_mem>>) src(%dma_wait3A_22 : memref<200xi32, #tpu.memory_space<hbm>>) dst(%arg6 : memref<200xi32, #tpu.memory_space<vmem>>)
        tpu.yield
      }) : () -> ()
      "tpu.region"() ({
        %run_scoped3A = tpu.sem_alloc : memref<!tpu.dma_semaphore, #tpu.memory_space<semaphore_mem>>
        %dma_start3A = tpu.memref_slice %arg4[%add3A, %mul3A_0] : memref<32000x256xf32, #tpu.memory_space<hbm>> -> memref<200x128xf32, #tpu.memory_space<hbm>>
        %dma_start3A_21 = tpu.memref_slice %arg4[%add3A, %mul3A_0] : memref<32000x256xf32, #tpu.memory_space<hbm>> -> memref<200x128xf32, #tpu.memory_space<hbm>>
        tpu.enqueue_dma source(%dma_start3A_21 : memref<200x128xf32, #tpu.memory_space<hbm>>) target(%arg7 : memref<200x128xf32, #tpu.memory_space<vmem>>) target_semaphore(%run_scoped3A : memref<!tpu.dma_semaphore, #tpu.memory_space<semaphore_mem>>)
        %dma_wait3A = tpu.memref_slice %arg4[%add3A, %mul3A_0] : memref<32000x256xf32, #tpu.memory_space<hbm>> -> memref<200x128xf32, #tpu.memory_space<hbm>>
        %dma_wait3A_22 = tpu.memref_slice %arg4[%add3A, %mul3A_0] : memref<32000x256xf32, #tpu.memory_space<hbm>> -> memref<200x128xf32, #tpu.memory_space<hbm>>
        tpu.wait_dma2 semaphore(%run_scoped3A : memref<!tpu.dma_semaphore, #tpu.memory_space<semaphore_mem>>) src(%dma_wait3A_22 : memref<200x128xf32, #tpu.memory_space<hbm>>) dst(%arg7 : memref<200x128xf32, #tpu.memory_space<vmem>>)
        tpu.yield
      }) : () -> ()
      "tpu.region"() ({
        %run_scoped3A = tpu.sem_alloc : memref<!tpu.dma_semaphore, #tpu.memory_space<semaphore_mem>>
        %dma_start3A = arith.constant 0 : i32
        %dma_start3A_21 = arith.constant 0 : i32
        %dma_start3A_22 = tpu.memref_slice %arg8[%dma_start3A, %dma_start3A_21] : memref<10000x128xf32, #tpu.memory_space<vmem_shared>> -> memref<10000x128xf32, #tpu.memory_space<vmem_shared>>
        tpu.enqueue_indirect_dma source(%arg7 : memref<200x128xf32, #tpu.memory_space<vmem>>) target(%dma_start3A_22 : memref<10000x128xf32, #tpu.memory_space<vmem_shared>>) offsets(%arg6 : memref<200xi32, #tpu.memory_space<vmem>>) semaphore(%run_scoped3A : memref<!tpu.dma_semaphore, #tpu.memory_space<semaphore_mem>>) {add = true}
        %dma_wait3A = arith.constant 0 : i32
        %dma_wait3A_23 = arith.constant 0 : i32
        %dma_wait3A_24 = tpu.memref_slice %arg8[%dma_wait3A, %dma_wait3A_23] : memref<10000x128xf32, #tpu.memory_space<vmem_shared>> -> memref<10000x128xf32, #tpu.memory_space<vmem_shared>>
        tpu.wait_indirect_dma semaphore(%run_scoped3A : memref<!tpu.dma_semaphore, #tpu.memory_space<semaphore_mem>>) src(%arg7 : memref<200x128xf32, #tpu.memory_space<vmem>>) dst(%dma_wait3A_24 : memref<10000x128xf32, #tpu.memory_space<vmem_shared>>)
        tpu.yield
      }) : () -> ()
    }
    %scan3A_9 = arith.constant 10 : i32
    %barrier3A_10 = arith.constant 0 : index
    tpu.barrier barrier_id(%barrier3A_10)
    "tpu.region"() ({
      %run_scoped3A = tpu.sem_alloc : memref<!tpu.dma_semaphore, #tpu.memory_space<semaphore_mem>>
      %dma_start3A = tpu.memref_slice %arg5[%mul3A_2, %mul3A_0] : memref<10000x256xf32, #tpu.memory_space<hbm>> -> memref<624x128xf32, #tpu.memory_space<hbm>>
      %dma_start3A_16 = arith.constant 0 : i32
      %dma_start3A_17 = tpu.memref_slice %arg8[%mul3A_2, %dma_start3A_16] : memref<10000x128xf32, #tpu.memory_space<vmem_shared>> -> memref<624x128xf32, #tpu.memory_space<vmem_shared>>
      tpu.enqueue_dma source(%dma_start3A_17 : memref<624x128xf32, #tpu.memory_space<vmem_shared>>) target(%dma_start3A : memref<624x128xf32, #tpu.memory_space<hbm>>) target_semaphore(%run_scoped3A : memref<!tpu.dma_semaphore, #tpu.memory_space<semaphore_mem>>)
      %dma_wait3A = tpu.memref_slice %arg5[%mul3A_2, %mul3A_0] : memref<10000x256xf32, #tpu.memory_space<hbm>> -> memref<624x128xf32, #tpu.memory_space<hbm>>
      %dma_wait3A_18 = arith.constant 0 : i32
      %dma_wait3A_19 = tpu.memref_slice %arg8[%mul3A_2, %dma_wait3A_18] : memref<10000x128xf32, #tpu.memory_space<vmem_shared>> -> memref<624x128xf32, #tpu.memory_space<vmem_shared>>
      tpu.wait_dma2 semaphore(%run_scoped3A : memref<!tpu.dma_semaphore, #tpu.memory_space<semaphore_mem>>) src(%dma_wait3A_19 : memref<624x128xf32, #tpu.memory_space<vmem_shared>>) dst(%dma_wait3A : memref<624x128xf32, #tpu.memory_space<hbm>>)
      tpu.yield
    }) : () -> ()
    %eq3A_11 = arith.constant 15 : i32
    %eq3A_12 = arith.cmpi eq, %arg1, %eq3A_11 : i32
    %convert_element_type3A_13 = arith.extui %eq3A_12 : i1 to i32
    %cond3A_14 = arith.constant 0 : i32
    %cond3A_15 = arith.cmpi ne, %convert_element_type3A_13, %cond3A_14 : i32
    scf.if %cond3A_15 {
      "tpu.region"() ({
        %run_scoped3A = tpu.sem_alloc : memref<!tpu.dma_semaphore, #tpu.memory_space<semaphore_mem>>
        %dma_start3A = arith.constant 9984 : i32
        %dma_start3A_16 = tpu.memref_slice %arg5[%dma_start3A, %mul3A_0] : memref<10000x256xf32, #tpu.memory_space<hbm>> -> memref<16x128xf32, #tpu.memory_space<hbm>>
        %dma_start3A_17 = arith.constant 9984 : i32
        %dma_start3A_18 = arith.constant 0 : i32
        %dma_start3A_19 = tpu.memref_slice %arg8[%dma_start3A_17, %dma_start3A_18] : memref<10000x128xf32, #tpu.memory_space<vmem_shared>> -> memref<16x128xf32, #tpu.memory_space<vmem_shared>>
        tpu.enqueue_dma source(%dma_start3A_19 : memref<16x128xf32, #tpu.memory_space<vmem_shared>>) target(%dma_start3A_16 : memref<16x128xf32, #tpu.memory_space<hbm>>) target_semaphore(%run_scoped3A : memref<!tpu.dma_semaphore, #tpu.memory_space<semaphore_mem>>)
        %dma_wait3A = arith.constant 9984 : i32
        %dma_wait3A_20 = tpu.memref_slice %arg5[%dma_wait3A, %mul3A_0] : memref<10000x256xf32, #tpu.memory_space<hbm>> -> memref<16x128xf32, #tpu.memory_space<hbm>>
        %dma_wait3A_21 = arith.constant 9984 : i32
        %dma_wait3A_22 = arith.constant 0 : i32
        %dma_wait3A_23 = tpu.memref_slice %arg8[%dma_wait3A_21, %dma_wait3A_22] : memref<10000x128xf32, #tpu.memory_space<vmem_shared>> -> memref<16x128xf32, #tpu.memory_space<vmem_shared>>
        tpu.wait_dma2 semaphore(%run_scoped3A : memref<!tpu.dma_semaphore, #tpu.memory_space<semaphore_mem>>) src(%dma_wait3A_23 : memref<16x128xf32, #tpu.memory_space<vmem_shared>>) dst(%dma_wait3A_20 : memref<16x128xf32, #tpu.memory_space<hbm>>)
        tpu.yield
      }) : () -> ()
    } else {
    }
    return
  }
}

#map = affine_map<(d0, d1) -> (0, 0)>
#map1 = affine_map<(d0, d1) -> (0)>
module attributes {stable_mosaic.version = 14 : i64} {
  func.func @_sc_scatter(%arg0: i32, %arg1: i32, %arg2: memref<10000x256xf32, #tpu.memory_space<hbm>>, %arg3: memref<32000xi32, #tpu.memory_space<hbm>>, %arg4: memref<32000x256xf32, #tpu.memory_space<hbm>>, %arg5: memref<10000x256xf32, #tpu.memory_space<hbm>>, %arg6: memref<200xi32, #tpu.memory_space<vmem>>, %arg7: memref<200x128xf32, #tpu.memory_space<vmem>>, %arg8: memref<10000x128xf32, #tpu.memory_space<vmem_shared>>) attributes {dimension_semantics = [#tpu.dimension_semantics<core_parallel>, #tpu.dimension_semantics<subcore_parallel>], iteration_bounds = array<i64: 2, 16>, scalar_prefetch = 0 : i64, scratch_operands = 3 : i64, tpu.core_type = #tpu.core_type<sc_vector_subcore>, window_params = [{transform_indices = #map}, {transform_indices = #map1}, {transform_indices = #map}, {transform_indices = #map}]} {
    %mul3A = arith.constant 128 : i32
    %mul3A_0 = arith.muli %arg0, %mul3A : i32
    %mul3A_1 = arith.constant 624 : i32
    %mul3A_2 = arith.muli %arg1, %mul3A_1 : i32
    "tpu.region"() ({
      %run_scoped3A = tpu.sem_alloc : memref<!tpu.dma_semaphore, #tpu.memory_space<semaphore_mem>>
      %dma_start3A = arith.constant 0 : i32
      %dma_start3A_16 = tpu.memref_slice %arg8[%mul3A_2, %dma_start3A] : memref<10000x128xf32, #tpu.memory_space<vmem_shared>> -> memref<624x128xf32, #tpu.memory_space<vmem_shared>>
      %dma_start3A_17 = tpu.memref_slice %arg2[%mul3A_2, %mul3A_0] : memref<10000x256xf32, #tpu.memory_space<hbm>> -> memref<624x128xf32, #tpu.memory_space<hbm>>
      tpu.enqueue_dma source(%dma_start3A_17 : memref<624x128xf32, #tpu.memory_space<hbm>>) target(%dma_start3A_16 : memref<624x128xf32, #tpu.memory_space<vmem_shared>>) target_semaphore(%run_scoped3A : memref<!tpu.dma_semaphore, #tpu.memory_space<semaphore_mem>>)
      %dma_wait3A = arith.constant 0 : i32
      %dma_wait3A_18 = tpu.memref_slice %arg8[%mul3A_2, %dma_wait3A] : memref<10000x128xf32, #tpu.memory_space<vmem_shared>> -> memref<624x128xf32, #tpu.memory_space<vmem_shared>>
      %dma_wait3A_19 = tpu.memref_slice %arg2[%mul3A_2, %mul3A_0] : memref<10000x256xf32, #tpu.memory_space<hbm>> -> memref<624x128xf32, #tpu.memory_space<hbm>>
      tpu.wait_dma2 semaphore(%run_scoped3A : memref<!tpu.dma_semaphore, #tpu.memory_space<semaphore_mem>>) src(%dma_wait3A_19 : memref<624x128xf32, #tpu.memory_space<hbm>>) dst(%dma_wait3A_18 : memref<624x128xf32, #tpu.memory_space<vmem_shared>>)
      tpu.yield
    }) : () -> ()
    %eq3A = arith.constant 15 : i32
    %eq3A_3 = arith.cmpi eq, %arg1, %eq3A : i32
    %convert_element_type3A = arith.extui %eq3A_3 : i1 to i32
    %cond3A = arith.constant 0 : i32
    %cond3A_4 = arith.cmpi ne, %convert_element_type3A, %cond3A : i32
    scf.if %cond3A_4 {
      "tpu.region"() ({
        %run_scoped3A = tpu.sem_alloc : memref<!tpu.dma_semaphore, #tpu.memory_space<semaphore_mem>>
        %dma_start3A = arith.constant 9984 : i32
        %dma_start3A_16 = arith.constant 0 : i32
        %dma_start3A_17 = tpu.memref_slice %arg8[%dma_start3A, %dma_start3A_16] : memref<10000x128xf32, #tpu.memory_space<vmem_shared>> -> memref<16x128xf32, #tpu.memory_space<vmem_shared>>
        %dma_start3A_18 = arith.constant 9984 : i32
        %dma_start3A_19 = tpu.memref_slice %arg2[%dma_start3A_18, %mul3A_0] : memref<10000x256xf32, #tpu.memory_space<hbm>> -> memref<16x128xf32, #tpu.memory_space<hbm>>
        tpu.enqueue_dma source(%dma_start3A_19 : memref<16x128xf32, #tpu.memory_space<hbm>>) target(%dma_start3A_17 : memref<16x128xf32, #tpu.memory_space<vmem_shared>>) target_semaphore(%run_scoped3A : memref<!tpu.dma_semaphore, #tpu.memory_space<semaphore_mem>>)
        %dma_wait3A = arith.constant 9984 : i32
        %dma_wait3A_20 = arith.constant 0 : i32
        %dma_wait3A_21 = tpu.memref_slice %arg8[%dma_wait3A, %dma_wait3A_20] : memref<10000x128xf32, #tpu.memory_space<vmem_shared>> -> memref<16x128xf32, #tpu.memory_space<vmem_shared>>
        %dma_wait3A_22 = arith.constant 9984 : i32
        %dma_wait3A_23 = tpu.memref_slice %arg2[%dma_wait3A_22, %mul3A_0] : memref<10000x256xf32, #tpu.memory_space<hbm>> -> memref<16x128xf32, #tpu.memory_space<hbm>>
        tpu.wait_dma2 semaphore(%run_scoped3A : memref<!tpu.dma_semaphore, #tpu.memory_space<semaphore_mem>>) src(%dma_wait3A_23 : memref<16x128xf32, #tpu.memory_space<hbm>>) dst(%dma_wait3A_21 : memref<16x128xf32, #tpu.memory_space<vmem_shared>>)
        tpu.yield
      }) : () -> ()
    } else {
    }
    %barrier3A = arith.constant 0 : index
    tpu.barrier barrier_id(%barrier3A)
    %scan3A = arith.constant 0 : i32
    %scan3A_5 = arith.constant 0 : i32
    %scan3A_6 = arith.constant 10 : i32
    %scan3A_7 = arith.addi %scan3A_5, %scan3A_6 : i32
    %scan3A_8 = arith.constant 1 : i32
    scf.for %scan3A_16 = %scan3A_5 to %scan3A_7 step %scan3A_8  : i32 {
      %mul3A_17 = arith.constant 2000 : i32
      %mul3A_18 = arith.muli %arg1, %mul3A_17 : i32
      %mul3A_19 = arith.constant 200 : i32
      %mul3A_20 = arith.muli %scan3A_16, %mul3A_19 : i32
      %add3A = arith.addi %mul3A_18, %mul3A_20 : i32
      "tpu.region"() ({
        %run_scoped3A = tpu.sem_alloc : memref<!tpu.dma_semaphore, #tpu.memory_space<semaphore_mem>>
        %dma_start3A = tpu.memref_slice %arg3[%add3A] : memref<32000xi32, #tpu.memory_space<hbm>> -> memref<200xi32, #tpu.memory_space<hbm>>
        %dma_start3A_21 = tpu.memref_slice %arg3[%add3A] : memref<32000xi32, #tpu.memory_space<hbm>> -> memref<200xi32, #tpu.memory_space<hbm>>
        tpu.enqueue_dma source(%dma_start3A_21 : memref<200xi32, #tpu.memory_space<hbm>>) target(%arg6 : memref<200xi32, #tpu.memory_space<vmem>>) target_semaphore(%run_scoped3A : memref<!tpu.dma_semaphore, #tpu.memory_space<semaphore_mem>>)
        %dma_wait3A = tpu.memref_slice %arg3[%add3A] : memref<32000xi32, #tpu.memory_space<hbm>> -> memref<200xi32, #tpu.memory_space<hbm>>
        %dma_wait3A_22 = tpu.memref_slice %arg3[%add3A] : memref<32000xi32, #tpu.memory_space<hbm>> -> memref<200xi32, #tpu.memory_space<hbm>>
        tpu.wait_dma2 semaphore(%run_scoped3A : memref<!tpu.dma_semaphore, #tpu.memory_space<semaphore_mem>>) src(%dma_wait3A_22 : memref<200xi32, #tpu.memory_space<hbm>>) dst(%arg6 : memref<200xi32, #tpu.memory_space<vmem>>)
        tpu.yield
      }) : () -> ()
      "tpu.region"() ({
        %run_scoped3A = tpu.sem_alloc : memref<!tpu.dma_semaphore, #tpu.memory_space<semaphore_mem>>
        %dma_start3A = tpu.memref_slice %arg4[%add3A, %mul3A_0] : memref<32000x256xf32, #tpu.memory_space<hbm>> -> memref<200x128xf32, #tpu.memory_space<hbm>>
        %dma_start3A_21 = tpu.memref_slice %arg4[%add3A, %mul3A_0] : memref<32000x256xf32, #tpu.memory_space<hbm>> -> memref<200x128xf32, #tpu.memory_space<hbm>>
        tpu.enqueue_dma source(%dma_start3A_21 : memref<200x128xf32, #tpu.memory_space<hbm>>) target(%arg7 : memref<200x128xf32, #tpu.memory_space<vmem>>) target_semaphore(%run_scoped3A : memref<!tpu.dma_semaphore, #tpu.memory_space<semaphore_mem>>)
        %dma_wait3A = tpu.memref_slice %arg4[%add3A, %mul3A_0] : memref<32000x256xf32, #tpu.memory_space<hbm>> -> memref<200x128xf32, #tpu.memory_space<hbm>>
        %dma_wait3A_22 = tpu.memref_slice %arg4[%add3A, %mul3A_0] : memref<32000x256xf32, #tpu.memory_space<hbm>> -> memref<200x128xf32, #tpu.memory_space<hbm>>
        tpu.wait_dma2 semaphore(%run_scoped3A : memref<!tpu.dma_semaphore, #tpu.memory_space<semaphore_mem>>) src(%dma_wait3A_22 : memref<200x128xf32, #tpu.memory_space<hbm>>) dst(%arg7 : memref<200x128xf32, #tpu.memory_space<vmem>>)
        tpu.yield
      }) : () -> ()
      "tpu.region"() ({
        %run_scoped3A = tpu.sem_alloc : memref<!tpu.dma_semaphore, #tpu.memory_space<semaphore_mem>>
        %dma_start3A = arith.constant 0 : i32
        %dma_start3A_21 = arith.constant 0 : i32
        %dma_start3A_22 = tpu.memref_slice %arg8[%dma_start3A, %dma_start3A_21] : memref<10000x128xf32, #tpu.memory_space<vmem_shared>> -> memref<10000x128xf32, #tpu.memory_space<vmem_shared>>
        tpu.enqueue_indirect_dma source(%arg7 : memref<200x128xf32, #tpu.memory_space<vmem>>) target(%dma_start3A_22 : memref<10000x128xf32, #tpu.memory_space<vmem_shared>>) offsets(%arg6 : memref<200xi32, #tpu.memory_space<vmem>>) semaphore(%run_scoped3A : memref<!tpu.dma_semaphore, #tpu.memory_space<semaphore_mem>>) {add = true}
        %dma_wait3A = arith.constant 0 : i32
        %dma_wait3A_23 = arith.constant 0 : i32
        %dma_wait3A_24 = tpu.memref_slice %arg8[%dma_wait3A, %dma_wait3A_23] : memref<10000x128xf32, #tpu.memory_space<vmem_shared>> -> memref<10000x128xf32, #tpu.memory_space<vmem_shared>>
        tpu.wait_indirect_dma semaphore(%run_scoped3A : memref<!tpu.dma_semaphore, #tpu.memory_space<semaphore_mem>>) src(%arg7 : memref<200x128xf32, #tpu.memory_space<vmem>>) dst(%dma_wait3A_24 : memref<10000x128xf32, #tpu.memory_space<vmem_shared>>)
        tpu.yield
      }) : () -> ()
    }
    %scan3A_9 = arith.constant 10 : i32
    %barrier3A_10 = arith.constant 0 : index
    tpu.barrier barrier_id(%barrier3A_10)
    "tpu.region"() ({
      %run_scoped3A = tpu.sem_alloc : memref<!tpu.dma_semaphore, #tpu.memory_space<semaphore_mem>>
      %dma_start3A = tpu.memref_slice %arg5[%mul3A_2, %mul3A_0] : memref<10000x256xf32, #tpu.memory_space<hbm>> -> memref<624x128xf32, #tpu.memory_space<hbm>>
      %dma_start3A_16 = arith.constant 0 : i32
      %dma_start3A_17 = tpu.memref_slice %arg8[%mul3A_2, %dma_start3A_16] : memref<10000x128xf32, #tpu.memory_space<vmem_shared>> -> memref<624x128xf32, #tpu.memory_space<vmem_shared>>
      tpu.enqueue_dma source(%dma_start3A_17 : memref<624x128xf32, #tpu.memory_space<vmem_shared>>) target(%dma_start3A : memref<624x128xf32, #tpu.memory_space<hbm>>) target_semaphore(%run_scoped3A : memref<!tpu.dma_semaphore, #tpu.memory_space<semaphore_mem>>)
      %dma_wait3A = tpu.memref_slice %arg5[%mul3A_2, %mul3A_0] : memref<10000x256xf32, #tpu.memory_space<hbm>> -> memref<624x128xf32, #tpu.memory_space<hbm>>
      %dma_wait3A_18 = arith.constant 0 : i32
      %dma_wait3A_19 = tpu.memref_slice %arg8[%mul3A_2, %dma_wait3A_18] : memref<10000x128xf32, #tpu.memory_space<vmem_shared>> -> memref<624x128xf32, #tpu.memory_space<vmem_shared>>
      tpu.wait_dma2 semaphore(%run_scoped3A : memref<!tpu.dma_semaphore, #tpu.memory_space<semaphore_mem>>) src(%dma_wait3A_19 : memref<624x128xf32, #tpu.memory_space<vmem_shared>>) dst(%dma_wait3A : memref<624x128xf32, #tpu.memory_space<hbm>>)
      tpu.yield
    }) : () -> ()
    %eq3A_11 = arith.constant 15 : i32
    %eq3A_12 = arith.cmpi eq, %arg1, %eq3A_11 : i32
    %convert_element_type3A_13 = arith.extui %eq3A_12 : i1 to i32
    %cond3A_14 = arith.constant 0 : i32
    %cond3A_15 = arith.cmpi ne, %convert_element_type3A_13, %cond3A_14 : i32
    scf.if %cond3A_15 {
      "tpu.region"() ({
        %run_scoped3A = tpu.sem_alloc : memref<!tpu.dma_semaphore, #tpu.memory_space<semaphore_mem>>
        %dma_start3A = arith.constant 9984 : i32
        %dma_start3A_16 = tpu.memref_slice %arg5[%dma_start3A, %mul3A_0] : memref<10000x256xf32, #tpu.memory_space<hbm>> -> memref<16x128xf32, #tpu.memory_space<hbm>>
        %dma_start3A_17 = arith.constant 9984 : i32
        %dma_start3A_18 = arith.constant 0 : i32
        %dma_start3A_19 = tpu.memref_slice %arg8[%dma_start3A_17, %dma_start3A_18] : memref<10000x128xf32, #tpu.memory_space<vmem_shared>> -> memref<16x128xf32, #tpu.memory_space<vmem_shared>>
        tpu.enqueue_dma source(%dma_start3A_19 : memref<16x128xf32, #tpu.memory_space<vmem_shared>>) target(%dma_start3A_16 : memref<16x128xf32, #tpu.memory_space<hbm>>) target_semaphore(%run_scoped3A : memref<!tpu.dma_semaphore, #tpu.memory_space<semaphore_mem>>)
        %dma_wait3A = arith.constant 9984 : i32
        %dma_wait3A_20 = tpu.memref_slice %arg5[%dma_wait3A, %mul3A_0] : memref<10000x256xf32, #tpu.memory_space<hbm>> -> memref<16x128xf32, #tpu.memory_space<hbm>>
        %dma_wait3A_21 = arith.constant 9984 : i32
        %dma_wait3A_22 = arith.constant 0 : i32
        %dma_wait3A_23 = tpu.memref_slice %arg8[%dma_wait3A_21, %dma_wait3A_22] : memref<10000x128xf32, #tpu.memory_space<vmem_shared>> -> memref<16x128xf32, #tpu.memory_space<vmem_shared>>
        tpu.wait_dma2 semaphore(%run_scoped3A : memref<!tpu.dma_semaphore, #tpu.memory_space<semaphore_mem>>) src(%dma_wait3A_23 : memref<16x128xf32, #tpu.memory_space<vmem_shared>>) dst(%dma_wait3A_20 : memref<16x128xf32, #tpu.memory_space<hbm>>)
        tpu.yield
      }) : () -> ()
    } else {
    }
    return
  }
}

module attributes {stable_mosaic.version = 14 : i64} {
  func.func @_mlp_body(%arg0: i32, %arg1: memref<3200x128xi32, #tpu.memory_space<vmem>>, %arg2: memref<3200x128xi32, #tpu.memory_space<vmem>>, %arg3: memref<3200x16xf32, #tpu.memory_space<vmem>>, %arg4: memref<256x512xbf16, #tpu.memory_space<vmem>>, %arg5: memref<16x512xbf16, #tpu.memory_space<vmem>>, %arg6: memref<1x512xf32, #tpu.memory_space<vmem>>, %arg7: memref<512x1024xbf16, #tpu.memory_space<vmem>>, %arg8: memref<1x1024xf32, #tpu.memory_space<vmem>>, %arg9: memref<1024x256xbf16, #tpu.memory_space<vmem>>, %arg10: memref<1x256xf32, #tpu.memory_space<vmem>>, %arg11: memref<256x512xbf16, #tpu.memory_space<vmem>>, %arg12: memref<256x512xbf16, #tpu.memory_space<vmem>>, %arg13: memref<16x512xbf16, #tpu.memory_space<vmem>>, %arg14: memref<1x512xf32, #tpu.memory_space<vmem>>, %arg15: memref<512x16xbf16, #tpu.memory_space<vmem>>, %arg16: memref<1x16xf32, #tpu.memory_space<vmem>>, %arg17: memref<3200x256xf32, #tpu.memory_space<vmem>>, %arg18: memref<3200x16xf32, #tpu.memory_space<vmem>>) attributes {dimension_semantics = [#tpu.dimension_semantics<arbitrary>], iteration_bounds = array<i64: 10>, scalar_prefetch = 0 : i64, scratch_operands = 0 : i64, tpu.core_type = #tpu.core_type<tc>, window_params = [{transform_indices = @transform_0, window_bounds = array<i64: 3200, 128>}, {transform_indices = @transform_1, window_bounds = array<i64: 3200, 128>}, {transform_indices = @transform_2, window_bounds = array<i64: 3200, 16>}, {pipeline_mode = #tpu.pipeline_mode<synchronous>, transform_indices = @transform_3, window_bounds = array<i64: 256, 512>}, {pipeline_mode = #tpu.pipeline_mode<synchronous>, transform_indices = @transform_4, window_bounds = array<i64: 16, 512>}, {pipeline_mode = #tpu.pipeline_mode<synchronous>, transform_indices = @transform_5, window_bounds = array<i64: 1, 512>}, {pipeline_mode = #tpu.pipeline_mode<synchronous>, transform_indices = @transform_6, window_bounds = array<i64: 512, 1024>}, {pipeline_mode = #tpu.pipeline_mode<synchronous>, transform_indices = @transform_7, window_bounds = array<i64: 1, 1024>}, {pipeline_mode = #tpu.pipeline_mode<synchronous>, transform_indices = @transform_8, window_bounds = array<i64: 1024, 256>}, {pipeline_mode = #tpu.pipeline_mode<synchronous>, transform_indices = @transform_9, window_bounds = array<i64: 1, 256>}, {pipeline_mode = #tpu.pipeline_mode<synchronous>, transform_indices = @transform_10, window_bounds = array<i64: 256, 512>}, {pipeline_mode = #tpu.pipeline_mode<synchronous>, transform_indices = @transform_11, window_bounds = array<i64: 256, 512>}, {pipeline_mode = #tpu.pipeline_mode<synchronous>, transform_indices = @transform_12, window_bounds = array<i64: 16, 512>}, {pipeline_mode = #tpu.pipeline_mode<synchronous>, transform_indices = @transform_13, window_bounds = array<i64: 1, 512>}, {pipeline_mode = #tpu.pipeline_mode<synchronous>, transform_indices = @transform_14, window_bounds = array<i64: 512, 16>}, {pipeline_mode = #tpu.pipeline_mode<synchronous>, transform_indices = @transform_15, window_bounds = array<i64: 1, 16>}, {transform_indices = @transform_16, window_bounds = array<i64: 3200, 256>}, {transform_indices = @transform_17, window_bounds = array<i64: 3200, 16>}]} {
    %get3A = arith.constant 0 : index
    %get3A_0 = arith.constant 0 : index
    %get3A_1 = vector.load %arg1[%get3A, %get3A_0] : memref<3200x128xi32, #tpu.memory_space<vmem>>, vector<3200x128xi32>
    %bitcast_convert_type3A = tpu.bitcast %get3A_1 : vector<3200x128xi32> -> vector<3200x128xi32>
    %shift_left3A = arith.constant 16 : i32
    %shift_left3A_2 = vector.broadcast %shift_left3A : i32 to vector<3200x128xi32>
    %shift_left3A_3 = arith.shli %bitcast_convert_type3A, %shift_left3A_2 : vector<3200x128xi32>
    %bitcast_convert_type3A_4 = tpu.bitcast %shift_left3A_3 : vector<3200x128xi32> -> vector<3200x128xf32>
    %and3A = arith.constant -65536 : i32
    %and3A_5 = vector.broadcast %and3A : i32 to vector<3200x128xi32>
    %and3A_6 = arith.andi %bitcast_convert_type3A, %and3A_5 : vector<3200x128xi32>
    %bitcast_convert_type3A_7 = tpu.bitcast %and3A_6 : vector<3200x128xi32> -> vector<3200x128xf32>
    %convert_element_type3A = arith.truncf %bitcast_convert_type3A_4 : vector<3200x128xf32> to vector<3200x128xbf16>
    %convert_element_type3A_8 = arith.truncf %bitcast_convert_type3A_7 : vector<3200x128xf32> to vector<3200x128xbf16>
    %get3A_9 = arith.constant 0 : index
    %get3A_10 = arith.constant 0 : index
    %get3A_11 = vector.load %arg2[%get3A_9, %get3A_10] : memref<3200x128xi32, #tpu.memory_space<vmem>>, vector<3200x128xi32>
    %bitcast_convert_type3A_12 = tpu.bitcast %get3A_11 : vector<3200x128xi32> -> vector<3200x128xi32>
    %shift_left3A_13 = arith.constant 16 : i32
    %shift_left3A_14 = vector.broadcast %shift_left3A_13 : i32 to vector<3200x128xi32>
    %shift_left3A_15 = arith.shli %bitcast_convert_type3A_12, %shift_left3A_14 : vector<3200x128xi32>
    %bitcast_convert_type3A_16 = tpu.bitcast %shift_left3A_15 : vector<3200x128xi32> -> vector<3200x128xf32>
    %and3A_17 = arith.constant -65536 : i32
    %and3A_18 = vector.broadcast %and3A_17 : i32 to vector<3200x128xi32>
    %and3A_19 = arith.andi %bitcast_convert_type3A_12, %and3A_18 : vector<3200x128xi32>
    %bitcast_convert_type3A_20 = tpu.bitcast %and3A_19 : vector<3200x128xi32> -> vector<3200x128xf32>
    %convert_element_type3A_21 = arith.truncf %bitcast_convert_type3A_16 : vector<3200x128xf32> to vector<3200x128xbf16>
    %convert_element_type3A_22 = arith.truncf %bitcast_convert_type3A_20 : vector<3200x128xf32> to vector<3200x128xbf16>
    %concatenate3A = tpu.concatenate %convert_element_type3A, %convert_element_type3A_8 in 1 : vector<3200x128xbf16>, vector<3200x128xbf16> -> vector<3200x256xbf16>
    %concatenate3A_23 = tpu.concatenate %convert_element_type3A_21, %convert_element_type3A_22 in 1 : vector<3200x128xbf16>, vector<3200x128xbf16> -> vector<3200x256xbf16>
    %get3A_24 = arith.constant 0 : index
    %get3A_25 = arith.constant 0 : index
    %get3A_26 = vector.load %arg3[%get3A_24, %get3A_25] : memref<3200x16xf32, #tpu.memory_space<vmem>>, vector<3200x16xf32>
    %convert_element_type3A_27 = arith.truncf %get3A_26 : vector<3200x16xf32> to vector<3200x16xbf16>
    %get3A_28 = arith.constant 0 : index
    %get3A_29 = arith.constant 0 : index
    %get3A_30 = vector.load %arg4[%get3A_28, %get3A_29] : memref<256x512xbf16, #tpu.memory_space<vmem>>, vector<256x512xbf16>
    %dot_general3A = arith.constant dense<0.000000e+00> : vector<3200x512xf32>
    %dot_general3A_31 = tpu.matmul %concatenate3A, %get3A_30, %dot_general3A {dimension_numbers = #tpu.dot_dimension_numbers<[1], [0], [0], [1], [0, 0, 1, 1], [], []>, transpose_lhs_hint = false} : vector<3200x256xbf16>, vector<256x512xbf16>, vector<3200x512xf32> -> vector<3200x512xf32>
    %get3A_32 = arith.constant 0 : index
    %get3A_33 = arith.constant 0 : index
    %get3A_34 = vector.load %arg5[%get3A_32, %get3A_33] : memref<16x512xbf16, #tpu.memory_space<vmem>>, vector<16x512xbf16>
    %dot_general3A_35 = arith.constant dense<0.000000e+00> : vector<3200x512xf32>
    %dot_general3A_36 = tpu.matmul %convert_element_type3A_27, %get3A_34, %dot_general3A_35 {dimension_numbers = #tpu.dot_dimension_numbers<[1], [0], [0], [1], [0, 0, 1, 1], [], []>, transpose_lhs_hint = false} : vector<3200x16xbf16>, vector<16x512xbf16>, vector<3200x512xf32> -> vector<3200x512xf32>
    %add3A = arith.addf %dot_general3A_31, %dot_general3A_36 : vector<3200x512xf32>
    %get3A_37 = arith.constant 0 : index
    %get3A_38 = arith.constant 0 : index
    %get3A_39 = vector.load %arg6[%get3A_37, %get3A_38] : memref<1x512xf32, #tpu.memory_space<vmem>>, vector<1x512xf32>
    %add3A_40 = vector.broadcast %get3A_39 : vector<1x512xf32> to vector<3200x512xf32>
    %add3A_41 = arith.addf %add3A, %add3A_40 : vector<3200x512xf32>
    %max3A = arith.constant 0.000000e+00 : f32
    %max3A_42 = vector.broadcast %max3A : f32 to vector<3200x512xf32>
    %max3A_43 = arith.maximumf %add3A_41, %max3A_42 : vector<3200x512xf32>
    %convert_element_type3A_44 = arith.truncf %max3A_43 : vector<3200x512xf32> to vector<3200x512xbf16>
    %get3A_45 = arith.constant 0 : index
    %get3A_46 = arith.constant 0 : index
    %get3A_47 = vector.load %arg7[%get3A_45, %get3A_46] : memref<512x1024xbf16, #tpu.memory_space<vmem>>, vector<512x1024xbf16>
    %dot_general3A_48 = arith.constant dense<0.000000e+00> : vector<3200x1024xf32>
    %dot_general3A_49 = tpu.matmul %convert_element_type3A_44, %get3A_47, %dot_general3A_48 {dimension_numbers = #tpu.dot_dimension_numbers<[1], [0], [0], [1], [0, 0, 1, 1], [], []>, transpose_lhs_hint = false} : vector<3200x512xbf16>, vector<512x1024xbf16>, vector<3200x1024xf32> -> vector<3200x1024xf32>
    %get3A_50 = arith.constant 0 : index
    %get3A_51 = arith.constant 0 : index
    %get3A_52 = vector.load %arg8[%get3A_50, %get3A_51] : memref<1x1024xf32, #tpu.memory_space<vmem>>, vector<1x1024xf32>
    %add3A_53 = vector.broadcast %get3A_52 : vector<1x1024xf32> to vector<3200x1024xf32>
    %add3A_54 = arith.addf %dot_general3A_49, %add3A_53 : vector<3200x1024xf32>
    %max3A_55 = arith.constant 0.000000e+00 : f32
    %max3A_56 = vector.broadcast %max3A_55 : f32 to vector<3200x1024xf32>
    %max3A_57 = arith.maximumf %add3A_54, %max3A_56 : vector<3200x1024xf32>
    %convert_element_type3A_58 = arith.truncf %max3A_57 : vector<3200x1024xf32> to vector<3200x1024xbf16>
    %get3A_59 = arith.constant 0 : index
    %get3A_60 = arith.constant 0 : index
    %get3A_61 = vector.load %arg9[%get3A_59, %get3A_60] : memref<1024x256xbf16, #tpu.memory_space<vmem>>, vector<1024x256xbf16>
    %dot_general3A_62 = arith.constant dense<0.000000e+00> : vector<3200x256xf32>
    %dot_general3A_63 = tpu.matmul %convert_element_type3A_58, %get3A_61, %dot_general3A_62 {dimension_numbers = #tpu.dot_dimension_numbers<[1], [0], [0], [1], [0, 0, 1, 1], [], []>, transpose_lhs_hint = false} : vector<3200x1024xbf16>, vector<1024x256xbf16>, vector<3200x256xf32> -> vector<3200x256xf32>
    %get3A_64 = arith.constant 0 : index
    %get3A_65 = arith.constant 0 : index
    %get3A_66 = vector.load %arg10[%get3A_64, %get3A_65] : memref<1x256xf32, #tpu.memory_space<vmem>>, vector<1x256xf32>
    %add3A_67 = vector.broadcast %get3A_66 : vector<1x256xf32> to vector<3200x256xf32>
    %add3A_68 = arith.addf %dot_general3A_63, %add3A_67 : vector<3200x256xf32>
    %swap3A = arith.constant 0 : index
    %swap3A_69 = arith.constant 0 : index
    %swap3A_70 = vector.load %arg17[%swap3A, %swap3A_69] : memref<3200x256xf32, #tpu.memory_space<vmem>>, vector<3200x256xf32>
    tpu.vector_store %arg17[%swap3A, %swap3A_69], %add3A_68 {strides = array<i32>} : memref<3200x256xf32, #tpu.memory_space<vmem>>, vector<3200x256xf32>,
    %get3A_71 = arith.constant 0 : index
    %get3A_72 = arith.constant 0 : index
    %get3A_73 = vector.load %arg11[%get3A_71, %get3A_72] : memref<256x512xbf16, #tpu.memory_space<vmem>>, vector<256x512xbf16>
    %dot_general3A_74 = arith.constant dense<0.000000e+00> : vector<3200x512xf32>
    %dot_general3A_75 = tpu.matmul %concatenate3A, %get3A_73, %dot_general3A_74 {dimension_numbers = #tpu.dot_dimension_numbers<[1], [0], [0], [1], [0, 0, 1, 1], [], []>, transpose_lhs_hint = false} : vector<3200x256xbf16>, vector<256x512xbf16>, vector<3200x512xf32> -> vector<3200x512xf32>
    %get3A_76 = arith.constant 0 : index
    %get3A_77 = arith.constant 0 : index
    %get3A_78 = vector.load %arg12[%get3A_76, %get3A_77] : memref<256x512xbf16, #tpu.memory_space<vmem>>, vector<256x512xbf16>
    %dot_general3A_79 = arith.constant dense<0.000000e+00> : vector<3200x512xf32>
    %dot_general3A_80 = tpu.matmul %concatenate3A_23, %get3A_78, %dot_general3A_79 {dimension_numbers = #tpu.dot_dimension_numbers<[1], [0], [0], [1], [0, 0, 1, 1], [], []>, transpose_lhs_hint = false} : vector<3200x256xbf16>, vector<256x512xbf16>, vector<3200x512xf32> -> vector<3200x512xf32>
    %add3A_81 = arith.addf %dot_general3A_75, %dot_general3A_80 : vector<3200x512xf32>
    %get3A_82 = arith.constant 0 : index
    %get3A_83 = arith.constant 0 : index
    %get3A_84 = vector.load %arg13[%get3A_82, %get3A_83] : memref<16x512xbf16, #tpu.memory_space<vmem>>, vector<16x512xbf16>
    %dot_general3A_85 = arith.constant dense<0.000000e+00> : vector<3200x512xf32>
    %dot_general3A_86 = tpu.matmul %convert_element_type3A_27, %get3A_84, %dot_general3A_85 {dimension_numbers = #tpu.dot_dimension_numbers<[1], [0], [0], [1], [0, 0, 1, 1], [], []>, transpose_lhs_hint = false} : vector<3200x16xbf16>, vector<16x512xbf16>, vector<3200x512xf32> -> vector<3200x512xf32>
    %add3A_87 = arith.addf %add3A_81, %dot_general3A_86 : vector<3200x512xf32>
    %get3A_88 = arith.constant 0 : index
    %get3A_89 = arith.constant 0 : index
    %get3A_90 = vector.load %arg14[%get3A_88, %get3A_89] : memref<1x512xf32, #tpu.memory_space<vmem>>, vector<1x512xf32>
    %add3A_91 = vector.broadcast %get3A_90 : vector<1x512xf32> to vector<3200x512xf32>
    %add3A_92 = arith.addf %add3A_87, %add3A_91 : vector<3200x512xf32>
    %max3A_93 = arith.constant 0.000000e+00 : f32
    %max3A_94 = vector.broadcast %max3A_93 : f32 to vector<3200x512xf32>
    %max3A_95 = arith.maximumf %add3A_92, %max3A_94 : vector<3200x512xf32>
    %convert_element_type3A_96 = arith.truncf %max3A_95 : vector<3200x512xf32> to vector<3200x512xbf16>
    %get3A_97 = arith.constant 0 : index
    %get3A_98 = arith.constant 0 : index
    %get3A_99 = vector.load %arg15[%get3A_97, %get3A_98] : memref<512x16xbf16, #tpu.memory_space<vmem>>, vector<512x16xbf16>
    %dot_general3A_100 = arith.constant dense<0.000000e+00> : vector<3200x16xf32>
    %dot_general3A_101 = tpu.matmul %convert_element_type3A_96, %get3A_99, %dot_general3A_100 {dimension_numbers = #tpu.dot_dimension_numbers<[1], [0], [0], [1], [0, 0, 1, 1], [], []>, transpose_lhs_hint = false} : vector<3200x512xbf16>, vector<512x16xbf16>, vector<3200x16xf32> -> vector<3200x16xf32>
    %add3A_102 = arith.addf %get3A_26, %dot_general3A_101 : vector<3200x16xf32>
    %get3A_103 = arith.constant 0 : index
    %get3A_104 = arith.constant 0 : index
    %get3A_105 = vector.load %arg16[%get3A_103, %get3A_104] : memref<1x16xf32, #tpu.memory_space<vmem>>, vector<1x16xf32>
    %add3A_106 = vector.broadcast %get3A_105 : vector<1x16xf32> to vector<3200x16xf32>
    %add3A_107 = arith.addf %add3A_102, %add3A_106 : vector<3200x16xf32>
    %swap3A_108 = arith.constant 0 : index
    %swap3A_109 = arith.constant 0 : index
    %swap3A_110 = vector.load %arg18[%swap3A_108, %swap3A_109] : memref<3200x16xf32, #tpu.memory_space<vmem>>, vector<3200x16xf32>
    tpu.vector_store %arg18[%swap3A_108, %swap3A_109], %add3A_107 {strides = array<i32>} : memref<3200x16xf32, #tpu.memory_space<vmem>>, vector<3200x16xf32>,
    return
  }
  func.func @transform_0(%arg0: i32) -> (i32, i32) {
    %c0_i32 = arith.constant 0 : i32
    %c0_i32_0 = arith.constant 0 : i32
    return %arg0, %c0_i32 : i32, i32
  }
  func.func @transform_1(%arg0: i32) -> (i32, i32) {
    %c0_i32 = arith.constant 0 : i32
    %c0_i32_0 = arith.constant 0 : i32
    return %arg0, %c0_i32 : i32, i32
  }
  func.func @transform_2(%arg0: i32) -> (i32, i32) {
    %c0_i32 = arith.constant 0 : i32
    %c0_i32_0 = arith.constant 0 : i32
    return %arg0, %c0_i32 : i32, i32
  }
  func.func @transform_3(%arg0: i32) -> (i32, i32) {
    %c0_i32 = arith.constant 0 : i32
    %c0_i32_0 = arith.constant 0 : i32
    %c0_i32_1 = arith.constant 0 : i32
    return %c0_i32, %c0_i32_0 : i32, i32
  }
  func.func @transform_4(%arg0: i32) -> (i32, i32) {
    %c0_i32 = arith.constant 0 : i32
    %c0_i32_0 = arith.constant 0 : i32
    %c0_i32_1 = arith.constant 0 : i32
    return %c0_i32, %c0_i32_0 : i32, i32
  }
  func.func @transform_5(%arg0: i32) -> (i32, i32) {
    %c0_i32 = arith.constant 0 : i32
    %c0_i32_0 = arith.constant 0 : i32
    %c0_i32_1 = arith.constant 0 : i32
    return %c0_i32, %c0_i32_0 : i32, i32
  }
  func.func @transform_6(%arg0: i32) -> (i32, i32) {
    %c0_i32 = arith.constant 0 : i32
    %c0_i32_0 = arith.constant 0 : i32
    %c0_i32_1 = arith.constant 0 : i32
    return %c0_i32, %c0_i32_0 : i32, i32
  }
  func.func @transform_7(%arg0: i32) -> (i32, i32) {
    %c0_i32 = arith.constant 0 : i32
    %c0_i32_0 = arith.constant 0 : i32
    %c0_i32_1 = arith.constant 0 : i32
    return %c0_i32, %c0_i32_0 : i32, i32
  }
  func.func @transform_8(%arg0: i32) -> (i32, i32) {
    %c0_i32 = arith.constant 0 : i32
    %c0_i32_0 = arith.constant 0 : i32
    %c0_i32_1 = arith.constant 0 : i32
    return %c0_i32, %c0_i32_0 : i32, i32
  }
  func.func @transform_9(%arg0: i32) -> (i32, i32) {
    %c0_i32 = arith.constant 0 : i32
    %c0_i32_0 = arith.constant 0 : i32
    %c0_i32_1 = arith.constant 0 : i32
    return %c0_i32, %c0_i32_0 : i32, i32
  }
  func.func @transform_10(%arg0: i32) -> (i32, i32) {
    %c0_i32 = arith.constant 0 : i32
    %c0_i32_0 = arith.constant 0 : i32
    %c0_i32_1 = arith.constant 0 : i32
    return %c0_i32, %c0_i32_0 : i32, i32
  }
  func.func @transform_11(%arg0: i32) -> (i32, i32) {
    %c0_i32 = arith.constant 0 : i32
    %c0_i32_0 = arith.constant 0 : i32
    %c0_i32_1 = arith.constant 0 : i32
    return %c0_i32, %c0_i32_0 : i32, i32
  }
  func.func @transform_12(%arg0: i32) -> (i32, i32) {
    %c0_i32 = arith.constant 0 : i32
    %c0_i32_0 = arith.constant 0 : i32
    %c0_i32_1 = arith.constant 0 : i32
    return %c0_i32, %c0_i32_0 : i32, i32
  }
  func.func @transform_13(%arg0: i32) -> (i32, i32) {
    %c0_i32 = arith.constant 0 : i32
    %c0_i32_0 = arith.constant 0 : i32
    %c0_i32_1 = arith.constant 0 : i32
    return %c0_i32, %c0_i32_0 : i32, i32
  }
  func.func @transform_14(%arg0: i32) -> (i32, i32) {
    %c0_i32 = arith.constant 0 : i32
    %c0_i32_0 = arith.constant 0 : i32
    %c0_i32_1 = arith.constant 0 : i32
    return %c0_i32, %c0_i32_0 : i32, i32
  }
  func.func @transform_15(%arg0: i32) -> (i32, i32) {
    %c0_i32 = arith.constant 0 : i32
    %c0_i32_0 = arith.constant 0 : i32
    %c0_i32_1 = arith.constant 0 : i32
    return %c0_i32, %c0_i32_0 : i32, i32
  }
  func.func @transform_16(%arg0: i32) -> (i32, i32) {
    %c0_i32 = arith.constant 0 : i32
    %c0_i32_0 = arith.constant 0 : i32
    return %arg0, %c0_i32 : i32, i32
  }
  func.func @transform_17(%arg0: i32) -> (i32, i32) {
    %c0_i32 = arith.constant 0 : i32
    %c0_i32_0 = arith.constant 0 : i32
    return %arg0, %c0_i32 : i32, i32
  }
}

</mosaic_0001>

<sc_bundles>
// kernel: kernel.17.cloned.1.call-start
scs
__scs_entry_jumppad:
0x0: {  	(pc) =	sbr.rel $0x88, $3  }
0x1: {  	(tag) =	ssettag $0x0;
	lr =	simm.s32 $0x1  }
0x2: {  	[smem:$0x3F94] =	sst lr;
	_ =	strace $0xD0000000  }
0x3: {  	_ = 	snop  }
0x4: {  	_ = 	snop  }
0x5: {  	_ = 	snop  }
0x6: {  	_ = 	snop  }
0x7: {  	_ = 	snop  }
__scs_overlays_trampoline_lowered:
0x8: {  	[smem:$0x3FA3] =	sst s0  }
0x9: {  	[smem:$0x3FA4] =	sst s1  }
0xa: {  	[smem:$0x3FA5] =	sst s2  }
0xb: {  	[smem:$0x3FA6] =	sst s3  }
0xc: {  	[smem:$0x3FA7] =	sst s4  }
0xd: {  	[smem:$0x3FA8] =	sst s5  }
0xe: {  	[smem:$0x3FA9] =	sst s6  }
0xf: {  	[smem:$0x3FAA] =	sst s7  }
0x10: {  	[smem:$0x3FAB] =	sst s8  }
0x11: {  	[smem:$0x3FAC] =	sst s9;
	s0 =	simm.s32 @!p0 $0x0  }
0x12: {  	s1 =	sld [smem:$0x3F92];
	s0 =	simm.s32 @p0 $0x1  }
0x13: {  	[smem:$0x3FAD] =	sst s0;
	s0 =	simm.s32 @!p1 $0x0  }
0x14: {  	s2 =	sld [smem:$0x3F91];
	s0 =	simm.s32 @p1 $0x1  }
0x15: {  	[smem:$0x3FAE] =	sst s0;
	s0 =	simm.s32 @!p2 $0x0  }
0x16: {  	s3 =	sld [smem:$0x3FDB];
	s0 =	simm.s32 @p2 $0x1  }
0x17: {  	s4 =	simm.s32 $0x1BF5;
	[smem:$0x3FB0] =	sst s0  }
0x18: {  	s0 =	sld [smem:$0x3F93];
	_ =	swait.ge [sflag:s4], $0x0  }
0x19: {  	s7 =	sld [smem:$0x3F94]  }
0x1a: {  	s8 =	sadd.s32 $0xFFFFE003, lr  }
0x1b: {  	s9 =	sadd.s32 $0xFFFFFEF7, lr;
	s5 =	simm.s32 $0xFFFFFFFF;
	p2 =	slt.u32 s8, $0xFFFFF086  }
0x1c: {  	p1 =	slt.u32 s9, $0xF7A;
	s5 =	simm.s32 @!p2 $0x0  }
0x1d: {  	s5 =	simm.s32 @p1 $0x1;
	p0 =	seq.s32 s7, s2  }
0x1e: {  	s7 =	smul.u32 @!p0 $0xF7A, s2;
	p2 =	seq.s32 @!p0 s5, $0x0  }
0x1f: {  	s9 =	smul.u32 $0xF7A, s1;
	s8 =	simm.s32 @!p0 $0x1BF5;
	p2 =	por !p2, p0  }
0x20: {  	[sflag:s8] =	ssyncset.s32 @!p0 $0xFFFFF086;
	s6 =	sadd.s32 @!p0 s3, s7;
	s7 =	simm.s32 @!p0 $0x108  }
0x21: {  	s3 =	sadd.s32 s3, s9;
	s6 =	sadd.s32 @!p0 $0x88, s6;
	s7 =	simm.s32 @p2 $0x1082  }
0x22: {  	[simem:s7], [sflag:s8] =	dma.local @!p0 [hbm:s6], $0xF7A  }
0x23: {  	s9 =	sor.u32 $0xD0000000, s2;
	s6 =	simm.s32 $0x108;
	_ =	swait.ge @!p0 [sflag:s8], $0x0  }
0x24: {  	s3 =	sadd.s32 $0x88, s3;
	s6 =	simm.s32 @!p1 $0x1082;
	[sflag:s4] =	ssyncset.s32 $0xFFFFF086  }
0x25: {  	[simem:s6], [sflag:s4] =	dma.local [hbm:s3], $0xF7A  }
0x26: {  	[smem:$0x3F94] =	sst s1;
	(tag) =	ssettag s2;
	_ =	strace s9  }
0x27: {  	s1 =	sld [smem:$0x3FA4]  }
0x28: {  	s2 =	sld [smem:$0x3FA5]  }
0x29: {  	s4 =	sld [smem:$0x3FA7]  }
0x2a: {  	p0 =	seq.s32 s5, $0x0;
	s5 =	sld [smem:$0x3FA8]  }
0x2b: {  	s6 =	sld [smem:$0x3FA9]  }
0x2c: {  	s7 =	sld [smem:$0x3FAA]  }
0x2d: {  	s3 =	simm.s32 $0x108;
	s8 =	sld [smem:$0x3FAB]  }
0x2e: {  	s3 =	simm.s32 @!p0 $0x1082;
	s9 =	sld [smem:$0x3FAC]  }
0x2f: {  	lr =	sadd.s32 s0, s3;
	s0 =	sld [smem:$0x3FA3]  }
0x30: {  	s3 =	sld [smem:$0x3FA6]  }
0x31: {  	[smem:$0x3FAF] =	sst s10  }
0x32: {  	s10 =	sld [smem:$0x3FAD];
	_ =	sdelay $0x3  }
0x33: {  	p0 =	seq.s32 s10, $0x1;
	s10 =	sld [smem:$0x3FAF];
	_ =	sdelay $0x3  }
0x34: {  	[smem:$0x3FAF] =	sst s10  }
0x35: {  	s10 =	sld [smem:$0x3FAE];
	_ =	sdelay $0x3  }
0x36: {  	p1 =	seq.s32 s10, $0x1;
	s10 =	sld [smem:$0x3FAF];
	_ =	sdelay $0x3  }
0x37: {  	[smem:$0x3FAF] =	sst s10  }
0x38: {  	s10 =	sld [smem:$0x3FB0]  }
0x39: {  	_ = 	snop;
	(pc) =	sbr.ind lr, $3  }
0x3a: {  	_ = 	snop  }
0x3b: {  	_ = 	snop  }
0x3c: {  	p2 =	seq.s32 s10, $0x1;
	s10 =	sld [smem:$0x3FAF]  }
0x3d: {  	_ =	shalt  }
0x3e: {  	_ =	shalt  }
0x3f: {  	_ =	shalt  }
0x40: {  	_ =	shalt  }
0x41: {  	_ =	shalt  }
0x42: {  	_ =	shalt  }
0x43: {  	_ =	shalt  }
0x44: {  	_ =	shalt  }
0x45: {  	_ =	shalt  }
0x46: {  	_ =	shalt  }
0x47: {  	_ =	shalt  }
0x48: {  	_ =	shalt  }
0x49: {  	_ =	shalt  }
0x4a: {  	_ =	shalt  }
0x4b: {  	_ =	shalt  }
0x4c: {  	_ =	shalt  }
0x4d: {  	_ =	shalt  }
0x4e: {  	_ =	shalt  }
0x4f: {  	_ =	shalt  }
0x50: {  	_ =	shalt  }
0x51: {  	_ =	shalt  }
0x52: {  	_ =	shalt  }
0x53: {  	_ =	shalt  }
0x54: {  	_ =	shalt  }
0x55: {  	_ =	shalt  }
0x56: {  	_ =	shalt  }
0x57: {  	_ =	shalt  }
0x58: {  	_ =	shalt  }
0x59: {  	_ =	shalt  }
0x5a: {  	_ =	shalt  }
0x5b: {  	_ =	shalt  }
0x5c: {  	_ =	shalt  }
0x5d: {  	_ =	shalt  }
0x5e: {  	_ =	shalt  }
0x5f: {  	_ =	shalt  }
0x60: {  	_ =	shalt  }
0x61: {  	_ =	shalt  }
0x62: {  	_ =	shalt  }
0x63: {  	_ =	shalt  }
0x64: {  	_ =	shalt  }
0x65: {  	_ =	shalt  }
0x66: {  	_ =	shalt  }
0x67: {  	_ =	shalt  }
0x68: {  	_ =	shalt  }
0x69: {  	_ =	shalt  }
0x6a: {  	_ =	shalt  }
0x6b: {  	_ =	shalt  }
0x6c: {  	_ =	shalt  }
0x6d: {  	_ =	shalt  }
0x6e: {  	_ =	shalt  }
0x6f: {  	_ =	shalt  }
0x70: {  	_ =	shalt  }
0x71: {  	_ =	shalt  }
0x72: {  	_ =	shalt  }
0x73: {  	_ =	shalt  }
0x74: {  	_ =	shalt  }
0x75: {  	_ =	shalt  }
0x76: {  	_ =	shalt  }
0x77: {  	_ =	shalt  }
0x78: {  	_ =	shalt  }
0x79: {  	_ =	shalt  }
0x7a: {  	_ =	shalt  }
0x7b: {  	_ =	shalt  }
0x7c: {  	_ =	shalt  }
0x7d: {  	_ =	shalt  }
0x7e: {  	_ =	shalt  }
0x7f: {  	_ =	shalt  }
0x80: {  	_ =	shalt  }
0x81: {  	_ =	shalt  }
0x82: {  	_ =	shalt  }
0x83: {  	_ =	shalt  }
0x84: {  	_ =	shalt  }
0x85: {  	_ =	shalt  }
0x86: {  	_ =	shalt  }
0x87: {  	_ =	shalt  }
.Lfunc_end0:
.L_simem_size_0:
called_computation_lowered:
.L_overlay_start_0:
0x88: {  	s2 =	sld [smem:$0x3FD9]  }
0x89: {  	s3 =	sld [smem:$0x3FFE];
	_ =	sdelay $0x1  }
0x8a: {  	s1 =	srdreg.scid  }
0x8b: {  	s0 =	sand.u32 $0x1, s1  }
0x8c: {  	s14 =	sshll.u32 s0, $0xA;
	s2 =	sadd.s32 s3, s2  }
0x8d: {  	s2 =	sadd.s32 s2, s14  }
0x8e: {  	[smem:$0x3FBB] =	sst s2  }
0x8f: {  	_ = 	snop  }
0x90: {  	s2 =	sld [smem:$0x3FD0];
	_ =	sdelay $0x2  }
0x91: {  	s15 =	simm.s32 $0xC;
	s4 =	simm.s32 $0x10  }
0x92: {  	[smem:s4], [sflag:s15] =	dma.local [hbm:s2], $0x1  }
0x93: {  	_ =	swait.eq [sflag:s15], $0x1  }
0x94: {  	[sflag:s15] =	ssyncset.done $0x0  }
0x95: {  	s16 =	sld [smem:$0x10];
	[sflag:s15] =	ssyncadd.s32 $0xFFFFFFFF  }
0x96: {  	s17 =	sld [smem:$0x11];
	(tm) =	ssettm $0x1  }
0x97: {  	s18 =	sld [smem:$0x3FFB];
	_ =	sdelay $0x3  }
0x98: {  	_ =	strace s18  }
0x99: {  	s4 =	sld [smem:$0x3FFC];
	_ =	sdelay $0x3  }
0x9a: {  	_ =	strace s4  }
0x9b: {  	s4 =	sld [smem:$0x3FFD];
	_ =	sdelay $0x3  }
0x9c: {  	_ =	strace s4  }
0x9d: {  	_ =	strace $0x8FFFFFFF  }
0x9e: {  	s19 =	sld [smem:$0x3FDB];
	_ =	sdelay $0x1  }
0x9f: {  	s5 =	simm.s32 $_scs_section_size  }
0xa0: {  	s6 =	simm.s32 $_size__tile_overlayer_lowered;
	s7 =	simm.s32 $_tile_overlayer_lowered  }
0xa1: {  	s22 =	simm.s32 $0x1BFF;
	s21 =	sshll.u32 s7, $0x1;
	s4 =	sadd.s32 s5, s19  }
0xa2: {  	s8 =	simm.s32 $0x0;
	s20 =	sshll.u32 s6, $0x1;
	s6 =	sadd.s32 s21, s4  }
0xa3: {  	[timem:s8], [sflag:s22] =	dma.local [hbm:s6], s20  }
0xa4: {  	_ =	swait.ge [sflag:s22], s20  }
0xa5: {  	s5 =	ssub.s32 $0x0, s20;
	[sflag:s22] =	ssyncset.done $0x0  }
0xa6: {  	[sflag:s22] =	ssyncadd.s32 s5;
	_ =	sdelay $0x1  }
0xa7: {  	s23 =	simm.s32 $0x1B8B  }
0xa8: {  	_ =	swait.ge [sflag:s23], $0x1  }
0xa9: {  	[sflag:s23] =	ssyncset.done $0x0  }
0xaa: {  	s25 =	simm.s32 $0x1B8E;
	s24 =	sld [smem:$0x3FFE];
	[sflag:s23] =	ssyncadd.s32 $0xFFFFFFFF  }
0xab: {  	s26 =	simm.s32 $execute0_lowered;
	[smem:$0x3FD2] =	sst s25  }
0xac: {  	s6 =	sshll.u32 s26, $0x1;
	_ =	strace $0x80000046;
	[dreg:$0x1] =	wrdreg $0xFFFFFFFF  }
0xad: {  	s28 =	simm.s32 $_size_execute0_lowered;
	s4 =	sadd.s32 s4, s6;
	[dreg:$0x0] =	wrdreg $0x0  }
0xae: {  	s6 =	sshll.u32 s28, $0x1;
	[dreg:$0x2] =	wrdreg s4  }
0xaf: {  	[dreg:$0x3] =	wrdreg s6  }
0xb0: {  	[dreg:$0x4] =	wrdreg $0xC0  }
0xb1: {  	_ =	task [dreg:s8], $0x5FFFF  }
0xb2: {  	[dreg:$0x1] =	wrdreg $0xFFFFFFFF  }
0xb3: {  	[dreg:$0x0] =	wrdreg $0x60  }
0xb4: {  	[dreg:$0x2] =	wrdreg s24  }
0xb5: {  	[dreg:$0x3] =	wrdreg s17  }
0xb6: {  	[dreg:$0x4] =	wrdreg s16  }
0xb7: {  	[dreg:$0x5] =	wrdreg $0x9  }
0xb8: {  	_ =	task.clear_ibuf [dreg:s8], $0x6FFFF;
	_ =	strace $0x90000046  }
0xb9: {  	s29 =	simm.s32 $0x9;
	_ =	strace $0x80000048  }
0xba: {  	_ =	swait.ge [sflag:s29], $0x1  }
0xbb: {  	[sflag:s29] =	ssyncadd.s32 $0xFFFFFFFF  }
0xbc: {  	_ =	strace $0x90000048  }
0xbd: {  	_ =	sfence  }
0xbe: {  	s30 =	sld [smem:$0x0];
	_ =	sdelay $0x2  }
0xbf: {  	s31 =	sshll.u32 s1, $0xD;
	s1 =	sshrl.u32 s1, $0x2  }
0xc0: {  	s3 =	sand.u32 $0x4000, s31;
	s1 =	sadd.s32 s1, s30  }
0xc1: {  	s0 =	sor.u32 s3, s0;
	s1 =	sshll.u32 s1, $0x11  }
0xc2: {  	s0 =	sor.u32 s1, s0  }
0xc3: {  	s0 =	sadd.s32 $0x8F2B, s0  }
0xc4: {  	[sflag:s0] =	ssyncadd.remote.s32 $0x1  }
0xc5: {  	_ =	sfence.sel $0xFFFF  }
0xc6: {  	[dreg:$0x0] =	wrdreg $0xFFFFFFFF;
	(pc) =	sbr.abs _section_cstart, $3  }
0xc7: {  	[dreg:$0x1] =	wrdreg $0xFFFFFFFF  }
0xc8: {  	_ =	task.clear_ibuf [dreg:s8], $0x2FFFF;
	_ =	strace $0x9FFFFFFF  }
0xc9: {  	(tm) =	ssettm $0x7FFFFFFF  }
tec
execute0_lowered:
.L_overlay_start_1:
0x0: {  	(tag) =	ssettag $0x1  }
0x1: {  	s4 =	rddreg [dreg:$0x0]  }
0x2: {  	s8 =	rddreg [dreg:$0x1]  }
0x3: {  	s7 =	rddreg [dreg:$0x2]  }
0x4: {  	s0 =	rddreg [dreg:$0x3];
	s1 =	stileid.u32  }
0x5: {  	s2 =	simm.s32 $0x0;
	s3 =	srdreg.scid;
	s13 =	simm.s32 $0x6600  }
0x6: {  	s14 =	simm.s32 $0x1;
	s15 =	simm.s32 $0x2;
	s5 =	smul.u32 $0x7D00, s1  }
0x7: {  	s16 =	simm.s32 $0x0;
	s6 =	sand.u32 $0x1, s3;
	s9 =	smul.u32 $0x7D0, s1  }
0x8: {  	[smem:$0x7FF] =	sst s2;
	s10 =	ssub.s32 $0x2, s6;
	s11 =	smul.u32 $0x3E8, s6  }
0x9: {  	s3 =	sadd.s32 $0xA200, s4;
	s6 =	smul.u32 $0x3E80, s6;
	s12 =	sshrl.u32 s10, $0x1  }
0xa: {  	_ =	strace $0x80000047;
	s5 =	sadd.s32 s5, s4;
	s31 =	ssub.s32 s10, s12  }
0xb: {  	s9 =	sadd.s32 s11, s9;
	s6 =	sadd.s32 s6, s5;
	s10 =	simm.s32 $0x100  }
0xc: {  	s11 =	simm.s32 $0xC8;
	s12 =	simm.s32 $0x200;
	s4 =	smax.u32 s31, $0x1  }
0xd: {  	s9 =	sshrl.u32 s9, $0x3;
	s5 =	sadd.s32 $0x31400, s6;
	s6 =	sadd.s32 $0xAE400, s6  }
0xe: {  	s7 =	sadd.s32 s9, s7;
	s8 =	sadd.s32 s9, s8;
	s9 =	simm.s32 $0x3  }
.LBB2_1:
0xf: {  	s17 =	sadd.s32 $0x0, s8  }
0x10: {  	[tilespmem:s2], [sflag:$0x3] =	stream.linear.gather [hbm4b:s17+s2], $0xC8, $0x38;
	[tilespmem:$0xCA00] =	vst v63  }
0x11: {  	_ =	swait.ge [sflag:s9], $0xC8  }
0x12: {  	[sflag:s9] =	ssyncset.done $0x0  }
0x13: {  	s31 =	sadd.s32 $0x0, s7;
	[sflag:s9] =	ssyncadd.s32 $0xFFFFFF38  }
0x14: {  	[tilespmem:s10], [sflag:$0x3] =	stream.linear.gather [hbm4b:s31+s2], $0xC8, $0x38;
	[tilespmem:$0xCA00] =	vst v63  }
0x15: {  	_ =	swait.ge [sflag:s9], $0xC8  }
0x16: {  	[sflag:s9] =	ssyncset.done $0x0  }
0x17: {  	[sflag:s9] =	ssyncadd.s32 $0xFFFFFF38  }
0x18: {  	[tilespmem:s12], [sflag:$0x1] =	stream.indirect.gather [hbm4b:s3+s11], $0x80, s2, s11, $0xb8;
	[tilespmem:$0xCA00] =	vst v63  }
0x19: {  	_ = 	snop  }
0x1a: {  	[tilespmem:s13], [sflag:$0x2] =	stream.indirect.gather [hbm4b:s3+s11], $0x80, s10, s11, $0xb8;
	[tilespmem:$0xCA00] =	vst v63  }
0x1b: {  	_ =	swait.ge [sflag:s14], $0x6400  }
0x1c: {  	[sflag:s14] =	ssyncset.done $0x0  }
0x1d: {  	[sflag:s14] =	ssyncadd.s32 $0xFFFF9C00  }
0x1e: {  	_ =	swait.ge [sflag:s15], $0x6400  }
0x1f: {  	[sflag:s15] =	ssyncset.done $0x0  }
0x20: {  	[sflag:s15] =	ssyncadd.s32 $0xFFFF9C00  }
0x21: {  	[hbm4b:s5+s2] =	stream.linear.scatter [tilespmem:s12], [sflag:$0x3], $0x6400, $0x38;
	[tilespmem:$0xCA00] =	vst v63  }
0x22: {  	_ =	swait.ge [sflag:s9], $0x6400  }
0x23: {  	[sflag:s9] =	ssyncset.done $0x0  }
0x24: {  	[sflag:s9] =	ssyncadd.s32 $0xFFFF9C00  }
0x25: {  	[hbm4b:s6+s2] =	stream.linear.scatter [tilespmem:s13], [sflag:$0x3], $0x6400, $0x38;
	[tilespmem:$0xCA00] =	vst v63  }
0x26: {  	s19 =	simm.s32 $0x19;
	s20 =	simm.s32 $0x32;
	_ =	swait.ge [sflag:s9], $0x6400  }
0x27: {  	s18 =	sadd.s32 $0xC80, s5;
	s17 =	sadd.s32 $0xC80, s6;
	[sflag:s9] =	ssyncset.done $0x0  }
.LBB2_2:
0x28: {  	s21 =	sadd.s32 s19, s8  }
0x29: {  	[sflag:s9] =	ssyncadd.s32 $0xFFFF9C00;
	s22 =	smov.u32 s20;
	s23 =	sadd.s32 $0x19, s20  }
0x2a: {  	[tilespmem:s2], [sflag:$0x3] =	stream.linear.gather [hbm4b:s21+s2], $0xC8, $0x38;
	[tilespmem:$0xCA00] =	vst v63  }
0x2b: {  	p0 =	sne.s32 s20, $0x64;
	_ =	swait.ge [sflag:s9], $0xC8  }
0x2c: {  	[sflag:s9] =	ssyncset.done $0x0  }
0x2d: {  	s20 =	sadd.s32 s19, s7;
	s19 =	smov.u32 s22;
	[sflag:s9] =	ssyncadd.s32 $0xFFFFFF38  }
0x2e: {  	[tilespmem:s10], [sflag:$0x3] =	stream.linear.gather [hbm4b:s20+s2], $0xC8, $0x38;
	[tilespmem:$0xCA00] =	vst v63  }
0x2f: {  	_ =	swait.ge [sflag:s9], $0xC8  }
0x30: {  	[sflag:s9] =	ssyncset.done $0x0  }
0x31: {  	[sflag:s9] =	ssyncadd.s32 $0xFFFFFF38  }
0x32: {  	[tilespmem:s12], [sflag:$0x1] =	stream.indirect.gather [hbm4b:s3+s11], $0x80, s2, s11, $0xb8;
	[tilespmem:$0xCA00] =	vst v63  }
0x33: {  	_ = 	snop  }
0x34: {  	[tilespmem:s13], [sflag:$0x2] =	stream.indirect.gather [hbm4b:s3+s11], $0x80, s10, s11, $0xb8;
	[tilespmem:$0xCA00] =	vst v63  }
0x35: {  	_ =	swait.ge [sflag:s14], $0x6400  }
0x36: {  	[sflag:s14] =	ssyncset.done $0x0  }
0x37: {  	[sflag:s14] =	ssyncadd.s32 $0xFFFF9C00  }
0x38: {  	_ =	swait.ge [sflag:s15], $0x6400  }
0x39: {  	[sflag:s15] =	ssyncset.done $0x0  }
0x3a: {  	[sflag:s15] =	ssyncadd.s32 $0xFFFF9C00  }
0x3b: {  	[hbm4b:s18+s2] =	stream.linear.scatter [tilespmem:s12], [sflag:$0x3], $0x6400, $0x38;
	[tilespmem:$0xCA00] =	vst v63  }
0x3c: {  	_ =	swait.ge [sflag:s9], $0x6400  }
.Ltmp0:
0x3d: {  	[sflag:s9] =	ssyncset.done $0x0;
	(pc) =	sbr.rel @p0 .LBB2_2-.Ltmp0, $4  }
0x3e: {  	[sflag:s9] =	ssyncadd.s32 $0xFFFF9C00  }
0x3f: {  	[hbm4b:s17+s2] =	stream.linear.scatter [tilespmem:s13], [sflag:$0x3], $0x6400, $0x38;
	[tilespmem:$0xCA00] =	vst v63  }
0x40: {  	s20 =	smov.u32 s23;
	_ =	swait.ge [sflag:s9], $0x6400  }
0x41: {  	s18 =	sadd.s32 $0xC80, s18;
	s17 =	sadd.s32 $0xC80, s17;
	[sflag:s9] =	ssyncset.done $0x0  }
0x42: {  	s20 =	sadd.s32 s19, s8;
	[sflag:s9] =	ssyncadd.s32 $0xFFFF9C00  }
0x43: {  	[tilespmem:s2], [sflag:$0x3] =	stream.linear.gather [hbm4b:s20+s2], $0xC8, $0x38;
	[tilespmem:$0xCA00] =	vst v63  }
0x44: {  	_ =	swait.ge [sflag:s9], $0xC8  }
0x45: {  	[sflag:s9] =	ssyncset.done $0x0  }
0x46: {  	s31 =	sadd.s32 s19, s7;
	[sflag:s9] =	ssyncadd.s32 $0xFFFFFF38  }
0x47: {  	[tilespmem:s10], [sflag:$0x3] =	stream.linear.gather [hbm4b:s31+s2], $0xC8, $0x38;
	[tilespmem:$0xCA00] =	vst v63  }
0x48: {  	_ =	swait.ge [sflag:s9], $0xC8  }
0x49: {  	[sflag:s9] =	ssyncset.done $0x0  }
0x4a: {  	[sflag:s9] =	ssyncadd.s32 $0xFFFFFF38  }
0x4b: {  	[tilespmem:s12], [sflag:$0x1] =	stream.indirect.gather [hbm4b:s3+s11], $0x80, s2, s11, $0xb8;
	[tilespmem:$0xCA00] =	vst v63  }
0x4c: {  	_ = 	snop  }
0x4d: {  	[tilespmem:s13], [sflag:$0x2] =	stream.indirect.gather [hbm4b:s3+s11], $0x80, s10, s11, $0xb8;
	[tilespmem:$0xCA00] =	vst v63  }
0x4e: {  	_ =	swait.ge [sflag:s14], $0x6400  }
0x4f: {  	[sflag:s14] =	ssyncset.done $0x0  }
0x50: {  	[sflag:s14] =	ssyncadd.s32 $0xFFFF9C00  }
0x51: {  	_ =	swait.ge [sflag:s15], $0x6400  }
0x52: {  	[sflag:s15] =	ssyncset.done $0x0  }
0x53: {  	[sflag:s15] =	ssyncadd.s32 $0xFFFF9C00  }
0x54: {  	[hbm4b:s18+s2] =	stream.linear.scatter [tilespmem:s12], [sflag:$0x3], $0x6400, $0x38;
	[tilespmem:$0xCA00] =	vst v63  }
0x55: {  	s16 =	sadd.s32 $0x1, s16;
	_ =	swait.ge [sflag:s9], $0x6400  }
0x56: {  	p0 =	sne.s32 s16, s4;
	[sflag:s9] =	ssyncset.done $0x0  }
.Ltmp1:
0x57: {  	[sflag:s9] =	ssyncadd.s32 $0xFFFF9C00;
	(pc) =	sbr.rel @p0 .LBB2_1-.Ltmp1, $4  }
0x58: {  	[hbm4b:s17+s2] =	stream.linear.scatter [tilespmem:s13], [sflag:$0x3], $0x6400, $0x38;
	[tilespmem:$0xCA00] =	vst v63  }
0x59: {  	_ =	swait.ge [sflag:s9], $0x6400  }
0x5a: {  	[sflag:s9] =	ssyncset.done $0x0  }
0x5b: {  	[sflag:s9] =	ssyncadd.s32 $0xFFFF9C00  }
0x5c: {  	_ =	sfence.sel $0x180000  }
0x5d: {  	[bflag:$0x0] =	sbarrier.arrive $0xFFFF  }
0x5e: {  	p0 =	sne.s32 s1, $0x0;
	_ =	strace $0x90000047  }
0x5f: {  	s0 =	sadd.s32 @!p0 $0x100000, s0;
	[bflag:$0x2] =	sbarrier.arrive $0xFFFF  }
0x60: {  	[sflag:s0] =	ssyncadd.tile.s32 @!p0 $0x1;
	_ =	shalt  }
.Lfunc_end2:
_tile_overlayer_lowered:
.L_overlay_start_2:
0x61: {  	(tag) =	ssettag $0x2  }
0x62: {  	s0 =	rddreg [dreg:$0x0];
	s2 =	stileid.u32  }
0x63: {  	s1 =	rddreg [dreg:$0x1];
	p0 =	sne.s32 s2, $0x0  }
0x64: {  	s3 =	rddreg [dreg:$0x2];
	[bflag:$0x3] =	sbarrier.arrive $0xFFFF;
	s2 =	simm.s32 @!p0 $0x1C03  }
0x65: {  	[timem:s3], [sflag:s2] =	dma.local @!p0 [hbm:s0], s1  }
0x66: {  	s0 =	simm.s32 @!p0 $0x3  }
0x67: {  	_ =	swait.ge @!p0 [sflag:s0], s1  }
0x68: {  	s1 =	ssub.s32 @!p0 $0x0, s1;
	[sflag:s0] =	ssyncset.done @!p0 $0x0  }
0x69: {  	[sflag:s0] =	ssyncadd.s32 @!p0 s1  }
0x6a: {  	[bflag:$0x3] =	sbarrier.arrive $0xFFFF  }
0x6b: {  	_ =	shalt  }

// kernel: kernel.20.cloned.1.call-start
scs
__scs_entry_jumppad:
0x0: {  	(pc) =	sbr.rel $0x88, $3  }
0x1: {  	(tag) =	ssettag $0x0;
	lr =	simm.s32 $0x1  }
0x2: {  	[smem:$0x3F94] =	sst lr;
	_ =	strace $0xD0000000  }
0x3: {  	_ = 	snop  }
0x4: {  	_ = 	snop  }
0x5: {  	_ = 	snop  }
0x6: {  	_ = 	snop  }
0x7: {  	_ = 	snop  }
__scs_overlays_trampoline_lowered:
0x8: {  	[smem:$0x3FA3] =	sst s0  }
0x9: {  	[smem:$0x3FA4] =	sst s1  }
0xa: {  	[smem:$0x3FA5] =	sst s2  }
0xb: {  	[smem:$0x3FA6] =	sst s3  }
0xc: {  	[smem:$0x3FA7] =	sst s4  }
0xd: {  	[smem:$0x3FA8] =	sst s5  }
0xe: {  	[smem:$0x3FA9] =	sst s6  }
0xf: {  	[smem:$0x3FAA] =	sst s7  }
0x10: {  	[smem:$0x3FAB] =	sst s8  }
0x11: {  	[smem:$0x3FAC] =	sst s9;
	s0 =	simm.s32 @!p0 $0x0  }
0x12: {  	s1 =	sld [smem:$0x3F92];
	s0 =	simm.s32 @p0 $0x1  }
0x13: {  	[smem:$0x3FAD] =	sst s0;
	s0 =	simm.s32 @!p1 $0x0  }
0x14: {  	s2 =	sld [smem:$0x3F91];
	s0 =	simm.s32 @p1 $0x1  }
0x15: {  	[smem:$0x3FAE] =	sst s0;
	s0 =	simm.s32 @!p2 $0x0  }
0x16: {  	s3 =	sld [smem:$0x3FDB];
	s0 =	simm.s32 @p2 $0x1  }
0x17: {  	s4 =	simm.s32 $0x1BF5;
	[smem:$0x3FB0] =	sst s0  }
0x18: {  	s0 =	sld [smem:$0x3F93];
	_ =	swait.ge [sflag:s4], $0x0  }
0x19: {  	s7 =	sld [smem:$0x3F94]  }
0x1a: {  	s8 =	sadd.s32 $0xFFFFE003, lr  }
0x1b: {  	s9 =	sadd.s32 $0xFFFFFEF7, lr;
	s5 =	simm.s32 $0xFFFFFFFF;
	p2 =	slt.u32 s8, $0xFFFFF086  }
0x1c: {  	p1 =	slt.u32 s9, $0xF7A;
	s5 =	simm.s32 @!p2 $0x0  }
0x1d: {  	s5 =	simm.s32 @p1 $0x1;
	p0 =	seq.s32 s7, s2  }
0x1e: {  	s7 =	smul.u32 @!p0 $0xF7A, s2;
	p2 =	seq.s32 @!p0 s5, $0x0  }
0x1f: {  	s9 =	smul.u32 $0xF7A, s1;
	s8 =	simm.s32 @!p0 $0x1BF5;
	p2 =	por !p2, p0  }
0x20: {  	[sflag:s8] =	ssyncset.s32 @!p0 $0xFFFFF086;
	s6 =	sadd.s32 @!p0 s3, s7;
	s7 =	simm.s32 @!p0 $0x108  }
0x21: {  	s3 =	sadd.s32 s3, s9;
	s6 =	sadd.s32 @!p0 $0x88, s6;
	s7 =	simm.s32 @p2 $0x1082  }
0x22: {  	[simem:s7], [sflag:s8] =	dma.local @!p0 [hbm:s6], $0xF7A  }
0x23: {  	s9 =	sor.u32 $0xD0000000, s2;
	s6 =	simm.s32 $0x108;
	_ =	swait.ge @!p0 [sflag:s8], $0x0  }
0x24: {  	s3 =	sadd.s32 $0x88, s3;
	s6 =	simm.s32 @!p1 $0x1082;
	[sflag:s4] =	ssyncset.s32 $0xFFFFF086  }
0x25: {  	[simem:s6], [sflag:s4] =	dma.local [hbm:s3], $0xF7A  }
0x26: {  	[smem:$0x3F94] =	sst s1;
	(tag) =	ssettag s2;
	_ =	strace s9  }
0x27: {  	s1 =	sld [smem:$0x3FA4]  }
0x28: {  	s2 =	sld [smem:$0x3FA5]  }
0x29: {  	s4 =	sld [smem:$0x3FA7]  }
0x2a: {  	p0 =	seq.s32 s5, $0x0;
	s5 =	sld [smem:$0x3FA8]  }
0x2b: {  	s6 =	sld [smem:$0x3FA9]  }
0x2c: {  	s7 =	sld [smem:$0x3FAA]  }
0x2d: {  	s3 =	simm.s32 $0x108;
	s8 =	sld [smem:$0x3FAB]  }
0x2e: {  	s3 =	simm.s32 @!p0 $0x1082;
	s9 =	sld [smem:$0x3FAC]  }
0x2f: {  	lr =	sadd.s32 s0, s3;
	s0 =	sld [smem:$0x3FA3]  }
0x30: {  	s3 =	sld [smem:$0x3FA6]  }
0x31: {  	[smem:$0x3FAF] =	sst s10  }
0x32: {  	s10 =	sld [smem:$0x3FAD];
	_ =	sdelay $0x3  }
0x33: {  	p0 =	seq.s32 s10, $0x1;
	s10 =	sld [smem:$0x3FAF];
	_ =	sdelay $0x3  }
0x34: {  	[smem:$0x3FAF] =	sst s10  }
0x35: {  	s10 =	sld [smem:$0x3FAE];
	_ =	sdelay $0x3  }
0x36: {  	p1 =	seq.s32 s10, $0x1;
	s10 =	sld [smem:$0x3FAF];
	_ =	sdelay $0x3  }
0x37: {  	[smem:$0x3FAF] =	sst s10  }
0x38: {  	s10 =	sld [smem:$0x3FB0]  }
0x39: {  	_ = 	snop;
	(pc) =	sbr.ind lr, $3  }
0x3a: {  	_ = 	snop  }
0x3b: {  	_ = 	snop  }
0x3c: {  	p2 =	seq.s32 s10, $0x1;
	s10 =	sld [smem:$0x3FAF]  }
0x3d: {  	_ =	shalt  }
0x3e: {  	_ =	shalt  }
0x3f: {  	_ =	shalt  }
0x40: {  	_ =	shalt  }
0x41: {  	_ =	shalt  }
0x42: {  	_ =	shalt  }
0x43: {  	_ =	shalt  }
0x44: {  	_ =	shalt  }
0x45: {  	_ =	shalt  }
0x46: {  	_ =	shalt  }
0x47: {  	_ =	shalt  }
0x48: {  	_ =	shalt  }
0x49: {  	_ =	shalt  }
0x4a: {  	_ =	shalt  }
0x4b: {  	_ =	shalt  }
0x4c: {  	_ =	shalt  }
0x4d: {  	_ =	shalt  }
0x4e: {  	_ =	shalt  }
0x4f: {  	_ =	shalt  }
0x50: {  	_ =	shalt  }
0x51: {  	_ =	shalt  }
0x52: {  	_ =	shalt  }
0x53: {  	_ =	shalt  }
0x54: {  	_ =	shalt  }
0x55: {  	_ =	shalt  }
0x56: {  	_ =	shalt  }
0x57: {  	_ =	shalt  }
0x58: {  	_ =	shalt  }
0x59: {  	_ =	shalt  }
0x5a: {  	_ =	shalt  }
0x5b: {  	_ =	shalt  }
0x5c: {  	_ =	shalt  }
0x5d: {  	_ =	shalt  }
0x5e: {  	_ =	shalt  }
0x5f: {  	_ =	shalt  }
0x60: {  	_ =	shalt  }
0x61: {  	_ =	shalt  }
0x62: {  	_ =	shalt  }
0x63: {  	_ =	shalt  }
0x64: {  	_ =	shalt  }
0x65: {  	_ =	shalt  }
0x66: {  	_ =	shalt  }
0x67: {  	_ =	shalt  }
0x68: {  	_ =	shalt  }
0x69: {  	_ =	shalt  }
0x6a: {  	_ =	shalt  }
0x6b: {  	_ =	shalt  }
0x6c: {  	_ =	shalt  }
0x6d: {  	_ =	shalt  }
0x6e: {  	_ =	shalt  }
0x6f: {  	_ =	shalt  }
0x70: {  	_ =	shalt  }
0x71: {  	_ =	shalt  }
0x72: {  	_ =	shalt  }
0x73: {  	_ =	shalt  }
0x74: {  	_ =	shalt  }
0x75: {  	_ =	shalt  }
0x76: {  	_ =	shalt  }
0x77: {  	_ =	shalt  }
0x78: {  	_ =	shalt  }
0x79: {  	_ =	shalt  }
0x7a: {  	_ =	shalt  }
0x7b: {  	_ =	shalt  }
0x7c: {  	_ =	shalt  }
0x7d: {  	_ =	shalt  }
0x7e: {  	_ =	shalt  }
0x7f: {  	_ =	shalt  }
0x80: {  	_ =	shalt  }
0x81: {  	_ =	shalt  }
0x82: {  	_ =	shalt  }
0x83: {  	_ =	shalt  }
0x84: {  	_ =	shalt  }
0x85: {  	_ =	shalt  }
0x86: {  	_ =	shalt  }
0x87: {  	_ =	shalt  }
.Lfunc_end0:
.L_simem_size_0:
called_computation.1_lowered:
.L_overlay_start_0:
0x88: {  	s2 =	sld [smem:$0x3FD9]  }
0x89: {  	s3 =	sld [smem:$0x3FFE];
	_ =	sdelay $0x1  }
0x8a: {  	s1 =	srdreg.scid  }
0x8b: {  	s0 =	sand.u32 $0x1, s1  }
0x8c: {  	s15 =	sshll.u32 s0, $0xA;
	s2 =	sadd.s32 s3, s2  }
0x8d: {  	s2 =	sadd.s32 s2, s15  }
0x8e: {  	[smem:$0x3FBB] =	sst s2  }
0x8f: {  	_ = 	snop  }
0x90: {  	s2 =	sld [smem:$0x3FD0];
	_ =	sdelay $0x2  }
0x91: {  	s5 =	simm.s32 $0xC;
	s4 =	simm.s32 $0x10;
	s16 =	sld [smem:$0x3FC9]  }
0x92: {  	[smem:s4], [sflag:s5] =	dma.local [hbm:s2], $0x1  }
0x93: {  	_ =	swait.eq [sflag:s5], $0x1  }
0x94: {  	[sflag:s5] =	ssyncset.done $0x0  }
0x95: {  	s17 =	sld [smem:$0x10];
	[sflag:s5] =	ssyncadd.s32 $0xFFFFFFFF  }
0x96: {  	s18 =	sld [smem:$0x11];
	(tm) =	ssettm $0x1  }
0x97: {  	s19 =	sld [smem:$0x3FFB];
	_ =	sdelay $0x3  }
0x98: {  	_ =	strace s19  }
0x99: {  	s2 =	sld [smem:$0x3FFC];
	_ =	sdelay $0x3  }
0x9a: {  	_ =	strace s2  }
0x9b: {  	s2 =	sld [smem:$0x3FFD];
	_ =	sdelay $0x3  }
0x9c: {  	_ =	strace s2  }
0x9d: {  	_ =	strace $0x8FFFFFFF  }
0x9e: {  	s20 =	sld [smem:$0x3FDB];
	_ =	sdelay $0x1  }
0x9f: {  	s6 =	simm.s32 $_scs_section_size  }
0xa0: {  	s7 =	simm.s32 $_size__tile_overlayer_lowered;
	s8 =	simm.s32 $_tile_overlayer_lowered  }
0xa1: {  	s9 =	simm.s32 $0x1BFF;
	s21 =	sshll.u32 s8, $0x1;
	s6 =	sadd.s32 s6, s20  }
0xa2: {  	s22 =	simm.s32 $0x0;
	s7 =	sshll.u32 s7, $0x1;
	s8 =	sadd.s32 s21, s6  }
0xa3: {  	[timem:s22], [sflag:s9] =	dma.local [hbm:s8], s7  }
0xa4: {  	_ =	swait.ge [sflag:s9], s7  }
0xa5: {  	s7 =	ssub.s32 $0x0, s7;
	[sflag:s9] =	ssyncset.done $0x0  }
0xa6: {  	[sflag:s9] =	ssyncadd.s32 s7;
	_ =	sdelay $0x1  }
0xa7: {  	s23 =	simm.s32 $0x1B8B  }
0xa8: {  	_ =	swait.ge [sflag:s23], $0x1  }
0xa9: {  	[sflag:s23] =	ssyncset.done $0x0  }
0xaa: {  	[sflag:s23] =	ssyncadd.s32 $0xFFFFFFFF  }
0xab: {  	s7 =	sld [smem:$0x0]  }
0xac: {  	s8 =	sand.u32 $0xFFFFFFFE, s1  }
0xad: {  	p0 =	sne.s32 s1, s8  }
0xae: {  	s8 =	sshll.u32 @p0 s8, $0xE  }
0xaf: {  	s8 =	sadd.s32 @p0 $0x11B8D, s8;
	s9 =	sshll.u32 @p0 s7, $0x11  }
0xb0: {  	s8 =	sor.u32 @p0 s9, s8  }
0xb1: {  	[sflag:s8] =	ssyncadd.remote.s32 @p0 $0x1;
	_ =	sdelay $0x1  }
0xb2: {  	s8 =	simm.s32 @p0 $0x1B8D  }
0xb3: {  	_ =	swait.eq @p0 [sflag:s8], $0x1  }
0xb4: {  	[sflag:s8] =	ssyncadd.s32 @p0 $0xFFFFFFFF  }
0xb5: {  	s9 =	sshll.u32 @!p0 s1, $0xE  }
0xb6: {  	s9 =	sor.u32 @!p0 $0x4000, s9;
	s8 =	simm.s32 @!p0 $0x1B8D  }
0xb7: {  	s7 =	sshll.u32 @!p0 s7, $0x11;
	s9 =	sadd.s32 @!p0 $0x11B8D, s9;
	_ =	swait.eq @!p0 [sflag:s8], $0x1  }
0xb8: {  	s7 =	sor.u32 @!p0 s7, s9;
	[sflag:s8] =	ssyncadd.s32 @!p0 $0xFFFFFFFF  }
0xb9: {  	s25 =	simm.s32 $0x1B8E;
	s24 =	sld [smem:$0x3FFE];
	[sflag:s7] =	ssyncadd.remote.s32 @!p0 $0x1  }
0xba: {  	s26 =	simm.s32 $execute0_lowered;
	[smem:$0x3FD2] =	sst s25  }
0xbb: {  	s8 =	sshll.u32 s26, $0x1;
	_ =	strace $0x8000004C;
	[dreg:$0x1] =	wrdreg $0xFFFFFFFF  }
0xbc: {  	s28 =	simm.s32 $_size_execute0_lowered;
	s6 =	sadd.s32 s6, s8;
	[dreg:$0x0] =	wrdreg $0x0  }
0xbd: {  	s8 =	sshll.u32 s28, $0x1;
	[dreg:$0x2] =	wrdreg s6  }
0xbe: {  	[dreg:$0x3] =	wrdreg s8  }
0xbf: {  	[dreg:$0x4] =	wrdreg $0xC0  }
0xc0: {  	_ =	task [dreg:s22], $0x5FFFF  }
0xc1: {  	[dreg:$0x1] =	wrdreg $0xFFFFFFFF  }
0xc2: {  	[dreg:$0x0] =	wrdreg $0x60  }
0xc3: {  	[dreg:$0x2] =	wrdreg s16  }
0xc4: {  	[dreg:$0x3] =	wrdreg s18  }
0xc5: {  	[dreg:$0x4] =	wrdreg s24  }
0xc6: {  	[dreg:$0x5] =	wrdreg s17  }
0xc7: {  	[dreg:$0x6] =	wrdreg $0x65000  }
0xc8: {  	[dreg:$0x7] =	wrdreg $0xB  }
0xc9: {  	_ =	task.clear_ibuf [dreg:s22], $0x8FFFF;
	_ =	strace $0x9000004C  }
0xca: {  	s29 =	simm.s32 $0xB;
	_ =	strace $0x8000004E  }
0xcb: {  	_ =	swait.ge [sflag:s29], $0x1  }
0xcc: {  	[sflag:s29] =	ssyncadd.s32 $0xFFFFFFFF  }
0xcd: {  	_ =	strace $0x9000004E  }
0xce: {  	_ =	sfence  }
0xcf: {  	s30 =	sld [smem:$0x0];
	_ =	sdelay $0x2  }
0xd0: {  	s31 =	sshll.u32 s1, $0xD;
	s1 =	sshrl.u32 s1, $0x2  }
0xd1: {  	s4 =	sand.u32 $0x4000, s31;
	s1 =	sadd.s32 s1, s30  }
0xd2: {  	s0 =	sor.u32 s4, s0;
	s1 =	sshll.u32 s1, $0x11  }
0xd3: {  	s0 =	sor.u32 s1, s0  }
0xd4: {  	s0 =	sadd.s32 $0x8F2B, s0  }
0xd5: {  	[sflag:s0] =	ssyncadd.remote.s32 $0x1  }
0xd6: {  	_ =	sfence.sel $0xFFFF  }
0xd7: {  	[dreg:$0x0] =	wrdreg $0xFFFFFFFF;
	(pc) =	sbr.abs _section_cstart, $3  }
0xd8: {  	[dreg:$0x1] =	wrdreg $0xFFFFFFFF  }
0xd9: {  	_ =	task.clear_ibuf [dreg:s22], $0x2FFFF;
	_ =	strace $0x9FFFFFFF  }
0xda: {  	(tm) =	ssettm $0x7FFFFFFF  }
0xdb: {  	_ =	shalt  }
tec
execute0_lowered:
.L_overlay_start_1:
0x0: {  	(tag) =	ssettag $0x1  }
0x1: {  	s5 =	rddreg [dreg:$0x0]  }
0x2: {  	s11 =	rddreg [dreg:$0x1]  }
0x3: {  	s4 =	rddreg [dreg:$0x2]  }
0x4: {  	s8 =	rddreg [dreg:$0x3]  }
0x5: {  	s1 =	srdreg.scid;
	s0 =	stileid.u32  }
0x6: {  	s2 =	rddreg [dreg:$0x4];
	s3 =	simm.s32 $0x0;
	s16 =	simm.s32 $0x1  }
0x7: {  	s18 =	simm.s32 $0x400;
	s19 =	simm.s32 $0x800;
	s20 =	simm.s32 $0xC8  }
0x8: {  	s6 =	sand.u32 $0x1, s1;
	s7 =	smul.u32 $0x7D000, s0;
	s1 =	rddreg [dreg:$0x5]  }
0x9: {  	s21 =	simm.s32 $0x0;
	[smem:$0x7FF] =	sst s3;
	s10 =	smul.u32 $0x4E000, s0  }
0xa: {  	s13 =	smul.u32 $0x27000, s0;
	s30 =	sshll.u32 s0, $0x6;
	s17 =	sadd.s32 $0x138000, s2  }
0xb: {  	s15 =	smul.u32 $0xFA, s0;
	p0 =	sne.s32 s0, $0xF;
	s9 =	sshll.u32 s6, $0xA  }
0xc: {  	s12 =	ssub.s32 $0x2, s6;
	_ =	strace $0x8000004D;
	s29 =	sshll.u32 s6, $0x7  }
0xd: {  	s17 =	sshrl.u32 @!p0 s17, $0x3;
	s7 =	sor.u32 s9, s7;
	s24 =	sshrl.u32 s12, $0x1  }
0xe: {  	s25 =	sshrl.u32 s10, $0x2;
	s26 =	sor.u32 s9, s13;
	s31 =	sadd.s32 s29, s5  }
0xf: {  	s11 =	sadd.s32 s15, s11;
	s13 =	simm.s32 $0x8;
	s15 =	simm.s32 $0x100  }
0x10: {  	s7 =	sshrl.u32 s7, $0x3;
	s12 =	ssub.s32 s12, s24;
	s28 =	sadd.s32 s25, s2  }
0x11: {  	s6 =	sadd.s32 $0x4E000, s31;
	s14 =	sadd.s32 s7, s4;
	s7 =	sshrl.u32 s26, $0x3  }
0x12: {  	s9 =	smax.u32 s12, $0x1;
	s12 =	sshrl.u32 s28, $0x3;
	s4 =	sadd.s32 s5, s7  }
0x13: {  	s5 =	sor.u32 $0x1C01, s30;
	s7 =	sadd.s32 s8, s7;
	s8 =	sadd.s32 s29, s8  }
0x14: {  	s10 =	sadd.s32 $0x2C9800, s14;
	s14 =	simm.s32 $0x80;
	s8 =	sadd.s32 $0x4E000, s8  }
.LBB2_1:
0x15: {  	[spmem:s12@s14], [sflag:s5] =	dma.strided [hbm:s4@s15], $0x2700, s13, $0x10   }
0x16: {  	_ =	swait.ge [sflag:s16], $0x2700  }
0x17: {  	s22 =	simm.s32 @!p0 $0x8;
	[sflag:s16] =	ssyncset.done $0x0  }
0x18: {  	s23 =	simm.s32 @!p0 $0x80;
	s24 =	simm.s32 @!p0 $0x100;
	[sflag:s16] =	ssyncadd.s32 $0xFFFFD900  }
0x19: {  	[spmem:s17@s23], [sflag:s5] =	dma.strided @!p0 [hbm:s6@s24], $0x100, s22, $0x10   }
0x1a: {  	s22 =	simm.s32 @!p0 $0x1  }
0x1b: {  	_ =	swait.ge @!p0 [sflag:s22], $0x100  }
0x1c: {  	[sflag:s22] =	ssyncset.done @!p0 $0x0  }
0x1d: {  	[sflag:s22] =	ssyncadd.s32 @!p0 $0xFFFFFF00  }
0x1e: {  	s31 =	sadd.s32 $0x0, s11;
	[bflag:$0x0] =	sbarrier.arrive $0xFFFF  }
0x1f: {  	[tilespmem:s3], [sflag:$0x1] =	stream.linear.gather [hbm4b:s31+s3], $0xC8, $0x38;
	[tilespmem:$0x19D80] =	vst v63  }
0x20: {  	_ =	swait.ge [sflag:s16], $0xC8  }
0x21: {  	[sflag:s16] =	ssyncset.done $0x0  }
0x22: {  	[sflag:s16] =	ssyncadd.s32 $0xFFFFFF38  }
0x23: {  	[tilespmem:s15], [sflag:$0x1] =	stream.strided.gather [hbm4b:s10+s18], $0x6400, s19, s18, $0x38;
	[tilespmem:$0x19D80] =	vst v63  }
0x24: {  	_ =	swait.ge [sflag:s16], $0x6400  }
0x25: {  	[sflag:s16] =	ssyncset.done $0x0  }
0x26: {  	[sflag:s16] =	ssyncadd.s32 $0xFFFF9C00  }
0x27: {  	[spmem:s2] =	stream.indirect.scatter.add.f32 [tilespmem:s15], [sflag:$0x1], $0x80, s3, s20, $0xb8;
	[tilespmem:$0x19D80] =	vst v63  }
0x28: {  	s23 =	simm.s32 $0x19;
	_ =	swait.ge [sflag:s16], $0x6400  }
0x29: {  	s24 =	simm.s32 $0x32;
	s22 =	sadd.s32 $0x1900, s10;
	[sflag:s16] =	ssyncset.done $0x0  }
.LBB2_2:
0x2a: {  	s25 =	sadd.s32 s23, s11  }
0x2b: {  	[sflag:s16] =	ssyncadd.s32 $0xFFFF9C00;
	s23 =	smov.u32 s24;
	s26 =	sadd.s32 $0x19, s24  }
0x2c: {  	[tilespmem:s3], [sflag:$0x1] =	stream.linear.gather [hbm4b:s25+s3], $0xC8, $0x38;
	[tilespmem:$0x19D80] =	vst v63  }
0x2d: {  	p1 =	sne.s32 s24, $0xE1;
	_ =	swait.ge [sflag:s16], $0xC8  }
0x2e: {  	[sflag:s16] =	ssyncset.done $0x0  }
0x2f: {  	[sflag:s16] =	ssyncadd.s32 $0xFFFFFF38  }
0x30: {  	[tilespmem:s15], [sflag:$0x1] =	stream.strided.gather [hbm4b:s22+s18], $0x6400, s19, s18, $0x38;
	[tilespmem:$0x19D80] =	vst v63  }
0x31: {  	_ =	swait.ge [sflag:s16], $0x6400  }
.Ltmp0:
0x32: {  	[sflag:s16] =	ssyncset.done $0x0;
	(pc) =	sbr.rel @p1 .LBB2_2-.Ltmp0, $4  }
0x33: {  	[sflag:s16] =	ssyncadd.s32 $0xFFFF9C00  }
0x34: {  	[spmem:s2] =	stream.indirect.scatter.add.f32 [tilespmem:s15], [sflag:$0x1], $0x80, s3, s20, $0xb8;
	[tilespmem:$0x19D80] =	vst v63  }
0x35: {  	_ =	swait.ge [sflag:s16], $0x6400  }
0x36: {  	s24 =	smov.u32 s26;
	s22 =	sadd.s32 $0x1900, s22;
	[sflag:s16] =	ssyncset.done $0x0  }
0x37: {  	s23 =	sadd.s32 s23, s11;
	[sflag:s16] =	ssyncadd.s32 $0xFFFF9C00  }
0x38: {  	[tilespmem:s3], [sflag:$0x1] =	stream.linear.gather [hbm4b:s23+s3], $0xC8, $0x38;
	[tilespmem:$0x19D80] =	vst v63  }
0x39: {  	_ =	swait.ge [sflag:s16], $0xC8  }
0x3a: {  	[sflag:s16] =	ssyncset.done $0x0  }
0x3b: {  	[sflag:s16] =	ssyncadd.s32 $0xFFFFFF38  }
0x3c: {  	[tilespmem:s15], [sflag:$0x1] =	stream.strided.gather [hbm4b:s22+s18], $0x6400, s19, s18, $0x38;
	[tilespmem:$0x19D80] =	vst v63  }
0x3d: {  	_ =	swait.ge [sflag:s16], $0x6400  }
0x3e: {  	[sflag:s16] =	ssyncset.done $0x0  }
0x3f: {  	[sflag:s16] =	ssyncadd.s32 $0xFFFF9C00  }
0x40: {  	[spmem:s2] =	stream.indirect.scatter.add.f32 [tilespmem:s15], [sflag:$0x1], $0x80, s3, s20, $0xb8;
	[tilespmem:$0x19D80] =	vst v63  }
0x41: {  	_ =	swait.ge [sflag:s16], $0x6400  }
0x42: {  	[sflag:s16] =	ssyncset.done $0x0  }
0x43: {  	[sflag:s16] =	ssyncadd.s32 $0xFFFF9C00  }
0x44: {  	[bflag:$0x0] =	sbarrier.arrive $0xFFFF  }
0x45: {  	[hbm:s7@s15], [sflag:s5] =	dma.strided [spmem:s12@s14], $0x2700, s13, $0x10   }
0x46: {  	s24 =	simm.s32 @!p0 $0x80;
	_ =	swait.ge [sflag:s16], $0x2700  }
0x47: {  	s21 =	sadd.s32 $0x1, s21;
	s23 =	simm.s32 @!p0 $0x100;
	[sflag:s16] =	ssyncset.done $0x0  }
0x48: {  	p1 =	sne.s32 s21, s9;
	s22 =	simm.s32 @!p0 $0x8;
	[sflag:s16] =	ssyncadd.s32 $0xFFFFD900  }
0x49: {  	[hbm:s8@s23], [sflag:s5] =	dma.strided @!p0 [spmem:s17@s24], $0x100, s22, $0x10   }
.Ltmp1:
0x4a: {  	_ = 	snop;
	(pc) =	sbr.rel @p1 .LBB2_1-.Ltmp1, $4  }
0x4b: {  	s22 =	simm.s32 @!p0 $0x1  }
0x4c: {  	_ =	swait.ge @!p0 [sflag:s22], $0x100  }
0x4d: {  	[sflag:s22] =	ssyncset.done @!p0 $0x0  }
0x4e: {  	[sflag:s22] =	ssyncadd.s32 @!p0 $0xFFFFFF00  }
0x4f: {  	_ =	sfence.sel $0x180000  }
0x50: {  	[bflag:$0x0] =	sbarrier.arrive $0xFFFF  }
0x51: {  	p0 =	sne.s32 s0, $0x0;
	_ =	strace $0x9000004D  }
0x52: {  	s0 =	sadd.s32 @!p0 $0x100000, s1;
	[bflag:$0x2] =	sbarrier.arrive $0xFFFF  }
0x53: {  	[sflag:s0] =	ssyncadd.tile.s32 @!p0 $0x1;
	_ =	shalt  }
.Lfunc_end2:
_tile_overlayer_lowered:
.L_overlay_start_2:
0x54: {  	(tag) =	ssettag $0x2  }
0x55: {  	s0 =	rddreg [dreg:$0x0];
	s2 =	stileid.u32  }
0x56: {  	s1 =	rddreg [dreg:$0x1];
	p0 =	sne.s32 s2, $0x0  }
0x57: {  	s3 =	rddreg [dreg:$0x2];
	[bflag:$0x3] =	sbarrier.arrive $0xFFFF;
	s2 =	simm.s32 @!p0 $0x1C01  }
0x58: {  	[timem:s3], [sflag:s2] =	dma.local @!p0 [hbm:s0], s1  }
0x59: {  	s0 =	simm.s32 @!p0 $0x1  }
0x5a: {  	_ =	swait.ge @!p0 [sflag:s0], s1  }
0x5b: {  	s1 =	ssub.s32 @!p0 $0x0, s1;
	[sflag:s0] =	ssyncset.done @!p0 $0x0  }
0x5c: {  	[sflag:s0] =	ssyncadd.s32 @!p0 s1  }
0x5d: {  	[bflag:$0x3] =	sbarrier.arrive $0xFFFF  }
0x5e: {  	_ =	shalt  }

// kernel: kernel.23.cloned.1.call-start
scs
__scs_entry_jumppad:
0x0: {  	(pc) =	sbr.rel $0x88, $3  }
0x1: {  	(tag) =	ssettag $0x0;
	lr =	simm.s32 $0x1  }
0x2: {  	[smem:$0x3F94] =	sst lr;
	_ =	strace $0xD0000000  }
0x3: {  	_ = 	snop  }
0x4: {  	_ = 	snop  }
0x5: {  	_ = 	snop  }
0x6: {  	_ = 	snop  }
0x7: {  	_ = 	snop  }
__scs_overlays_trampoline_lowered:
0x8: {  	[smem:$0x3FA3] =	sst s0  }
0x9: {  	[smem:$0x3FA4] =	sst s1  }
0xa: {  	[smem:$0x3FA5] =	sst s2  }
0xb: {  	[smem:$0x3FA6] =	sst s3  }
0xc: {  	[smem:$0x3FA7] =	sst s4  }
0xd: {  	[smem:$0x3FA8] =	sst s5  }
0xe: {  	[smem:$0x3FA9] =	sst s6  }
0xf: {  	[smem:$0x3FAA] =	sst s7  }
0x10: {  	[smem:$0x3FAB] =	sst s8  }
0x11: {  	[smem:$0x3FAC] =	sst s9;
	s0 =	simm.s32 @!p0 $0x0  }
0x12: {  	s1 =	sld [smem:$0x3F92];
	s0 =	simm.s32 @p0 $0x1  }
0x13: {  	[smem:$0x3FAD] =	sst s0;
	s0 =	simm.s32 @!p1 $0x0  }
0x14: {  	s2 =	sld [smem:$0x3F91];
	s0 =	simm.s32 @p1 $0x1  }
0x15: {  	[smem:$0x3FAE] =	sst s0;
	s0 =	simm.s32 @!p2 $0x0  }
0x16: {  	s3 =	sld [smem:$0x3FDB];
	s0 =	simm.s32 @p2 $0x1  }
0x17: {  	s4 =	simm.s32 $0x1BF5;
	[smem:$0x3FB0] =	sst s0  }
0x18: {  	s0 =	sld [smem:$0x3F93];
	_ =	swait.ge [sflag:s4], $0x0  }
0x19: {  	s7 =	sld [smem:$0x3F94]  }
0x1a: {  	s8 =	sadd.s32 $0xFFFFE003, lr  }
0x1b: {  	s9 =	sadd.s32 $0xFFFFFEF7, lr;
	s5 =	simm.s32 $0xFFFFFFFF;
	p2 =	slt.u32 s8, $0xFFFFF086  }
0x1c: {  	p1 =	slt.u32 s9, $0xF7A;
	s5 =	simm.s32 @!p2 $0x0  }
0x1d: {  	s5 =	simm.s32 @p1 $0x1;
	p0 =	seq.s32 s7, s2  }
0x1e: {  	s7 =	smul.u32 @!p0 $0xF7A, s2;
	p2 =	seq.s32 @!p0 s5, $0x0  }
0x1f: {  	s9 =	smul.u32 $0xF7A, s1;
	s8 =	simm.s32 @!p0 $0x1BF5;
	p2 =	por !p2, p0  }
0x20: {  	[sflag:s8] =	ssyncset.s32 @!p0 $0xFFFFF086;
	s6 =	sadd.s32 @!p0 s3, s7;
	s7 =	simm.s32 @!p0 $0x108  }
0x21: {  	s3 =	sadd.s32 s3, s9;
	s6 =	sadd.s32 @!p0 $0x88, s6;
	s7 =	simm.s32 @p2 $0x1082  }
0x22: {  	[simem:s7], [sflag:s8] =	dma.local @!p0 [hbm:s6], $0xF7A  }
0x23: {  	s9 =	sor.u32 $0xD0000000, s2;
	s6 =	simm.s32 $0x108;
	_ =	swait.ge @!p0 [sflag:s8], $0x0  }
0x24: {  	s3 =	sadd.s32 $0x88, s3;
	s6 =	simm.s32 @!p1 $0x1082;
	[sflag:s4] =	ssyncset.s32 $0xFFFFF086  }
0x25: {  	[simem:s6], [sflag:s4] =	dma.local [hbm:s3], $0xF7A  }
0x26: {  	[smem:$0x3F94] =	sst s1;
	(tag) =	ssettag s2;
	_ =	strace s9  }
0x27: {  	s1 =	sld [smem:$0x3FA4]  }
0x28: {  	s2 =	sld [smem:$0x3FA5]  }
0x29: {  	s4 =	sld [smem:$0x3FA7]  }
0x2a: {  	p0 =	seq.s32 s5, $0x0;
	s5 =	sld [smem:$0x3FA8]  }
0x2b: {  	s6 =	sld [smem:$0x3FA9]  }
0x2c: {  	s7 =	sld [smem:$0x3FAA]  }
0x2d: {  	s3 =	simm.s32 $0x108;
	s8 =	sld [smem:$0x3FAB]  }
0x2e: {  	s3 =	simm.s32 @!p0 $0x1082;
	s9 =	sld [smem:$0x3FAC]  }
0x2f: {  	lr =	sadd.s32 s0, s3;
	s0 =	sld [smem:$0x3FA3]  }
0x30: {  	s3 =	sld [smem:$0x3FA6]  }
0x31: {  	[smem:$0x3FAF] =	sst s10  }
0x32: {  	s10 =	sld [smem:$0x3FAD];
	_ =	sdelay $0x3  }
0x33: {  	p0 =	seq.s32 s10, $0x1;
	s10 =	sld [smem:$0x3FAF];
	_ =	sdelay $0x3  }
0x34: {  	[smem:$0x3FAF] =	sst s10  }
0x35: {  	s10 =	sld [smem:$0x3FAE];
	_ =	sdelay $0x3  }
0x36: {  	p1 =	seq.s32 s10, $0x1;
	s10 =	sld [smem:$0x3FAF];
	_ =	sdelay $0x3  }
0x37: {  	[smem:$0x3FAF] =	sst s10  }
0x38: {  	s10 =	sld [smem:$0x3FB0]  }
0x39: {  	_ = 	snop;
	(pc) =	sbr.ind lr, $3  }
0x3a: {  	_ = 	snop  }
0x3b: {  	_ = 	snop  }
0x3c: {  	p2 =	seq.s32 s10, $0x1;
	s10 =	sld [smem:$0x3FAF]  }
0x3d: {  	_ =	shalt  }
0x3e: {  	_ =	shalt  }
0x3f: {  	_ =	shalt  }
0x40: {  	_ =	shalt  }
0x41: {  	_ =	shalt  }
0x42: {  	_ =	shalt  }
0x43: {  	_ =	shalt  }
0x44: {  	_ =	shalt  }
0x45: {  	_ =	shalt  }
0x46: {  	_ =	shalt  }
0x47: {  	_ =	shalt  }
0x48: {  	_ =	shalt  }
0x49: {  	_ =	shalt  }
0x4a: {  	_ =	shalt  }
0x4b: {  	_ =	shalt  }
0x4c: {  	_ =	shalt  }
0x4d: {  	_ =	shalt  }
0x4e: {  	_ =	shalt  }
0x4f: {  	_ =	shalt  }
0x50: {  	_ =	shalt  }
0x51: {  	_ =	shalt  }
0x52: {  	_ =	shalt  }
0x53: {  	_ =	shalt  }
0x54: {  	_ =	shalt  }
0x55: {  	_ =	shalt  }
0x56: {  	_ =	shalt  }
0x57: {  	_ =	shalt  }
0x58: {  	_ =	shalt  }
0x59: {  	_ =	shalt  }
0x5a: {  	_ =	shalt  }
0x5b: {  	_ =	shalt  }
0x5c: {  	_ =	shalt  }
0x5d: {  	_ =	shalt  }
0x5e: {  	_ =	shalt  }
0x5f: {  	_ =	shalt  }
0x60: {  	_ =	shalt  }
0x61: {  	_ =	shalt  }
0x62: {  	_ =	shalt  }
0x63: {  	_ =	shalt  }
0x64: {  	_ =	shalt  }
0x65: {  	_ =	shalt  }
0x66: {  	_ =	shalt  }
0x67: {  	_ =	shalt  }
0x68: {  	_ =	shalt  }
0x69: {  	_ =	shalt  }
0x6a: {  	_ =	shalt  }
0x6b: {  	_ =	shalt  }
0x6c: {  	_ =	shalt  }
0x6d: {  	_ =	shalt  }
0x6e: {  	_ =	shalt  }
0x6f: {  	_ =	shalt  }
0x70: {  	_ =	shalt  }
0x71: {  	_ =	shalt  }
0x72: {  	_ =	shalt  }
0x73: {  	_ =	shalt  }
0x74: {  	_ =	shalt  }
0x75: {  	_ =	shalt  }
0x76: {  	_ =	shalt  }
0x77: {  	_ =	shalt  }
0x78: {  	_ =	shalt  }
0x79: {  	_ =	shalt  }
0x7a: {  	_ =	shalt  }
0x7b: {  	_ =	shalt  }
0x7c: {  	_ =	shalt  }
0x7d: {  	_ =	shalt  }
0x7e: {  	_ =	shalt  }
0x7f: {  	_ =	shalt  }
0x80: {  	_ =	shalt  }
0x81: {  	_ =	shalt  }
0x82: {  	_ =	shalt  }
0x83: {  	_ =	shalt  }
0x84: {  	_ =	shalt  }
0x85: {  	_ =	shalt  }
0x86: {  	_ =	shalt  }
0x87: {  	_ =	shalt  }
.Lfunc_end0:
.L_simem_size_0:
called_computation.2_lowered:
.L_overlay_start_0:
0x88: {  	s2 =	sld [smem:$0x3FD9]  }
0x89: {  	s3 =	sld [smem:$0x3FFE];
	_ =	sdelay $0x1  }
0x8a: {  	s1 =	srdreg.scid  }
0x8b: {  	s0 =	sand.u32 $0x1, s1  }
0x8c: {  	s17 =	sshll.u32 s0, $0xA;
	s2 =	sadd.s32 s3, s2  }
0x8d: {  	s2 =	sadd.s32 s2, s17  }
0x8e: {  	[smem:$0x3FBB] =	sst s2  }
0x8f: {  	_ = 	snop  }
0x90: {  	(tm) =	ssettm $0x1  }
0x91: {  	s18 =	sld [smem:$0x3FFB];
	_ =	sdelay $0x3  }
0x92: {  	_ =	strace s18  }
0x93: {  	s2 =	sld [smem:$0x3FFC];
	_ =	sdelay $0x3  }
0x94: {  	_ =	strace s2  }
0x95: {  	s2 =	sld [smem:$0x3FFD];
	_ =	sdelay $0x3  }
0x96: {  	_ =	strace s2  }
0x97: {  	_ =	strace $0x8FFFFFFF  }
0x98: {  	s19 =	sld [smem:$0x3FDB];
	_ =	sdelay $0x1  }
0x99: {  	s20 =	simm.s32 $_scs_section_size  }
0x9a: {  	s4 =	simm.s32 $_size__tile_overlayer_lowered;
	s5 =	simm.s32 $_tile_overlayer_lowered  }
0x9b: {  	s6 =	simm.s32 $0x1BFF;
	s21 =	sshll.u32 s5, $0x1;
	s3 =	sadd.s32 s20, s19  }
0x9c: {  	s22 =	simm.s32 $0x0;
	s4 =	sshll.u32 s4, $0x1;
	s5 =	sadd.s32 s21, s3  }
0x9d: {  	[timem:s22], [sflag:s6] =	dma.local [hbm:s5], s4  }
0x9e: {  	_ =	swait.ge [sflag:s6], s4  }
0x9f: {  	s4 =	ssub.s32 $0x0, s4;
	[sflag:s6] =	ssyncset.done $0x0  }
0xa0: {  	[sflag:s6] =	ssyncadd.s32 s4;
	_ =	sdelay $0x1  }
0xa1: {  	s23 =	simm.s32 $0x1B8B  }
0xa2: {  	_ =	swait.ge [sflag:s23], $0x1  }
0xa3: {  	[sflag:s23] =	ssyncset.done $0x0  }
0xa4: {  	[sflag:s23] =	ssyncadd.s32 $0xFFFFFFFF  }
0xa5: {  	s4 =	sld [smem:$0x0]  }
0xa6: {  	s5 =	sand.u32 $0xFFFFFFFE, s1  }
0xa7: {  	p0 =	sne.s32 s1, s5  }
0xa8: {  	s5 =	sshll.u32 @p0 s5, $0xE  }
0xa9: {  	s5 =	sadd.s32 @p0 $0x11B8D, s5;
	s6 =	sshll.u32 @p0 s4, $0x11  }
0xaa: {  	s5 =	sor.u32 @p0 s6, s5  }
0xab: {  	[sflag:s5] =	ssyncadd.remote.s32 @p0 $0x1;
	_ =	sdelay $0x1  }
0xac: {  	s5 =	simm.s32 @p0 $0x1B8D  }
0xad: {  	_ =	swait.eq @p0 [sflag:s5], $0x1  }
0xae: {  	[sflag:s5] =	ssyncadd.s32 @p0 $0xFFFFFFFF  }
0xaf: {  	s6 =	sshll.u32 @!p0 s1, $0xE  }
0xb0: {  	s6 =	sor.u32 @!p0 $0x4000, s6;
	s5 =	simm.s32 @!p0 $0x1B8D  }
0xb1: {  	s4 =	sshll.u32 @!p0 s4, $0x11;
	s6 =	sadd.s32 @!p0 $0x11B8D, s6;
	_ =	swait.eq @!p0 [sflag:s5], $0x1  }
0xb2: {  	s4 =	sor.u32 @!p0 s4, s6;
	[sflag:s5] =	ssyncadd.s32 @!p0 $0xFFFFFFFF  }
0xb3: {  	s25 =	simm.s32 $0x1B8E;
	s24 =	sld [smem:$0x3FFE];
	[sflag:s4] =	ssyncadd.remote.s32 @!p0 $0x1  }
0xb4: {  	s26 =	simm.s32 $execute0_lowered;
	[smem:$0x3FD2] =	sst s25  }
0xb5: {  	s5 =	sshll.u32 s26, $0x1;
	_ =	strace $0x80000049;
	[dreg:$0x1] =	wrdreg $0xFFFFFFFF  }
0xb6: {  	s28 =	simm.s32 $_size_execute0_lowered;
	s3 =	sadd.s32 s3, s5;
	[dreg:$0x0] =	wrdreg $0x0  }
0xb7: {  	s5 =	sshll.u32 s28, $0x1;
	[dreg:$0x2] =	wrdreg s3  }
0xb8: {  	[dreg:$0x3] =	wrdreg s5  }
0xb9: {  	[dreg:$0x4] =	wrdreg $0xC0  }
0xba: {  	_ =	task [dreg:s22], $0x5FFFF  }
0xbb: {  	[dreg:$0x1] =	wrdreg $0xFFFFFFFF  }
0xbc: {  	[dreg:$0x0] =	wrdreg $0x60  }
0xbd: {  	[dreg:$0x2] =	wrdreg s24  }
0xbe: {  	[dreg:$0x3] =	wrdreg $0xA  }
0xbf: {  	_ =	task.clear_ibuf [dreg:s22], $0x4FFFF;
	_ =	strace $0x90000049  }
0xc0: {  	s29 =	simm.s32 $0xA;
	_ =	strace $0x8000004B  }
0xc1: {  	_ =	swait.ge [sflag:s29], $0x1  }
0xc2: {  	[sflag:s29] =	ssyncadd.s32 $0xFFFFFFFF  }
0xc3: {  	_ =	strace $0x9000004B  }
0xc4: {  	_ =	sfence  }
0xc5: {  	s30 =	sld [smem:$0x0];
	_ =	sdelay $0x2  }
0xc6: {  	s31 =	sshll.u32 s1, $0xD;
	s1 =	sshrl.u32 s1, $0x2  }
0xc7: {  	s4 =	sand.u32 $0x4000, s31;
	s1 =	sadd.s32 s1, s30  }
0xc8: {  	s0 =	sor.u32 s4, s0;
	s1 =	sshll.u32 s1, $0x11  }
0xc9: {  	s0 =	sor.u32 s1, s0  }
0xca: {  	s0 =	sadd.s32 $0x8F2B, s0  }
0xcb: {  	[sflag:s0] =	ssyncadd.remote.s32 $0x1  }
0xcc: {  	_ =	sfence.sel $0xFFFF  }
0xcd: {  	[dreg:$0x0] =	wrdreg $0xFFFFFFFF;
	(pc) =	sbr.abs _section_cstart, $3  }
0xce: {  	[dreg:$0x1] =	wrdreg $0xFFFFFFFF  }
0xcf: {  	_ =	task.clear_ibuf [dreg:s22], $0x2FFFF;
	_ =	strace $0x9FFFFFFF  }
0xd0: {  	(tm) =	ssettm $0x7FFFFFFF  }
0xd1: {  	_ =	shalt  }
tec
execute0_lowered:
.L_overlay_start_1:
0x0: {  	(tag) =	ssettag $0x1  }
0x1: {  	s1 =	srdreg.scid  }
0x2: {  	s0 =	stileid.u32;
	s4 =	rddreg [dreg:$0x0];
	s2 =	simm.s32 $0x0  }
0x3: {  	s10 =	simm.s32 $0x100;
	s11 =	simm.s32 $0xC8;
	s12 =	simm.s32 $0x200  }
0x4: {  	s13 =	simm.s32 $0x6600;
	s14 =	simm.s32 $0x1;
	s6 =	smul.u32 $0x7D0, s0  }
0x5: {  	s15 =	simm.s32 $0x2;
	s5 =	sand.u32 $0x1, s1;
	s8 =	smul.u32 $0x7D00, s0  }
0x6: {  	s16 =	simm.s32 $0x0;
	s1 =	rddreg [dreg:$0x1];
	s7 =	smul.u32 $0x3E8, s5  }
0x7: {  	[smem:$0x7FF] =	sst s2;
	s3 =	sadd.s32 $0xA200, s4;
	s9 =	smul.u32 $0x3E80, s5  }
0x8: {  	_ =	strace $0x8000004A;
	s5 =	ssub.s32 $0x2, s5;
	s29 =	sadd.s32 s8, s4  }
0x9: {  	s30 =	sshrl.u32 s5, $0x1;
	s6 =	sadd.s32 s7, s6;
	s7 =	sadd.s32 s9, s29  }
0xa: {  	s5 =	ssub.s32 s5, s30;
	s9 =	simm.s32 $0x3;
	s6 =	sshrl.u32 s6, $0x3  }
0xb: {  	s31 =	sadd.s32 s6, s4;
	s4 =	sadd.s32 $0x133400, s7;
	s6 =	sadd.s32 $0x1B0400, s7  }
0xc: {  	s5 =	smax.u32 s5, $0x1;
	s7 =	sadd.s32 $0x12B400, s31;
	s8 =	sadd.s32 $0x12D400, s31  }
.LBB2_1:
0xd: {  	s17 =	sadd.s32 $0x0, s8  }
0xe: {  	[tilespmem:s2], [sflag:$0x3] =	stream.linear.gather [hbm4b:s17+s2], $0xC8, $0x38;
	[tilespmem:$0xCA00] =	vst v63  }
0xf: {  	_ =	swait.ge [sflag:s9], $0xC8  }
0x10: {  	[sflag:s9] =	ssyncset.done $0x0  }
0x11: {  	s31 =	sadd.s32 $0x0, s7;
	[sflag:s9] =	ssyncadd.s32 $0xFFFFFF38  }
0x12: {  	[tilespmem:s10], [sflag:$0x3] =	stream.linear.gather [hbm4b:s31+s2], $0xC8, $0x38;
	[tilespmem:$0xCA00] =	vst v63  }
0x13: {  	_ =	swait.ge [sflag:s9], $0xC8  }
0x14: {  	[sflag:s9] =	ssyncset.done $0x0  }
0x15: {  	[sflag:s9] =	ssyncadd.s32 $0xFFFFFF38  }
0x16: {  	[tilespmem:s12], [sflag:$0x1] =	stream.indirect.gather [hbm4b:s3+s11], $0x80, s2, s11, $0xb8;
	[tilespmem:$0xCA00] =	vst v63  }
0x17: {  	_ = 	snop  }
0x18: {  	[tilespmem:s13], [sflag:$0x2] =	stream.indirect.gather [hbm4b:s3+s11], $0x80, s10, s11, $0xb8;
	[tilespmem:$0xCA00] =	vst v63  }
0x19: {  	_ =	swait.ge [sflag:s14], $0x6400  }
0x1a: {  	[sflag:s14] =	ssyncset.done $0x0  }
0x1b: {  	[sflag:s14] =	ssyncadd.s32 $0xFFFF9C00  }
0x1c: {  	_ =	swait.ge [sflag:s15], $0x6400  }
0x1d: {  	[sflag:s15] =	ssyncset.done $0x0  }
0x1e: {  	[sflag:s15] =	ssyncadd.s32 $0xFFFF9C00  }
0x1f: {  	[hbm4b:s4+s2] =	stream.linear.scatter [tilespmem:s12], [sflag:$0x3], $0x6400, $0x38;
	[tilespmem:$0xCA00] =	vst v63  }
0x20: {  	_ =	swait.ge [sflag:s9], $0x6400  }
0x21: {  	[sflag:s9] =	ssyncset.done $0x0  }
0x22: {  	[sflag:s9] =	ssyncadd.s32 $0xFFFF9C00  }
0x23: {  	[hbm4b:s6+s2] =	stream.linear.scatter [tilespmem:s13], [sflag:$0x3], $0x6400, $0x38;
	[tilespmem:$0xCA00] =	vst v63  }
0x24: {  	s19 =	simm.s32 $0x19;
	s20 =	simm.s32 $0x32;
	_ =	swait.ge [sflag:s9], $0x6400  }
0x25: {  	s18 =	sadd.s32 $0xC80, s4;
	s17 =	sadd.s32 $0xC80, s6;
	[sflag:s9] =	ssyncset.done $0x0  }
.LBB2_2:
0x26: {  	s21 =	sadd.s32 s19, s8  }
0x27: {  	[sflag:s9] =	ssyncadd.s32 $0xFFFF9C00;
	s22 =	smov.u32 s20;
	s23 =	sadd.s32 $0x19, s20  }
0x28: {  	[tilespmem:s2], [sflag:$0x3] =	stream.linear.gather [hbm4b:s21+s2], $0xC8, $0x38;
	[tilespmem:$0xCA00] =	vst v63  }
0x29: {  	p0 =	sne.s32 s20, $0x64;
	_ =	swait.ge [sflag:s9], $0xC8  }
0x2a: {  	[sflag:s9] =	ssyncset.done $0x0  }
0x2b: {  	s20 =	sadd.s32 s19, s7;
	s19 =	smov.u32 s22;
	[sflag:s9] =	ssyncadd.s32 $0xFFFFFF38  }
0x2c: {  	[tilespmem:s10], [sflag:$0x3] =	stream.linear.gather [hbm4b:s20+s2], $0xC8, $0x38;
	[tilespmem:$0xCA00] =	vst v63  }
0x2d: {  	_ =	swait.ge [sflag:s9], $0xC8  }
0x2e: {  	[sflag:s9] =	ssyncset.done $0x0  }
0x2f: {  	[sflag:s9] =	ssyncadd.s32 $0xFFFFFF38  }
0x30: {  	[tilespmem:s12], [sflag:$0x1] =	stream.indirect.gather [hbm4b:s3+s11], $0x80, s2, s11, $0xb8;
	[tilespmem:$0xCA00] =	vst v63  }
0x31: {  	_ = 	snop  }
0x32: {  	[tilespmem:s13], [sflag:$0x2] =	stream.indirect.gather [hbm4b:s3+s11], $0x80, s10, s11, $0xb8;
	[tilespmem:$0xCA00] =	vst v63  }
0x33: {  	_ =	swait.ge [sflag:s14], $0x6400  }
0x34: {  	[sflag:s14] =	ssyncset.done $0x0  }
0x35: {  	[sflag:s14] =	ssyncadd.s32 $0xFFFF9C00  }
0x36: {  	_ =	swait.ge [sflag:s15], $0x6400  }
0x37: {  	[sflag:s15] =	ssyncset.done $0x0  }
0x38: {  	[sflag:s15] =	ssyncadd.s32 $0xFFFF9C00  }
0x39: {  	[hbm4b:s18+s2] =	stream.linear.scatter [tilespmem:s12], [sflag:$0x3], $0x6400, $0x38;
	[tilespmem:$0xCA00] =	vst v63  }
0x3a: {  	_ =	swait.ge [sflag:s9], $0x6400  }
.Ltmp0:
0x3b: {  	[sflag:s9] =	ssyncset.done $0x0;
	(pc) =	sbr.rel @p0 .LBB2_2-.Ltmp0, $4  }
0x3c: {  	[sflag:s9] =	ssyncadd.s32 $0xFFFF9C00  }
0x3d: {  	[hbm4b:s17+s2] =	stream.linear.scatter [tilespmem:s13], [sflag:$0x3], $0x6400, $0x38;
	[tilespmem:$0xCA00] =	vst v63  }
0x3e: {  	s20 =	smov.u32 s23;
	_ =	swait.ge [sflag:s9], $0x6400  }
0x3f: {  	s18 =	sadd.s32 $0xC80, s18;
	s17 =	sadd.s32 $0xC80, s17;
	[sflag:s9] =	ssyncset.done $0x0  }
0x40: {  	s20 =	sadd.s32 s19, s8;
	[sflag:s9] =	ssyncadd.s32 $0xFFFF9C00  }
0x41: {  	[tilespmem:s2], [sflag:$0x3] =	stream.linear.gather [hbm4b:s20+s2], $0xC8, $0x38;
	[tilespmem:$0xCA00] =	vst v63  }
0x42: {  	_ =	swait.ge [sflag:s9], $0xC8  }
0x43: {  	[sflag:s9] =	ssyncset.done $0x0  }
0x44: {  	s31 =	sadd.s32 s19, s7;
	[sflag:s9] =	ssyncadd.s32 $0xFFFFFF38  }
0x45: {  	[tilespmem:s10], [sflag:$0x3] =	stream.linear.gather [hbm4b:s31+s2], $0xC8, $0x38;
	[tilespmem:$0xCA00] =	vst v63  }
0x46: {  	_ =	swait.ge [sflag:s9], $0xC8  }
0x47: {  	[sflag:s9] =	ssyncset.done $0x0  }
0x48: {  	[sflag:s9] =	ssyncadd.s32 $0xFFFFFF38  }
0x49: {  	[tilespmem:s12], [sflag:$0x1] =	stream.indirect.gather [hbm4b:s3+s11], $0x80, s2, s11, $0xb8;
	[tilespmem:$0xCA00] =	vst v63  }
0x4a: {  	_ = 	snop  }
0x4b: {  	[tilespmem:s13], [sflag:$0x2] =	stream.indirect.gather [hbm4b:s3+s11], $0x80, s10, s11, $0xb8;
	[tilespmem:$0xCA00] =	vst v63  }
0x4c: {  	_ =	swait.ge [sflag:s14], $0x6400  }
0x4d: {  	[sflag:s14] =	ssyncset.done $0x0  }
0x4e: {  	[sflag:s14] =	ssyncadd.s32 $0xFFFF9C00  }
0x4f: {  	_ =	swait.ge [sflag:s15], $0x6400  }
0x50: {  	[sflag:s15] =	ssyncset.done $0x0  }
0x51: {  	[sflag:s15] =	ssyncadd.s32 $0xFFFF9C00  }
0x52: {  	[hbm4b:s18+s2] =	stream.linear.scatter [tilespmem:s12], [sflag:$0x3], $0x6400, $0x38;
	[tilespmem:$0xCA00] =	vst v63  }
0x53: {  	s16 =	sadd.s32 $0x1, s16;
	_ =	swait.ge [sflag:s9], $0x6400  }
0x54: {  	p0 =	sne.s32 s16, s5;
	[sflag:s9] =	ssyncset.done $0x0  }
.Ltmp1:
0x55: {  	[sflag:s9] =	ssyncadd.s32 $0xFFFF9C00;
	(pc) =	sbr.rel @p0 .LBB2_1-.Ltmp1, $4  }
0x56: {  	[hbm4b:s17+s2] =	stream.linear.scatter [tilespmem:s13], [sflag:$0x3], $0x6400, $0x38;
	[tilespmem:$0xCA00] =	vst v63  }
0x57: {  	_ =	swait.ge [sflag:s9], $0x6400  }
0x58: {  	[sflag:s9] =	ssyncset.done $0x0  }
0x59: {  	[sflag:s9] =	ssyncadd.s32 $0xFFFF9C00  }
0x5a: {  	_ =	sfence.sel $0x180000  }
0x5b: {  	[bflag:$0x0] =	sbarrier.arrive $0xFFFF  }
0x5c: {  	p0 =	sne.s32 s0, $0x0;
	_ =	strace $0x9000004A  }
0x5d: {  	s0 =	sadd.s32 @!p0 $0x100000, s1;
	[bflag:$0x2] =	sbarrier.arrive $0xFFFF  }
0x5e: {  	[sflag:s0] =	ssyncadd.tile.s32 @!p0 $0x1;
	_ =	shalt  }
.Lfunc_end2:
_tile_overlayer_lowered:
.L_overlay_start_2:
0x5f: {  	(tag) =	ssettag $0x2  }
0x60: {  	s0 =	rddreg [dreg:$0x0];
	s2 =	stileid.u32  }
0x61: {  	s1 =	rddreg [dreg:$0x1];
	p0 =	sne.s32 s2, $0x0  }
0x62: {  	s3 =	rddreg [dreg:$0x2];
	[bflag:$0x3] =	sbarrier.arrive $0xFFFF;
	s2 =	simm.s32 @!p0 $0x1C03  }
0x63: {  	[timem:s3], [sflag:s2] =	dma.local @!p0 [hbm:s0], s1  }
0x64: {  	s0 =	simm.s32 @!p0 $0x3  }
0x65: {  	_ =	swait.ge @!p0 [sflag:s0], s1  }
0x66: {  	s1 =	ssub.s32 @!p0 $0x0, s1;
	[sflag:s0] =	ssyncset.done @!p0 $0x0  }
0x67: {  	[sflag:s0] =	ssyncadd.s32 @!p0 s1  }
0x68: {  	[bflag:$0x3] =	sbarrier.arrive $0xFFFF  }
0x69: {  	_ =	shalt  }

// kernel: kernel.26.cloned.1.call-start
scs
__scs_entry_jumppad:
0x0: {  	(pc) =	sbr.rel $0x88, $3  }
0x1: {  	(tag) =	ssettag $0x0;
	lr =	simm.s32 $0x1  }
0x2: {  	[smem:$0x3F94] =	sst lr;
	_ =	strace $0xD0000000  }
0x3: {  	_ = 	snop  }
0x4: {  	_ = 	snop  }
0x5: {  	_ = 	snop  }
0x6: {  	_ = 	snop  }
0x7: {  	_ = 	snop  }
__scs_overlays_trampoline_lowered:
0x8: {  	[smem:$0x3FA3] =	sst s0  }
0x9: {  	[smem:$0x3FA4] =	sst s1  }
0xa: {  	[smem:$0x3FA5] =	sst s2  }
0xb: {  	[smem:$0x3FA6] =	sst s3  }
0xc: {  	[smem:$0x3FA7] =	sst s4  }
0xd: {  	[smem:$0x3FA8] =	sst s5  }
0xe: {  	[smem:$0x3FA9] =	sst s6  }
0xf: {  	[smem:$0x3FAA] =	sst s7  }
0x10: {  	[smem:$0x3FAB] =	sst s8  }
0x11: {  	[smem:$0x3FAC] =	sst s9;
	s0 =	simm.s32 @!p0 $0x0  }
0x12: {  	s1 =	sld [smem:$0x3F92];
	s0 =	simm.s32 @p0 $0x1  }
0x13: {  	[smem:$0x3FAD] =	sst s0;
	s0 =	simm.s32 @!p1 $0x0  }
0x14: {  	s2 =	sld [smem:$0x3F91];
	s0 =	simm.s32 @p1 $0x1  }
0x15: {  	[smem:$0x3FAE] =	sst s0;
	s0 =	simm.s32 @!p2 $0x0  }
0x16: {  	s3 =	sld [smem:$0x3FDB];
	s0 =	simm.s32 @p2 $0x1  }
0x17: {  	s4 =	simm.s32 $0x1BF5;
	[smem:$0x3FB0] =	sst s0  }
0x18: {  	s0 =	sld [smem:$0x3F93];
	_ =	swait.ge [sflag:s4], $0x0  }
0x19: {  	s7 =	sld [smem:$0x3F94]  }
0x1a: {  	s8 =	sadd.s32 $0xFFFFE003, lr  }
0x1b: {  	s9 =	sadd.s32 $0xFFFFFEF7, lr;
	s5 =	simm.s32 $0xFFFFFFFF;
	p2 =	slt.u32 s8, $0xFFFFF086  }
0x1c: {  	p1 =	slt.u32 s9, $0xF7A;
	s5 =	simm.s32 @!p2 $0x0  }
0x1d: {  	s5 =	simm.s32 @p1 $0x1;
	p0 =	seq.s32 s7, s2  }
0x1e: {  	s7 =	smul.u32 @!p0 $0xF7A, s2;
	p2 =	seq.s32 @!p0 s5, $0x0  }
0x1f: {  	s9 =	smul.u32 $0xF7A, s1;
	s8 =	simm.s32 @!p0 $0x1BF5;
	p2 =	por !p2, p0  }
0x20: {  	[sflag:s8] =	ssyncset.s32 @!p0 $0xFFFFF086;
	s6 =	sadd.s32 @!p0 s3, s7;
	s7 =	simm.s32 @!p0 $0x108  }
0x21: {  	s3 =	sadd.s32 s3, s9;
	s6 =	sadd.s32 @!p0 $0x88, s6;
	s7 =	simm.s32 @p2 $0x1082  }
0x22: {  	[simem:s7], [sflag:s8] =	dma.local @!p0 [hbm:s6], $0xF7A  }
0x23: {  	s9 =	sor.u32 $0xD0000000, s2;
	s6 =	simm.s32 $0x108;
	_ =	swait.ge @!p0 [sflag:s8], $0x0  }
0x24: {  	s3 =	sadd.s32 $0x88, s3;
	s6 =	simm.s32 @!p1 $0x1082;
	[sflag:s4] =	ssyncset.s32 $0xFFFFF086  }
0x25: {  	[simem:s6], [sflag:s4] =	dma.local [hbm:s3], $0xF7A  }
0x26: {  	[smem:$0x3F94] =	sst s1;
	(tag) =	ssettag s2;
	_ =	strace s9  }
0x27: {  	s1 =	sld [smem:$0x3FA4]  }
0x28: {  	s2 =	sld [smem:$0x3FA5]  }
0x29: {  	s4 =	sld [smem:$0x3FA7]  }
0x2a: {  	p0 =	seq.s32 s5, $0x0;
	s5 =	sld [smem:$0x3FA8]  }
0x2b: {  	s6 =	sld [smem:$0x3FA9]  }
0x2c: {  	s7 =	sld [smem:$0x3FAA]  }
0x2d: {  	s3 =	simm.s32 $0x108;
	s8 =	sld [smem:$0x3FAB]  }
0x2e: {  	s3 =	simm.s32 @!p0 $0x1082;
	s9 =	sld [smem:$0x3FAC]  }
0x2f: {  	lr =	sadd.s32 s0, s3;
	s0 =	sld [smem:$0x3FA3]  }
0x30: {  	s3 =	sld [smem:$0x3FA6]  }
0x31: {  	[smem:$0x3FAF] =	sst s10  }
0x32: {  	s10 =	sld [smem:$0x3FAD];
	_ =	sdelay $0x3  }
0x33: {  	p0 =	seq.s32 s10, $0x1;
	s10 =	sld [smem:$0x3FAF];
	_ =	sdelay $0x3  }
0x34: {  	[smem:$0x3FAF] =	sst s10  }
0x35: {  	s10 =	sld [smem:$0x3FAE];
	_ =	sdelay $0x3  }
0x36: {  	p1 =	seq.s32 s10, $0x1;
	s10 =	sld [smem:$0x3FAF];
	_ =	sdelay $0x3  }
0x37: {  	[smem:$0x3FAF] =	sst s10  }
0x38: {  	s10 =	sld [smem:$0x3FB0]  }
0x39: {  	_ = 	snop;
	(pc) =	sbr.ind lr, $3  }
0x3a: {  	_ = 	snop  }
0x3b: {  	_ = 	snop  }
0x3c: {  	p2 =	seq.s32 s10, $0x1;
	s10 =	sld [smem:$0x3FAF]  }
0x3d: {  	_ =	shalt  }
0x3e: {  	_ =	shalt  }
0x3f: {  	_ =	shalt  }
0x40: {  	_ =	shalt  }
0x41: {  	_ =	shalt  }
0x42: {  	_ =	shalt  }
0x43: {  	_ =	shalt  }
0x44: {  	_ =	shalt  }
0x45: {  	_ =	shalt  }
0x46: {  	_ =	shalt  }
0x47: {  	_ =	shalt  }
0x48: {  	_ =	shalt  }
0x49: {  	_ =	shalt  }
0x4a: {  	_ =	shalt  }
0x4b: {  	_ =	shalt  }
0x4c: {  	_ =	shalt  }
0x4d: {  	_ =	shalt  }
0x4e: {  	_ =	shalt  }
0x4f: {  	_ =	shalt  }
0x50: {  	_ =	shalt  }
0x51: {  	_ =	shalt  }
0x52: {  	_ =	shalt  }
0x53: {  	_ =	shalt  }
0x54: {  	_ =	shalt  }
0x55: {  	_ =	shalt  }
0x56: {  	_ =	shalt  }
0x57: {  	_ =	shalt  }
0x58: {  	_ =	shalt  }
0x59: {  	_ =	shalt  }
0x5a: {  	_ =	shalt  }
0x5b: {  	_ =	shalt  }
0x5c: {  	_ =	shalt  }
0x5d: {  	_ =	shalt  }
0x5e: {  	_ =	shalt  }
0x5f: {  	_ =	shalt  }
0x60: {  	_ =	shalt  }
0x61: {  	_ =	shalt  }
0x62: {  	_ =	shalt  }
0x63: {  	_ =	shalt  }
0x64: {  	_ =	shalt  }
0x65: {  	_ =	shalt  }
0x66: {  	_ =	shalt  }
0x67: {  	_ =	shalt  }
0x68: {  	_ =	shalt  }
0x69: {  	_ =	shalt  }
0x6a: {  	_ =	shalt  }
0x6b: {  	_ =	shalt  }
0x6c: {  	_ =	shalt  }
0x6d: {  	_ =	shalt  }
0x6e: {  	_ =	shalt  }
0x6f: {  	_ =	shalt  }
0x70: {  	_ =	shalt  }
0x71: {  	_ =	shalt  }
0x72: {  	_ =	shalt  }
0x73: {  	_ =	shalt  }
0x74: {  	_ =	shalt  }
0x75: {  	_ =	shalt  }
0x76: {  	_ =	shalt  }
0x77: {  	_ =	shalt  }
0x78: {  	_ =	shalt  }
0x79: {  	_ =	shalt  }
0x7a: {  	_ =	shalt  }
0x7b: {  	_ =	shalt  }
0x7c: {  	_ =	shalt  }
0x7d: {  	_ =	shalt  }
0x7e: {  	_ =	shalt  }
0x7f: {  	_ =	shalt  }
0x80: {  	_ =	shalt  }
0x81: {  	_ =	shalt  }
0x82: {  	_ =	shalt  }
0x83: {  	_ =	shalt  }
0x84: {  	_ =	shalt  }
0x85: {  	_ =	shalt  }
0x86: {  	_ =	shalt  }
0x87: {  	_ =	shalt  }
.Lfunc_end0:
.L_simem_size_0:
called_computation.3_lowered:
.L_overlay_start_0:
0x88: {  	s2 =	sld [smem:$0x3FD9]  }
0x89: {  	s3 =	sld [smem:$0x3FFE];
	_ =	sdelay $0x1  }
0x8a: {  	s1 =	srdreg.scid  }
0x8b: {  	s0 =	sand.u32 $0x1, s1  }
0x8c: {  	s15 =	sshll.u32 s0, $0xA;
	s2 =	sadd.s32 s3, s2  }
0x8d: {  	s2 =	sadd.s32 s2, s15  }
0x8e: {  	[smem:$0x3FBB] =	sst s2  }
0x8f: {  	_ = 	snop  }
0x90: {  	s2 =	sld [smem:$0x3FD0];
	_ =	sdelay $0x2  }
0x91: {  	s16 =	simm.s32 $0xC;
	s4 =	simm.s32 $0x10  }
0x92: {  	[smem:s4], [sflag:s16] =	dma.local [hbm:s2], $0x1  }
0x93: {  	_ =	swait.eq [sflag:s16], $0x1  }
0x94: {  	[sflag:s16] =	ssyncset.done $0x0  }
0x95: {  	s17 =	sld [smem:$0x10];
	[sflag:s16] =	ssyncadd.s32 $0xFFFFFFFF  }
0x96: {  	s18 =	sld [smem:$0x11];
	(tm) =	ssettm $0x1  }
0x97: {  	s19 =	sld [smem:$0x3FFB];
	_ =	sdelay $0x3  }
0x98: {  	_ =	strace s19  }
0x99: {  	s2 =	sld [smem:$0x3FFC];
	_ =	sdelay $0x3  }
0x9a: {  	_ =	strace s2  }
0x9b: {  	s2 =	sld [smem:$0x3FFD];
	_ =	sdelay $0x3  }
0x9c: {  	_ =	strace s2  }
0x9d: {  	_ =	strace $0x8FFFFFFF  }
0x9e: {  	s20 =	sld [smem:$0x3FDB];
	_ =	sdelay $0x1  }
0x9f: {  	s5 =	simm.s32 $_scs_section_size  }
0xa0: {  	s6 =	simm.s32 $_size__tile_overlayer_lowered;
	s7 =	simm.s32 $_tile_overlayer_lowered  }
0xa1: {  	s8 =	simm.s32 $0x1BFF;
	s21 =	sshll.u32 s7, $0x1;
	s5 =	sadd.s32 s5, s20  }
0xa2: {  	s22 =	simm.s32 $0x0;
	s6 =	sshll.u32 s6, $0x1;
	s7 =	sadd.s32 s21, s5  }
0xa3: {  	[timem:s22], [sflag:s8] =	dma.local [hbm:s7], s6  }
0xa4: {  	_ =	swait.ge [sflag:s8], s6  }
0xa5: {  	s6 =	ssub.s32 $0x0, s6;
	[sflag:s8] =	ssyncset.done $0x0  }
0xa6: {  	[sflag:s8] =	ssyncadd.s32 s6;
	_ =	sdelay $0x1  }
0xa7: {  	s23 =	simm.s32 $0x1B8B  }
0xa8: {  	_ =	swait.ge [sflag:s23], $0x1  }
0xa9: {  	[sflag:s23] =	ssyncset.done $0x0  }
0xaa: {  	[sflag:s23] =	ssyncadd.s32 $0xFFFFFFFF  }
0xab: {  	s6 =	sld [smem:$0x0]  }
0xac: {  	s7 =	sand.u32 $0xFFFFFFFE, s1  }
0xad: {  	p0 =	sne.s32 s1, s7  }
0xae: {  	s7 =	sshll.u32 @p0 s7, $0xE  }
0xaf: {  	s7 =	sadd.s32 @p0 $0x11B8D, s7;
	s8 =	sshll.u32 @p0 s6, $0x11  }
0xb0: {  	s7 =	sor.u32 @p0 s8, s7  }
0xb1: {  	[sflag:s7] =	ssyncadd.remote.s32 @p0 $0x1;
	_ =	sdelay $0x1  }
0xb2: {  	s7 =	simm.s32 @p0 $0x1B8D  }
0xb3: {  	_ =	swait.eq @p0 [sflag:s7], $0x1  }
0xb4: {  	[sflag:s7] =	ssyncadd.s32 @p0 $0xFFFFFFFF  }
0xb5: {  	s8 =	sshll.u32 @!p0 s1, $0xE  }
0xb6: {  	s8 =	sor.u32 @!p0 $0x4000, s8;
	s7 =	simm.s32 @!p0 $0x1B8D  }
0xb7: {  	s6 =	sshll.u32 @!p0 s6, $0x11;
	s8 =	sadd.s32 @!p0 $0x11B8D, s8;
	_ =	swait.eq @!p0 [sflag:s7], $0x1  }
0xb8: {  	s6 =	sor.u32 @!p0 s6, s8;
	[sflag:s7] =	ssyncadd.s32 @!p0 $0xFFFFFFFF  }
0xb9: {  	s25 =	simm.s32 $0x1B8E;
	s24 =	sld [smem:$0x3FFE];
	[sflag:s6] =	ssyncadd.remote.s32 @!p0 $0x1  }
0xba: {  	s26 =	simm.s32 $execute0_lowered;
	[smem:$0x3FD2] =	sst s25  }
0xbb: {  	s7 =	sshll.u32 s26, $0x1;
	_ =	strace $0x80000052;
	[dreg:$0x1] =	wrdreg $0xFFFFFFFF  }
0xbc: {  	s28 =	simm.s32 $_size_execute0_lowered;
	s5 =	sadd.s32 s5, s7;
	[dreg:$0x0] =	wrdreg $0x0  }
0xbd: {  	s7 =	sshll.u32 s28, $0x1;
	[dreg:$0x2] =	wrdreg s5  }
0xbe: {  	[dreg:$0x3] =	wrdreg s7  }
0xbf: {  	[dreg:$0x4] =	wrdreg $0xC0  }
0xc0: {  	_ =	task [dreg:s22], $0x5FFFF  }
0xc1: {  	[dreg:$0x1] =	wrdreg $0xFFFFFFFF  }
0xc2: {  	[dreg:$0x0] =	wrdreg $0x60  }
0xc3: {  	[dreg:$0x2] =	wrdreg s17  }
0xc4: {  	[dreg:$0x3] =	wrdreg s24  }
0xc5: {  	[dreg:$0x4] =	wrdreg s18  }
0xc6: {  	[dreg:$0x5] =	wrdreg $0x65000  }
0xc7: {  	[dreg:$0x6] =	wrdreg $0xB  }
0xc8: {  	_ =	task.clear_ibuf [dreg:s22], $0x7FFFF;
	_ =	strace $0x90000052  }
0xc9: {  	s29 =	simm.s32 $0xB;
	_ =	strace $0x80000054  }
0xca: {  	_ =	swait.ge [sflag:s29], $0x1  }
0xcb: {  	[sflag:s29] =	ssyncadd.s32 $0xFFFFFFFF  }
0xcc: {  	_ =	strace $0x90000054  }
0xcd: {  	_ =	sfence  }
0xce: {  	s30 =	sld [smem:$0x0];
	_ =	sdelay $0x2  }
0xcf: {  	s31 =	sshll.u32 s1, $0xD;
	s1 =	sshrl.u32 s1, $0x2  }
0xd0: {  	s4 =	sand.u32 $0x4000, s31;
	s1 =	sadd.s32 s1, s30  }
0xd1: {  	s0 =	sor.u32 s4, s0;
	s1 =	sshll.u32 s1, $0x11  }
0xd2: {  	s0 =	sor.u32 s1, s0  }
0xd3: {  	s0 =	sadd.s32 $0x8F2B, s0  }
0xd4: {  	[sflag:s0] =	ssyncadd.remote.s32 $0x1  }
0xd5: {  	_ =	sfence.sel $0xFFFF  }
0xd6: {  	[dreg:$0x0] =	wrdreg $0xFFFFFFFF;
	(pc) =	sbr.abs _section_cstart, $3  }
0xd7: {  	[dreg:$0x1] =	wrdreg $0xFFFFFFFF  }
0xd8: {  	_ =	task.clear_ibuf [dreg:s22], $0x2FFFF;
	_ =	strace $0x9FFFFFFF  }
0xd9: {  	(tm) =	ssettm $0x7FFFFFFF  }
tec
execute0_lowered:
.L_overlay_start_1:
0x0: {  	(tag) =	ssettag $0x1  }
0x1: {  	s6 =	rddreg [dreg:$0x0]  }
0x2: {  	s4 =	rddreg [dreg:$0x1]  }
0x3: {  	s8 =	rddreg [dreg:$0x2]  }
0x4: {  	s2 =	rddreg [dreg:$0x3]  }
0x5: {  	s1 =	stileid.u32;
	s3 =	srdreg.scid  }
0x6: {  	s0 =	rddreg [dreg:$0x4];
	s15 =	simm.s32 $0x100;
	s16 =	simm.s32 $0x1  }
0x7: {  	s18 =	simm.s32 $0x400;
	s19 =	simm.s32 $0x800;
	s7 =	smul.u32 $0x7D000, s1  }
0x8: {  	s20 =	simm.s32 $0xC8;
	s21 =	simm.s32 $0x0;
	s9 =	smul.u32 $0xFA, s1  }
0x9: {  	s5 =	sand.u32 $0x1, s3;
	s3 =	simm.s32 $0x0;
	s11 =	smul.u32 $0x4E000, s1  }
0xa: {  	s12 =	smul.u32 $0x27000, s1;
	s30 =	sshll.u32 s1, $0x6;
	s17 =	sadd.s32 $0x138000, s2  }
0xb: {  	p0 =	sne.s32 s1, $0xF;
	s10 =	sshll.u32 s5, $0xA;
	[smem:$0x7FF] =	sst s3  }
0xc: {  	s23 =	ssub.s32 $0x2, s5;
	s31 =	sshll.u32 s5, $0x7;
	s5 =	sor.u32 $0x1C01, s30  }
0xd: {  	s17 =	sshrl.u32 @!p0 s17, $0x3;
	s7 =	sor.u32 s10, s7;
	_ =	strace $0x80000053  }
0xe: {  	s13 =	sadd.s32 s9, s4;
	s24 =	sshrl.u32 s23, $0x1;
	s25 =	sshrl.u32 s11, $0x2  }
0xf: {  	s10 =	sor.u32 s10, s12;
	s7 =	sshrl.u32 s7, $0x3;
	s26 =	ssub.s32 s23, s24  }
0x10: {  	s28 =	sadd.s32 s25, s2;
	s29 =	sshrl.u32 s10, $0x3;
	s11 =	sadd.s32 $0x12D400, s13  }
0x11: {  	s13 =	simm.s32 $0x8;
	s14 =	sadd.s32 s7, s4;
	s4 =	sadd.s32 s6, s29  }
0x12: {  	s6 =	sadd.s32 s31, s6;
	s7 =	sadd.s32 s8, s29;
	s8 =	sadd.s32 s31, s8  }
0x13: {  	s9 =	smax.u32 s26, $0x1;
	s12 =	sshrl.u32 s28, $0x3;
	s6 =	sadd.s32 $0x4E000, s6  }
0x14: {  	s8 =	sadd.s32 $0x4E000, s8;
	s10 =	sadd.s32 $0x440800, s14;
	s14 =	simm.s32 $0x80  }
.LBB2_1:
0x15: {  	[spmem:s12@s14], [sflag:s5] =	dma.strided [hbm:s4@s15], $0x2700, s13, $0x10   }
0x16: {  	_ =	swait.ge [sflag:s16], $0x2700  }
0x17: {  	s22 =	simm.s32 @!p0 $0x8;
	[sflag:s16] =	ssyncset.done $0x0  }
0x18: {  	s23 =	simm.s32 @!p0 $0x80;
	s24 =	simm.s32 @!p0 $0x100;
	[sflag:s16] =	ssyncadd.s32 $0xFFFFD900  }
0x19: {  	[spmem:s17@s23], [sflag:s5] =	dma.strided @!p0 [hbm:s6@s24], $0x100, s22, $0x10   }
0x1a: {  	s22 =	simm.s32 @!p0 $0x1  }
0x1b: {  	_ =	swait.ge @!p0 [sflag:s22], $0x100  }
0x1c: {  	[sflag:s22] =	ssyncset.done @!p0 $0x0  }
0x1d: {  	[sflag:s22] =	ssyncadd.s32 @!p0 $0xFFFFFF00  }
0x1e: {  	s31 =	sadd.s32 $0x0, s11;
	[bflag:$0x0] =	sbarrier.arrive $0xFFFF  }
0x1f: {  	[tilespmem:s3], [sflag:$0x1] =	stream.linear.gather [hbm4b:s31+s3], $0xC8, $0x38;
	[tilespmem:$0x19D80] =	vst v63  }
0x20: {  	_ =	swait.ge [sflag:s16], $0xC8  }
0x21: {  	[sflag:s16] =	ssyncset.done $0x0  }
0x22: {  	[sflag:s16] =	ssyncadd.s32 $0xFFFFFF38  }
0x23: {  	[tilespmem:s15], [sflag:$0x1] =	stream.strided.gather [hbm4b:s10+s18], $0x6400, s19, s18, $0x38;
	[tilespmem:$0x19D80] =	vst v63  }
0x24: {  	_ =	swait.ge [sflag:s16], $0x6400  }
0x25: {  	[sflag:s16] =	ssyncset.done $0x0  }
0x26: {  	[sflag:s16] =	ssyncadd.s32 $0xFFFF9C00  }
0x27: {  	[spmem:s2] =	stream.indirect.scatter.add.f32 [tilespmem:s15], [sflag:$0x1], $0x80, s3, s20, $0xb8;
	[tilespmem:$0x19D80] =	vst v63  }
0x28: {  	s23 =	simm.s32 $0x19;
	_ =	swait.ge [sflag:s16], $0x6400  }
0x29: {  	s24 =	simm.s32 $0x32;
	s22 =	sadd.s32 $0x1900, s10;
	[sflag:s16] =	ssyncset.done $0x0  }
.LBB2_2:
0x2a: {  	s25 =	sadd.s32 s23, s11  }
0x2b: {  	[sflag:s16] =	ssyncadd.s32 $0xFFFF9C00;
	s23 =	smov.u32 s24;
	s26 =	sadd.s32 $0x19, s24  }
0x2c: {  	[tilespmem:s3], [sflag:$0x1] =	stream.linear.gather [hbm4b:s25+s3], $0xC8, $0x38;
	[tilespmem:$0x19D80] =	vst v63  }
0x2d: {  	p1 =	sne.s32 s24, $0xE1;
	_ =	swait.ge [sflag:s16], $0xC8  }
0x2e: {  	[sflag:s16] =	ssyncset.done $0x0  }
0x2f: {  	[sflag:s16] =	ssyncadd.s32 $0xFFFFFF38  }
0x30: {  	[tilespmem:s15], [sflag:$0x1] =	stream.strided.gather [hbm4b:s22+s18], $0x6400, s19, s18, $0x38;
	[tilespmem:$0x19D80] =	vst v63  }
0x31: {  	_ =	swait.ge [sflag:s16], $0x6400  }
.Ltmp0:
0x32: {  	[sflag:s16] =	ssyncset.done $0x0;
	(pc) =	sbr.rel @p1 .LBB2_2-.Ltmp0, $4  }
0x33: {  	[sflag:s16] =	ssyncadd.s32 $0xFFFF9C00  }
0x34: {  	[spmem:s2] =	stream.indirect.scatter.add.f32 [tilespmem:s15], [sflag:$0x1], $0x80, s3, s20, $0xb8;
	[tilespmem:$0x19D80] =	vst v63  }
0x35: {  	_ =	swait.ge [sflag:s16], $0x6400  }
0x36: {  	s24 =	smov.u32 s26;
	s22 =	sadd.s32 $0x1900, s22;
	[sflag:s16] =	ssyncset.done $0x0  }
0x37: {  	s23 =	sadd.s32 s23, s11;
	[sflag:s16] =	ssyncadd.s32 $0xFFFF9C00  }
0x38: {  	[tilespmem:s3], [sflag:$0x1] =	stream.linear.gather [hbm4b:s23+s3], $0xC8, $0x38;
	[tilespmem:$0x19D80] =	vst v63  }
0x39: {  	_ =	swait.ge [sflag:s16], $0xC8  }
0x3a: {  	[sflag:s16] =	ssyncset.done $0x0  }
0x3b: {  	[sflag:s16] =	ssyncadd.s32 $0xFFFFFF38  }
0x3c: {  	[tilespmem:s15], [sflag:$0x1] =	stream.strided.gather [hbm4b:s22+s18], $0x6400, s19, s18, $0x38;
	[tilespmem:$0x19D80] =	vst v63  }
0x3d: {  	_ =	swait.ge [sflag:s16], $0x6400  }
0x3e: {  	[sflag:s16] =	ssyncset.done $0x0  }
0x3f: {  	[sflag:s16] =	ssyncadd.s32 $0xFFFF9C00  }
0x40: {  	[spmem:s2] =	stream.indirect.scatter.add.f32 [tilespmem:s15], [sflag:$0x1], $0x80, s3, s20, $0xb8;
	[tilespmem:$0x19D80] =	vst v63  }
0x41: {  	_ =	swait.ge [sflag:s16], $0x6400  }
0x42: {  	[sflag:s16] =	ssyncset.done $0x0  }
0x43: {  	[sflag:s16] =	ssyncadd.s32 $0xFFFF9C00  }
0x44: {  	[bflag:$0x0] =	sbarrier.arrive $0xFFFF  }
0x45: {  	[hbm:s7@s15], [sflag:s5] =	dma.strided [spmem:s12@s14], $0x2700, s13, $0x10   }
0x46: {  	s24 =	simm.s32 @!p0 $0x80;
	_ =	swait.ge [sflag:s16], $0x2700  }
0x47: {  	s21 =	sadd.s32 $0x1, s21;
	s23 =	simm.s32 @!p0 $0x100;
	[sflag:s16] =	ssyncset.done $0x0  }
0x48: {  	p1 =	sne.s32 s21, s9;
	s22 =	simm.s32 @!p0 $0x8;
	[sflag:s16] =	ssyncadd.s32 $0xFFFFD900  }
0x49: {  	[hbm:s8@s23], [sflag:s5] =	dma.strided @!p0 [spmem:s17@s24], $0x100, s22, $0x10   }
.Ltmp1:
0x4a: {  	_ = 	snop;
	(pc) =	sbr.rel @p1 .LBB2_1-.Ltmp1, $4  }
0x4b: {  	s22 =	simm.s32 @!p0 $0x1  }
0x4c: {  	_ =	swait.ge @!p0 [sflag:s22], $0x100  }
0x4d: {  	[sflag:s22] =	ssyncset.done @!p0 $0x0  }
0x4e: {  	[sflag:s22] =	ssyncadd.s32 @!p0 $0xFFFFFF00  }
0x4f: {  	_ =	sfence.sel $0x180000  }
0x50: {  	[bflag:$0x0] =	sbarrier.arrive $0xFFFF  }
0x51: {  	p0 =	sne.s32 s1, $0x0;
	_ =	strace $0x90000053  }
0x52: {  	s0 =	sadd.s32 @!p0 $0x100000, s0;
	[bflag:$0x2] =	sbarrier.arrive $0xFFFF  }
0x53: {  	[sflag:s0] =	ssyncadd.tile.s32 @!p0 $0x1;
	_ =	shalt  }
.Lfunc_end2:
_tile_overlayer_lowered:
.L_overlay_start_2:
0x54: {  	(tag) =	ssettag $0x2  }
0x55: {  	s0 =	rddreg [dreg:$0x0];
	s2 =	stileid.u32  }
0x56: {  	s1 =	rddreg [dreg:$0x1];
	p0 =	sne.s32 s2, $0x0  }
0x57: {  	s3 =	rddreg [dreg:$0x2];
	[bflag:$0x3] =	sbarrier.arrive $0xFFFF;
	s2 =	simm.s32 @!p0 $0x1C01  }
0x58: {  	[timem:s3], [sflag:s2] =	dma.local @!p0 [hbm:s0], s1  }
0x59: {  	s0 =	simm.s32 @!p0 $0x1  }
0x5a: {  	_ =	swait.ge @!p0 [sflag:s0], s1  }
0x5b: {  	s1 =	ssub.s32 @!p0 $0x0, s1;
	[sflag:s0] =	ssyncset.done @!p0 $0x0  }
0x5c: {  	[sflag:s0] =	ssyncadd.s32 @!p0 s1  }
0x5d: {  	[bflag:$0x3] =	sbarrier.arrive $0xFFFF  }
0x5e: {  	_ =	shalt  }

// kernel: kernel.29.cloned.1.call-start
scs
__scs_entry_jumppad:
0x0: {  	(pc) =	sbr.rel $0x88, $3  }
0x1: {  	(tag) =	ssettag $0x0;
	lr =	simm.s32 $0x1  }
0x2: {  	[smem:$0x3F94] =	sst lr;
	_ =	strace $0xD0000000  }
0x3: {  	_ = 	snop  }
0x4: {  	_ = 	snop  }
0x5: {  	_ = 	snop  }
0x6: {  	_ = 	snop  }
0x7: {  	_ = 	snop  }
__scs_overlays_trampoline_lowered:
0x8: {  	[smem:$0x3FA3] =	sst s0  }
0x9: {  	[smem:$0x3FA4] =	sst s1  }
0xa: {  	[smem:$0x3FA5] =	sst s2  }
0xb: {  	[smem:$0x3FA6] =	sst s3  }
0xc: {  	[smem:$0x3FA7] =	sst s4  }
0xd: {  	[smem:$0x3FA8] =	sst s5  }
0xe: {  	[smem:$0x3FA9] =	sst s6  }
0xf: {  	[smem:$0x3FAA] =	sst s7  }
0x10: {  	[smem:$0x3FAB] =	sst s8  }
0x11: {  	[smem:$0x3FAC] =	sst s9;
	s0 =	simm.s32 @!p0 $0x0  }
0x12: {  	s1 =	sld [smem:$0x3F92];
	s0 =	simm.s32 @p0 $0x1  }
0x13: {  	[smem:$0x3FAD] =	sst s0;
	s0 =	simm.s32 @!p1 $0x0  }
0x14: {  	s2 =	sld [smem:$0x3F91];
	s0 =	simm.s32 @p1 $0x1  }
0x15: {  	[smem:$0x3FAE] =	sst s0;
	s0 =	simm.s32 @!p2 $0x0  }
0x16: {  	s3 =	sld [smem:$0x3FDB];
	s0 =	simm.s32 @p2 $0x1  }
0x17: {  	s4 =	simm.s32 $0x1BF5;
	[smem:$0x3FB0] =	sst s0  }
0x18: {  	s0 =	sld [smem:$0x3F93];
	_ =	swait.ge [sflag:s4], $0x0  }
0x19: {  	s7 =	sld [smem:$0x3F94]  }
0x1a: {  	s8 =	sadd.s32 $0xFFFFE003, lr  }
0x1b: {  	s9 =	sadd.s32 $0xFFFFFEF7, lr;
	s5 =	simm.s32 $0xFFFFFFFF;
	p2 =	slt.u32 s8, $0xFFFFF086  }
0x1c: {  	p1 =	slt.u32 s9, $0xF7A;
	s5 =	simm.s32 @!p2 $0x0  }
0x1d: {  	s5 =	simm.s32 @p1 $0x1;
	p0 =	seq.s32 s7, s2  }
0x1e: {  	s7 =	smul.u32 @!p0 $0xF7A, s2;
	p2 =	seq.s32 @!p0 s5, $0x0  }
0x1f: {  	s9 =	smul.u32 $0xF7A, s1;
	s8 =	simm.s32 @!p0 $0x1BF5;
	p2 =	por !p2, p0  }
0x20: {  	[sflag:s8] =	ssyncset.s32 @!p0 $0xFFFFF086;
	s6 =	sadd.s32 @!p0 s3, s7;
	s7 =	simm.s32 @!p0 $0x108  }
0x21: {  	s3 =	sadd.s32 s3, s9;
	s6 =	sadd.s32 @!p0 $0x88, s6;
	s7 =	simm.s32 @p2 $0x1082  }
0x22: {  	[simem:s7], [sflag:s8] =	dma.local @!p0 [hbm:s6], $0xF7A  }
0x23: {  	s9 =	sor.u32 $0xD0000000, s2;
	s6 =	simm.s32 $0x108;
	_ =	swait.ge @!p0 [sflag:s8], $0x0  }
0x24: {  	s3 =	sadd.s32 $0x88, s3;
	s6 =	simm.s32 @!p1 $0x1082;
	[sflag:s4] =	ssyncset.s32 $0xFFFFF086  }
0x25: {  	[simem:s6], [sflag:s4] =	dma.local [hbm:s3], $0xF7A  }
0x26: {  	[smem:$0x3F94] =	sst s1;
	(tag) =	ssettag s2;
	_ =	strace s9  }
0x27: {  	s1 =	sld [smem:$0x3FA4]  }
0x28: {  	s2 =	sld [smem:$0x3FA5]  }
0x29: {  	s4 =	sld [smem:$0x3FA7]  }
0x2a: {  	p0 =	seq.s32 s5, $0x0;
	s5 =	sld [smem:$0x3FA8]  }
0x2b: {  	s6 =	sld [smem:$0x3FA9]  }
0x2c: {  	s7 =	sld [smem:$0x3FAA]  }
0x2d: {  	s3 =	simm.s32 $0x108;
	s8 =	sld [smem:$0x3FAB]  }
0x2e: {  	s3 =	simm.s32 @!p0 $0x1082;
	s9 =	sld [smem:$0x3FAC]  }
0x2f: {  	lr =	sadd.s32 s0, s3;
	s0 =	sld [smem:$0x3FA3]  }
0x30: {  	s3 =	sld [smem:$0x3FA6]  }
0x31: {  	[smem:$0x3FAF] =	sst s10  }
0x32: {  	s10 =	sld [smem:$0x3FAD];
	_ =	sdelay $0x3  }
0x33: {  	p0 =	seq.s32 s10, $0x1;
	s10 =	sld [smem:$0x3FAF];
	_ =	sdelay $0x3  }
0x34: {  	[smem:$0x3FAF] =	sst s10  }
0x35: {  	s10 =	sld [smem:$0x3FAE];
	_ =	sdelay $0x3  }
0x36: {  	p1 =	seq.s32 s10, $0x1;
	s10 =	sld [smem:$0x3FAF];
	_ =	sdelay $0x3  }
0x37: {  	[smem:$0x3FAF] =	sst s10  }
0x38: {  	s10 =	sld [smem:$0x3FB0]  }
0x39: {  	_ = 	snop;
	(pc) =	sbr.ind lr, $3  }
0x3a: {  	_ = 	snop  }
0x3b: {  	_ = 	snop  }
0x3c: {  	p2 =	seq.s32 s10, $0x1;
	s10 =	sld [smem:$0x3FAF]  }
0x3d: {  	_ =	shalt  }
0x3e: {  	_ =	shalt  }
0x3f: {  	_ =	shalt  }
0x40: {  	_ =	shalt  }
0x41: {  	_ =	shalt  }
0x42: {  	_ =	shalt  }
0x43: {  	_ =	shalt  }
0x44: {  	_ =	shalt  }
0x45: {  	_ =	shalt  }
0x46: {  	_ =	shalt  }
0x47: {  	_ =	shalt  }
0x48: {  	_ =	shalt  }
0x49: {  	_ =	shalt  }
0x4a: {  	_ =	shalt  }
0x4b: {  	_ =	shalt  }
0x4c: {  	_ =	shalt  }
0x4d: {  	_ =	shalt  }
0x4e: {  	_ =	shalt  }
0x4f: {  	_ =	shalt  }
0x50: {  	_ =	shalt  }
0x51: {  	_ =	shalt  }
0x52: {  	_ =	shalt  }
0x53: {  	_ =	shalt  }
0x54: {  	_ =	shalt  }
0x55: {  	_ =	shalt  }
0x56: {  	_ =	shalt  }
0x57: {  	_ =	shalt  }
0x58: {  	_ =	shalt  }
0x59: {  	_ =	shalt  }
0x5a: {  	_ =	shalt  }
0x5b: {  	_ =	shalt  }
0x5c: {  	_ =	shalt  }
0x5d: {  	_ =	shalt  }
0x5e: {  	_ =	shalt  }
0x5f: {  	_ =	shalt  }
0x60: {  	_ =	shalt  }
0x61: {  	_ =	shalt  }
0x62: {  	_ =	shalt  }
0x63: {  	_ =	shalt  }
0x64: {  	_ =	shalt  }
0x65: {  	_ =	shalt  }
0x66: {  	_ =	shalt  }
0x67: {  	_ =	shalt  }
0x68: {  	_ =	shalt  }
0x69: {  	_ =	shalt  }
0x6a: {  	_ =	shalt  }
0x6b: {  	_ =	shalt  }
0x6c: {  	_ =	shalt  }
0x6d: {  	_ =	shalt  }
0x6e: {  	_ =	shalt  }
0x6f: {  	_ =	shalt  }
0x70: {  	_ =	shalt  }
0x71: {  	_ =	shalt  }
0x72: {  	_ =	shalt  }
0x73: {  	_ =	shalt  }
0x74: {  	_ =	shalt  }
0x75: {  	_ =	shalt  }
0x76: {  	_ =	shalt  }
0x77: {  	_ =	shalt  }
0x78: {  	_ =	shalt  }
0x79: {  	_ =	shalt  }
0x7a: {  	_ =	shalt  }
0x7b: {  	_ =	shalt  }
0x7c: {  	_ =	shalt  }
0x7d: {  	_ =	shalt  }
0x7e: {  	_ =	shalt  }
0x7f: {  	_ =	shalt  }
0x80: {  	_ =	shalt  }
0x81: {  	_ =	shalt  }
0x82: {  	_ =	shalt  }
0x83: {  	_ =	shalt  }
0x84: {  	_ =	shalt  }
0x85: {  	_ =	shalt  }
0x86: {  	_ =	shalt  }
0x87: {  	_ =	shalt  }
.Lfunc_end0:
.L_simem_size_0:
called_computation.4_lowered:
.L_overlay_start_0:
0x88: {  	s2 =	sld [smem:$0x3FD9]  }
0x89: {  	s3 =	sld [smem:$0x3FFE];
	_ =	sdelay $0x1  }
0x8a: {  	s1 =	srdreg.scid  }
0x8b: {  	s0 =	sand.u32 $0x1, s1  }
0x8c: {  	s17 =	sshll.u32 s0, $0xA;
	s2 =	sadd.s32 s3, s2  }
0x8d: {  	s2 =	sadd.s32 s2, s17  }
0x8e: {  	[smem:$0x3FBB] =	sst s2  }
0x8f: {  	_ = 	snop  }
0x90: {  	(tm) =	ssettm $0x1  }
0x91: {  	s18 =	sld [smem:$0x3FFB];
	_ =	sdelay $0x3  }
0x92: {  	_ =	strace s18  }
0x93: {  	s2 =	sld [smem:$0x3FFC];
	_ =	sdelay $0x3  }
0x94: {  	_ =	strace s2  }
0x95: {  	s2 =	sld [smem:$0x3FFD];
	_ =	sdelay $0x3  }
0x96: {  	_ =	strace s2  }
0x97: {  	_ =	strace $0x8FFFFFFF  }
0x98: {  	s19 =	sld [smem:$0x3FDB];
	_ =	sdelay $0x1  }
0x99: {  	s20 =	simm.s32 $_scs_section_size  }
0x9a: {  	s4 =	simm.s32 $_size__tile_overlayer_lowered;
	s5 =	simm.s32 $_tile_overlayer_lowered  }
0x9b: {  	s6 =	simm.s32 $0x1BFF;
	s21 =	sshll.u32 s5, $0x1;
	s3 =	sadd.s32 s20, s19  }
0x9c: {  	s22 =	simm.s32 $0x0;
	s4 =	sshll.u32 s4, $0x1;
	s5 =	sadd.s32 s21, s3  }
0x9d: {  	[timem:s22], [sflag:s6] =	dma.local [hbm:s5], s4  }
0x9e: {  	_ =	swait.ge [sflag:s6], s4  }
0x9f: {  	s4 =	ssub.s32 $0x0, s4;
	[sflag:s6] =	ssyncset.done $0x0  }
0xa0: {  	[sflag:s6] =	ssyncadd.s32 s4;
	_ =	sdelay $0x1  }
0xa1: {  	s23 =	simm.s32 $0x1B8B  }
0xa2: {  	_ =	swait.ge [sflag:s23], $0x1  }
0xa3: {  	[sflag:s23] =	ssyncset.done $0x0  }
0xa4: {  	[sflag:s23] =	ssyncadd.s32 $0xFFFFFFFF  }
0xa5: {  	s4 =	sld [smem:$0x0]  }
0xa6: {  	s5 =	sand.u32 $0xFFFFFFFE, s1  }
0xa7: {  	p0 =	sne.s32 s1, s5  }
0xa8: {  	s5 =	sshll.u32 @p0 s5, $0xE  }
0xa9: {  	s5 =	sadd.s32 @p0 $0x11B8D, s5;
	s6 =	sshll.u32 @p0 s4, $0x11  }
0xaa: {  	s5 =	sor.u32 @p0 s6, s5  }
0xab: {  	[sflag:s5] =	ssyncadd.remote.s32 @p0 $0x1;
	_ =	sdelay $0x1  }
0xac: {  	s5 =	simm.s32 @p0 $0x1B8D  }
0xad: {  	_ =	swait.eq @p0 [sflag:s5], $0x1  }
0xae: {  	[sflag:s5] =	ssyncadd.s32 @p0 $0xFFFFFFFF  }
0xaf: {  	s6 =	sshll.u32 @!p0 s1, $0xE  }
0xb0: {  	s6 =	sor.u32 @!p0 $0x4000, s6;
	s5 =	simm.s32 @!p0 $0x1B8D  }
0xb1: {  	s4 =	sshll.u32 @!p0 s4, $0x11;
	s6 =	sadd.s32 @!p0 $0x11B8D, s6;
	_ =	swait.eq @!p0 [sflag:s5], $0x1  }
0xb2: {  	s4 =	sor.u32 @!p0 s4, s6;
	[sflag:s5] =	ssyncadd.s32 @!p0 $0xFFFFFFFF  }
0xb3: {  	s25 =	simm.s32 $0x1B8E;
	s24 =	sld [smem:$0x3FFE];
	[sflag:s4] =	ssyncadd.remote.s32 @!p0 $0x1  }
0xb4: {  	s26 =	simm.s32 $execute0_lowered;
	[smem:$0x3FD2] =	sst s25  }
0xb5: {  	s5 =	sshll.u32 s26, $0x1;
	_ =	strace $0x8000004F;
	[dreg:$0x1] =	wrdreg $0xFFFFFFFF  }
0xb6: {  	s28 =	simm.s32 $_size_execute0_lowered;
	s3 =	sadd.s32 s3, s5;
	[dreg:$0x0] =	wrdreg $0x0  }
0xb7: {  	s5 =	sshll.u32 s28, $0x1;
	[dreg:$0x2] =	wrdreg s3  }
0xb8: {  	[dreg:$0x3] =	wrdreg s5  }
0xb9: {  	[dreg:$0x4] =	wrdreg $0xC0  }
0xba: {  	_ =	task [dreg:s22], $0x5FFFF  }
0xbb: {  	[dreg:$0x1] =	wrdreg $0xFFFFFFFF  }
0xbc: {  	[dreg:$0x0] =	wrdreg $0x60  }
0xbd: {  	[dreg:$0x2] =	wrdreg s24  }
0xbe: {  	[dreg:$0x3] =	wrdreg $0x9  }
0xbf: {  	_ =	task.clear_ibuf [dreg:s22], $0x4FFFF;
	_ =	strace $0x9000004F  }
0xc0: {  	s29 =	simm.s32 $0x9;
	_ =	strace $0x80000051  }
0xc1: {  	_ =	swait.ge [sflag:s29], $0x1  }
0xc2: {  	[sflag:s29] =	ssyncadd.s32 $0xFFFFFFFF  }
0xc3: {  	_ =	strace $0x90000051  }
0xc4: {  	_ =	sfence  }
0xc5: {  	s30 =	sld [smem:$0x0];
	_ =	sdelay $0x2  }
0xc6: {  	s31 =	sshll.u32 s1, $0xD;
	s1 =	sshrl.u32 s1, $0x2  }
0xc7: {  	s4 =	sand.u32 $0x4000, s31;
	s1 =	sadd.s32 s1, s30  }
0xc8: {  	s0 =	sor.u32 s4, s0;
	s1 =	sshll.u32 s1, $0x11  }
0xc9: {  	s0 =	sor.u32 s1, s0  }
0xca: {  	s0 =	sadd.s32 $0x8F2B, s0  }
0xcb: {  	[sflag:s0] =	ssyncadd.remote.s32 $0x1  }
0xcc: {  	_ =	sfence.sel $0xFFFF  }
0xcd: {  	[dreg:$0x0] =	wrdreg $0xFFFFFFFF;
	(pc) =	sbr.abs _section_cstart, $3  }
0xce: {  	[dreg:$0x1] =	wrdreg $0xFFFFFFFF  }
0xcf: {  	_ =	task.clear_ibuf [dreg:s22], $0x2FFFF;
	_ =	strace $0x9FFFFFFF  }
0xd0: {  	(tm) =	ssettm $0x7FFFFFFF  }
0xd1: {  	_ =	shalt  }
tec
execute0_lowered:
.L_overlay_start_1:
0x0: {  	(tag) =	ssettag $0x1  }
0x1: {  	s4 =	rddreg [dreg:$0x0]  }
0x2: {  	s0 =	rddreg [dreg:$0x1];
	s2 =	simm.s32 $0x0;
	s3 =	srdreg.scid  }
0x3: {  	s1 =	stileid.u32;
	s10 =	simm.s32 $0x100;
	s11 =	simm.s32 $0xC8  }
0x4: {  	s12 =	simm.s32 $0x200;
	s13 =	simm.s32 $0x6600;
	s14 =	simm.s32 $0x1  }
0x5: {  	s15 =	simm.s32 $0x2;
	s16 =	simm.s32 $0x0;
	s6 =	smul.u32 $0x7D0, s1  }
0x6: {  	[smem:$0x7FF] =	sst s2;
	s5 =	sand.u32 $0x1, s3;
	s8 =	smul.u32 $0x7D00, s1  }
0x7: {  	s3 =	sadd.s32 $0xA200, s4;
	s7 =	smul.u32 $0x3E8, s5;
	s9 =	ssub.s32 $0x2, s5  }
0x8: {  	_ =	strace $0x80000050;
	s5 =	smul.u32 $0x3E80, s5;
	s29 =	sshrl.u32 s9, $0x1  }
0x9: {  	s8 =	sadd.s32 s8, s4;
	s6 =	sadd.s32 s7, s6;
	s7 =	ssub.s32 s9, s29  }
0xa: {  	s31 =	sadd.s32 s5, s8;
	s9 =	simm.s32 $0x3;
	s6 =	sshrl.u32 s6, $0x3  }
0xb: {  	s5 =	sadd.s32 $0x31400, s31;
	s30 =	sadd.s32 s6, s4;
	s6 =	sadd.s32 $0xAE400, s31  }
0xc: {  	s4 =	smax.u32 s7, $0x1;
	s7 =	sadd.s32 $0x12C400, s30;
	s8 =	sadd.s32 $0x12F400, s30  }
.LBB2_1:
0xd: {  	s17 =	sadd.s32 $0x0, s8  }
0xe: {  	[tilespmem:s2], [sflag:$0x3] =	stream.linear.gather [hbm4b:s17+s2], $0xC8, $0x38;
	[tilespmem:$0xCA00] =	vst v63  }
0xf: {  	_ =	swait.ge [sflag:s9], $0xC8  }
0x10: {  	[sflag:s9] =	ssyncset.done $0x0  }
0x11: {  	s31 =	sadd.s32 $0x0, s7;
	[sflag:s9] =	ssyncadd.s32 $0xFFFFFF38  }
0x12: {  	[tilespmem:s10], [sflag:$0x3] =	stream.linear.gather [hbm4b:s31+s2], $0xC8, $0x38;
	[tilespmem:$0xCA00] =	vst v63  }
0x13: {  	_ =	swait.ge [sflag:s9], $0xC8  }
0x14: {  	[sflag:s9] =	ssyncset.done $0x0  }
0x15: {  	[sflag:s9] =	ssyncadd.s32 $0xFFFFFF38  }
0x16: {  	[tilespmem:s12], [sflag:$0x1] =	stream.indirect.gather [hbm4b:s3+s11], $0x80, s2, s11, $0xb8;
	[tilespmem:$0xCA00] =	vst v63  }
0x17: {  	_ = 	snop  }
0x18: {  	[tilespmem:s13], [sflag:$0x2] =	stream.indirect.gather [hbm4b:s3+s11], $0x80, s10, s11, $0xb8;
	[tilespmem:$0xCA00] =	vst v63  }
0x19: {  	_ =	swait.ge [sflag:s14], $0x6400  }
0x1a: {  	[sflag:s14] =	ssyncset.done $0x0  }
0x1b: {  	[sflag:s14] =	ssyncadd.s32 $0xFFFF9C00  }
0x1c: {  	_ =	swait.ge [sflag:s15], $0x6400  }
0x1d: {  	[sflag:s15] =	ssyncset.done $0x0  }
0x1e: {  	[sflag:s15] =	ssyncadd.s32 $0xFFFF9C00  }
0x1f: {  	[hbm4b:s5+s2] =	stream.linear.scatter [tilespmem:s12], [sflag:$0x3], $0x6400, $0x38;
	[tilespmem:$0xCA00] =	vst v63  }
0x20: {  	_ =	swait.ge [sflag:s9], $0x6400  }
0x21: {  	[sflag:s9] =	ssyncset.done $0x0  }
0x22: {  	[sflag:s9] =	ssyncadd.s32 $0xFFFF9C00  }
0x23: {  	[hbm4b:s6+s2] =	stream.linear.scatter [tilespmem:s13], [sflag:$0x3], $0x6400, $0x38;
	[tilespmem:$0xCA00] =	vst v63  }
0x24: {  	s19 =	simm.s32 $0x19;
	s20 =	simm.s32 $0x32;
	_ =	swait.ge [sflag:s9], $0x6400  }
0x25: {  	s18 =	sadd.s32 $0xC80, s5;
	s17 =	sadd.s32 $0xC80, s6;
	[sflag:s9] =	ssyncset.done $0x0  }
.LBB2_2:
0x26: {  	s21 =	sadd.s32 s19, s8  }
0x27: {  	[sflag:s9] =	ssyncadd.s32 $0xFFFF9C00;
	s22 =	smov.u32 s20;
	s23 =	sadd.s32 $0x19, s20  }
0x28: {  	[tilespmem:s2], [sflag:$0x3] =	stream.linear.gather [hbm4b:s21+s2], $0xC8, $0x38;
	[tilespmem:$0xCA00] =	vst v63  }
0x29: {  	p0 =	sne.s32 s20, $0x64;
	_ =	swait.ge [sflag:s9], $0xC8  }
0x2a: {  	[sflag:s9] =	ssyncset.done $0x0  }
0x2b: {  	s20 =	sadd.s32 s19, s7;
	s19 =	smov.u32 s22;
	[sflag:s9] =	ssyncadd.s32 $0xFFFFFF38  }
0x2c: {  	[tilespmem:s10], [sflag:$0x3] =	stream.linear.gather [hbm4b:s20+s2], $0xC8, $0x38;
	[tilespmem:$0xCA00] =	vst v63  }
0x2d: {  	_ =	swait.ge [sflag:s9], $0xC8  }
0x2e: {  	[sflag:s9] =	ssyncset.done $0x0  }
0x2f: {  	[sflag:s9] =	ssyncadd.s32 $0xFFFFFF38  }
0x30: {  	[tilespmem:s12], [sflag:$0x1] =	stream.indirect.gather [hbm4b:s3+s11], $0x80, s2, s11, $0xb8;
	[tilespmem:$0xCA00] =	vst v63  }
0x31: {  	_ = 	snop  }
0x32: {  	[tilespmem:s13], [sflag:$0x2] =	stream.indirect.gather [hbm4b:s3+s11], $0x80, s10, s11, $0xb8;
	[tilespmem:$0xCA00] =	vst v63  }
0x33: {  	_ =	swait.ge [sflag:s14], $0x6400  }
0x34: {  	[sflag:s14] =	ssyncset.done $0x0  }
0x35: {  	[sflag:s14] =	ssyncadd.s32 $0xFFFF9C00  }
0x36: {  	_ =	swait.ge [sflag:s15], $0x6400  }
0x37: {  	[sflag:s15] =	ssyncset.done $0x0  }
0x38: {  	[sflag:s15] =	ssyncadd.s32 $0xFFFF9C00  }
0x39: {  	[hbm4b:s18+s2] =	stream.linear.scatter [tilespmem:s12], [sflag:$0x3], $0x6400, $0x38;
	[tilespmem:$0xCA00] =	vst v63  }
0x3a: {  	_ =	swait.ge [sflag:s9], $0x6400  }
.Ltmp0:
0x3b: {  	[sflag:s9] =	ssyncset.done $0x0;
	(pc) =	sbr.rel @p0 .LBB2_2-.Ltmp0, $4  }
0x3c: {  	[sflag:s9] =	ssyncadd.s32 $0xFFFF9C00  }
0x3d: {  	[hbm4b:s17+s2] =	stream.linear.scatter [tilespmem:s13], [sflag:$0x3], $0x6400, $0x38;
	[tilespmem:$0xCA00] =	vst v63  }
0x3e: {  	s20 =	smov.u32 s23;
	_ =	swait.ge [sflag:s9], $0x6400  }
0x3f: {  	s18 =	sadd.s32 $0xC80, s18;
	s17 =	sadd.s32 $0xC80, s17;
	[sflag:s9] =	ssyncset.done $0x0  }
0x40: {  	s20 =	sadd.s32 s19, s8;
	[sflag:s9] =	ssyncadd.s32 $0xFFFF9C00  }
0x41: {  	[tilespmem:s2], [sflag:$0x3] =	stream.linear.gather [hbm4b:s20+s2], $0xC8, $0x38;
	[tilespmem:$0xCA00] =	vst v63  }
0x42: {  	_ =	swait.ge [sflag:s9], $0xC8  }
0x43: {  	[sflag:s9] =	ssyncset.done $0x0  }
0x44: {  	s31 =	sadd.s32 s19, s7;
	[sflag:s9] =	ssyncadd.s32 $0xFFFFFF38  }
0x45: {  	[tilespmem:s10], [sflag:$0x3] =	stream.linear.gather [hbm4b:s31+s2], $0xC8, $0x38;
	[tilespmem:$0xCA00] =	vst v63  }
0x46: {  	_ =	swait.ge [sflag:s9], $0xC8  }
0x47: {  	[sflag:s9] =	ssyncset.done $0x0  }
0x48: {  	[sflag:s9] =	ssyncadd.s32 $0xFFFFFF38  }
0x49: {  	[tilespmem:s12], [sflag:$0x1] =	stream.indirect.gather [hbm4b:s3+s11], $0x80, s2, s11, $0xb8;
	[tilespmem:$0xCA00] =	vst v63  }
0x4a: {  	_ = 	snop  }
0x4b: {  	[tilespmem:s13], [sflag:$0x2] =	stream.indirect.gather [hbm4b:s3+s11], $0x80, s10, s11, $0xb8;
	[tilespmem:$0xCA00] =	vst v63  }
0x4c: {  	_ =	swait.ge [sflag:s14], $0x6400  }
0x4d: {  	[sflag:s14] =	ssyncset.done $0x0  }
0x4e: {  	[sflag:s14] =	ssyncadd.s32 $0xFFFF9C00  }
0x4f: {  	_ =	swait.ge [sflag:s15], $0x6400  }
0x50: {  	[sflag:s15] =	ssyncset.done $0x0  }
0x51: {  	[sflag:s15] =	ssyncadd.s32 $0xFFFF9C00  }
0x52: {  	[hbm4b:s18+s2] =	stream.linear.scatter [tilespmem:s12], [sflag:$0x3], $0x6400, $0x38;
	[tilespmem:$0xCA00] =	vst v63  }
0x53: {  	s16 =	sadd.s32 $0x1, s16;
	_ =	swait.ge [sflag:s9], $0x6400  }
0x54: {  	p0 =	sne.s32 s16, s4;
	[sflag:s9] =	ssyncset.done $0x0  }
.Ltmp1:
0x55: {  	[sflag:s9] =	ssyncadd.s32 $0xFFFF9C00;
	(pc) =	sbr.rel @p0 .LBB2_1-.Ltmp1, $4  }
0x56: {  	[hbm4b:s17+s2] =	stream.linear.scatter [tilespmem:s13], [sflag:$0x3], $0x6400, $0x38;
	[tilespmem:$0xCA00] =	vst v63  }
0x57: {  	_ =	swait.ge [sflag:s9], $0x6400  }
0x58: {  	[sflag:s9] =	ssyncset.done $0x0  }
0x59: {  	[sflag:s9] =	ssyncadd.s32 $0xFFFF9C00  }
0x5a: {  	_ =	sfence.sel $0x180000  }
0x5b: {  	[bflag:$0x0] =	sbarrier.arrive $0xFFFF  }
0x5c: {  	p0 =	sne.s32 s1, $0x0;
	_ =	strace $0x90000050  }
0x5d: {  	s0 =	sadd.s32 @!p0 $0x100000, s0;
	[bflag:$0x2] =	sbarrier.arrive $0xFFFF  }
0x5e: {  	[sflag:s0] =	ssyncadd.tile.s32 @!p0 $0x1;
	_ =	shalt  }
.Lfunc_end2:
_tile_overlayer_lowered:
.L_overlay_start_2:
0x5f: {  	(tag) =	ssettag $0x2  }
0x60: {  	s0 =	rddreg [dreg:$0x0];
	s2 =	stileid.u32  }
0x61: {  	s1 =	rddreg [dreg:$0x1];
	p0 =	sne.s32 s2, $0x0  }
0x62: {  	s3 =	rddreg [dreg:$0x2];
	[bflag:$0x3] =	sbarrier.arrive $0xFFFF;
	s2 =	simm.s32 @!p0 $0x1C03  }
0x63: {  	[timem:s3], [sflag:s2] =	dma.local @!p0 [hbm:s0], s1  }
0x64: {  	s0 =	simm.s32 @!p0 $0x3  }
0x65: {  	_ =	swait.ge @!p0 [sflag:s0], s1  }
0x66: {  	s1 =	ssub.s32 @!p0 $0x0, s1;
	[sflag:s0] =	ssyncset.done @!p0 $0x0  }
0x67: {  	[sflag:s0] =	ssyncadd.s32 @!p0 s1  }
0x68: {  	[bflag:$0x3] =	sbarrier.arrive $0xFFFF  }
0x69: {  	_ =	shalt  }

// kernel: kernel.32.cloned.1.call-start
scs
__scs_entry_jumppad:
0x0: {  	(pc) =	sbr.rel $0x88, $3  }
0x1: {  	(tag) =	ssettag $0x0;
	lr =	simm.s32 $0x1  }
0x2: {  	[smem:$0x3F94] =	sst lr;
	_ =	strace $0xD0000000  }
0x3: {  	_ = 	snop  }
0x4: {  	_ = 	snop  }
0x5: {  	_ = 	snop  }
0x6: {  	_ = 	snop  }
0x7: {  	_ = 	snop  }
__scs_overlays_trampoline_lowered:
0x8: {  	[smem:$0x3FA3] =	sst s0  }
0x9: {  	[smem:$0x3FA4] =	sst s1  }
0xa: {  	[smem:$0x3FA5] =	sst s2  }
0xb: {  	[smem:$0x3FA6] =	sst s3  }
0xc: {  	[smem:$0x3FA7] =	sst s4  }
0xd: {  	[smem:$0x3FA8] =	sst s5  }
0xe: {  	[smem:$0x3FA9] =	sst s6  }
0xf: {  	[smem:$0x3FAA] =	sst s7  }
0x10: {  	[smem:$0x3FAB] =	sst s8  }
0x11: {  	[smem:$0x3FAC] =	sst s9;
	s0 =	simm.s32 @!p0 $0x0  }
0x12: {  	s1 =	sld [smem:$0x3F92];
	s0 =	simm.s32 @p0 $0x1  }
0x13: {  	[smem:$0x3FAD] =	sst s0;
	s0 =	simm.s32 @!p1 $0x0  }
0x14: {  	s2 =	sld [smem:$0x3F91];
	s0 =	simm.s32 @p1 $0x1  }
0x15: {  	[smem:$0x3FAE] =	sst s0;
	s0 =	simm.s32 @!p2 $0x0  }
0x16: {  	s3 =	sld [smem:$0x3FDB];
	s0 =	simm.s32 @p2 $0x1  }
0x17: {  	s4 =	simm.s32 $0x1BF5;
	[smem:$0x3FB0] =	sst s0  }
0x18: {  	s0 =	sld [smem:$0x3F93];
	_ =	swait.ge [sflag:s4], $0x0  }
0x19: {  	s7 =	sld [smem:$0x3F94]  }
0x1a: {  	s8 =	sadd.s32 $0xFFFFE003, lr  }
0x1b: {  	s9 =	sadd.s32 $0xFFFFFEF7, lr;
	s5 =	simm.s32 $0xFFFFFFFF;
	p2 =	slt.u32 s8, $0xFFFFF086  }
0x1c: {  	p1 =	slt.u32 s9, $0xF7A;
	s5 =	simm.s32 @!p2 $0x0  }
0x1d: {  	s5 =	simm.s32 @p1 $0x1;
	p0 =	seq.s32 s7, s2  }
0x1e: {  	s7 =	smul.u32 @!p0 $0xF7A, s2;
	p2 =	seq.s32 @!p0 s5, $0x0  }
0x1f: {  	s9 =	smul.u32 $0xF7A, s1;
	s8 =	simm.s32 @!p0 $0x1BF5;
	p2 =	por !p2, p0  }
0x20: {  	[sflag:s8] =	ssyncset.s32 @!p0 $0xFFFFF086;
	s6 =	sadd.s32 @!p0 s3, s7;
	s7 =	simm.s32 @!p0 $0x108  }
0x21: {  	s3 =	sadd.s32 s3, s9;
	s6 =	sadd.s32 @!p0 $0x88, s6;
	s7 =	simm.s32 @p2 $0x1082  }
0x22: {  	[simem:s7], [sflag:s8] =	dma.local @!p0 [hbm:s6], $0xF7A  }
0x23: {  	s9 =	sor.u32 $0xD0000000, s2;
	s6 =	simm.s32 $0x108;
	_ =	swait.ge @!p0 [sflag:s8], $0x0  }
0x24: {  	s3 =	sadd.s32 $0x88, s3;
	s6 =	simm.s32 @!p1 $0x1082;
	[sflag:s4] =	ssyncset.s32 $0xFFFFF086  }
0x25: {  	[simem:s6], [sflag:s4] =	dma.local [hbm:s3], $0xF7A  }
0x26: {  	[smem:$0x3F94] =	sst s1;
	(tag) =	ssettag s2;
	_ =	strace s9  }
0x27: {  	s1 =	sld [smem:$0x3FA4]  }
0x28: {  	s2 =	sld [smem:$0x3FA5]  }
0x29: {  	s4 =	sld [smem:$0x3FA7]  }
0x2a: {  	p0 =	seq.s32 s5, $0x0;
	s5 =	sld [smem:$0x3FA8]  }
0x2b: {  	s6 =	sld [smem:$0x3FA9]  }
0x2c: {  	s7 =	sld [smem:$0x3FAA]  }
0x2d: {  	s3 =	simm.s32 $0x108;
	s8 =	sld [smem:$0x3FAB]  }
0x2e: {  	s3 =	simm.s32 @!p0 $0x1082;
	s9 =	sld [smem:$0x3FAC]  }
0x2f: {  	lr =	sadd.s32 s0, s3;
	s0 =	sld [smem:$0x3FA3]  }
0x30: {  	s3 =	sld [smem:$0x3FA6]  }
0x31: {  	[smem:$0x3FAF] =	sst s10  }
0x32: {  	s10 =	sld [smem:$0x3FAD];
	_ =	sdelay $0x3  }
0x33: {  	p0 =	seq.s32 s10, $0x1;
	s10 =	sld [smem:$0x3FAF];
	_ =	sdelay $0x3  }
0x34: {  	[smem:$0x3FAF] =	sst s10  }
0x35: {  	s10 =	sld [smem:$0x3FAE];
	_ =	sdelay $0x3  }
0x36: {  	p1 =	seq.s32 s10, $0x1;
	s10 =	sld [smem:$0x3FAF];
	_ =	sdelay $0x3  }
0x37: {  	[smem:$0x3FAF] =	sst s10  }
0x38: {  	s10 =	sld [smem:$0x3FB0]  }
0x39: {  	_ = 	snop;
	(pc) =	sbr.ind lr, $3  }
0x3a: {  	_ = 	snop  }
0x3b: {  	_ = 	snop  }
0x3c: {  	p2 =	seq.s32 s10, $0x1;
	s10 =	sld [smem:$0x3FAF]  }
0x3d: {  	_ =	shalt  }
0x3e: {  	_ =	shalt  }
0x3f: {  	_ =	shalt  }
0x40: {  	_ =	shalt  }
0x41: {  	_ =	shalt  }
0x42: {  	_ =	shalt  }
0x43: {  	_ =	shalt  }
0x44: {  	_ =	shalt  }
0x45: {  	_ =	shalt  }
0x46: {  	_ =	shalt  }
0x47: {  	_ =	shalt  }
0x48: {  	_ =	shalt  }
0x49: {  	_ =	shalt  }
0x4a: {  	_ =	shalt  }
0x4b: {  	_ =	shalt  }
0x4c: {  	_ =	shalt  }
0x4d: {  	_ =	shalt  }
0x4e: {  	_ =	shalt  }
0x4f: {  	_ =	shalt  }
0x50: {  	_ =	shalt  }
0x51: {  	_ =	shalt  }
0x52: {  	_ =	shalt  }
0x53: {  	_ =	shalt  }
0x54: {  	_ =	shalt  }
0x55: {  	_ =	shalt  }
0x56: {  	_ =	shalt  }
0x57: {  	_ =	shalt  }
0x58: {  	_ =	shalt  }
0x59: {  	_ =	shalt  }
0x5a: {  	_ =	shalt  }
0x5b: {  	_ =	shalt  }
0x5c: {  	_ =	shalt  }
0x5d: {  	_ =	shalt  }
0x5e: {  	_ =	shalt  }
0x5f: {  	_ =	shalt  }
0x60: {  	_ =	shalt  }
0x61: {  	_ =	shalt  }
0x62: {  	_ =	shalt  }
0x63: {  	_ =	shalt  }
0x64: {  	_ =	shalt  }
0x65: {  	_ =	shalt  }
0x66: {  	_ =	shalt  }
0x67: {  	_ =	shalt  }
0x68: {  	_ =	shalt  }
0x69: {  	_ =	shalt  }
0x6a: {  	_ =	shalt  }
0x6b: {  	_ =	shalt  }
0x6c: {  	_ =	shalt  }
0x6d: {  	_ =	shalt  }
0x6e: {  	_ =	shalt  }
0x6f: {  	_ =	shalt  }
0x70: {  	_ =	shalt  }
0x71: {  	_ =	shalt  }
0x72: {  	_ =	shalt  }
0x73: {  	_ =	shalt  }
0x74: {  	_ =	shalt  }
0x75: {  	_ =	shalt  }
0x76: {  	_ =	shalt  }
0x77: {  	_ =	shalt  }
0x78: {  	_ =	shalt  }
0x79: {  	_ =	shalt  }
0x7a: {  	_ =	shalt  }
0x7b: {  	_ =	shalt  }
0x7c: {  	_ =	shalt  }
0x7d: {  	_ =	shalt  }
0x7e: {  	_ =	shalt  }
0x7f: {  	_ =	shalt  }
0x80: {  	_ =	shalt  }
0x81: {  	_ =	shalt  }
0x82: {  	_ =	shalt  }
0x83: {  	_ =	shalt  }
0x84: {  	_ =	shalt  }
0x85: {  	_ =	shalt  }
0x86: {  	_ =	shalt  }
0x87: {  	_ =	shalt  }
.Lfunc_end0:
.L_simem_size_0:
called_computation.5_lowered:
.L_overlay_start_0:
0x88: {  	s2 =	sld [smem:$0x3FD9]  }
0x89: {  	s3 =	sld [smem:$0x3FFE];
	_ =	sdelay $0x1  }
0x8a: {  	s1 =	srdreg.scid  }
0x8b: {  	s0 =	sand.u32 $0x1, s1  }
0x8c: {  	s15 =	sshll.u32 s0, $0xA;
	s2 =	sadd.s32 s3, s2  }
0x8d: {  	s2 =	sadd.s32 s2, s15  }
0x8e: {  	[smem:$0x3FBB] =	sst s2  }
0x8f: {  	_ = 	snop  }
0x90: {  	s2 =	sld [smem:$0x3FD0];
	_ =	sdelay $0x2  }
0x91: {  	s4 =	simm.s32 $0xC;
	s16 =	simm.s32 $0x10  }
0x92: {  	[smem:s16], [sflag:s4] =	dma.local [hbm:s2], $0x1  }
0x93: {  	_ =	swait.eq [sflag:s4], $0x1  }
0x94: {  	[sflag:s4] =	ssyncset.done $0x0  }
0x95: {  	s17 =	sld [smem:$0x10];
	[sflag:s4] =	ssyncadd.s32 $0xFFFFFFFF  }
0x96: {  	s18 =	sld [smem:$0x11];
	(tm) =	ssettm $0x1  }
0x97: {  	s19 =	sld [smem:$0x3FFB];
	_ =	sdelay $0x3  }
0x98: {  	_ =	strace s19  }
0x99: {  	s2 =	sld [smem:$0x3FFC];
	_ =	sdelay $0x3  }
0x9a: {  	_ =	strace s2  }
0x9b: {  	s2 =	sld [smem:$0x3FFD];
	_ =	sdelay $0x3  }
0x9c: {  	_ =	strace s2  }
0x9d: {  	_ =	strace $0x8FFFFFFF  }
0x9e: {  	s20 =	sld [smem:$0x3FDB];
	_ =	sdelay $0x1  }
0x9f: {  	s5 =	simm.s32 $_scs_section_size  }
0xa0: {  	s6 =	simm.s32 $_size__tile_overlayer_lowered;
	s7 =	simm.s32 $_tile_overlayer_lowered  }
0xa1: {  	s8 =	simm.s32 $0x1BFF;
	s21 =	sshll.u32 s7, $0x1;
	s5 =	sadd.s32 s5, s20  }
0xa2: {  	s22 =	simm.s32 $0x0;
	s6 =	sshll.u32 s6, $0x1;
	s7 =	sadd.s32 s21, s5  }
0xa3: {  	[timem:s22], [sflag:s8] =	dma.local [hbm:s7], s6  }
0xa4: {  	_ =	swait.ge [sflag:s8], s6  }
0xa5: {  	s6 =	ssub.s32 $0x0, s6;
	[sflag:s8] =	ssyncset.done $0x0  }
0xa6: {  	[sflag:s8] =	ssyncadd.s32 s6;
	_ =	sdelay $0x1  }
0xa7: {  	s23 =	simm.s32 $0x1B8B  }
0xa8: {  	_ =	swait.ge [sflag:s23], $0x1  }
0xa9: {  	[sflag:s23] =	ssyncset.done $0x0  }
0xaa: {  	[sflag:s23] =	ssyncadd.s32 $0xFFFFFFFF  }
0xab: {  	s6 =	sld [smem:$0x0]  }
0xac: {  	s7 =	sand.u32 $0xFFFFFFFE, s1  }
0xad: {  	p0 =	sne.s32 s1, s7  }
0xae: {  	s7 =	sshll.u32 @p0 s7, $0xE  }
0xaf: {  	s7 =	sadd.s32 @p0 $0x11B8D, s7;
	s8 =	sshll.u32 @p0 s6, $0x11  }
0xb0: {  	s7 =	sor.u32 @p0 s8, s7  }
0xb1: {  	[sflag:s7] =	ssyncadd.remote.s32 @p0 $0x1;
	_ =	sdelay $0x1  }
0xb2: {  	s7 =	simm.s32 @p0 $0x1B8D  }
0xb3: {  	_ =	swait.eq @p0 [sflag:s7], $0x1  }
0xb4: {  	[sflag:s7] =	ssyncadd.s32 @p0 $0xFFFFFFFF  }
0xb5: {  	s8 =	sshll.u32 @!p0 s1, $0xE  }
0xb6: {  	s8 =	sor.u32 @!p0 $0x4000, s8;
	s7 =	simm.s32 @!p0 $0x1B8D  }
0xb7: {  	s6 =	sshll.u32 @!p0 s6, $0x11;
	s8 =	sadd.s32 @!p0 $0x11B8D, s8;
	_ =	swait.eq @!p0 [sflag:s7], $0x1  }
0xb8: {  	s6 =	sor.u32 @!p0 s6, s8;
	[sflag:s7] =	ssyncadd.s32 @!p0 $0xFFFFFFFF  }
0xb9: {  	s25 =	simm.s32 $0x1B8E;
	s24 =	sld [smem:$0x3FFE];
	[sflag:s6] =	ssyncadd.remote.s32 @!p0 $0x1  }
0xba: {  	s26 =	simm.s32 $execute0_lowered;
	[smem:$0x3FD2] =	sst s25  }
0xbb: {  	s7 =	sshll.u32 s26, $0x1;
	_ =	strace $0x80000058;
	[dreg:$0x1] =	wrdreg $0xFFFFFFFF  }
0xbc: {  	s28 =	simm.s32 $_size_execute0_lowered;
	s5 =	sadd.s32 s5, s7;
	[dreg:$0x0] =	wrdreg $0x0  }
0xbd: {  	s7 =	sshll.u32 s28, $0x1;
	[dreg:$0x2] =	wrdreg s5  }
0xbe: {  	[dreg:$0x3] =	wrdreg s7  }
0xbf: {  	[dreg:$0x4] =	wrdreg $0xC0  }
0xc0: {  	_ =	task [dreg:s22], $0x5FFFF  }
0xc1: {  	[dreg:$0x1] =	wrdreg $0xFFFFFFFF  }
0xc2: {  	[dreg:$0x0] =	wrdreg $0x60  }
0xc3: {  	[dreg:$0x2] =	wrdreg s18  }
0xc4: {  	[dreg:$0x3] =	wrdreg s24  }
0xc5: {  	[dreg:$0x4] =	wrdreg s17  }
0xc6: {  	[dreg:$0x5] =	wrdreg $0x65000  }
0xc7: {  	[dreg:$0x6] =	wrdreg $0xB  }
0xc8: {  	_ =	task.clear_ibuf [dreg:s22], $0x7FFFF;
	_ =	strace $0x90000058  }
0xc9: {  	s29 =	simm.s32 $0xB;
	_ =	strace $0x8000005A  }
0xca: {  	_ =	swait.ge [sflag:s29], $0x1  }
0xcb: {  	[sflag:s29] =	ssyncadd.s32 $0xFFFFFFFF  }
0xcc: {  	_ =	strace $0x9000005A  }
0xcd: {  	_ =	sfence  }
0xce: {  	s30 =	sld [smem:$0x0];
	_ =	sdelay $0x2  }
0xcf: {  	s31 =	sshll.u32 s1, $0xD;
	s1 =	sshrl.u32 s1, $0x2  }
0xd0: {  	s4 =	sand.u32 $0x4000, s31;
	s1 =	sadd.s32 s1, s30  }
0xd1: {  	s0 =	sor.u32 s4, s0;
	s1 =	sshll.u32 s1, $0x11  }
0xd2: {  	s0 =	sor.u32 s1, s0  }
0xd3: {  	s0 =	sadd.s32 $0x8F2B, s0  }
0xd4: {  	[sflag:s0] =	ssyncadd.remote.s32 $0x1  }
0xd5: {  	_ =	sfence.sel $0xFFFF  }
0xd6: {  	[dreg:$0x0] =	wrdreg $0xFFFFFFFF;
	(pc) =	sbr.abs _section_cstart, $3  }
0xd7: {  	[dreg:$0x1] =	wrdreg $0xFFFFFFFF  }
0xd8: {  	_ =	task.clear_ibuf [dreg:s22], $0x2FFFF;
	_ =	strace $0x9FFFFFFF  }
0xd9: {  	(tm) =	ssettm $0x7FFFFFFF  }
tec
execute0_lowered:
.L_overlay_start_1:
0x0: {  	(tag) =	ssettag $0x1  }
0x1: {  	s6 =	rddreg [dreg:$0x0]  }
0x2: {  	s4 =	rddreg [dreg:$0x1]  }
0x3: {  	s8 =	rddreg [dreg:$0x2]  }
0x4: {  	s2 =	rddreg [dreg:$0x3]  }
0x5: {  	s1 =	stileid.u32;
	s3 =	srdreg.scid  }
0x6: {  	s0 =	rddreg [dreg:$0x4];
	s15 =	simm.s32 $0x100;
	s16 =	simm.s32 $0x1  }
0x7: {  	s18 =	simm.s32 $0x400;
	s19 =	simm.s32 $0x800;
	s7 =	smul.u32 $0x7D000, s1  }
0x8: {  	s20 =	simm.s32 $0xC8;
	s21 =	simm.s32 $0x0;
	s9 =	smul.u32 $0xFA, s1  }
0x9: {  	s5 =	sand.u32 $0x1, s3;
	s3 =	simm.s32 $0x0;
	s11 =	smul.u32 $0x4E000, s1  }
0xa: {  	s12 =	smul.u32 $0x27000, s1;
	s30 =	sshll.u32 s1, $0x6;
	s17 =	sadd.s32 $0x138000, s2  }
0xb: {  	p0 =	sne.s32 s1, $0xF;
	s10 =	sshll.u32 s5, $0xA;
	[smem:$0x7FF] =	sst s3  }
0xc: {  	s23 =	ssub.s32 $0x2, s5;
	s31 =	sshll.u32 s5, $0x7;
	s5 =	sor.u32 $0x1C01, s30  }
0xd: {  	s17 =	sshrl.u32 @!p0 s17, $0x3;
	s7 =	sor.u32 s10, s7;
	_ =	strace $0x80000059  }
0xe: {  	s13 =	sadd.s32 s9, s4;
	s24 =	sshrl.u32 s23, $0x1;
	s25 =	sshrl.u32 s11, $0x2  }
0xf: {  	s10 =	sor.u32 s10, s12;
	s7 =	sshrl.u32 s7, $0x3;
	s26 =	ssub.s32 s23, s24  }
0x10: {  	s28 =	sadd.s32 s25, s2;
	s29 =	sshrl.u32 s10, $0x3;
	s11 =	sadd.s32 $0x12F400, s13  }
0x11: {  	s13 =	simm.s32 $0x8;
	s14 =	sadd.s32 s7, s4;
	s4 =	sadd.s32 s6, s29  }
0x12: {  	s6 =	sadd.s32 s31, s6;
	s7 =	sadd.s32 s8, s29;
	s8 =	sadd.s32 s31, s8  }
0x13: {  	s9 =	smax.u32 s26, $0x1;
	s12 =	sshrl.u32 s28, $0x3;
	s6 =	sadd.s32 $0x4E000, s6  }
0x14: {  	s8 =	sadd.s32 $0x4E000, s8;
	s10 =	sadd.s32 $0x53A800, s14;
	s14 =	simm.s32 $0x80  }
.LBB2_1:
0x15: {  	[spmem:s12@s14], [sflag:s5] =	dma.strided [hbm:s4@s15], $0x2700, s13, $0x10   }
0x16: {  	_ =	swait.ge [sflag:s16], $0x2700  }
0x17: {  	s22 =	simm.s32 @!p0 $0x8;
	[sflag:s16] =	ssyncset.done $0x0  }
0x18: {  	s23 =	simm.s32 @!p0 $0x80;
	s24 =	simm.s32 @!p0 $0x100;
	[sflag:s16] =	ssyncadd.s32 $0xFFFFD900  }
0x19: {  	[spmem:s17@s23], [sflag:s5] =	dma.strided @!p0 [hbm:s6@s24], $0x100, s22, $0x10   }
0x1a: {  	s22 =	simm.s32 @!p0 $0x1  }
0x1b: {  	_ =	swait.ge @!p0 [sflag:s22], $0x100  }
0x1c: {  	[sflag:s22] =	ssyncset.done @!p0 $0x0  }
0x1d: {  	[sflag:s22] =	ssyncadd.s32 @!p0 $0xFFFFFF00  }
0x1e: {  	s31 =	sadd.s32 $0x0, s11;
	[bflag:$0x0] =	sbarrier.arrive $0xFFFF  }
0x1f: {  	[tilespmem:s3], [sflag:$0x1] =	stream.linear.gather [hbm4b:s31+s3], $0xC8, $0x38;
	[tilespmem:$0x19D80] =	vst v63  }
0x20: {  	_ =	swait.ge [sflag:s16], $0xC8  }
0x21: {  	[sflag:s16] =	ssyncset.done $0x0  }
0x22: {  	[sflag:s16] =	ssyncadd.s32 $0xFFFFFF38  }
0x23: {  	[tilespmem:s15], [sflag:$0x1] =	stream.strided.gather [hbm4b:s10+s18], $0x6400, s19, s18, $0x38;
	[tilespmem:$0x19D80] =	vst v63  }
0x24: {  	_ =	swait.ge [sflag:s16], $0x6400  }
0x25: {  	[sflag:s16] =	ssyncset.done $0x0  }
0x26: {  	[sflag:s16] =	ssyncadd.s32 $0xFFFF9C00  }
0x27: {  	[spmem:s2] =	stream.indirect.scatter.add.f32 [tilespmem:s15], [sflag:$0x1], $0x80, s3, s20, $0xb8;
	[tilespmem:$0x19D80] =	vst v63  }
0x28: {  	s23 =	simm.s32 $0x19;
	_ =	swait.ge [sflag:s16], $0x6400  }
0x29: {  	s24 =	simm.s32 $0x32;
	s22 =	sadd.s32 $0x1900, s10;
	[sflag:s16] =	ssyncset.done $0x0  }
.LBB2_2:
0x2a: {  	s25 =	sadd.s32 s23, s11  }
0x2b: {  	[sflag:s16] =	ssyncadd.s32 $0xFFFF9C00;
	s23 =	smov.u32 s24;
	s26 =	sadd.s32 $0x19, s24  }
0x2c: {  	[tilespmem:s3], [sflag:$0x1] =	stream.linear.gather [hbm4b:s25+s3], $0xC8, $0x38;
	[tilespmem:$0x19D80] =	vst v63  }
0x2d: {  	p1 =	sne.s32 s24, $0xE1;
	_ =	swait.ge [sflag:s16], $0xC8  }
0x2e: {  	[sflag:s16] =	ssyncset.done $0x0  }
0x2f: {  	[sflag:s16] =	ssyncadd.s32 $0xFFFFFF38  }
0x30: {  	[tilespmem:s15], [sflag:$0x1] =	stream.strided.gather [hbm4b:s22+s18], $0x6400, s19, s18, $0x38;
	[tilespmem:$0x19D80] =	vst v63  }
0x31: {  	_ =	swait.ge [sflag:s16], $0x6400  }
.Ltmp0:
0x32: {  	[sflag:s16] =	ssyncset.done $0x0;
	(pc) =	sbr.rel @p1 .LBB2_2-.Ltmp0, $4  }
0x33: {  	[sflag:s16] =	ssyncadd.s32 $0xFFFF9C00  }
0x34: {  	[spmem:s2] =	stream.indirect.scatter.add.f32 [tilespmem:s15], [sflag:$0x1], $0x80, s3, s20, $0xb8;
	[tilespmem:$0x19D80] =	vst v63  }
0x35: {  	_ =	swait.ge [sflag:s16], $0x6400  }
0x36: {  	s24 =	smov.u32 s26;
	s22 =	sadd.s32 $0x1900, s22;
	[sflag:s16] =	ssyncset.done $0x0  }
0x37: {  	s23 =	sadd.s32 s23, s11;
	[sflag:s16] =	ssyncadd.s32 $0xFFFF9C00  }
0x38: {  	[tilespmem:s3], [sflag:$0x1] =	stream.linear.gather [hbm4b:s23+s3], $0xC8, $0x38;
	[tilespmem:$0x19D80] =	vst v63  }
0x39: {  	_ =	swait.ge [sflag:s16], $0xC8  }
0x3a: {  	[sflag:s16] =	ssyncset.done $0x0  }
0x3b: {  	[sflag:s16] =	ssyncadd.s32 $0xFFFFFF38  }
0x3c: {  	[tilespmem:s15], [sflag:$0x1] =	stream.strided.gather [hbm4b:s22+s18], $0x6400, s19, s18, $0x38;
	[tilespmem:$0x19D80] =	vst v63  }
0x3d: {  	_ =	swait.ge [sflag:s16], $0x6400  }
0x3e: {  	[sflag:s16] =	ssyncset.done $0x0  }
0x3f: {  	[sflag:s16] =	ssyncadd.s32 $0xFFFF9C00  }
0x40: {  	[spmem:s2] =	stream.indirect.scatter.add.f32 [tilespmem:s15], [sflag:$0x1], $0x80, s3, s20, $0xb8;
	[tilespmem:$0x19D80] =	vst v63  }
0x41: {  	_ =	swait.ge [sflag:s16], $0x6400  }
0x42: {  	[sflag:s16] =	ssyncset.done $0x0  }
0x43: {  	[sflag:s16] =	ssyncadd.s32 $0xFFFF9C00  }
0x44: {  	[bflag:$0x0] =	sbarrier.arrive $0xFFFF  }
0x45: {  	[hbm:s7@s15], [sflag:s5] =	dma.strided [spmem:s12@s14], $0x2700, s13, $0x10   }
0x46: {  	s24 =	simm.s32 @!p0 $0x80;
	_ =	swait.ge [sflag:s16], $0x2700  }
0x47: {  	s21 =	sadd.s32 $0x1, s21;
	s23 =	simm.s32 @!p0 $0x100;
	[sflag:s16] =	ssyncset.done $0x0  }
0x48: {  	p1 =	sne.s32 s21, s9;
	s22 =	simm.s32 @!p0 $0x8;
	[sflag:s16] =	ssyncadd.s32 $0xFFFFD900  }
0x49: {  	[hbm:s8@s23], [sflag:s5] =	dma.strided @!p0 [spmem:s17@s24], $0x100, s22, $0x10   }
.Ltmp1:
0x4a: {  	_ = 	snop;
	(pc) =	sbr.rel @p1 .LBB2_1-.Ltmp1, $4  }
0x4b: {  	s22 =	simm.s32 @!p0 $0x1  }
0x4c: {  	_ =	swait.ge @!p0 [sflag:s22], $0x100  }
0x4d: {  	[sflag:s22] =	ssyncset.done @!p0 $0x0  }
0x4e: {  	[sflag:s22] =	ssyncadd.s32 @!p0 $0xFFFFFF00  }
0x4f: {  	_ =	sfence.sel $0x180000  }
0x50: {  	[bflag:$0x0] =	sbarrier.arrive $0xFFFF  }
0x51: {  	p0 =	sne.s32 s1, $0x0;
	_ =	strace $0x90000059  }
0x52: {  	s0 =	sadd.s32 @!p0 $0x100000, s0;
	[bflag:$0x2] =	sbarrier.arrive $0xFFFF  }
0x53: {  	[sflag:s0] =	ssyncadd.tile.s32 @!p0 $0x1;
	_ =	shalt  }
.Lfunc_end2:
_tile_overlayer_lowered:
.L_overlay_start_2:
0x54: {  	(tag) =	ssettag $0x2  }
0x55: {  	s0 =	rddreg [dreg:$0x0];
	s2 =	stileid.u32  }
0x56: {  	s1 =	rddreg [dreg:$0x1];
	p0 =	sne.s32 s2, $0x0  }
0x57: {  	s3 =	rddreg [dreg:$0x2];
	[bflag:$0x3] =	sbarrier.arrive $0xFFFF;
	s2 =	simm.s32 @!p0 $0x1C01  }
0x58: {  	[timem:s3], [sflag:s2] =	dma.local @!p0 [hbm:s0], s1  }
0x59: {  	s0 =	simm.s32 @!p0 $0x1  }
0x5a: {  	_ =	swait.ge @!p0 [sflag:s0], s1  }
0x5b: {  	s1 =	ssub.s32 @!p0 $0x0, s1;
	[sflag:s0] =	ssyncset.done @!p0 $0x0  }
0x5c: {  	[sflag:s0] =	ssyncadd.s32 @!p0 s1  }
0x5d: {  	[bflag:$0x3] =	sbarrier.arrive $0xFFFF  }
0x5e: {  	_ =	shalt  }

// kernel: kernel.35.cloned.1.call-start
scs
__scs_entry_jumppad:
0x0: {  	(pc) =	sbr.rel $0x88, $3  }
0x1: {  	(tag) =	ssettag $0x0;
	lr =	simm.s32 $0x1  }
0x2: {  	[smem:$0x3F94] =	sst lr;
	_ =	strace $0xD0000000  }
0x3: {  	_ = 	snop  }
0x4: {  	_ = 	snop  }
0x5: {  	_ = 	snop  }
0x6: {  	_ = 	snop  }
0x7: {  	_ = 	snop  }
__scs_overlays_trampoline_lowered:
0x8: {  	[smem:$0x3FA3] =	sst s0  }
0x9: {  	[smem:$0x3FA4] =	sst s1  }
0xa: {  	[smem:$0x3FA5] =	sst s2  }
0xb: {  	[smem:$0x3FA6] =	sst s3  }
0xc: {  	[smem:$0x3FA7] =	sst s4  }
0xd: {  	[smem:$0x3FA8] =	sst s5  }
0xe: {  	[smem:$0x3FA9] =	sst s6  }
0xf: {  	[smem:$0x3FAA] =	sst s7  }
0x10: {  	[smem:$0x3FAB] =	sst s8  }
0x11: {  	[smem:$0x3FAC] =	sst s9;
	s0 =	simm.s32 @!p0 $0x0  }
0x12: {  	s1 =	sld [smem:$0x3F92];
	s0 =	simm.s32 @p0 $0x1  }
0x13: {  	[smem:$0x3FAD] =	sst s0;
	s0 =	simm.s32 @!p1 $0x0  }
0x14: {  	s2 =	sld [smem:$0x3F91];
	s0 =	simm.s32 @p1 $0x1  }
0x15: {  	[smem:$0x3FAE] =	sst s0;
	s0 =	simm.s32 @!p2 $0x0  }
0x16: {  	s3 =	sld [smem:$0x3FDB];
	s0 =	simm.s32 @p2 $0x1  }
0x17: {  	s4 =	simm.s32 $0x1BF5;
	[smem:$0x3FB0] =	sst s0  }
0x18: {  	s0 =	sld [smem:$0x3F93];
	_ =	swait.ge [sflag:s4], $0x0  }
0x19: {  	s7 =	sld [smem:$0x3F94]  }
0x1a: {  	s8 =	sadd.s32 $0xFFFFE003, lr  }
0x1b: {  	s9 =	sadd.s32 $0xFFFFFEF7, lr;
	s5 =	simm.s32 $0xFFFFFFFF;
	p2 =	slt.u32 s8, $0xFFFFF086  }
0x1c: {  	p1 =	slt.u32 s9, $0xF7A;
	s5 =	simm.s32 @!p2 $0x0  }
0x1d: {  	s5 =	simm.s32 @p1 $0x1;
	p0 =	seq.s32 s7, s2  }
0x1e: {  	s7 =	smul.u32 @!p0 $0xF7A, s2;
	p2 =	seq.s32 @!p0 s5, $0x0  }
0x1f: {  	s9 =	smul.u32 $0xF7A, s1;
	s8 =	simm.s32 @!p0 $0x1BF5;
	p2 =	por !p2, p0  }
0x20: {  	[sflag:s8] =	ssyncset.s32 @!p0 $0xFFFFF086;
	s6 =	sadd.s32 @!p0 s3, s7;
	s7 =	simm.s32 @!p0 $0x108  }
0x21: {  	s3 =	sadd.s32 s3, s9;
	s6 =	sadd.s32 @!p0 $0x88, s6;
	s7 =	simm.s32 @p2 $0x1082  }
0x22: {  	[simem:s7], [sflag:s8] =	dma.local @!p0 [hbm:s6], $0xF7A  }
0x23: {  	s9 =	sor.u32 $0xD0000000, s2;
	s6 =	simm.s32 $0x108;
	_ =	swait.ge @!p0 [sflag:s8], $0x0  }
0x24: {  	s3 =	sadd.s32 $0x88, s3;
	s6 =	simm.s32 @!p1 $0x1082;
	[sflag:s4] =	ssyncset.s32 $0xFFFFF086  }
0x25: {  	[simem:s6], [sflag:s4] =	dma.local [hbm:s3], $0xF7A  }
0x26: {  	[smem:$0x3F94] =	sst s1;
	(tag) =	ssettag s2;
	_ =	strace s9  }
0x27: {  	s1 =	sld [smem:$0x3FA4]  }
0x28: {  	s2 =	sld [smem:$0x3FA5]  }
0x29: {  	s4 =	sld [smem:$0x3FA7]  }
0x2a: {  	p0 =	seq.s32 s5, $0x0;
	s5 =	sld [smem:$0x3FA8]  }
0x2b: {  	s6 =	sld [smem:$0x3FA9]  }
0x2c: {  	s7 =	sld [smem:$0x3FAA]  }
0x2d: {  	s3 =	simm.s32 $0x108;
	s8 =	sld [smem:$0x3FAB]  }
0x2e: {  	s3 =	simm.s32 @!p0 $0x1082;
	s9 =	sld [smem:$0x3FAC]  }
0x2f: {  	lr =	sadd.s32 s0, s3;
	s0 =	sld [smem:$0x3FA3]  }
0x30: {  	s3 =	sld [smem:$0x3FA6]  }
0x31: {  	[smem:$0x3FAF] =	sst s10  }
0x32: {  	s10 =	sld [smem:$0x3FAD];
	_ =	sdelay $0x3  }
0x33: {  	p0 =	seq.s32 s10, $0x1;
	s10 =	sld [smem:$0x3FAF];
	_ =	sdelay $0x3  }
0x34: {  	[smem:$0x3FAF] =	sst s10  }
0x35: {  	s10 =	sld [smem:$0x3FAE];
	_ =	sdelay $0x3  }
0x36: {  	p1 =	seq.s32 s10, $0x1;
	s10 =	sld [smem:$0x3FAF];
	_ =	sdelay $0x3  }
0x37: {  	[smem:$0x3FAF] =	sst s10  }
0x38: {  	s10 =	sld [smem:$0x3FB0]  }
0x39: {  	_ = 	snop;
	(pc) =	sbr.ind lr, $3  }
0x3a: {  	_ = 	snop  }
0x3b: {  	_ = 	snop  }
0x3c: {  	p2 =	seq.s32 s10, $0x1;
	s10 =	sld [smem:$0x3FAF]  }
0x3d: {  	_ =	shalt  }
0x3e: {  	_ =	shalt  }
0x3f: {  	_ =	shalt  }
0x40: {  	_ =	shalt  }
0x41: {  	_ =	shalt  }
0x42: {  	_ =	shalt  }
0x43: {  	_ =	shalt  }
0x44: {  	_ =	shalt  }
0x45: {  	_ =	shalt  }
0x46: {  	_ =	shalt  }
0x47: {  	_ =	shalt  }
0x48: {  	_ =	shalt  }
0x49: {  	_ =	shalt  }
0x4a: {  	_ =	shalt  }
0x4b: {  	_ =	shalt  }
0x4c: {  	_ =	shalt  }
0x4d: {  	_ =	shalt  }
0x4e: {  	_ =	shalt  }
0x4f: {  	_ =	shalt  }
0x50: {  	_ =	shalt  }
0x51: {  	_ =	shalt  }
0x52: {  	_ =	shalt  }
0x53: {  	_ =	shalt  }
0x54: {  	_ =	shalt  }
0x55: {  	_ =	shalt  }
0x56: {  	_ =	shalt  }
0x57: {  	_ =	shalt  }
0x58: {  	_ =	shalt  }
0x59: {  	_ =	shalt  }
0x5a: {  	_ =	shalt  }
0x5b: {  	_ =	shalt  }
0x5c: {  	_ =	shalt  }
0x5d: {  	_ =	shalt  }
0x5e: {  	_ =	shalt  }
0x5f: {  	_ =	shalt  }
0x60: {  	_ =	shalt  }
0x61: {  	_ =	shalt  }
0x62: {  	_ =	shalt  }
0x63: {  	_ =	shalt  }
0x64: {  	_ =	shalt  }
0x65: {  	_ =	shalt  }
0x66: {  	_ =	shalt  }
0x67: {  	_ =	shalt  }
0x68: {  	_ =	shalt  }
0x69: {  	_ =	shalt  }
0x6a: {  	_ =	shalt  }
0x6b: {  	_ =	shalt  }
0x6c: {  	_ =	shalt  }
0x6d: {  	_ =	shalt  }
0x6e: {  	_ =	shalt  }
0x6f: {  	_ =	shalt  }
0x70: {  	_ =	shalt  }
0x71: {  	_ =	shalt  }
0x72: {  	_ =	shalt  }
0x73: {  	_ =	shalt  }
0x74: {  	_ =	shalt  }
0x75: {  	_ =	shalt  }
0x76: {  	_ =	shalt  }
0x77: {  	_ =	shalt  }
0x78: {  	_ =	shalt  }
0x79: {  	_ =	shalt  }
0x7a: {  	_ =	shalt  }
0x7b: {  	_ =	shalt  }
0x7c: {  	_ =	shalt  }
0x7d: {  	_ =	shalt  }
0x7e: {  	_ =	shalt  }
0x7f: {  	_ =	shalt  }
0x80: {  	_ =	shalt  }
0x81: {  	_ =	shalt  }
0x82: {  	_ =	shalt  }
0x83: {  	_ =	shalt  }
0x84: {  	_ =	shalt  }
0x85: {  	_ =	shalt  }
0x86: {  	_ =	shalt  }
0x87: {  	_ =	shalt  }
.Lfunc_end0:
.L_simem_size_0:
called_computation.6_lowered:
.L_overlay_start_0:
0x88: {  	s2 =	sld [smem:$0x3FD9]  }
0x89: {  	s3 =	sld [smem:$0x3FFE];
	_ =	sdelay $0x1  }
0x8a: {  	s1 =	srdreg.scid  }
0x8b: {  	s0 =	sand.u32 $0x1, s1  }
0x8c: {  	s17 =	sshll.u32 s0, $0xA;
	s2 =	sadd.s32 s3, s2  }
0x8d: {  	s2 =	sadd.s32 s2, s17  }
0x8e: {  	[smem:$0x3FBB] =	sst s2  }
0x8f: {  	_ = 	snop  }
0x90: {  	(tm) =	ssettm $0x1  }
0x91: {  	s18 =	sld [smem:$0x3FFB];
	_ =	sdelay $0x3  }
0x92: {  	_ =	strace s18  }
0x93: {  	s2 =	sld [smem:$0x3FFC];
	_ =	sdelay $0x3  }
0x94: {  	_ =	strace s2  }
0x95: {  	s2 =	sld [smem:$0x3FFD];
	_ =	sdelay $0x3  }
0x96: {  	_ =	strace s2  }
0x97: {  	_ =	strace $0x8FFFFFFF  }
0x98: {  	s19 =	sld [smem:$0x3FDB];
	_ =	sdelay $0x1  }
0x99: {  	s20 =	simm.s32 $_scs_section_size  }
0x9a: {  	s4 =	simm.s32 $_size__tile_overlayer_lowered;
	s5 =	simm.s32 $_tile_overlayer_lowered  }
0x9b: {  	s6 =	simm.s32 $0x1BFF;
	s21 =	sshll.u32 s5, $0x1;
	s3 =	sadd.s32 s20, s19  }
0x9c: {  	s22 =	simm.s32 $0x0;
	s4 =	sshll.u32 s4, $0x1;
	s5 =	sadd.s32 s21, s3  }
0x9d: {  	[timem:s22], [sflag:s6] =	dma.local [hbm:s5], s4  }
0x9e: {  	_ =	swait.ge [sflag:s6], s4  }
0x9f: {  	s4 =	ssub.s32 $0x0, s4;
	[sflag:s6] =	ssyncset.done $0x0  }
0xa0: {  	[sflag:s6] =	ssyncadd.s32 s4;
	_ =	sdelay $0x1  }
0xa1: {  	s23 =	simm.s32 $0x1B8B  }
0xa2: {  	_ =	swait.ge [sflag:s23], $0x1  }
0xa3: {  	[sflag:s23] =	ssyncset.done $0x0  }
0xa4: {  	[sflag:s23] =	ssyncadd.s32 $0xFFFFFFFF  }
0xa5: {  	s4 =	sld [smem:$0x0]  }
0xa6: {  	s5 =	sand.u32 $0xFFFFFFFE, s1  }
0xa7: {  	p0 =	sne.s32 s1, s5  }
0xa8: {  	s5 =	sshll.u32 @p0 s5, $0xE  }
0xa9: {  	s5 =	sadd.s32 @p0 $0x11B8D, s5;
	s6 =	sshll.u32 @p0 s4, $0x11  }
0xaa: {  	s5 =	sor.u32 @p0 s6, s5  }
0xab: {  	[sflag:s5] =	ssyncadd.remote.s32 @p0 $0x1;
	_ =	sdelay $0x1  }
0xac: {  	s5 =	simm.s32 @p0 $0x1B8D  }
0xad: {  	_ =	swait.eq @p0 [sflag:s5], $0x1  }
0xae: {  	[sflag:s5] =	ssyncadd.s32 @p0 $0xFFFFFFFF  }
0xaf: {  	s6 =	sshll.u32 @!p0 s1, $0xE  }
0xb0: {  	s6 =	sor.u32 @!p0 $0x4000, s6;
	s5 =	simm.s32 @!p0 $0x1B8D  }
0xb1: {  	s4 =	sshll.u32 @!p0 s4, $0x11;
	s6 =	sadd.s32 @!p0 $0x11B8D, s6;
	_ =	swait.eq @!p0 [sflag:s5], $0x1  }
0xb2: {  	s4 =	sor.u32 @!p0 s4, s6;
	[sflag:s5] =	ssyncadd.s32 @!p0 $0xFFFFFFFF  }
0xb3: {  	s25 =	simm.s32 $0x1B8E;
	s24 =	sld [smem:$0x3FFE];
	[sflag:s4] =	ssyncadd.remote.s32 @!p0 $0x1  }
0xb4: {  	s26 =	simm.s32 $execute0_lowered;
	[smem:$0x3FD2] =	sst s25  }
0xb5: {  	s5 =	sshll.u32 s26, $0x1;
	_ =	strace $0x80000055;
	[dreg:$0x1] =	wrdreg $0xFFFFFFFF  }
0xb6: {  	s28 =	simm.s32 $_size_execute0_lowered;
	s3 =	sadd.s32 s3, s5;
	[dreg:$0x0] =	wrdreg $0x0  }
0xb7: {  	s5 =	sshll.u32 s28, $0x1;
	[dreg:$0x2] =	wrdreg s3  }
0xb8: {  	[dreg:$0x3] =	wrdreg s5  }
0xb9: {  	[dreg:$0x4] =	wrdreg $0xC0  }
0xba: {  	_ =	task [dreg:s22], $0x5FFFF  }
0xbb: {  	[dreg:$0x1] =	wrdreg $0xFFFFFFFF  }
0xbc: {  	[dreg:$0x0] =	wrdreg $0x60  }
0xbd: {  	[dreg:$0x2] =	wrdreg s24  }
0xbe: {  	[dreg:$0x3] =	wrdreg $0xA  }
0xbf: {  	_ =	task.clear_ibuf [dreg:s22], $0x4FFFF;
	_ =	strace $0x90000055  }
0xc0: {  	s29 =	simm.s32 $0xA;
	_ =	strace $0x80000057  }
0xc1: {  	_ =	swait.ge [sflag:s29], $0x1  }
0xc2: {  	[sflag:s29] =	ssyncadd.s32 $0xFFFFFFFF  }
0xc3: {  	_ =	strace $0x90000057  }
0xc4: {  	_ =	sfence  }
0xc5: {  	s30 =	sld [smem:$0x0];
	_ =	sdelay $0x2  }
0xc6: {  	s31 =	sshll.u32 s1, $0xD;
	s1 =	sshrl.u32 s1, $0x2  }
0xc7: {  	s4 =	sand.u32 $0x4000, s31;
	s1 =	sadd.s32 s1, s30  }
0xc8: {  	s0 =	sor.u32 s4, s0;
	s1 =	sshll.u32 s1, $0x11  }
0xc9: {  	s0 =	sor.u32 s1, s0  }
0xca: {  	s0 =	sadd.s32 $0x8F2B, s0  }
0xcb: {  	[sflag:s0] =	ssyncadd.remote.s32 $0x1  }
0xcc: {  	_ =	sfence.sel $0xFFFF  }
0xcd: {  	[dreg:$0x0] =	wrdreg $0xFFFFFFFF;
	(pc) =	sbr.abs _section_cstart, $3  }
0xce: {  	[dreg:$0x1] =	wrdreg $0xFFFFFFFF  }
0xcf: {  	_ =	task.clear_ibuf [dreg:s22], $0x2FFFF;
	_ =	strace $0x9FFFFFFF  }
0xd0: {  	(tm) =	ssettm $0x7FFFFFFF  }
0xd1: {  	_ =	shalt  }
tec
execute0_lowered:
.L_overlay_start_1:
0x0: {  	(tag) =	ssettag $0x1  }
0x1: {  	s1 =	srdreg.scid  }
0x2: {  	s0 =	stileid.u32;
	s4 =	rddreg [dreg:$0x0];
	s2 =	simm.s32 $0x0  }
0x3: {  	s10 =	simm.s32 $0x100;
	s11 =	simm.s32 $0xC8;
	s12 =	simm.s32 $0x200  }
0x4: {  	s13 =	simm.s32 $0x6600;
	s14 =	simm.s32 $0x1;
	s6 =	smul.u32 $0x7D0, s0  }
0x5: {  	s15 =	simm.s32 $0x2;
	s5 =	sand.u32 $0x1, s1;
	s8 =	smul.u32 $0x7D00, s0  }
0x6: {  	s16 =	simm.s32 $0x0;
	s1 =	rddreg [dreg:$0x1];
	s7 =	smul.u32 $0x3E8, s5  }
0x7: {  	[smem:$0x7FF] =	sst s2;
	s3 =	sadd.s32 $0xA200, s4;
	s9 =	smul.u32 $0x3E80, s5  }
0x8: {  	_ =	strace $0x80000056;
	s5 =	ssub.s32 $0x2, s5;
	s29 =	sadd.s32 s8, s4  }
0x9: {  	s30 =	sshrl.u32 s5, $0x1;
	s6 =	sadd.s32 s7, s6;
	s7 =	sadd.s32 s9, s29  }
0xa: {  	s5 =	ssub.s32 s5, s30;
	s9 =	simm.s32 $0x3;
	s6 =	sshrl.u32 s6, $0x3  }
0xb: {  	s31 =	sadd.s32 s6, s4;
	s4 =	sadd.s32 $0x133400, s7;
	s6 =	sadd.s32 $0x1B0400, s7  }
0xc: {  	s5 =	smax.u32 s5, $0x1;
	s7 =	sadd.s32 $0x12E400, s31;
	s8 =	sadd.s32 $0x131400, s31  }
.LBB2_1:
0xd: {  	s17 =	sadd.s32 $0x0, s8  }
0xe: {  	[tilespmem:s2], [sflag:$0x3] =	stream.linear.gather [hbm4b:s17+s2], $0xC8, $0x38;
	[tilespmem:$0xCA00] =	vst v63  }
0xf: {  	_ =	swait.ge [sflag:s9], $0xC8  }
0x10: {  	[sflag:s9] =	ssyncset.done $0x0  }
0x11: {  	s31 =	sadd.s32 $0x0, s7;
	[sflag:s9] =	ssyncadd.s32 $0xFFFFFF38  }
0x12: {  	[tilespmem:s10], [sflag:$0x3] =	stream.linear.gather [hbm4b:s31+s2], $0xC8, $0x38;
	[tilespmem:$0xCA00] =	vst v63  }
0x13: {  	_ =	swait.ge [sflag:s9], $0xC8  }
0x14: {  	[sflag:s9] =	ssyncset.done $0x0  }
0x15: {  	[sflag:s9] =	ssyncadd.s32 $0xFFFFFF38  }
0x16: {  	[tilespmem:s12], [sflag:$0x1] =	stream.indirect.gather [hbm4b:s3+s11], $0x80, s2, s11, $0xb8;
	[tilespmem:$0xCA00] =	vst v63  }
0x17: {  	_ = 	snop  }
0x18: {  	[tilespmem:s13], [sflag:$0x2] =	stream.indirect.gather [hbm4b:s3+s11], $0x80, s10, s11, $0xb8;
	[tilespmem:$0xCA00] =	vst v63  }
0x19: {  	_ =	swait.ge [sflag:s14], $0x6400  }
0x1a: {  	[sflag:s14] =	ssyncset.done $0x0  }
0x1b: {  	[sflag:s14] =	ssyncadd.s32 $0xFFFF9C00  }
0x1c: {  	_ =	swait.ge [sflag:s15], $0x6400  }
0x1d: {  	[sflag:s15] =	ssyncset.done $0x0  }
0x1e: {  	[sflag:s15] =	ssyncadd.s32 $0xFFFF9C00  }
0x1f: {  	[hbm4b:s4+s2] =	stream.linear.scatter [tilespmem:s12], [sflag:$0x3], $0x6400, $0x38;
	[tilespmem:$0xCA00] =	vst v63  }
0x20: {  	_ =	swait.ge [sflag:s9], $0x6400  }
0x21: {  	[sflag:s9] =	ssyncset.done $0x0  }
0x22: {  	[sflag:s9] =	ssyncadd.s32 $0xFFFF9C00  }
0x23: {  	[hbm4b:s6+s2] =	stream.linear.scatter [tilespmem:s13], [sflag:$0x3], $0x6400, $0x38;
	[tilespmem:$0xCA00] =	vst v63  }
0x24: {  	s19 =	simm.s32 $0x19;
	s20 =	simm.s32 $0x32;
	_ =	swait.ge [sflag:s9], $0x6400  }
0x25: {  	s18 =	sadd.s32 $0xC80, s4;
	s17 =	sadd.s32 $0xC80, s6;
	[sflag:s9] =	ssyncset.done $0x0  }
.LBB2_2:
0x26: {  	s21 =	sadd.s32 s19, s8  }
0x27: {  	[sflag:s9] =	ssyncadd.s32 $0xFFFF9C00;
	s22 =	smov.u32 s20;
	s23 =	sadd.s32 $0x19, s20  }
0x28: {  	[tilespmem:s2], [sflag:$0x3] =	stream.linear.gather [hbm4b:s21+s2], $0xC8, $0x38;
	[tilespmem:$0xCA00] =	vst v63  }
0x29: {  	p0 =	sne.s32 s20, $0x64;
	_ =	swait.ge [sflag:s9], $0xC8  }
0x2a: {  	[sflag:s9] =	ssyncset.done $0x0  }
0x2b: {  	s20 =	sadd.s32 s19, s7;
	s19 =	smov.u32 s22;
	[sflag:s9] =	ssyncadd.s32 $0xFFFFFF38  }
0x2c: {  	[tilespmem:s10], [sflag:$0x3] =	stream.linear.gather [hbm4b:s20+s2], $0xC8, $0x38;
	[tilespmem:$0xCA00] =	vst v63  }
0x2d: {  	_ =	swait.ge [sflag:s9], $0xC8  }
0x2e: {  	[sflag:s9] =	ssyncset.done $0x0  }
0x2f: {  	[sflag:s9] =	ssyncadd.s32 $0xFFFFFF38  }
0x30: {  	[tilespmem:s12], [sflag:$0x1] =	stream.indirect.gather [hbm4b:s3+s11], $0x80, s2, s11, $0xb8;
	[tilespmem:$0xCA00] =	vst v63  }
0x31: {  	_ = 	snop  }
0x32: {  	[tilespmem:s13], [sflag:$0x2] =	stream.indirect.gather [hbm4b:s3+s11], $0x80, s10, s11, $0xb8;
	[tilespmem:$0xCA00] =	vst v63  }
0x33: {  	_ =	swait.ge [sflag:s14], $0x6400  }
0x34: {  	[sflag:s14] =	ssyncset.done $0x0  }
0x35: {  	[sflag:s14] =	ssyncadd.s32 $0xFFFF9C00  }
0x36: {  	_ =	swait.ge [sflag:s15], $0x6400  }
0x37: {  	[sflag:s15] =	ssyncset.done $0x0  }
0x38: {  	[sflag:s15] =	ssyncadd.s32 $0xFFFF9C00  }
0x39: {  	[hbm4b:s18+s2] =	stream.linear.scatter [tilespmem:s12], [sflag:$0x3], $0x6400, $0x38;
	[tilespmem:$0xCA00] =	vst v63  }
0x3a: {  	_ =	swait.ge [sflag:s9], $0x6400  }
.Ltmp0:
0x3b: {  	[sflag:s9] =	ssyncset.done $0x0;
	(pc) =	sbr.rel @p0 .LBB2_2-.Ltmp0, $4  }
0x3c: {  	[sflag:s9] =	ssyncadd.s32 $0xFFFF9C00  }
0x3d: {  	[hbm4b:s17+s2] =	stream.linear.scatter [tilespmem:s13], [sflag:$0x3], $0x6400, $0x38;
	[tilespmem:$0xCA00] =	vst v63  }
0x3e: {  	s20 =	smov.u32 s23;
	_ =	swait.ge [sflag:s9], $0x6400  }
0x3f: {  	s18 =	sadd.s32 $0xC80, s18;
	s17 =	sadd.s32 $0xC80, s17;
	[sflag:s9] =	ssyncset.done $0x0  }
0x40: {  	s20 =	sadd.s32 s19, s8;
	[sflag:s9] =	ssyncadd.s32 $0xFFFF9C00  }
0x41: {  	[tilespmem:s2], [sflag:$0x3] =	stream.linear.gather [hbm4b:s20+s2], $0xC8, $0x38;
	[tilespmem:$0xCA00] =	vst v63  }
0x42: {  	_ =	swait.ge [sflag:s9], $0xC8  }
0x43: {  	[sflag:s9] =	ssyncset.done $0x0  }
0x44: {  	s31 =	sadd.s32 s19, s7;
	[sflag:s9] =	ssyncadd.s32 $0xFFFFFF38  }
0x45: {  	[tilespmem:s10], [sflag:$0x3] =	stream.linear.gather [hbm4b:s31+s2], $0xC8, $0x38;
	[tilespmem:$0xCA00] =	vst v63  }
0x46: {  	_ =	swait.ge [sflag:s9], $0xC8  }
0x47: {  	[sflag:s9] =	ssyncset.done $0x0  }
0x48: {  	[sflag:s9] =	ssyncadd.s32 $0xFFFFFF38  }
0x49: {  	[tilespmem:s12], [sflag:$0x1] =	stream.indirect.gather [hbm4b:s3+s11], $0x80, s2, s11, $0xb8;
	[tilespmem:$0xCA00] =	vst v63  }
0x4a: {  	_ = 	snop  }
0x4b: {  	[tilespmem:s13], [sflag:$0x2] =	stream.indirect.gather [hbm4b:s3+s11], $0x80, s10, s11, $0xb8;
	[tilespmem:$0xCA00] =	vst v63  }
0x4c: {  	_ =	swait.ge [sflag:s14], $0x6400  }
0x4d: {  	[sflag:s14] =	ssyncset.done $0x0  }
0x4e: {  	[sflag:s14] =	ssyncadd.s32 $0xFFFF9C00  }
0x4f: {  	_ =	swait.ge [sflag:s15], $0x6400  }
0x50: {  	[sflag:s15] =	ssyncset.done $0x0  }
0x51: {  	[sflag:s15] =	ssyncadd.s32 $0xFFFF9C00  }
0x52: {  	[hbm4b:s18+s2] =	stream.linear.scatter [tilespmem:s12], [sflag:$0x3], $0x6400, $0x38;
	[tilespmem:$0xCA00] =	vst v63  }
0x53: {  	s16 =	sadd.s32 $0x1, s16;
	_ =	swait.ge [sflag:s9], $0x6400  }
0x54: {  	p0 =	sne.s32 s16, s5;
	[sflag:s9] =	ssyncset.done $0x0  }
.Ltmp1:
0x55: {  	[sflag:s9] =	ssyncadd.s32 $0xFFFF9C00;
	(pc) =	sbr.rel @p0 .LBB2_1-.Ltmp1, $4  }
0x56: {  	[hbm4b:s17+s2] =	stream.linear.scatter [tilespmem:s13], [sflag:$0x3], $0x6400, $0x38;
	[tilespmem:$0xCA00] =	vst v63  }
0x57: {  	_ =	swait.ge [sflag:s9], $0x6400  }
0x58: {  	[sflag:s9] =	ssyncset.done $0x0  }
0x59: {  	[sflag:s9] =	ssyncadd.s32 $0xFFFF9C00  }
0x5a: {  	_ =	sfence.sel $0x180000  }
0x5b: {  	[bflag:$0x0] =	sbarrier.arrive $0xFFFF  }
0x5c: {  	p0 =	sne.s32 s0, $0x0;
	_ =	strace $0x90000056  }
0x5d: {  	s0 =	sadd.s32 @!p0 $0x100000, s1;
	[bflag:$0x2] =	sbarrier.arrive $0xFFFF  }
0x5e: {  	[sflag:s0] =	ssyncadd.tile.s32 @!p0 $0x1;
	_ =	shalt  }
.Lfunc_end2:
_tile_overlayer_lowered:
.L_overlay_start_2:
0x5f: {  	(tag) =	ssettag $0x2  }
0x60: {  	s0 =	rddreg [dreg:$0x0];
	s2 =	stileid.u32  }
0x61: {  	s1 =	rddreg [dreg:$0x1];
	p0 =	sne.s32 s2, $0x0  }
0x62: {  	s3 =	rddreg [dreg:$0x2];
	[bflag:$0x3] =	sbarrier.arrive $0xFFFF;
	s2 =	simm.s32 @!p0 $0x1C03  }
0x63: {  	[timem:s3], [sflag:s2] =	dma.local @!p0 [hbm:s0], s1  }
0x64: {  	s0 =	simm.s32 @!p0 $0x3  }
0x65: {  	_ =	swait.ge @!p0 [sflag:s0], s1  }
0x66: {  	s1 =	ssub.s32 @!p0 $0x0, s1;
	[sflag:s0] =	ssyncset.done @!p0 $0x0  }
0x67: {  	[sflag:s0] =	ssyncadd.s32 @!p0 s1  }
0x68: {  	[bflag:$0x3] =	sbarrier.arrive $0xFFFF  }
0x69: {  	_ =	shalt  }

// kernel: kernel.38.cloned.1.call-start
scs
__scs_entry_jumppad:
0x0: {  	(pc) =	sbr.rel $0x88, $3  }
0x1: {  	(tag) =	ssettag $0x0;
	lr =	simm.s32 $0x1  }
0x2: {  	[smem:$0x3F94] =	sst lr;
	_ =	strace $0xD0000000  }
0x3: {  	_ = 	snop  }
0x4: {  	_ = 	snop  }
0x5: {  	_ = 	snop  }
0x6: {  	_ = 	snop  }
0x7: {  	_ = 	snop  }
__scs_overlays_trampoline_lowered:
0x8: {  	[smem:$0x3FA3] =	sst s0  }
0x9: {  	[smem:$0x3FA4] =	sst s1  }
0xa: {  	[smem:$0x3FA5] =	sst s2  }
0xb: {  	[smem:$0x3FA6] =	sst s3  }
0xc: {  	[smem:$0x3FA7] =	sst s4  }
0xd: {  	[smem:$0x3FA8] =	sst s5  }
0xe: {  	[smem:$0x3FA9] =	sst s6  }
0xf: {  	[smem:$0x3FAA] =	sst s7  }
0x10: {  	[smem:$0x3FAB] =	sst s8  }
0x11: {  	[smem:$0x3FAC] =	sst s9;
	s0 =	simm.s32 @!p0 $0x0  }
0x12: {  	s1 =	sld [smem:$0x3F92];
	s0 =	simm.s32 @p0 $0x1  }
0x13: {  	[smem:$0x3FAD] =	sst s0;
	s0 =	simm.s32 @!p1 $0x0  }
0x14: {  	s2 =	sld [smem:$0x3F91];
	s0 =	simm.s32 @p1 $0x1  }
0x15: {  	[smem:$0x3FAE] =	sst s0;
	s0 =	simm.s32 @!p2 $0x0  }
0x16: {  	s3 =	sld [smem:$0x3FDB];
	s0 =	simm.s32 @p2 $0x1  }
0x17: {  	s4 =	simm.s32 $0x1BF5;
	[smem:$0x3FB0] =	sst s0  }
0x18: {  	s0 =	sld [smem:$0x3F93];
	_ =	swait.ge [sflag:s4], $0x0  }
0x19: {  	s7 =	sld [smem:$0x3F94]  }
0x1a: {  	s8 =	sadd.s32 $0xFFFFE003, lr  }
0x1b: {  	s9 =	sadd.s32 $0xFFFFFEF7, lr;
	s5 =	simm.s32 $0xFFFFFFFF;
	p2 =	slt.u32 s8, $0xFFFFF086  }
0x1c: {  	p1 =	slt.u32 s9, $0xF7A;
	s5 =	simm.s32 @!p2 $0x0  }
0x1d: {  	s5 =	simm.s32 @p1 $0x1;
	p0 =	seq.s32 s7, s2  }
0x1e: {  	s7 =	smul.u32 @!p0 $0xF7A, s2;
	p2 =	seq.s32 @!p0 s5, $0x0  }
0x1f: {  	s9 =	smul.u32 $0xF7A, s1;
	s8 =	simm.s32 @!p0 $0x1BF5;
	p2 =	por !p2, p0  }
0x20: {  	[sflag:s8] =	ssyncset.s32 @!p0 $0xFFFFF086;
	s6 =	sadd.s32 @!p0 s3, s7;
	s7 =	simm.s32 @!p0 $0x108  }
0x21: {  	s3 =	sadd.s32 s3, s9;
	s6 =	sadd.s32 @!p0 $0x88, s6;
	s7 =	simm.s32 @p2 $0x1082  }
0x22: {  	[simem:s7], [sflag:s8] =	dma.local @!p0 [hbm:s6], $0xF7A  }
0x23: {  	s9 =	sor.u32 $0xD0000000, s2;
	s6 =	simm.s32 $0x108;
	_ =	swait.ge @!p0 [sflag:s8], $0x0  }
0x24: {  	s3 =	sadd.s32 $0x88, s3;
	s6 =	simm.s32 @!p1 $0x1082;
	[sflag:s4] =	ssyncset.s32 $0xFFFFF086  }
0x25: {  	[simem:s6], [sflag:s4] =	dma.local [hbm:s3], $0xF7A  }
0x26: {  	[smem:$0x3F94] =	sst s1;
	(tag) =	ssettag s2;
	_ =	strace s9  }
0x27: {  	s1 =	sld [smem:$0x3FA4]  }
0x28: {  	s2 =	sld [smem:$0x3FA5]  }
0x29: {  	s4 =	sld [smem:$0x3FA7]  }
0x2a: {  	p0 =	seq.s32 s5, $0x0;
	s5 =	sld [smem:$0x3FA8]  }
0x2b: {  	s6 =	sld [smem:$0x3FA9]  }
0x2c: {  	s7 =	sld [smem:$0x3FAA]  }
0x2d: {  	s3 =	simm.s32 $0x108;
	s8 =	sld [smem:$0x3FAB]  }
0x2e: {  	s3 =	simm.s32 @!p0 $0x1082;
	s9 =	sld [smem:$0x3FAC]  }
0x2f: {  	lr =	sadd.s32 s0, s3;
	s0 =	sld [smem:$0x3FA3]  }
0x30: {  	s3 =	sld [smem:$0x3FA6]  }
0x31: {  	[smem:$0x3FAF] =	sst s10  }
0x32: {  	s10 =	sld [smem:$0x3FAD];
	_ =	sdelay $0x3  }
0x33: {  	p0 =	seq.s32 s10, $0x1;
	s10 =	sld [smem:$0x3FAF];
	_ =	sdelay $0x3  }
0x34: {  	[smem:$0x3FAF] =	sst s10  }
0x35: {  	s10 =	sld [smem:$0x3FAE];
	_ =	sdelay $0x3  }
0x36: {  	p1 =	seq.s32 s10, $0x1;
	s10 =	sld [smem:$0x3FAF];
	_ =	sdelay $0x3  }
0x37: {  	[smem:$0x3FAF] =	sst s10  }
0x38: {  	s10 =	sld [smem:$0x3FB0]  }
0x39: {  	_ = 	snop;
	(pc) =	sbr.ind lr, $3  }
0x3a: {  	_ = 	snop  }
0x3b: {  	_ = 	snop  }
0x3c: {  	p2 =	seq.s32 s10, $0x1;
	s10 =	sld [smem:$0x3FAF]  }
0x3d: {  	_ =	shalt  }
0x3e: {  	_ =	shalt  }
0x3f: {  	_ =	shalt  }
0x40: {  	_ =	shalt  }
0x41: {  	_ =	shalt  }
0x42: {  	_ =	shalt  }
0x43: {  	_ =	shalt  }
0x44: {  	_ =	shalt  }
0x45: {  	_ =	shalt  }
0x46: {  	_ =	shalt  }
0x47: {  	_ =	shalt  }
0x48: {  	_ =	shalt  }
0x49: {  	_ =	shalt  }
0x4a: {  	_ =	shalt  }
0x4b: {  	_ =	shalt  }
0x4c: {  	_ =	shalt  }
0x4d: {  	_ =	shalt  }
0x4e: {  	_ =	shalt  }
0x4f: {  	_ =	shalt  }
0x50: {  	_ =	shalt  }
0x51: {  	_ =	shalt  }
0x52: {  	_ =	shalt  }
0x53: {  	_ =	shalt  }
0x54: {  	_ =	shalt  }
0x55: {  	_ =	shalt  }
0x56: {  	_ =	shalt  }
0x57: {  	_ =	shalt  }
0x58: {  	_ =	shalt  }
0x59: {  	_ =	shalt  }
0x5a: {  	_ =	shalt  }
0x5b: {  	_ =	shalt  }
0x5c: {  	_ =	shalt  }
0x5d: {  	_ =	shalt  }
0x5e: {  	_ =	shalt  }
0x5f: {  	_ =	shalt  }
0x60: {  	_ =	shalt  }
0x61: {  	_ =	shalt  }
0x62: {  	_ =	shalt  }
0x63: {  	_ =	shalt  }
0x64: {  	_ =	shalt  }
0x65: {  	_ =	shalt  }
0x66: {  	_ =	shalt  }
0x67: {  	_ =	shalt  }
0x68: {  	_ =	shalt  }
0x69: {  	_ =	shalt  }
0x6a: {  	_ =	shalt  }
0x6b: {  	_ =	shalt  }
0x6c: {  	_ =	shalt  }
0x6d: {  	_ =	shalt  }
0x6e: {  	_ =	shalt  }
0x6f: {  	_ =	shalt  }
0x70: {  	_ =	shalt  }
0x71: {  	_ =	shalt  }
0x72: {  	_ =	shalt  }
0x73: {  	_ =	shalt  }
0x74: {  	_ =	shalt  }
0x75: {  	_ =	shalt  }
0x76: {  	_ =	shalt  }
0x77: {  	_ =	shalt  }
0x78: {  	_ =	shalt  }
0x79: {  	_ =	shalt  }
0x7a: {  	_ =	shalt  }
0x7b: {  	_ =	shalt  }
0x7c: {  	_ =	shalt  }
0x7d: {  	_ =	shalt  }
0x7e: {  	_ =	shalt  }
0x7f: {  	_ =	shalt  }
0x80: {  	_ =	shalt  }
0x81: {  	_ =	shalt  }
0x82: {  	_ =	shalt  }
0x83: {  	_ =	shalt  }
0x84: {  	_ =	shalt  }
0x85: {  	_ =	shalt  }
0x86: {  	_ =	shalt  }
0x87: {  	_ =	shalt  }
.Lfunc_end0:
.L_simem_size_0:
called_computation.7_lowered:
.L_overlay_start_0:
0x88: {  	s2 =	sld [smem:$0x3FD9]  }
0x89: {  	s3 =	sld [smem:$0x3FFE];
	_ =	sdelay $0x1  }
0x8a: {  	s1 =	srdreg.scid  }
0x8b: {  	s0 =	sand.u32 $0x1, s1  }
0x8c: {  	s15 =	sshll.u32 s0, $0xA;
	s2 =	sadd.s32 s3, s2  }
0x8d: {  	s2 =	sadd.s32 s2, s15  }
0x8e: {  	[smem:$0x3FBB] =	sst s2  }
0x8f: {  	_ = 	snop  }
0x90: {  	s2 =	sld [smem:$0x3FD0];
	_ =	sdelay $0x2  }
0x91: {  	s16 =	simm.s32 $0xC;
	s4 =	simm.s32 $0x10  }
0x92: {  	[smem:s4], [sflag:s16] =	dma.local [hbm:s2], $0x1  }
0x93: {  	_ =	swait.eq [sflag:s16], $0x1  }
0x94: {  	[sflag:s16] =	ssyncset.done $0x0  }
0x95: {  	[sflag:s16] =	ssyncadd.s32 $0xFFFFFFFF  }
0x96: {  	s17 =	sld [smem:$0x10];
	(tm) =	ssettm $0x1  }
0x97: {  	s18 =	sld [smem:$0x3FFB];
	_ =	sdelay $0x3  }
0x98: {  	_ =	strace s18  }
0x99: {  	s2 =	sld [smem:$0x3FFC];
	_ =	sdelay $0x3  }
0x9a: {  	_ =	strace s2  }
0x9b: {  	s2 =	sld [smem:$0x3FFD];
	_ =	sdelay $0x3  }
0x9c: {  	_ =	strace s2  }
0x9d: {  	_ =	strace $0x8FFFFFFF  }
0x9e: {  	s19 =	sld [smem:$0x3FDB];
	_ =	sdelay $0x1  }
0x9f: {  	s20 =	simm.s32 $_scs_section_size  }
0xa0: {  	s5 =	simm.s32 $_size__tile_overlayer_lowered;
	s6 =	simm.s32 $_tile_overlayer_lowered  }
0xa1: {  	s7 =	simm.s32 $0x1BFF;
	s21 =	sshll.u32 s6, $0x1;
	s4 =	sadd.s32 s20, s19  }
0xa2: {  	s22 =	simm.s32 $0x0;
	s5 =	sshll.u32 s5, $0x1;
	s6 =	sadd.s32 s21, s4  }
0xa3: {  	[timem:s22], [sflag:s7] =	dma.local [hbm:s6], s5  }
0xa4: {  	_ =	swait.ge [sflag:s7], s5  }
0xa5: {  	s5 =	ssub.s32 $0x0, s5;
	[sflag:s7] =	ssyncset.done $0x0  }
0xa6: {  	[sflag:s7] =	ssyncadd.s32 s5;
	_ =	sdelay $0x1  }
0xa7: {  	s23 =	simm.s32 $0x1B8B  }
0xa8: {  	_ =	swait.ge [sflag:s23], $0x1  }
0xa9: {  	[sflag:s23] =	ssyncset.done $0x0  }
0xaa: {  	[sflag:s23] =	ssyncadd.s32 $0xFFFFFFFF  }
0xab: {  	s5 =	sld [smem:$0x0]  }
0xac: {  	s6 =	sand.u32 $0xFFFFFFFE, s1  }
0xad: {  	p0 =	sne.s32 s1, s6  }
0xae: {  	s6 =	sshll.u32 @p0 s6, $0xE  }
0xaf: {  	s6 =	sadd.s32 @p0 $0x11B8D, s6;
	s7 =	sshll.u32 @p0 s5, $0x11  }
0xb0: {  	s6 =	sor.u32 @p0 s7, s6  }
0xb1: {  	[sflag:s6] =	ssyncadd.remote.s32 @p0 $0x1;
	_ =	sdelay $0x1  }
0xb2: {  	s6 =	simm.s32 @p0 $0x1B8D  }
0xb3: {  	_ =	swait.eq @p0 [sflag:s6], $0x1  }
0xb4: {  	[sflag:s6] =	ssyncadd.s32 @p0 $0xFFFFFFFF  }
0xb5: {  	s7 =	sshll.u32 @!p0 s1, $0xE  }
0xb6: {  	s7 =	sor.u32 @!p0 $0x4000, s7;
	s6 =	simm.s32 @!p0 $0x1B8D  }
0xb7: {  	s5 =	sshll.u32 @!p0 s5, $0x11;
	s7 =	sadd.s32 @!p0 $0x11B8D, s7;
	_ =	swait.eq @!p0 [sflag:s6], $0x1  }
0xb8: {  	s5 =	sor.u32 @!p0 s5, s7;
	[sflag:s6] =	ssyncadd.s32 @!p0 $0xFFFFFFFF  }
0xb9: {  	s25 =	simm.s32 $0x1B8E;
	s24 =	sld [smem:$0x3FFE];
	[sflag:s5] =	ssyncadd.remote.s32 @!p0 $0x1  }
0xba: {  	s26 =	simm.s32 $execute0_lowered;
	[smem:$0x3FD2] =	sst s25  }
0xbb: {  	s6 =	sshll.u32 s26, $0x1;
	_ =	strace $0x8000005E;
	[dreg:$0x1] =	wrdreg $0xFFFFFFFF  }
0xbc: {  	s28 =	simm.s32 $_size_execute0_lowered;
	s4 =	sadd.s32 s4, s6;
	[dreg:$0x0] =	wrdreg $0x0  }
0xbd: {  	s6 =	sshll.u32 s28, $0x1;
	[dreg:$0x2] =	wrdreg s4  }
0xbe: {  	[dreg:$0x3] =	wrdreg s6  }
0xbf: {  	[dreg:$0x4] =	wrdreg $0xC0  }
0xc0: {  	_ =	task [dreg:s22], $0x5FFFF  }
0xc1: {  	[dreg:$0x1] =	wrdreg $0xFFFFFFFF  }
0xc2: {  	[dreg:$0x0] =	wrdreg $0x60  }
0xc3: {  	[dreg:$0x2] =	wrdreg s17  }
0xc4: {  	[dreg:$0x3] =	wrdreg s24  }
0xc5: {  	[dreg:$0x4] =	wrdreg $0x65000  }
0xc6: {  	[dreg:$0x5] =	wrdreg $0xA  }
0xc7: {  	_ =	task.clear_ibuf [dreg:s22], $0x6FFFF;
	_ =	strace $0x9000005E  }
0xc8: {  	s29 =	simm.s32 $0xA;
	_ =	strace $0x80000060  }
0xc9: {  	_ =	swait.ge [sflag:s29], $0x1  }
0xca: {  	[sflag:s29] =	ssyncadd.s32 $0xFFFFFFFF  }
0xcb: {  	_ =	strace $0x90000060  }
0xcc: {  	_ =	sfence  }
0xcd: {  	s30 =	sld [smem:$0x0];
	_ =	sdelay $0x2  }
0xce: {  	s31 =	sshll.u32 s1, $0xD;
	s1 =	sshrl.u32 s1, $0x2  }
0xcf: {  	s4 =	sand.u32 $0x4000, s31;
	s1 =	sadd.s32 s1, s30  }
0xd0: {  	s0 =	sor.u32 s4, s0;
	s1 =	sshll.u32 s1, $0x11  }
0xd1: {  	s0 =	sor.u32 s1, s0  }
0xd2: {  	s0 =	sadd.s32 $0x8F2B, s0  }
0xd3: {  	[sflag:s0] =	ssyncadd.remote.s32 $0x1  }
0xd4: {  	_ =	sfence.sel $0xFFFF  }
0xd5: {  	[dreg:$0x0] =	wrdreg $0xFFFFFFFF;
	(pc) =	sbr.abs _section_cstart, $3  }
0xd6: {  	[dreg:$0x1] =	wrdreg $0xFFFFFFFF  }
0xd7: {  	_ =	task.clear_ibuf [dreg:s22], $0x2FFFF;
	_ =	strace $0x9FFFFFFF  }
0xd8: {  	(tm) =	ssettm $0x7FFFFFFF  }
0xd9: {  	_ =	shalt  }
tec
execute0_lowered:
.L_overlay_start_1:
0x0: {  	(tag) =	ssettag $0x1  }
0x1: {  	s6 =	rddreg [dreg:$0x0]  }
0x2: {  	s4 =	rddreg [dreg:$0x1]  }
0x3: {  	s2 =	rddreg [dreg:$0x2]  }
0x4: {  	s0 =	rddreg [dreg:$0x3]  }
0x5: {  	s1 =	stileid.u32;
	s5 =	srdreg.scid  }
0x6: {  	s3 =	simm.s32 $0x0;
	s15 =	simm.s32 $0x100;
	s16 =	simm.s32 $0x1  }
0x7: {  	s18 =	simm.s32 $0x400;
	s19 =	simm.s32 $0x800;
	s7 =	smul.u32 $0x7D000, s1  }
0x8: {  	s20 =	simm.s32 $0xC8;
	s21 =	simm.s32 $0x0;
	s8 =	smul.u32 $0xFA, s1  }
0x9: {  	s5 =	sand.u32 $0x1, s5;
	[smem:$0x7FF] =	sst s3;
	s10 =	smul.u32 $0x4E000, s1  }
0xa: {  	s23 =	smul.u32 $0x27000, s1;
	s13 =	sadd.s32 $0x133400, s4;
	s29 =	sshll.u32 s1, $0x6  }
0xb: {  	s17 =	sadd.s32 $0x138000, s2;
	p0 =	sne.s32 s1, $0xF;
	s9 =	sshll.u32 s5, $0xA  }
0xc: {  	_ =	strace $0x8000005F;
	s24 =	ssub.s32 $0x2, s5;
	s30 =	sshll.u32 s5, $0x7  }
0xd: {  	s5 =	sor.u32 $0x1C01, s29;
	s17 =	sshrl.u32 @!p0 s17, $0x3;
	s7 =	sor.u32 s9, s7  }
0xe: {  	s11 =	sadd.s32 s8, s4;
	s25 =	sshrl.u32 s24, $0x1;
	s10 =	sshrl.u32 s10, $0x2  }
0xf: {  	s8 =	sor.u32 s9, s23;
	s31 =	sadd.s32 s30, s13;
	s7 =	sshrl.u32 s7, $0x3  }
0x10: {  	s26 =	ssub.s32 s24, s25;
	s14 =	sadd.s32 s10, s2;
	s28 =	sshrl.u32 s8, $0x3  }
0x11: {  	s8 =	sadd.s32 $0x4E000, s31;
	s11 =	sadd.s32 $0x131400, s11;
	s12 =	sadd.s32 s7, s4  }
0x12: {  	s4 =	sadd.s32 s6, s28;
	s6 =	sadd.s32 s30, s6;
	s7 =	sadd.s32 s13, s28  }
0x13: {  	s9 =	smax.u32 s26, $0x1;
	s13 =	simm.s32 $0x8;
	s6 =	sadd.s32 $0x4E000, s6  }
0x14: {  	s10 =	sadd.s32 $0x31400, s12;
	s12 =	sshrl.u32 s14, $0x3;
	s14 =	simm.s32 $0x80  }
.LBB2_1:
0x15: {  	[spmem:s12@s14], [sflag:s5] =	dma.strided [hbm:s4@s15], $0x2700, s13, $0x10   }
0x16: {  	_ =	swait.ge [sflag:s16], $0x2700  }
0x17: {  	s22 =	simm.s32 @!p0 $0x8;
	[sflag:s16] =	ssyncset.done $0x0  }
0x18: {  	s23 =	simm.s32 @!p0 $0x80;
	s24 =	simm.s32 @!p0 $0x100;
	[sflag:s16] =	ssyncadd.s32 $0xFFFFD900  }
0x19: {  	[spmem:s17@s23], [sflag:s5] =	dma.strided @!p0 [hbm:s6@s24], $0x100, s22, $0x10   }
0x1a: {  	s22 =	simm.s32 @!p0 $0x1  }
0x1b: {  	_ =	swait.ge @!p0 [sflag:s22], $0x100  }
0x1c: {  	[sflag:s22] =	ssyncset.done @!p0 $0x0  }
0x1d: {  	[sflag:s22] =	ssyncadd.s32 @!p0 $0xFFFFFF00  }
0x1e: {  	s31 =	sadd.s32 $0x0, s11;
	[bflag:$0x0] =	sbarrier.arrive $0xFFFF  }
0x1f: {  	[tilespmem:s3], [sflag:$0x1] =	stream.linear.gather [hbm4b:s31+s3], $0xC8, $0x38;
	[tilespmem:$0x19D80] =	vst v63  }
0x20: {  	_ =	swait.ge [sflag:s16], $0xC8  }
0x21: {  	[sflag:s16] =	ssyncset.done $0x0  }
0x22: {  	[sflag:s16] =	ssyncadd.s32 $0xFFFFFF38  }
0x23: {  	[tilespmem:s15], [sflag:$0x1] =	stream.strided.gather [hbm4b:s10+s18], $0x6400, s19, s18, $0x38;
	[tilespmem:$0x19D80] =	vst v63  }
0x24: {  	_ =	swait.ge [sflag:s16], $0x6400  }
0x25: {  	[sflag:s16] =	ssyncset.done $0x0  }
0x26: {  	[sflag:s16] =	ssyncadd.s32 $0xFFFF9C00  }
0x27: {  	[spmem:s2] =	stream.indirect.scatter.add.f32 [tilespmem:s15], [sflag:$0x1], $0x80, s3, s20, $0xb8;
	[tilespmem:$0x19D80] =	vst v63  }
0x28: {  	s23 =	simm.s32 $0x19;
	_ =	swait.ge [sflag:s16], $0x6400  }
0x29: {  	s24 =	simm.s32 $0x32;
	s22 =	sadd.s32 $0x1900, s10;
	[sflag:s16] =	ssyncset.done $0x0  }
.LBB2_2:
0x2a: {  	s25 =	sadd.s32 s23, s11  }
0x2b: {  	[sflag:s16] =	ssyncadd.s32 $0xFFFF9C00;
	s23 =	smov.u32 s24;
	s26 =	sadd.s32 $0x19, s24  }
0x2c: {  	[tilespmem:s3], [sflag:$0x1] =	stream.linear.gather [hbm4b:s25+s3], $0xC8, $0x38;
	[tilespmem:$0x19D80] =	vst v63  }
0x2d: {  	p1 =	sne.s32 s24, $0xE1;
	_ =	swait.ge [sflag:s16], $0xC8  }
0x2e: {  	[sflag:s16] =	ssyncset.done $0x0  }
0x2f: {  	[sflag:s16] =	ssyncadd.s32 $0xFFFFFF38  }
0x30: {  	[tilespmem:s15], [sflag:$0x1] =	stream.strided.gather [hbm4b:s22+s18], $0x6400, s19, s18, $0x38;
	[tilespmem:$0x19D80] =	vst v63  }
0x31: {  	_ =	swait.ge [sflag:s16], $0x6400  }
.Ltmp0:
0x32: {  	[sflag:s16] =	ssyncset.done $0x0;
	(pc) =	sbr.rel @p1 .LBB2_2-.Ltmp0, $4  }
0x33: {  	[sflag:s16] =	ssyncadd.s32 $0xFFFF9C00  }
0x34: {  	[spmem:s2] =	stream.indirect.scatter.add.f32 [tilespmem:s15], [sflag:$0x1], $0x80, s3, s20, $0xb8;
	[tilespmem:$0x19D80] =	vst v63  }
0x35: {  	_ =	swait.ge [sflag:s16], $0x6400  }
0x36: {  	s24 =	smov.u32 s26;
	s22 =	sadd.s32 $0x1900, s22;
	[sflag:s16] =	ssyncset.done $0x0  }
0x37: {  	s23 =	sadd.s32 s23, s11;
	[sflag:s16] =	ssyncadd.s32 $0xFFFF9C00  }
0x38: {  	[tilespmem:s3], [sflag:$0x1] =	stream.linear.gather [hbm4b:s23+s3], $0xC8, $0x38;
	[tilespmem:$0x19D80] =	vst v63  }
0x39: {  	_ =	swait.ge [sflag:s16], $0xC8  }
0x3a: {  	[sflag:s16] =	ssyncset.done $0x0  }
0x3b: {  	[sflag:s16] =	ssyncadd.s32 $0xFFFFFF38  }
0x3c: {  	[tilespmem:s15], [sflag:$0x1] =	stream.strided.gather [hbm4b:s22+s18], $0x6400, s19, s18, $0x38;
	[tilespmem:$0x19D80] =	vst v63  }
0x3d: {  	_ =	swait.ge [sflag:s16], $0x6400  }
0x3e: {  	[sflag:s16] =	ssyncset.done $0x0  }
0x3f: {  	[sflag:s16] =	ssyncadd.s32 $0xFFFF9C00  }
0x40: {  	[spmem:s2] =	stream.indirect.scatter.add.f32 [tilespmem:s15], [sflag:$0x1], $0x80, s3, s20, $0xb8;
	[tilespmem:$0x19D80] =	vst v63  }
0x41: {  	_ =	swait.ge [sflag:s16], $0x6400  }
0x42: {  	[sflag:s16] =	ssyncset.done $0x0  }
0x43: {  	[sflag:s16] =	ssyncadd.s32 $0xFFFF9C00  }
0x44: {  	[bflag:$0x0] =	sbarrier.arrive $0xFFFF  }
0x45: {  	[hbm:s7@s15], [sflag:s5] =	dma.strided [spmem:s12@s14], $0x2700, s13, $0x10   }
0x46: {  	s24 =	simm.s32 @!p0 $0x80;
	_ =	swait.ge [sflag:s16], $0x2700  }
0x47: {  	s21 =	sadd.s32 $0x1, s21;
	s23 =	simm.s32 @!p0 $0x100;
	[sflag:s16] =	ssyncset.done $0x0  }
0x48: {  	p1 =	sne.s32 s21, s9;
	s22 =	simm.s32 @!p0 $0x8;
	[sflag:s16] =	ssyncadd.s32 $0xFFFFD900  }
0x49: {  	[hbm:s8@s23], [sflag:s5] =	dma.strided @!p0 [spmem:s17@s24], $0x100, s22, $0x10   }
.Ltmp1:
0x4a: {  	_ = 	snop;
	(pc) =	sbr.rel @p1 .LBB2_1-.Ltmp1, $4  }
0x4b: {  	s22 =	simm.s32 @!p0 $0x1  }
0x4c: {  	_ =	swait.ge @!p0 [sflag:s22], $0x100  }
0x4d: {  	[sflag:s22] =	ssyncset.done @!p0 $0x0  }
0x4e: {  	[sflag:s22] =	ssyncadd.s32 @!p0 $0xFFFFFF00  }
0x4f: {  	_ =	sfence.sel $0x180000  }
0x50: {  	[bflag:$0x0] =	sbarrier.arrive $0xFFFF  }
0x51: {  	p0 =	sne.s32 s1, $0x0;
	_ =	strace $0x9000005F  }
0x52: {  	s0 =	sadd.s32 @!p0 $0x100000, s0;
	[bflag:$0x2] =	sbarrier.arrive $0xFFFF  }
0x53: {  	[sflag:s0] =	ssyncadd.tile.s32 @!p0 $0x1;
	_ =	shalt  }
.Lfunc_end2:
_tile_overlayer_lowered:
.L_overlay_start_2:
0x54: {  	(tag) =	ssettag $0x2  }
0x55: {  	s0 =	rddreg [dreg:$0x0];
	s2 =	stileid.u32  }
0x56: {  	s1 =	rddreg [dreg:$0x1];
	p0 =	sne.s32 s2, $0x0  }
0x57: {  	s3 =	rddreg [dreg:$0x2];
	[bflag:$0x3] =	sbarrier.arrive $0xFFFF;
	s2 =	simm.s32 @!p0 $0x1C01  }
0x58: {  	[timem:s3], [sflag:s2] =	dma.local @!p0 [hbm:s0], s1  }
0x59: {  	s0 =	simm.s32 @!p0 $0x1  }
0x5a: {  	_ =	swait.ge @!p0 [sflag:s0], s1  }
0x5b: {  	s1 =	ssub.s32 @!p0 $0x0, s1;
	[sflag:s0] =	ssyncset.done @!p0 $0x0  }
0x5c: {  	[sflag:s0] =	ssyncadd.s32 @!p0 s1  }
0x5d: {  	[bflag:$0x3] =	sbarrier.arrive $0xFFFF  }
0x5e: {  	_ =	shalt  }

// kernel: kernel.41.cloned.1.call-start
scs
__scs_entry_jumppad:
0x0: {  	(pc) =	sbr.rel $0x88, $3  }
0x1: {  	(tag) =	ssettag $0x0;
	lr =	simm.s32 $0x1  }
0x2: {  	[smem:$0x3F94] =	sst lr;
	_ =	strace $0xD0000000  }
0x3: {  	_ = 	snop  }
0x4: {  	_ = 	snop  }
0x5: {  	_ = 	snop  }
0x6: {  	_ = 	snop  }
0x7: {  	_ = 	snop  }
__scs_overlays_trampoline_lowered:
0x8: {  	[smem:$0x3FA3] =	sst s0  }
0x9: {  	[smem:$0x3FA4] =	sst s1  }
0xa: {  	[smem:$0x3FA5] =	sst s2  }
0xb: {  	[smem:$0x3FA6] =	sst s3  }
0xc: {  	[smem:$0x3FA7] =	sst s4  }
0xd: {  	[smem:$0x3FA8] =	sst s5  }
0xe: {  	[smem:$0x3FA9] =	sst s6  }
0xf: {  	[smem:$0x3FAA] =	sst s7  }
0x10: {  	[smem:$0x3FAB] =	sst s8  }
0x11: {  	[smem:$0x3FAC] =	sst s9;
	s0 =	simm.s32 @!p0 $0x0  }
0x12: {  	s1 =	sld [smem:$0x3F92];
	s0 =	simm.s32 @p0 $0x1  }
0x13: {  	[smem:$0x3FAD] =	sst s0;
	s0 =	simm.s32 @!p1 $0x0  }
0x14: {  	s2 =	sld [smem:$0x3F91];
	s0 =	simm.s32 @p1 $0x1  }
0x15: {  	[smem:$0x3FAE] =	sst s0;
	s0 =	simm.s32 @!p2 $0x0  }
0x16: {  	s3 =	sld [smem:$0x3FDB];
	s0 =	simm.s32 @p2 $0x1  }
0x17: {  	s4 =	simm.s32 $0x1BF5;
	[smem:$0x3FB0] =	sst s0  }
0x18: {  	s0 =	sld [smem:$0x3F93];
	_ =	swait.ge [sflag:s4], $0x0  }
0x19: {  	s7 =	sld [smem:$0x3F94]  }
0x1a: {  	s8 =	sadd.s32 $0xFFFFE003, lr  }
0x1b: {  	s9 =	sadd.s32 $0xFFFFFEF7, lr;
	s5 =	simm.s32 $0xFFFFFFFF;
	p2 =	slt.u32 s8, $0xFFFFF086  }
0x1c: {  	p1 =	slt.u32 s9, $0xF7A;
	s5 =	simm.s32 @!p2 $0x0  }
0x1d: {  	s5 =	simm.s32 @p1 $0x1;
	p0 =	seq.s32 s7, s2  }
0x1e: {  	s7 =	smul.u32 @!p0 $0xF7A, s2;
	p2 =	seq.s32 @!p0 s5, $0x0  }
0x1f: {  	s9 =	smul.u32 $0xF7A, s1;
	s8 =	simm.s32 @!p0 $0x1BF5;
	p2 =	por !p2, p0  }
0x20: {  	[sflag:s8] =	ssyncset.s32 @!p0 $0xFFFFF086;
	s6 =	sadd.s32 @!p0 s3, s7;
	s7 =	simm.s32 @!p0 $0x108  }
0x21: {  	s3 =	sadd.s32 s3, s9;
	s6 =	sadd.s32 @!p0 $0x88, s6;
	s7 =	simm.s32 @p2 $0x1082  }
0x22: {  	[simem:s7], [sflag:s8] =	dma.local @!p0 [hbm:s6], $0xF7A  }
0x23: {  	s9 =	sor.u32 $0xD0000000, s2;
	s6 =	simm.s32 $0x108;
	_ =	swait.ge @!p0 [sflag:s8], $0x0  }
0x24: {  	s3 =	sadd.s32 $0x88, s3;
	s6 =	simm.s32 @!p1 $0x1082;
	[sflag:s4] =	ssyncset.s32 $0xFFFFF086  }
0x25: {  	[simem:s6], [sflag:s4] =	dma.local [hbm:s3], $0xF7A  }
0x26: {  	[smem:$0x3F94] =	sst s1;
	(tag) =	ssettag s2;
	_ =	strace s9  }
0x27: {  	s1 =	sld [smem:$0x3FA4]  }
0x28: {  	s2 =	sld [smem:$0x3FA5]  }
0x29: {  	s4 =	sld [smem:$0x3FA7]  }
0x2a: {  	p0 =	seq.s32 s5, $0x0;
	s5 =	sld [smem:$0x3FA8]  }
0x2b: {  	s6 =	sld [smem:$0x3FA9]  }
0x2c: {  	s7 =	sld [smem:$0x3FAA]  }
0x2d: {  	s3 =	simm.s32 $0x108;
	s8 =	sld [smem:$0x3FAB]  }
0x2e: {  	s3 =	simm.s32 @!p0 $0x1082;
	s9 =	sld [smem:$0x3FAC]  }
0x2f: {  	lr =	sadd.s32 s0, s3;
	s0 =	sld [smem:$0x3FA3]  }
0x30: {  	s3 =	sld [smem:$0x3FA6]  }
0x31: {  	[smem:$0x3FAF] =	sst s10  }
0x32: {  	s10 =	sld [smem:$0x3FAD];
	_ =	sdelay $0x3  }
0x33: {  	p0 =	seq.s32 s10, $0x1;
	s10 =	sld [smem:$0x3FAF];
	_ =	sdelay $0x3  }
0x34: {  	[smem:$0x3FAF] =	sst s10  }
0x35: {  	s10 =	sld [smem:$0x3FAE];
	_ =	sdelay $0x3  }
0x36: {  	p1 =	seq.s32 s10, $0x1;
	s10 =	sld [smem:$0x3FAF];
	_ =	sdelay $0x3  }
0x37: {  	[smem:$0x3FAF] =	sst s10  }
0x38: {  	s10 =	sld [smem:$0x3FB0]  }
0x39: {  	_ = 	snop;
	(pc) =	sbr.ind lr, $3  }
0x3a: {  	_ = 	snop  }
0x3b: {  	_ = 	snop  }
0x3c: {  	p2 =	seq.s32 s10, $0x1;
	s10 =	sld [smem:$0x3FAF]  }
0x3d: {  	_ =	shalt  }
0x3e: {  	_ =	shalt  }
0x3f: {  	_ =	shalt  }
0x40: {  	_ =	shalt  }
0x41: {  	_ =	shalt  }
0x42: {  	_ =	shalt  }
0x43: {  	_ =	shalt  }
0x44: {  	_ =	shalt  }
0x45: {  	_ =	shalt  }
0x46: {  	_ =	shalt  }
0x47: {  	_ =	shalt  }
0x48: {  	_ =	shalt  }
0x49: {  	_ =	shalt  }
0x4a: {  	_ =	shalt  }
0x4b: {  	_ =	shalt  }
0x4c: {  	_ =	shalt  }
0x4d: {  	_ =	shalt  }
0x4e: {  	_ =	shalt  }
0x4f: {  	_ =	shalt  }
0x50: {  	_ =	shalt  }
0x51: {  	_ =	shalt  }
0x52: {  	_ =	shalt  }
0x53: {  	_ =	shalt  }
0x54: {  	_ =	shalt  }
0x55: {  	_ =	shalt  }
0x56: {  	_ =	shalt  }
0x57: {  	_ =	shalt  }
0x58: {  	_ =	shalt  }
0x59: {  	_ =	shalt  }
0x5a: {  	_ =	shalt  }
0x5b: {  	_ =	shalt  }
0x5c: {  	_ =	shalt  }
0x5d: {  	_ =	shalt  }
0x5e: {  	_ =	shalt  }
0x5f: {  	_ =	shalt  }
0x60: {  	_ =	shalt  }
0x61: {  	_ =	shalt  }
0x62: {  	_ =	shalt  }
0x63: {  	_ =	shalt  }
0x64: {  	_ =	shalt  }
0x65: {  	_ =	shalt  }
0x66: {  	_ =	shalt  }
0x67: {  	_ =	shalt  }
0x68: {  	_ =	shalt  }
0x69: {  	_ =	shalt  }
0x6a: {  	_ =	shalt  }
0x6b: {  	_ =	shalt  }
0x6c: {  	_ =	shalt  }
0x6d: {  	_ =	shalt  }
0x6e: {  	_ =	shalt  }
0x6f: {  	_ =	shalt  }
0x70: {  	_ =	shalt  }
0x71: {  	_ =	shalt  }
0x72: {  	_ =	shalt  }
0x73: {  	_ =	shalt  }
0x74: {  	_ =	shalt  }
0x75: {  	_ =	shalt  }
0x76: {  	_ =	shalt  }
0x77: {  	_ =	shalt  }
0x78: {  	_ =	shalt  }
0x79: {  	_ =	shalt  }
0x7a: {  	_ =	shalt  }
0x7b: {  	_ =	shalt  }
0x7c: {  	_ =	shalt  }
0x7d: {  	_ =	shalt  }
0x7e: {  	_ =	shalt  }
0x7f: {  	_ =	shalt  }
0x80: {  	_ =	shalt  }
0x81: {  	_ =	shalt  }
0x82: {  	_ =	shalt  }
0x83: {  	_ =	shalt  }
0x84: {  	_ =	shalt  }
0x85: {  	_ =	shalt  }
0x86: {  	_ =	shalt  }
0x87: {  	_ =	shalt  }
.Lfunc_end0:
.L_simem_size_0:
called_computation.8_lowered:
.L_overlay_start_0:
0x88: {  	s2 =	sld [smem:$0x3FD9]  }
0x89: {  	s3 =	sld [smem:$0x3FFE];
	_ =	sdelay $0x1  }
0x8a: {  	s1 =	srdreg.scid  }
0x8b: {  	s0 =	sand.u32 $0x1, s1  }
0x8c: {  	s17 =	sshll.u32 s0, $0xA;
	s2 =	sadd.s32 s3, s2  }
0x8d: {  	s2 =	sadd.s32 s2, s17  }
0x8e: {  	[smem:$0x3FBB] =	sst s2  }
0x8f: {  	_ = 	snop  }
0x90: {  	(tm) =	ssettm $0x1  }
0x91: {  	s18 =	sld [smem:$0x3FFB];
	_ =	sdelay $0x3  }
0x92: {  	_ =	strace s18  }
0x93: {  	s2 =	sld [smem:$0x3FFC];
	_ =	sdelay $0x3  }
0x94: {  	_ =	strace s2  }
0x95: {  	s2 =	sld [smem:$0x3FFD];
	_ =	sdelay $0x3  }
0x96: {  	_ =	strace s2  }
0x97: {  	_ =	strace $0x8FFFFFFF  }
0x98: {  	s19 =	sld [smem:$0x3FDB];
	_ =	sdelay $0x1  }
0x99: {  	s20 =	simm.s32 $_scs_section_size  }
0x9a: {  	s4 =	simm.s32 $_size__tile_overlayer_lowered;
	s5 =	simm.s32 $_tile_overlayer_lowered  }
0x9b: {  	s6 =	simm.s32 $0x1BFF;
	s21 =	sshll.u32 s5, $0x1;
	s3 =	sadd.s32 s20, s19  }
0x9c: {  	s22 =	simm.s32 $0x0;
	s4 =	sshll.u32 s4, $0x1;
	s5 =	sadd.s32 s21, s3  }
0x9d: {  	[timem:s22], [sflag:s6] =	dma.local [hbm:s5], s4  }
0x9e: {  	_ =	swait.ge [sflag:s6], s4  }
0x9f: {  	s4 =	ssub.s32 $0x0, s4;
	[sflag:s6] =	ssyncset.done $0x0  }
0xa0: {  	[sflag:s6] =	ssyncadd.s32 s4;
	_ =	sdelay $0x1  }
0xa1: {  	s23 =	simm.s32 $0x1B8B  }
0xa2: {  	_ =	swait.ge [sflag:s23], $0x1  }
0xa3: {  	[sflag:s23] =	ssyncset.done $0x0  }
0xa4: {  	[sflag:s23] =	ssyncadd.s32 $0xFFFFFFFF  }
0xa5: {  	s4 =	sld [smem:$0x0]  }
0xa6: {  	s5 =	sand.u32 $0xFFFFFFFE, s1  }
0xa7: {  	p0 =	sne.s32 s1, s5  }
0xa8: {  	s5 =	sshll.u32 @p0 s5, $0xE  }
0xa9: {  	s5 =	sadd.s32 @p0 $0x11B8D, s5;
	s6 =	sshll.u32 @p0 s4, $0x11  }
0xaa: {  	s5 =	sor.u32 @p0 s6, s5  }
0xab: {  	[sflag:s5] =	ssyncadd.remote.s32 @p0 $0x1;
	_ =	sdelay $0x1  }
0xac: {  	s5 =	simm.s32 @p0 $0x1B8D  }
0xad: {  	_ =	swait.eq @p0 [sflag:s5], $0x1  }
0xae: {  	[sflag:s5] =	ssyncadd.s32 @p0 $0xFFFFFFFF  }
0xaf: {  	s6 =	sshll.u32 @!p0 s1, $0xE  }
0xb0: {  	s6 =	sor.u32 @!p0 $0x4000, s6;
	s5 =	simm.s32 @!p0 $0x1B8D  }
0xb1: {  	s4 =	sshll.u32 @!p0 s4, $0x11;
	s6 =	sadd.s32 @!p0 $0x11B8D, s6;
	_ =	swait.eq @!p0 [sflag:s5], $0x1  }
0xb2: {  	s4 =	sor.u32 @!p0 s4, s6;
	[sflag:s5] =	ssyncadd.s32 @!p0 $0xFFFFFFFF  }
0xb3: {  	s25 =	simm.s32 $0x1B8E;
	s24 =	sld [smem:$0x3FFE];
	[sflag:s4] =	ssyncadd.remote.s32 @!p0 $0x1  }
0xb4: {  	s26 =	simm.s32 $execute0_lowered;
	[smem:$0x3FD2] =	sst s25  }
0xb5: {  	s5 =	sshll.u32 s26, $0x1;
	_ =	strace $0x8000005B;
	[dreg:$0x1] =	wrdreg $0xFFFFFFFF  }
0xb6: {  	s28 =	simm.s32 $_size_execute0_lowered;
	s3 =	sadd.s32 s3, s5;
	[dreg:$0x0] =	wrdreg $0x0  }
0xb7: {  	s5 =	sshll.u32 s28, $0x1;
	[dreg:$0x2] =	wrdreg s3  }
0xb8: {  	[dreg:$0x3] =	wrdreg s5  }
0xb9: {  	[dreg:$0x4] =	wrdreg $0xC0  }
0xba: {  	_ =	task [dreg:s22], $0x5FFFF  }
0xbb: {  	[dreg:$0x1] =	wrdreg $0xFFFFFFFF  }
0xbc: {  	[dreg:$0x0] =	wrdreg $0x60  }
0xbd: {  	[dreg:$0x2] =	wrdreg s24  }
0xbe: {  	[dreg:$0x3] =	wrdreg $0x9  }
0xbf: {  	_ =	task.clear_ibuf [dreg:s22], $0x4FFFF;
	_ =	strace $0x9000005B  }
0xc0: {  	s29 =	simm.s32 $0x9;
	_ =	strace $0x8000005D  }
0xc1: {  	_ =	swait.ge [sflag:s29], $0x1  }
0xc2: {  	[sflag:s29] =	ssyncadd.s32 $0xFFFFFFFF  }
0xc3: {  	_ =	strace $0x9000005D  }
0xc4: {  	_ =	sfence  }
0xc5: {  	s30 =	sld [smem:$0x0];
	_ =	sdelay $0x2  }
0xc6: {  	s31 =	sshll.u32 s1, $0xD;
	s1 =	sshrl.u32 s1, $0x2  }
0xc7: {  	s4 =	sand.u32 $0x4000, s31;
	s1 =	sadd.s32 s1, s30  }
0xc8: {  	s0 =	sor.u32 s4, s0;
	s1 =	sshll.u32 s1, $0x11  }
0xc9: {  	s0 =	sor.u32 s1, s0  }
0xca: {  	s0 =	sadd.s32 $0x8F2B, s0  }
0xcb: {  	[sflag:s0] =	ssyncadd.remote.s32 $0x1  }
0xcc: {  	_ =	sfence.sel $0xFFFF  }
0xcd: {  	[dreg:$0x0] =	wrdreg $0xFFFFFFFF;
	(pc) =	sbr.abs _section_cstart, $3  }
0xce: {  	[dreg:$0x1] =	wrdreg $0xFFFFFFFF  }
0xcf: {  	_ =	task.clear_ibuf [dreg:s22], $0x2FFFF;
	_ =	strace $0x9FFFFFFF  }
0xd0: {  	(tm) =	ssettm $0x7FFFFFFF  }
0xd1: {  	_ =	shalt  }
tec
execute0_lowered:
.L_overlay_start_1:
0x0: {  	(tag) =	ssettag $0x1  }
0x1: {  	s1 =	srdreg.scid  }
0x2: {  	s0 =	stileid.u32;
	s4 =	rddreg [dreg:$0x0];
	s2 =	simm.s32 $0x0  }
0x3: {  	s10 =	simm.s32 $0x100;
	s11 =	simm.s32 $0xC8;
	s12 =	simm.s32 $0x200  }
0x4: {  	s13 =	simm.s32 $0x6600;
	s14 =	simm.s32 $0x1;
	s6 =	smul.u32 $0x7D0, s0  }
0x5: {  	s15 =	simm.s32 $0x2;
	s5 =	sand.u32 $0x1, s1;
	s8 =	smul.u32 $0x7D00, s0  }
0x6: {  	s16 =	simm.s32 $0x0;
	s1 =	rddreg [dreg:$0x1];
	s7 =	smul.u32 $0x3E8, s5  }
0x7: {  	[smem:$0x7FF] =	sst s2;
	s3 =	sadd.s32 $0xA200, s4;
	s9 =	smul.u32 $0x3E80, s5  }
0x8: {  	_ =	strace $0x8000005C;
	s5 =	ssub.s32 $0x2, s5;
	s29 =	sadd.s32 s8, s4  }
0x9: {  	s30 =	sshrl.u32 s5, $0x1;
	s6 =	sadd.s32 s7, s6;
	s7 =	sadd.s32 s9, s29  }
0xa: {  	s5 =	ssub.s32 s5, s30;
	s9 =	simm.s32 $0x3;
	s6 =	sshrl.u32 s6, $0x3  }
0xb: {  	s31 =	sadd.s32 s6, s4;
	s4 =	sadd.s32 $0x346800, s7;
	s6 =	sadd.s32 $0x440800, s7  }
0xc: {  	s5 =	smax.u32 s5, $0x1;
	s7 =	sadd.s32 $0x130400, s31;
	s8 =	sadd.s32 $0x132400, s31  }
.LBB2_1:
0xd: {  	s17 =	sadd.s32 $0x0, s8  }
0xe: {  	[tilespmem:s2], [sflag:$0x3] =	stream.linear.gather [hbm4b:s17+s2], $0xC8, $0x38;
	[tilespmem:$0xCA00] =	vst v63  }
0xf: {  	_ =	swait.ge [sflag:s9], $0xC8  }
0x10: {  	[sflag:s9] =	ssyncset.done $0x0  }
0x11: {  	s31 =	sadd.s32 $0x0, s7;
	[sflag:s9] =	ssyncadd.s32 $0xFFFFFF38  }
0x12: {  	[tilespmem:s10], [sflag:$0x3] =	stream.linear.gather [hbm4b:s31+s2], $0xC8, $0x38;
	[tilespmem:$0xCA00] =	vst v63  }
0x13: {  	_ =	swait.ge [sflag:s9], $0xC8  }
0x14: {  	[sflag:s9] =	ssyncset.done $0x0  }
0x15: {  	[sflag:s9] =	ssyncadd.s32 $0xFFFFFF38  }
0x16: {  	[tilespmem:s12], [sflag:$0x1] =	stream.indirect.gather [hbm4b:s3+s11], $0x80, s2, s11, $0xb8;
	[tilespmem:$0xCA00] =	vst v63  }
0x17: {  	_ = 	snop  }
0x18: {  	[tilespmem:s13], [sflag:$0x2] =	stream.indirect.gather [hbm4b:s3+s11], $0x80, s10, s11, $0xb8;
	[tilespmem:$0xCA00] =	vst v63  }
0x19: {  	_ =	swait.ge [sflag:s14], $0x6400  }
0x1a: {  	[sflag:s14] =	ssyncset.done $0x0  }
0x1b: {  	[sflag:s14] =	ssyncadd.s32 $0xFFFF9C00  }
0x1c: {  	_ =	swait.ge [sflag:s15], $0x6400  }
0x1d: {  	[sflag:s15] =	ssyncset.done $0x0  }
0x1e: {  	[sflag:s15] =	ssyncadd.s32 $0xFFFF9C00  }
0x1f: {  	[hbm4b:s4+s2] =	stream.linear.scatter [tilespmem:s12], [sflag:$0x3], $0x6400, $0x38;
	[tilespmem:$0xCA00] =	vst v63  }
0x20: {  	_ =	swait.ge [sflag:s9], $0x6400  }
0x21: {  	[sflag:s9] =	ssyncset.done $0x0  }
0x22: {  	[sflag:s9] =	ssyncadd.s32 $0xFFFF9C00  }
0x23: {  	[hbm4b:s6+s2] =	stream.linear.scatter [tilespmem:s13], [sflag:$0x3], $0x6400, $0x38;
	[tilespmem:$0xCA00] =	vst v63  }
0x24: {  	s19 =	simm.s32 $0x19;
	s20 =	simm.s32 $0x32;
	_ =	swait.ge [sflag:s9], $0x6400  }
0x25: {  	s18 =	sadd.s32 $0xC80, s4;
	s17 =	sadd.s32 $0xC80, s6;
	[sflag:s9] =	ssyncset.done $0x0  }
.LBB2_2:
0x26: {  	s21 =	sadd.s32 s19, s8  }
0x27: {  	[sflag:s9] =	ssyncadd.s32 $0xFFFF9C00;
	s22 =	smov.u32 s20;
	s23 =	sadd.s32 $0x19, s20  }
0x28: {  	[tilespmem:s2], [sflag:$0x3] =	stream.linear.gather [hbm4b:s21+s2], $0xC8, $0x38;
	[tilespmem:$0xCA00] =	vst v63  }
0x29: {  	p0 =	sne.s32 s20, $0x64;
	_ =	swait.ge [sflag:s9], $0xC8  }
0x2a: {  	[sflag:s9] =	ssyncset.done $0x0  }
0x2b: {  	s20 =	sadd.s32 s19, s7;
	s19 =	smov.u32 s22;
	[sflag:s9] =	ssyncadd.s32 $0xFFFFFF38  }
0x2c: {  	[tilespmem:s10], [sflag:$0x3] =	stream.linear.gather [hbm4b:s20+s2], $0xC8, $0x38;
	[tilespmem:$0xCA00] =	vst v63  }
0x2d: {  	_ =	swait.ge [sflag:s9], $0xC8  }
0x2e: {  	[sflag:s9] =	ssyncset.done $0x0  }
0x2f: {  	[sflag:s9] =	ssyncadd.s32 $0xFFFFFF38  }
0x30: {  	[tilespmem:s12], [sflag:$0x1] =	stream.indirect.gather [hbm4b:s3+s11], $0x80, s2, s11, $0xb8;
	[tilespmem:$0xCA00] =	vst v63  }
0x31: {  	_ = 	snop  }
0x32: {  	[tilespmem:s13], [sflag:$0x2] =	stream.indirect.gather [hbm4b:s3+s11], $0x80, s10, s11, $0xb8;
	[tilespmem:$0xCA00] =	vst v63  }
0x33: {  	_ =	swait.ge [sflag:s14], $0x6400  }
0x34: {  	[sflag:s14] =	ssyncset.done $0x0  }
0x35: {  	[sflag:s14] =	ssyncadd.s32 $0xFFFF9C00  }
0x36: {  	_ =	swait.ge [sflag:s15], $0x6400  }
0x37: {  	[sflag:s15] =	ssyncset.done $0x0  }
0x38: {  	[sflag:s15] =	ssyncadd.s32 $0xFFFF9C00  }
0x39: {  	[hbm4b:s18+s2] =	stream.linear.scatter [tilespmem:s12], [sflag:$0x3], $0x6400, $0x38;
	[tilespmem:$0xCA00] =	vst v63  }
0x3a: {  	_ =	swait.ge [sflag:s9], $0x6400  }
.Ltmp0:
0x3b: {  	[sflag:s9] =	ssyncset.done $0x0;
	(pc) =	sbr.rel @p0 .LBB2_2-.Ltmp0, $4  }
0x3c: {  	[sflag:s9] =	ssyncadd.s32 $0xFFFF9C00  }
0x3d: {  	[hbm4b:s17+s2] =	stream.linear.scatter [tilespmem:s13], [sflag:$0x3], $0x6400, $0x38;
	[tilespmem:$0xCA00] =	vst v63  }
0x3e: {  	s20 =	smov.u32 s23;
	_ =	swait.ge [sflag:s9], $0x6400  }
0x3f: {  	s18 =	sadd.s32 $0xC80, s18;
	s17 =	sadd.s32 $0xC80, s17;
	[sflag:s9] =	ssyncset.done $0x0  }
0x40: {  	s20 =	sadd.s32 s19, s8;
	[sflag:s9] =	ssyncadd.s32 $0xFFFF9C00  }
0x41: {  	[tilespmem:s2], [sflag:$0x3] =	stream.linear.gather [hbm4b:s20+s2], $0xC8, $0x38;
	[tilespmem:$0xCA00] =	vst v63  }
0x42: {  	_ =	swait.ge [sflag:s9], $0xC8  }
0x43: {  	[sflag:s9] =	ssyncset.done $0x0  }
0x44: {  	s31 =	sadd.s32 s19, s7;
	[sflag:s9] =	ssyncadd.s32 $0xFFFFFF38  }
0x45: {  	[tilespmem:s10], [sflag:$0x3] =	stream.linear.gather [hbm4b:s31+s2], $0xC8, $0x38;
	[tilespmem:$0xCA00] =	vst v63  }
0x46: {  	_ =	swait.ge [sflag:s9], $0xC8  }
0x47: {  	[sflag:s9] =	ssyncset.done $0x0  }
0x48: {  	[sflag:s9] =	ssyncadd.s32 $0xFFFFFF38  }
0x49: {  	[tilespmem:s12], [sflag:$0x1] =	stream.indirect.gather [hbm4b:s3+s11], $0x80, s2, s11, $0xb8;
	[tilespmem:$0xCA00] =	vst v63  }
0x4a: {  	_ = 	snop  }
0x4b: {  	[tilespmem:s13], [sflag:$0x2] =	stream.indirect.gather [hbm4b:s3+s11], $0x80, s10, s11, $0xb8;
	[tilespmem:$0xCA00] =	vst v63  }
0x4c: {  	_ =	swait.ge [sflag:s14], $0x6400  }
0x4d: {  	[sflag:s14] =	ssyncset.done $0x0  }
0x4e: {  	[sflag:s14] =	ssyncadd.s32 $0xFFFF9C00  }
0x4f: {  	_ =	swait.ge [sflag:s15], $0x6400  }
0x50: {  	[sflag:s15] =	ssyncset.done $0x0  }
0x51: {  	[sflag:s15] =	ssyncadd.s32 $0xFFFF9C00  }
0x52: {  	[hbm4b:s18+s2] =	stream.linear.scatter [tilespmem:s12], [sflag:$0x3], $0x6400, $0x38;
	[tilespmem:$0xCA00] =	vst v63  }
0x53: {  	s16 =	sadd.s32 $0x1, s16;
	_ =	swait.ge [sflag:s9], $0x6400  }
0x54: {  	p0 =	sne.s32 s16, s5;
	[sflag:s9] =	ssyncset.done $0x0  }
.Ltmp1:
0x55: {  	[sflag:s9] =	ssyncadd.s32 $0xFFFF9C00;
	(pc) =	sbr.rel @p0 .LBB2_1-.Ltmp1, $4  }
0x56: {  	[hbm4b:s17+s2] =	stream.linear.scatter [tilespmem:s13], [sflag:$0x3], $0x6400, $0x38;
	[tilespmem:$0xCA00] =	vst v63  }
0x57: {  	_ =	swait.ge [sflag:s9], $0x6400  }
0x58: {  	[sflag:s9] =	ssyncset.done $0x0  }
0x59: {  	[sflag:s9] =	ssyncadd.s32 $0xFFFF9C00  }
0x5a: {  	_ =	sfence.sel $0x180000  }
0x5b: {  	[bflag:$0x0] =	sbarrier.arrive $0xFFFF  }
0x5c: {  	p0 =	sne.s32 s0, $0x0;
	_ =	strace $0x9000005C  }
0x5d: {  	s0 =	sadd.s32 @!p0 $0x100000, s1;
	[bflag:$0x2] =	sbarrier.arrive $0xFFFF  }
0x5e: {  	[sflag:s0] =	ssyncadd.tile.s32 @!p0 $0x1;
	_ =	shalt  }
.Lfunc_end2:
_tile_overlayer_lowered:
.L_overlay_start_2:
0x5f: {  	(tag) =	ssettag $0x2  }
0x60: {  	s0 =	rddreg [dreg:$0x0];
	s2 =	stileid.u32  }
0x61: {  	s1 =	rddreg [dreg:$0x1];
	p0 =	sne.s32 s2, $0x0  }
0x62: {  	s3 =	rddreg [dreg:$0x2];
	[bflag:$0x3] =	sbarrier.arrive $0xFFFF;
	s2 =	simm.s32 @!p0 $0x1C03  }
0x63: {  	[timem:s3], [sflag:s2] =	dma.local @!p0 [hbm:s0], s1  }
0x64: {  	s0 =	simm.s32 @!p0 $0x3  }
0x65: {  	_ =	swait.ge @!p0 [sflag:s0], s1  }
0x66: {  	s1 =	ssub.s32 @!p0 $0x0, s1;
	[sflag:s0] =	ssyncset.done @!p0 $0x0  }
0x67: {  	[sflag:s0] =	ssyncadd.s32 @!p0 s1  }
0x68: {  	[bflag:$0x3] =	sbarrier.arrive $0xFFFF  }
0x69: {  	_ =	shalt  }

// kernel: kernel.44.cloned.1.call-start
scs
__scs_entry_jumppad:
0x0: {  	(pc) =	sbr.rel $0x88, $3  }
0x1: {  	(tag) =	ssettag $0x0;
	lr =	simm.s32 $0x1  }
0x2: {  	[smem:$0x3F94] =	sst lr;
	_ =	strace $0xD0000000  }
0x3: {  	_ = 	snop  }
0x4: {  	_ = 	snop  }
0x5: {  	_ = 	snop  }
0x6: {  	_ = 	snop  }
0x7: {  	_ = 	snop  }
__scs_overlays_trampoline_lowered:
0x8: {  	[smem:$0x3FA3] =	sst s0  }
0x9: {  	[smem:$0x3FA4] =	sst s1  }
0xa: {  	[smem:$0x3FA5] =	sst s2  }
0xb: {  	[smem:$0x3FA6] =	sst s3  }
0xc: {  	[smem:$0x3FA7] =	sst s4  }
0xd: {  	[smem:$0x3FA8] =	sst s5  }
0xe: {  	[smem:$0x3FA9] =	sst s6  }
0xf: {  	[smem:$0x3FAA] =	sst s7  }
0x10: {  	[smem:$0x3FAB] =	sst s8  }
0x11: {  	[smem:$0x3FAC] =	sst s9;
	s0 =	simm.s32 @!p0 $0x0  }
0x12: {  	s1 =	sld [smem:$0x3F92];
	s0 =	simm.s32 @p0 $0x1  }
0x13: {  	[smem:$0x3FAD] =	sst s0;
	s0 =	simm.s32 @!p1 $0x0  }
0x14: {  	s2 =	sld [smem:$0x3F91];
	s0 =	simm.s32 @p1 $0x1  }
0x15: {  	[smem:$0x3FAE] =	sst s0;
	s0 =	simm.s32 @!p2 $0x0  }
0x16: {  	s3 =	sld [smem:$0x3FDB];
	s0 =	simm.s32 @p2 $0x1  }
0x17: {  	s4 =	simm.s32 $0x1BF5;
	[smem:$0x3FB0] =	sst s0  }
0x18: {  	s0 =	sld [smem:$0x3F93];
	_ =	swait.ge [sflag:s4], $0x0  }
0x19: {  	s7 =	sld [smem:$0x3F94]  }
0x1a: {  	s8 =	sadd.s32 $0xFFFFE003, lr  }
0x1b: {  	s9 =	sadd.s32 $0xFFFFFEF7, lr;
	s5 =	simm.s32 $0xFFFFFFFF;
	p2 =	slt.u32 s8, $0xFFFFF086  }
0x1c: {  	p1 =	slt.u32 s9, $0xF7A;
	s5 =	simm.s32 @!p2 $0x0  }
0x1d: {  	s5 =	simm.s32 @p1 $0x1;
	p0 =	seq.s32 s7, s2  }
0x1e: {  	s7 =	smul.u32 @!p0 $0xF7A, s2;
	p2 =	seq.s32 @!p0 s5, $0x0  }
0x1f: {  	s9 =	smul.u32 $0xF7A, s1;
	s8 =	simm.s32 @!p0 $0x1BF5;
	p2 =	por !p2, p0  }
0x20: {  	[sflag:s8] =	ssyncset.s32 @!p0 $0xFFFFF086;
	s6 =	sadd.s32 @!p0 s3, s7;
	s7 =	simm.s32 @!p0 $0x108  }
0x21: {  	s3 =	sadd.s32 s3, s9;
	s6 =	sadd.s32 @!p0 $0x88, s6;
	s7 =	simm.s32 @p2 $0x1082  }
0x22: {  	[simem:s7], [sflag:s8] =	dma.local @!p0 [hbm:s6], $0xF7A  }
0x23: {  	s9 =	sor.u32 $0xD0000000, s2;
	s6 =	simm.s32 $0x108;
	_ =	swait.ge @!p0 [sflag:s8], $0x0  }
0x24: {  	s3 =	sadd.s32 $0x88, s3;
	s6 =	simm.s32 @!p1 $0x1082;
	[sflag:s4] =	ssyncset.s32 $0xFFFFF086  }
0x25: {  	[simem:s6], [sflag:s4] =	dma.local [hbm:s3], $0xF7A  }
0x26: {  	[smem:$0x3F94] =	sst s1;
	(tag) =	ssettag s2;
	_ =	strace s9  }
0x27: {  	s1 =	sld [smem:$0x3FA4]  }
0x28: {  	s2 =	sld [smem:$0x3FA5]  }
0x29: {  	s4 =	sld [smem:$0x3FA7]  }
0x2a: {  	p0 =	seq.s32 s5, $0x0;
	s5 =	sld [smem:$0x3FA8]  }
0x2b: {  	s6 =	sld [smem:$0x3FA9]  }
0x2c: {  	s7 =	sld [smem:$0x3FAA]  }
0x2d: {  	s3 =	simm.s32 $0x108;
	s8 =	sld [smem:$0x3FAB]  }
0x2e: {  	s3 =	simm.s32 @!p0 $0x1082;
	s9 =	sld [smem:$0x3FAC]  }
0x2f: {  	lr =	sadd.s32 s0, s3;
	s0 =	sld [smem:$0x3FA3]  }
0x30: {  	s3 =	sld [smem:$0x3FA6]  }
0x31: {  	[smem:$0x3FAF] =	sst s10  }
0x32: {  	s10 =	sld [smem:$0x3FAD];
	_ =	sdelay $0x3  }
0x33: {  	p0 =	seq.s32 s10, $0x1;
	s10 =	sld [smem:$0x3FAF];
	_ =	sdelay $0x3  }
0x34: {  	[smem:$0x3FAF] =	sst s10  }
0x35: {  	s10 =	sld [smem:$0x3FAE];
	_ =	sdelay $0x3  }
0x36: {  	p1 =	seq.s32 s10, $0x1;
	s10 =	sld [smem:$0x3FAF];
	_ =	sdelay $0x3  }
0x37: {  	[smem:$0x3FAF] =	sst s10  }
0x38: {  	s10 =	sld [smem:$0x3FB0]  }
0x39: {  	_ = 	snop;
	(pc) =	sbr.ind lr, $3  }
0x3a: {  	_ = 	snop  }
0x3b: {  	_ = 	snop  }
0x3c: {  	p2 =	seq.s32 s10, $0x1;
	s10 =	sld [smem:$0x3FAF]  }
0x3d: {  	_ =	shalt  }
0x3e: {  	_ =	shalt  }
0x3f: {  	_ =	shalt  }
0x40: {  	_ =	shalt  }
0x41: {  	_ =	shalt  }
0x42: {  	_ =	shalt  }
0x43: {  	_ =	shalt  }
0x44: {  	_ =	shalt  }
0x45: {  	_ =	shalt  }
0x46: {  	_ =	shalt  }
0x47: {  	_ =	shalt  }
0x48: {  	_ =	shalt  }
0x49: {  	_ =	shalt  }
0x4a: {  	_ =	shalt  }
0x4b: {  	_ =	shalt  }
0x4c: {  	_ =	shalt  }
0x4d: {  	_ =	shalt  }
0x4e: {  	_ =	shalt  }
0x4f: {  	_ =	shalt  }
0x50: {  	_ =	shalt  }
0x51: {  	_ =	shalt  }
0x52: {  	_ =	shalt  }
0x53: {  	_ =	shalt  }
0x54: {  	_ =	shalt  }
0x55: {  	_ =	shalt  }
0x56: {  	_ =	shalt  }
0x57: {  	_ =	shalt  }
0x58: {  	_ =	shalt  }
0x59: {  	_ =	shalt  }
0x5a: {  	_ =	shalt  }
0x5b: {  	_ =	shalt  }
0x5c: {  	_ =	shalt  }
0x5d: {  	_ =	shalt  }
0x5e: {  	_ =	shalt  }
0x5f: {  	_ =	shalt  }
0x60: {  	_ =	shalt  }
0x61: {  	_ =	shalt  }
0x62: {  	_ =	shalt  }
0x63: {  	_ =	shalt  }
0x64: {  	_ =	shalt  }
0x65: {  	_ =	shalt  }
0x66: {  	_ =	shalt  }
0x67: {  	_ =	shalt  }
0x68: {  	_ =	shalt  }
0x69: {  	_ =	shalt  }
0x6a: {  	_ =	shalt  }
0x6b: {  	_ =	shalt  }
0x6c: {  	_ =	shalt  }
0x6d: {  	_ =	shalt  }
0x6e: {  	_ =	shalt  }
0x6f: {  	_ =	shalt  }
0x70: {  	_ =	shalt  }
0x71: {  	_ =	shalt  }
0x72: {  	_ =	shalt  }
0x73: {  	_ =	shalt  }
0x74: {  	_ =	shalt  }
0x75: {  	_ =	shalt  }
0x76: {  	_ =	shalt  }
0x77: {  	_ =	shalt  }
0x78: {  	_ =	shalt  }
0x79: {  	_ =	shalt  }
0x7a: {  	_ =	shalt  }
0x7b: {  	_ =	shalt  }
0x7c: {  	_ =	shalt  }
0x7d: {  	_ =	shalt  }
0x7e: {  	_ =	shalt  }
0x7f: {  	_ =	shalt  }
0x80: {  	_ =	shalt  }
0x81: {  	_ =	shalt  }
0x82: {  	_ =	shalt  }
0x83: {  	_ =	shalt  }
0x84: {  	_ =	shalt  }
0x85: {  	_ =	shalt  }
0x86: {  	_ =	shalt  }
0x87: {  	_ =	shalt  }
.Lfunc_end0:
.L_simem_size_0:
called_computation.9_lowered:
.L_overlay_start_0:
0x88: {  	s2 =	sld [smem:$0x3FD9]  }
0x89: {  	s3 =	sld [smem:$0x3FFE];
	_ =	sdelay $0x1  }
0x8a: {  	s1 =	srdreg.scid  }
0x8b: {  	s0 =	sand.u32 $0x1, s1  }
0x8c: {  	s14 =	sshll.u32 s0, $0xA;
	s2 =	sadd.s32 s3, s2  }
0x8d: {  	s2 =	sadd.s32 s2, s14  }
0x8e: {  	[smem:$0x3FBB] =	sst s2  }
0x8f: {  	_ = 	snop  }
0x90: {  	s2 =	sld [smem:$0x3FD0];
	_ =	sdelay $0x2  }
0x91: {  	s15 =	simm.s32 $0xC;
	s4 =	simm.s32 $0x10  }
0x92: {  	[smem:s4], [sflag:s15] =	dma.local [hbm:s2], $0x1  }
0x93: {  	_ =	swait.eq [sflag:s15], $0x1  }
0x94: {  	[sflag:s15] =	ssyncset.done $0x0  }
0x95: {  	[sflag:s15] =	ssyncadd.s32 $0xFFFFFFFF  }
0x96: {  	s16 =	sld [smem:$0x10];
	(tm) =	ssettm $0x1  }
0x97: {  	s17 =	sld [smem:$0x3FFB];
	_ =	sdelay $0x3  }
0x98: {  	_ =	strace s17  }
0x99: {  	s3 =	sld [smem:$0x3FFC];
	_ =	sdelay $0x3  }
0x9a: {  	_ =	strace s3  }
0x9b: {  	s3 =	sld [smem:$0x3FFD];
	_ =	sdelay $0x3  }
0x9c: {  	_ =	strace s3  }
0x9d: {  	_ =	strace $0x8FFFFFFF  }
0x9e: {  	s18 =	sld [smem:$0x3FDB];
	_ =	sdelay $0x1  }
0x9f: {  	s19 =	simm.s32 $_scs_section_size  }
0xa0: {  	s5 =	simm.s32 $_size__tile_overlayer_lowered;
	s6 =	simm.s32 $_tile_overlayer_lowered  }
0xa1: {  	s22 =	simm.s32 $0x1BFF;
	s21 =	sshll.u32 s6, $0x1;
	s3 =	sadd.s32 s19, s18  }
0xa2: {  	s7 =	simm.s32 $0x0;
	s20 =	sshll.u32 s5, $0x1;
	s5 =	sadd.s32 s21, s3  }
0xa3: {  	[timem:s7], [sflag:s22] =	dma.local [hbm:s5], s20  }
0xa4: {  	_ =	swait.ge [sflag:s22], s20  }
0xa5: {  	s4 =	ssub.s32 $0x0, s20;
	[sflag:s22] =	ssyncset.done $0x0  }
0xa6: {  	[sflag:s22] =	ssyncadd.s32 s4;
	_ =	sdelay $0x1  }
0xa7: {  	s23 =	simm.s32 $0x1B8B  }
0xa8: {  	_ =	swait.ge [sflag:s23], $0x1  }
0xa9: {  	[sflag:s23] =	ssyncset.done $0x0  }
0xaa: {  	s25 =	simm.s32 $0x1B8E;
	s24 =	sld [smem:$0x3FFE];
	[sflag:s23] =	ssyncadd.s32 $0xFFFFFFFF  }
0xab: {  	s26 =	simm.s32 $execute0_lowered;
	[smem:$0x3FD2] =	sst s25  }
0xac: {  	s5 =	sshll.u32 s26, $0x1;
	_ =	strace $0x80000061;
	[dreg:$0x1] =	wrdreg $0xFFFFFFFF  }
0xad: {  	s28 =	simm.s32 $_size_execute0_lowered;
	s3 =	sadd.s32 s3, s5;
	[dreg:$0x0] =	wrdreg $0x0  }
0xae: {  	s5 =	sshll.u32 s28, $0x1;
	[dreg:$0x2] =	wrdreg s3  }
0xaf: {  	[dreg:$0x3] =	wrdreg s5  }
0xb0: {  	[dreg:$0x4] =	wrdreg $0xC0  }
0xb1: {  	_ =	task [dreg:s7], $0x5FFFF  }
0xb2: {  	[dreg:$0x1] =	wrdreg $0xFFFFFFFF  }
0xb3: {  	[dreg:$0x0] =	wrdreg $0x60  }
0xb4: {  	[dreg:$0x2] =	wrdreg s24  }
0xb5: {  	[dreg:$0x3] =	wrdreg s16  }
0xb6: {  	[dreg:$0x4] =	wrdreg $0x65000  }
0xb7: {  	[dreg:$0x5] =	wrdreg $0x9  }
0xb8: {  	_ =	task.clear_ibuf [dreg:s7], $0x6FFFF;
	_ =	strace $0x90000061  }
0xb9: {  	s29 =	simm.s32 $0x9;
	_ =	strace $0x80000063  }
0xba: {  	_ =	swait.ge [sflag:s29], $0x1  }
0xbb: {  	[sflag:s29] =	ssyncadd.s32 $0xFFFFFFFF  }
0xbc: {  	_ =	strace $0x90000063  }
0xbd: {  	_ =	sfence  }
0xbe: {  	s30 =	sld [smem:$0x0];
	_ =	sdelay $0x2  }
0xbf: {  	s31 =	sshll.u32 s1, $0xD;
	s1 =	sshrl.u32 s1, $0x2  }
0xc0: {  	s3 =	sand.u32 $0x4000, s31;
	s1 =	sadd.s32 s1, s30  }
0xc1: {  	s0 =	sor.u32 s3, s0;
	s1 =	sshll.u32 s1, $0x11  }
0xc2: {  	s0 =	sor.u32 s1, s0  }
0xc3: {  	s0 =	sadd.s32 $0x8F2B, s0  }
0xc4: {  	[sflag:s0] =	ssyncadd.remote.s32 $0x1  }
0xc5: {  	_ =	sfence.sel $0xFFFF  }
0xc6: {  	[dreg:$0x0] =	wrdreg $0xFFFFFFFF;
	(pc) =	sbr.abs _section_cstart, $3  }
0xc7: {  	[dreg:$0x1] =	wrdreg $0xFFFFFFFF  }
0xc8: {  	_ =	task.clear_ibuf [dreg:s7], $0x2FFFF;
	_ =	strace $0x9FFFFFFF  }
0xc9: {  	(tm) =	ssettm $0x7FFFFFFF  }
tec
execute0_lowered:
.L_overlay_start_1:
0x0: {  	(tag) =	ssettag $0x1  }
0x1: {  	s4 =	rddreg [dreg:$0x0]  }
0x2: {  	s8 =	rddreg [dreg:$0x1]  }
0x3: {  	s2 =	rddreg [dreg:$0x2]  }
0x4: {  	s0 =	rddreg [dreg:$0x3]  }
0x5: {  	s1 =	stileid.u32;
	s5 =	srdreg.scid  }
0x6: {  	s3 =	simm.s32 $0x0;
	s15 =	simm.s32 $0x100;
	s16 =	simm.s32 $0x1  }
0x7: {  	s18 =	simm.s32 $0x400;
	s19 =	simm.s32 $0x800;
	s6 =	smul.u32 $0x7D000, s1  }
0x8: {  	s20 =	simm.s32 $0xC8;
	s21 =	simm.s32 $0x0;
	s7 =	smul.u32 $0xFA, s1  }
0x9: {  	s5 =	sand.u32 $0x1, s5;
	[smem:$0x7FF] =	sst s3;
	s10 =	smul.u32 $0x4E000, s1  }
0xa: {  	s11 =	sadd.s32 $0x133400, s4;
	s12 =	smul.u32 $0x27000, s1;
	s29 =	sshll.u32 s1, $0x6  }
0xb: {  	s17 =	sadd.s32 $0x138000, s2;
	p0 =	sne.s32 s1, $0xF;
	s9 =	sshll.u32 s5, $0xA  }
0xc: {  	_ =	strace $0x80000062;
	s22 =	ssub.s32 $0x2, s5;
	s30 =	sshll.u32 s5, $0x7  }
0xd: {  	s5 =	sor.u32 $0x1C01, s29;
	s17 =	sshrl.u32 @!p0 s17, $0x3;
	s6 =	sor.u32 s9, s6  }
0xe: {  	s13 =	sadd.s32 s7, s4;
	s23 =	sshrl.u32 s22, $0x1;
	s24 =	sshrl.u32 s10, $0x2  }
0xf: {  	s9 =	sor.u32 s9, s12;
	s31 =	sadd.s32 s30, s11;
	s6 =	sshrl.u32 s6, $0x3  }
0x10: {  	s25 =	ssub.s32 s22, s23;
	s26 =	sadd.s32 s24, s2;
	s28 =	sshrl.u32 s9, $0x3  }
0x11: {  	s14 =	sadd.s32 s6, s4;
	s4 =	sadd.s32 s11, s28;
	s6 =	sadd.s32 $0x4E000, s31  }
0x12: {  	s7 =	sadd.s32 s8, s28;
	s8 =	sadd.s32 s30, s8;
	s9 =	smax.u32 s25, $0x1  }
0x13: {  	s11 =	sadd.s32 $0x132400, s13;
	s12 =	sshrl.u32 s26, $0x3;
	s13 =	simm.s32 $0x8  }
0x14: {  	s8 =	sadd.s32 $0x4E000, s8;
	s10 =	sadd.s32 $0x53A800, s14;
	s14 =	simm.s32 $0x80  }
.LBB2_1:
0x15: {  	[spmem:s12@s14], [sflag:s5] =	dma.strided [hbm:s4@s15], $0x2700, s13, $0x10   }
0x16: {  	_ =	swait.ge [sflag:s16], $0x2700  }
0x17: {  	s22 =	simm.s32 @!p0 $0x8;
	[sflag:s16] =	ssyncset.done $0x0  }
0x18: {  	s23 =	simm.s32 @!p0 $0x80;
	s24 =	simm.s32 @!p0 $0x100;
	[sflag:s16] =	ssyncadd.s32 $0xFFFFD900  }
0x19: {  	[spmem:s17@s23], [sflag:s5] =	dma.strided @!p0 [hbm:s6@s24], $0x100, s22, $0x10   }
0x1a: {  	s22 =	simm.s32 @!p0 $0x1  }
0x1b: {  	_ =	swait.ge @!p0 [sflag:s22], $0x100  }
0x1c: {  	[sflag:s22] =	ssyncset.done @!p0 $0x0  }
0x1d: {  	[sflag:s22] =	ssyncadd.s32 @!p0 $0xFFFFFF00  }
0x1e: {  	s31 =	sadd.s32 $0x0, s11;
	[bflag:$0x0] =	sbarrier.arrive $0xFFFF  }
0x1f: {  	[tilespmem:s3], [sflag:$0x1] =	stream.linear.gather [hbm4b:s31+s3], $0xC8, $0x38;
	[tilespmem:$0x19D80] =	vst v63  }
0x20: {  	_ =	swait.ge [sflag:s16], $0xC8  }
0x21: {  	[sflag:s16] =	ssyncset.done $0x0  }
0x22: {  	[sflag:s16] =	ssyncadd.s32 $0xFFFFFF38  }
0x23: {  	[tilespmem:s15], [sflag:$0x1] =	stream.strided.gather [hbm4b:s10+s18], $0x6400, s19, s18, $0x38;
	[tilespmem:$0x19D80] =	vst v63  }
0x24: {  	_ =	swait.ge [sflag:s16], $0x6400  }
0x25: {  	[sflag:s16] =	ssyncset.done $0x0  }
0x26: {  	[sflag:s16] =	ssyncadd.s32 $0xFFFF9C00  }
0x27: {  	[spmem:s2] =	stream.indirect.scatter.add.f32 [tilespmem:s15], [sflag:$0x1], $0x80, s3, s20, $0xb8;
	[tilespmem:$0x19D80] =	vst v63  }
0x28: {  	s23 =	simm.s32 $0x19;
	_ =	swait.ge [sflag:s16], $0x6400  }
0x29: {  	s24 =	simm.s32 $0x32;
	s22 =	sadd.s32 $0x1900, s10;
	[sflag:s16] =	ssyncset.done $0x0  }
.LBB2_2:
0x2a: {  	s25 =	sadd.s32 s23, s11  }
0x2b: {  	[sflag:s16] =	ssyncadd.s32 $0xFFFF9C00;
	s23 =	smov.u32 s24;
	s26 =	sadd.s32 $0x19, s24  }
0x2c: {  	[tilespmem:s3], [sflag:$0x1] =	stream.linear.gather [hbm4b:s25+s3], $0xC8, $0x38;
	[tilespmem:$0x19D80] =	vst v63  }
0x2d: {  	p1 =	sne.s32 s24, $0xE1;
	_ =	swait.ge [sflag:s16], $0xC8  }
0x2e: {  	[sflag:s16] =	ssyncset.done $0x0  }
0x2f: {  	[sflag:s16] =	ssyncadd.s32 $0xFFFFFF38  }
0x30: {  	[tilespmem:s15], [sflag:$0x1] =	stream.strided.gather [hbm4b:s22+s18], $0x6400, s19, s18, $0x38;
	[tilespmem:$0x19D80] =	vst v63  }
0x31: {  	_ =	swait.ge [sflag:s16], $0x6400  }
.Ltmp0:
0x32: {  	[sflag:s16] =	ssyncset.done $0x0;
	(pc) =	sbr.rel @p1 .LBB2_2-.Ltmp0, $4  }
0x33: {  	[sflag:s16] =	ssyncadd.s32 $0xFFFF9C00  }
0x34: {  	[spmem:s2] =	stream.indirect.scatter.add.f32 [tilespmem:s15], [sflag:$0x1], $0x80, s3, s20, $0xb8;
	[tilespmem:$0x19D80] =	vst v63  }
0x35: {  	_ =	swait.ge [sflag:s16], $0x6400  }
0x36: {  	s24 =	smov.u32 s26;
	s22 =	sadd.s32 $0x1900, s22;
	[sflag:s16] =	ssyncset.done $0x0  }
0x37: {  	s23 =	sadd.s32 s23, s11;
	[sflag:s16] =	ssyncadd.s32 $0xFFFF9C00  }
0x38: {  	[tilespmem:s3], [sflag:$0x1] =	stream.linear.gather [hbm4b:s23+s3], $0xC8, $0x38;
	[tilespmem:$0x19D80] =	vst v63  }
0x39: {  	_ =	swait.ge [sflag:s16], $0xC8  }
0x3a: {  	[sflag:s16] =	ssyncset.done $0x0  }
0x3b: {  	[sflag:s16] =	ssyncadd.s32 $0xFFFFFF38  }
0x3c: {  	[tilespmem:s15], [sflag:$0x1] =	stream.strided.gather [hbm4b:s22+s18], $0x6400, s19, s18, $0x38;
	[tilespmem:$0x19D80] =	vst v63  }
0x3d: {  	_ =	swait.ge [sflag:s16], $0x6400  }
0x3e: {  	[sflag:s16] =	ssyncset.done $0x0  }
0x3f: {  	[sflag:s16] =	ssyncadd.s32 $0xFFFF9C00  }
0x40: {  	[spmem:s2] =	stream.indirect.scatter.add.f32 [tilespmem:s15], [sflag:$0x1], $0x80, s3, s20, $0xb8;
	[tilespmem:$0x19D80] =	vst v63  }
0x41: {  	_ =	swait.ge [sflag:s16], $0x6400  }
0x42: {  	[sflag:s16] =	ssyncset.done $0x0  }
0x43: {  	[sflag:s16] =	ssyncadd.s32 $0xFFFF9C00  }
0x44: {  	[bflag:$0x0] =	sbarrier.arrive $0xFFFF  }
0x45: {  	[hbm:s7@s15], [sflag:s5] =	dma.strided [spmem:s12@s14], $0x2700, s13, $0x10   }
0x46: {  	s24 =	simm.s32 @!p0 $0x80;
	_ =	swait.ge [sflag:s16], $0x2700  }
0x47: {  	s21 =	sadd.s32 $0x1, s21;
	s23 =	simm.s32 @!p0 $0x100;
	[sflag:s16] =	ssyncset.done $0x0  }
0x48: {  	p1 =	sne.s32 s21, s9;
	s22 =	simm.s32 @!p0 $0x8;
	[sflag:s16] =	ssyncadd.s32 $0xFFFFD900  }
0x49: {  	[hbm:s8@s23], [sflag:s5] =	dma.strided @!p0 [spmem:s17@s24], $0x100, s22, $0x10   }
.Ltmp1:
0x4a: {  	_ = 	snop;
	(pc) =	sbr.rel @p1 .LBB2_1-.Ltmp1, $4  }
0x4b: {  	s22 =	simm.s32 @!p0 $0x1  }
0x4c: {  	_ =	swait.ge @!p0 [sflag:s22], $0x100  }
0x4d: {  	[sflag:s22] =	ssyncset.done @!p0 $0x0  }
0x4e: {  	[sflag:s22] =	ssyncadd.s32 @!p0 $0xFFFFFF00  }
0x4f: {  	_ =	sfence.sel $0x180000  }
0x50: {  	[bflag:$0x0] =	sbarrier.arrive $0xFFFF  }
0x51: {  	p0 =	sne.s32 s1, $0x0;
	_ =	strace $0x90000062  }
0x52: {  	s0 =	sadd.s32 @!p0 $0x100000, s0;
	[bflag:$0x2] =	sbarrier.arrive $0xFFFF  }
0x53: {  	[sflag:s0] =	ssyncadd.tile.s32 @!p0 $0x1;
	_ =	shalt  }
.Lfunc_end2:
_tile_overlayer_lowered:
.L_overlay_start_2:
0x54: {  	(tag) =	ssettag $0x2  }
0x55: {  	s0 =	rddreg [dreg:$0x0];
	s2 =	stileid.u32  }
0x56: {  	s1 =	rddreg [dreg:$0x1];
	p0 =	sne.s32 s2, $0x0  }
0x57: {  	s3 =	rddreg [dreg:$0x2];
	[bflag:$0x3] =	sbarrier.arrive $0xFFFF;
	s2 =	simm.s32 @!p0 $0x1C01  }
0x58: {  	[timem:s3], [sflag:s2] =	dma.local @!p0 [hbm:s0], s1  }
0x59: {  	s0 =	simm.s32 @!p0 $0x1  }
0x5a: {  	_ =	swait.ge @!p0 [sflag:s0], s1  }
0x5b: {  	s1 =	ssub.s32 @!p0 $0x0, s1;
	[sflag:s0] =	ssyncset.done @!p0 $0x0  }
0x5c: {  	[sflag:s0] =	ssyncadd.s32 @!p0 s1  }
0x5d: {  	[bflag:$0x3] =	sbarrier.arrive $0xFFFF  }
0x5e: {  	_ =	shalt  }

</sc_bundles>
